<compile_context>
chip_gen: v7x
topology: tpu7x:2x2x1
jax: 0.10.2.dev20260603
libtpu: 0.0.44.dev20260713+nightly
codegen_flags: <defaults>
</compile_context>

<pallas_src>
import jax
import jax.numpy as jnp
from jax import lax
from jax.experimental import pallas as pl
from jax.experimental.pallas import tpu as pltpu
from jax.experimental.pallas import tpu_sc as plsc

B, L = 4096, 50
N = B * L
D_OUT = 256
NC, NS = 2, 16
NW = NC * NS
PER_W = N // NW
C = 80
NCHUNK = PER_W // C
NPAIR = NCHUNK // 2
G16 = C // 16


def _body(i0, i1, i2, i3, w_id, w_cat_in, w_br_in, w_sh_in, out_hbm,
          jid, jcat, jbr, jsh,
          bid0, bR0, tmpB0, tmpS0, jbp0, jsp0, jcp0,
          bid1, bR1, tmpB1, tmpS1, jbp1, jsp1, jcp1,
          nbB0, nbB1, nbS0, nbS1,
          cpad, shpad, bpad,
          gs0, gs1, ws0, ws1):
    cid = lax.axis_index("c")
    sid = lax.axis_index("s")
    wid = sid * NC + cid
    w_base = wid * PER_W

    zv = jnp.zeros((16,), jnp.float32)

    def build(src, dst, V, D, K, nbs, pbs, rsem, wsem):
        nblk = V // K
        nvec = D // 16
        nmine = (nblk - sid + NS - 1) // NS

        def blk(t):
            return sid + t * NS

        def fire_read(t, s):
            pltpu.async_copy(src.at[pl.ds(blk(t) * K, K)], nbs[s], rsem)

        def drain_read(t, s):
            pltpu.make_async_copy(
                src.at[pl.ds(blk(t) * K, K)], nbs[s], rsem).wait()

        def dst_view(t, s):
            return dst.at[pl.ds(cid * V + blk(t) * K, K)]

        def fire_write(t, s):
            pltpu.async_copy(pbs[s], dst_view(t, s), wsem)

        def drain_write(t, s):
            pltpu.make_async_copy(pbs[s], dst_view(t, s), wsem).wait()

        def assemble(s):
            nb, pb = nbs[s], pbs[s]

            def row(r, c2):
                for j in range(nvec):
                    pb[r, pl.ds(j * 16, 16)] = nb[r, pl.ds(j * 16, 16)]
                for j in range(nvec, 8):
                    pb[r, pl.ds(j * 16, 16)] = zv
                return c2
            lax.fori_loop(0, K, row, 0)

        @pl.when(nmine > 0)
        def _p0():
            fire_read(0, 0)

        @pl.when(nmine > 1)
        def _p1():
            fire_read(1, 1)

        def half(t, s):
            @pl.when(t < nmine)
            def _do():
                drain_read(t, s)
                assemble(s)

                @pl.when(t >= 2)
                def _dw():
                    drain_write(t - 2, s)
                fire_write(t, s)

                @pl.when(t + 2 < nmine)
                def _nx():
                    fire_read(t + 2, s)

        def step(p, c2):
            half(2 * p, 0)
            half(2 * p + 1, 1)
            return c2

        nloop = (nblk + NS - 1) // NS
        lax.fori_loop(0, (nloop + 1) // 2, step, 0)
        for s_ in (0, 1):
            t_s = 2 * ((nmine - 1 - s_) // 2) + s_

            @pl.when(nmine > s_)
            def _ep(t_s=t_s, s_=s_):
                drain_write(t_s, s_)

    pb40 = (bid0.at[pl.ds(0, 40)], bid1.at[pl.ds(0, 40)])
    build(w_cat_in, cpad, 1000, 32, 40, (nbS0, nbS1), pb40, gs0, ws0)
    build(w_sh_in, shpad, 10000, 32, 40, (nbS0, nbS1), pb40, gs0, ws0)
    build(w_br_in, bpad, 100000, 64, 40, (nbB0, nbB1), pb40, gs1, ws1)
    plsc.subcore_barrier()

    pltpu.sync_copy(i0.at[pl.ds(w_base, PER_W)], jid)
    pltpu.sync_copy(i1.at[pl.ds(w_base, PER_W)], jcat)
    pltpu.sync_copy(i2.at[pl.ds(w_base, PER_W)], jbr)
    pltpu.sync_copy(i3.at[pl.ds(w_base, PER_W)], jsh)

    side = [(bid0, bR0, tmpB0, tmpS0, jbp0, jsp0, jcp0, gs0, ws0),
            (bid1, bR1, tmpB1, tmpS1, jbp1, jsp1, jcp1, gs1, ws1)]

    def fire_gathers(g, s):
        bid, bR, tmpB, tmpS, jbp, jsp, jcp, gs, _ = side[s]
        off = g * C

        def mkidx(gg, c2):
            jcp[pl.ds(gg * 16, 16)] = jcat[pl.ds(off + gg * 16, 16)] + cid * 1000
            jsp[pl.ds(gg * 16, 16)] = jsh[pl.ds(off + gg * 16, 16)] + cid * 10000
            jbp[pl.ds(gg * 16, 16)] = jbr[pl.ds(off + gg * 16, 16)] + cid * 100000
            return c2
        lax.fori_loop(0, G16, mkidx, 0)
        pltpu.async_copy(w_id.at[jid.at[pl.ds(off, C)]], bid, gs)
        pltpu.async_copy(cpad.at[jcp], bR, gs)
        pltpu.async_copy(bpad.at[jbp], tmpB, gs)
        pltpu.async_copy(shpad.at[jsp], tmpS, gs)

    def drain_gathers(g, s):
        bid, bR, tmpB, tmpS, jbp, jsp, jcp, gs, _ = side[s]
        off = g * C
        pltpu.make_async_copy(w_id.at[jid.at[pl.ds(off, C)]], bid, gs).wait()
        pltpu.make_async_copy(cpad.at[jcp], bR, gs).wait()
        pltpu.make_async_copy(bpad.at[jbp], tmpB, gs).wait()
        pltpu.make_async_copy(shpad.at[jsp], tmpS, gs).wait()

    def assemble_fix(g, s):
        bid, bR, tmpB, tmpS, jbp, jsp, jcp, _, _ = side[s]
        off = g * C

        def row(r, c2):
            for j in range(4):
                bR[r, pl.ds(32 + j * 16, 16)] = tmpB[r, pl.ds(j * 16, 16)]
            for j in range(2):
                bR[r, pl.ds(96 + j * 16, 16)] = tmpS[r, pl.ds(j * 16, 16)]
            return c2
        lax.fori_loop(0, C, row, 0)

        acc = jnp.zeros((16,), jnp.int32)
        for gg in range(G16):
            iv = jid[pl.ds(off + gg * 16, 16)]
            acc = acc | jnp.where(iv == 0, 1, 0)
        nz = jnp.max(acc)

        @pl.when(nz > 0)
        def _fix():
            def per_group(i, c2):
                iv = jid[pl.ds(off + i * 16, 16)]
                z = iv == 0
                rows = lax.iota(jnp.int32, 16) + i * 16
                zf = jnp.zeros((16,), jnp.float32)
                for col in range(128):
                    cols = jnp.full((16,), col, jnp.int32)
                    plsc.store_scatter(bid, [rows, cols], zf, mask=z)
                return c2
            lax.fori_loop(0, G16, per_group, 0)

    def fire_writes(g, s):
        bid, bR = side[s][0], side[s][1]
        ws = side[s][8]
        base = w_base + g * C
        pltpu.async_copy(bid, out_hbm.at[pl.ds(base, C), pl.ds(0, 128)], ws)
        pltpu.async_copy(bR, out_hbm.at[pl.ds(base, C), pl.ds(128, 128)], ws)

    def drain_writes(g, s):
        bid, bR = side[s][0], side[s][1]
        ws = side[s][8]
        base = w_base + g * C
        pltpu.make_async_copy(
            bid, out_hbm.at[pl.ds(base, C), pl.ds(0, 128)], ws).wait()
        pltpu.make_async_copy(
            bR, out_hbm.at[pl.ds(base, C), pl.ds(128, 128)], ws).wait()

    fire_gathers(0, 0)
    fire_gathers(1, 1)

    def pair(i, carry):
        a = 2 * i
        b = a + 1
        drain_gathers(a, 0)
        assemble_fix(a, 0)
        fire_writes(a, 0)
        drain_gathers(b, 1)
        assemble_fix(b, 1)
        fire_writes(b, 1)
        drain_writes(a, 0)

        @pl.when(i < NPAIR - 1)
        def _n0():
            fire_gathers(a + 2, 0)
        drain_writes(b, 1)

        @pl.when(i < NPAIR - 1)
        def _n1():
            fire_gathers(b + 2, 1)
        return carry

    lax.fori_loop(0, NPAIR, pair, 0)


def _scratch():
    return [
        pltpu.VMEM((PER_W,), jnp.int32),
        pltpu.VMEM((PER_W,), jnp.int32),
        pltpu.VMEM((PER_W,), jnp.int32),
        pltpu.VMEM((PER_W,), jnp.int32),
        pltpu.VMEM((C, 128), jnp.float32),
        pltpu.VMEM((C, 128), jnp.float32),
        pltpu.VMEM((C, 128), jnp.float32),
        pltpu.VMEM((C, 128), jnp.float32),
        pltpu.VMEM((C,), jnp.int32),
        pltpu.VMEM((C,), jnp.int32),
        pltpu.VMEM((C,), jnp.int32),
        pltpu.VMEM((C, 128), jnp.float32),
        pltpu.VMEM((C, 128), jnp.float32),
        pltpu.VMEM((C, 128), jnp.float32),
        pltpu.VMEM((C, 128), jnp.float32),
        pltpu.VMEM((C,), jnp.int32),
        pltpu.VMEM((C,), jnp.int32),
        pltpu.VMEM((C,), jnp.int32),
        pltpu.VMEM((40, 64), jnp.float32),
        pltpu.VMEM((40, 64), jnp.float32),
        pltpu.VMEM((40, 32), jnp.float32),
        pltpu.VMEM((40, 32), jnp.float32),
        pltpu.MemorySpace.HBM((2000, 128), jnp.float32),
        pltpu.MemorySpace.HBM((20000, 128), jnp.float32),
        pltpu.MemorySpace.HBM((200000, 128), jnp.float32),
        pltpu.SemaphoreType.DMA,
        pltpu.SemaphoreType.DMA,
        pltpu.SemaphoreType.DMA,
        pltpu.SemaphoreType.DMA,
    ]




def kernel(attr_id, attr_category, attr_brand, attr_shop,
           W_id, W_category, W_brand, W_shop):
    ii = attr_id.astype(jnp.int32).reshape(N)
    ic = attr_category.astype(jnp.int32).reshape(N)
    ib = attr_brand.astype(jnp.int32).reshape(N)
    ish = attr_shop.astype(jnp.int32).reshape(N)
    k = pl.kernel(
        _body,
        out_type=jax.ShapeDtypeStruct((N, D_OUT), jnp.float32),
        mesh=plsc.VectorSubcoreMesh(core_axis_name="c", subcore_axis_name="s"),
        compiler_params=pltpu.CompilerParams(needs_layout_passes=False),
        scratch_types=_scratch(),
    )
    out = k(ii, ic, ib, ish, W_id, W_category, W_brand, W_shop)
    return out.reshape(B, L, D_OUT)

# --- scband reference (transcript-rebuilt; emitter-appended) ---
"""Pipeline reference for scband-item-feat-5755256177217 (READ-ONLY COPY).

The authoritative reference and input builder live on the scoring server;
editing this copy changes nothing except your own understanding.
"""

import jax, jax.numpy as jnp
import numpy as np

B, L = 4096, 50
VOCABS = {"id": 100000, "category": 1000, "brand": 100000, "shop": 10000}
DIMS = {"id": 128, "category": 32, "brand": 64, "shop": 32}


def setup_inputs(seed: int = 0) -> dict:
    key = jax.random.key(seed)
    ks = jax.random.split(key, 8)
    inp = {}
    inp["attr_id"] = jax.random.randint(ks[0], (B, L), 0, VOCABS["id"])
    inp["attr_category"] = jax.random.randint(ks[1], (B, L), 0, VOCABS["category"])
    inp["attr_brand"] = jax.random.randint(ks[2], (B, L), 0, VOCABS["brand"])
    inp["attr_shop"] = jax.random.randint(ks[3], (B, L), 0, VOCABS["shop"])
    inp["W_id"] = jax.random.normal(ks[4], (VOCABS["id"], DIMS["id"]), dtype=jnp.float32)
    inp["W_category"] = jax.random.normal(ks[5], (VOCABS["category"], DIMS["category"]), dtype=jnp.float32)
    inp["W_brand"] = jax.random.normal(ks[6], (VOCABS["brand"], DIMS["brand"]), dtype=jnp.float32)
    inp["W_shop"] = jax.random.normal(ks[7], (VOCABS["shop"], DIMS["shop"]), dtype=jnp.float32)
    return inp


def reference(attr_id, attr_category, attr_brand, attr_shop, W_id, W_category, W_brand, W_shop):
    # item 'id' embedding has padding_idx=0 -> row 0 is zeros
    W_id_p = W_id.at[0].set(0.0)
    feats_ls = [
        jnp.take(W_id_p, attr_id, axis=0),
        jnp.take(W_category, attr_category, axis=0),
        jnp.take(W_brand, attr_brand, axis=0),
        jnp.take(W_shop, attr_shop, axis=0),
    ]
    return jnp.concatenate(feats_ls, axis=-1)

if __name__ == "__main__":
    import jax
    _d = setup_inputs()
    print(jax.jit(kernel)(*tuple(_d.values())))

</pallas_src>

<mosaic_0001>
#map = affine_map<(d0, d1) -> (0)>
#map1 = affine_map<(d0, d1) -> (0, 0)>
module attributes {stable_mosaic.version = 14 : i64} {
  func.func @_body(%arg0: i32, %arg1: i32, %arg2: memref<204800xi32, #tpu.memory_space<hbm>>, %arg3: memref<204800xi32, #tpu.memory_space<hbm>>, %arg4: memref<204800xi32, #tpu.memory_space<hbm>>, %arg5: memref<204800xi32, #tpu.memory_space<hbm>>, %arg6: memref<100000x128xf32, #tpu.memory_space<hbm>>, %arg7: memref<1000x32xf32, #tpu.memory_space<hbm>>, %arg8: memref<100000x64xf32, #tpu.memory_space<hbm>>, %arg9: memref<10000x32xf32, #tpu.memory_space<hbm>>, %arg10: memref<204800x256xf32, #tpu.memory_space<hbm>>, %arg11: memref<6400xi32, #tpu.memory_space<vmem>>, %arg12: memref<6400xi32, #tpu.memory_space<vmem>>, %arg13: memref<6400xi32, #tpu.memory_space<vmem>>, %arg14: memref<6400xi32, #tpu.memory_space<vmem>>, %arg15: memref<80x128xf32, #tpu.memory_space<vmem>>, %arg16: memref<80x128xf32, #tpu.memory_space<vmem>>, %arg17: memref<80x128xf32, #tpu.memory_space<vmem>>, %arg18: memref<80x128xf32, #tpu.memory_space<vmem>>, %arg19: memref<80xi32, #tpu.memory_space<vmem>>, %arg20: memref<80xi32, #tpu.memory_space<vmem>>, %arg21: memref<80xi32, #tpu.memory_space<vmem>>, %arg22: memref<80x128xf32, #tpu.memory_space<vmem>>, %arg23: memref<80x128xf32, #tpu.memory_space<vmem>>, %arg24: memref<80x128xf32, #tpu.memory_space<vmem>>, %arg25: memref<80x128xf32, #tpu.memory_space<vmem>>, %arg26: memref<80xi32, #tpu.memory_space<vmem>>, %arg27: memref<80xi32, #tpu.memory_space<vmem>>, %arg28: memref<80xi32, #tpu.memory_space<vmem>>, %arg29: memref<40x64xf32, #tpu.memory_space<vmem>>, %arg30: memref<40x64xf32, #tpu.memory_space<vmem>>, %arg31: memref<40x32xf32, #tpu.memory_space<vmem>>, %arg32: memref<40x32xf32, #tpu.memory_space<vmem>>, %arg33: memref<2000x128xf32, #tpu.memory_space<hbm>>, %arg34: memref<20000x128xf32, #tpu.memory_space<hbm>>, %arg35: memref<200000x128xf32, #tpu.memory_space<hbm>>, %arg36: memref<!tpu.dma_semaphore, #tpu.memory_space<semaphore_mem>>, %arg37: memref<!tpu.dma_semaphore, #tpu.memory_space<semaphore_mem>>, %arg38: memref<!tpu.dma_semaphore, #tpu.memory_space<semaphore_mem>>, %arg39: memref<!tpu.dma_semaphore, #tpu.memory_space<semaphore_mem>>) attributes {dimension_semantics = [#tpu.dimension_semantics<core_parallel>, #tpu.dimension_semantics<subcore_parallel>], iteration_bounds = array<i64: 2, 16>, scalar_prefetch = 0 : i64, scratch_operands = 29 : i64, tpu.core_type = #tpu.core_type<sc_vector_subcore>, window_params = [{transform_indices = #map}, {transform_indices = #map}, {transform_indices = #map}, {transform_indices = #map}, {transform_indices = #map1}, {transform_indices = #map1}, {transform_indices = #map1}, {transform_indices = #map1}, {transform_indices = #map1}]} {
    %mul3A = arith.constant 2 : i32
    %mul3A_0 = arith.muli %arg1, %mul3A : i32
    %add3A = arith.addi %mul3A_0, %arg0 : i32
    %mul3A_1 = arith.constant 6400 : i32
    %mul3A_2 = arith.muli %add3A, %mul3A_1 : i32
    %broadcast_in_dim3A = arith.constant 0.000000e+00 : f32
    %broadcast_in_dim3A_3 = vector.broadcast %broadcast_in_dim3A : f32 to vector<16xf32>
    %sub3A = arith.constant 25 : i32
    %sub3A_4 = arith.subi %sub3A, %arg1 : i32
    %add3A_5 = arith.constant 16 : i32
    %add3A_6 = arith.addi %sub3A_4, %add3A_5 : i32
    %sub3A_7 = arith.constant 1 : i32
    %sub3A_8 = arith.subi %add3A_6, %sub3A_7 : i32
    %jit3A = arith.constant 16 : i32
    %div3A = arith.divsi %sub3A_8, %jit3A : i32
    %sign3A = arith.constant 0 : i32
    %sign3A_9 = arith.cmpi sgt, %sub3A_8, %sign3A : i32
    %sign3A_10 = arith.extui %sign3A_9 : i1 to i32
    %sign3A_11 = arith.constant 0 : i32
    %sign3A_12 = arith.cmpi slt, %sub3A_8, %sign3A_11 : i32
    %sign3A_13 = arith.extui %sign3A_12 : i1 to i32
    %sign3A_14 = arith.subi %sign3A_10, %sign3A_13 : i32
    %sign3A_15 = arith.constant 0 : i32
    %sign3A_16 = arith.cmpi sgt, %jit3A, %sign3A_15 : i32
    %sign3A_17 = arith.extui %sign3A_16 : i1 to i32
    %sign3A_18 = arith.constant 0 : i32
    %sign3A_19 = arith.cmpi slt, %jit3A, %sign3A_18 : i32
    %sign3A_20 = arith.extui %sign3A_19 : i1 to i32
    %sign3A_21 = arith.subi %sign3A_17, %sign3A_20 : i32
    %ne3A = arith.cmpi ne, %sign3A_14, %sign3A_21 : i32
    %rem3A = arith.remsi %sub3A_8, %jit3A : i32
    %ne3A_22 = arith.constant 0 : i32
    %ne3A_23 = arith.cmpi ne, %rem3A, %ne3A_22 : i32
    %and3A = arith.andi %ne3A, %ne3A_23 : i1
    %sub3A_24 = arith.constant 1 : i32
    %sub3A_25 = arith.subi %div3A, %sub3A_24 : i32
    %select_n3A = arith.select %and3A, %sub3A_25, %div3A : i32
    %gt3A = arith.constant 0 : i32
    %gt3A_26 = arith.cmpi sgt, %select_n3A, %gt3A : i32
    %convert_element_type3A = arith.extui %gt3A_26 : i1 to i32
    %cond3A = arith.constant 0 : i32
    %cond3A_27 = arith.cmpi ne, %convert_element_type3A, %cond3A : i32
    scf.if %cond3A_27 {
      %add3A_407 = arith.constant 0 : i32
      %add3A_408 = arith.addi %arg1, %add3A_407 : i32
      %mul3A_409 = arith.constant 40 : i32
      %mul3A_410 = arith.muli %add3A_408, %mul3A_409 : i32
      %dma_start3A_411 = arith.constant 0 : i32
      %dma_start3A_412 = tpu.memref_slice %arg7[%mul3A_410, %dma_start3A_411] : memref<1000x32xf32, #tpu.memory_space<hbm>> -> memref<40x32xf32, #tpu.memory_space<hbm>>
      %dma_start3A_413 = arith.constant 0 : i32
      %dma_start3A_414 = tpu.memref_slice %arg7[%mul3A_410, %dma_start3A_413] : memref<1000x32xf32, #tpu.memory_space<hbm>> -> memref<40x32xf32, #tpu.memory_space<hbm>>
      tpu.enqueue_dma source(%dma_start3A_414 : memref<40x32xf32, #tpu.memory_space<hbm>>) target(%arg31 : memref<40x32xf32, #tpu.memory_space<vmem>>) target_semaphore(%arg36 : memref<!tpu.dma_semaphore, #tpu.memory_space<semaphore_mem>>)
    } else {
    }
    %gt3A_28 = arith.constant 1 : i32
    %gt3A_29 = arith.cmpi sgt, %select_n3A, %gt3A_28 : i32
    %convert_element_type3A_30 = arith.extui %gt3A_29 : i1 to i32
    %cond3A_31 = arith.constant 0 : i32
    %cond3A_32 = arith.cmpi ne, %convert_element_type3A_30, %cond3A_31 : i32
    scf.if %cond3A_32 {
      %add3A_407 = arith.constant 16 : i32
      %add3A_408 = arith.addi %arg1, %add3A_407 : i32
      %mul3A_409 = arith.constant 40 : i32
      %mul3A_410 = arith.muli %add3A_408, %mul3A_409 : i32
      %dma_start3A_411 = arith.constant 0 : i32
      %dma_start3A_412 = tpu.memref_slice %arg7[%mul3A_410, %dma_start3A_411] : memref<1000x32xf32, #tpu.memory_space<hbm>> -> memref<40x32xf32, #tpu.memory_space<hbm>>
      %dma_start3A_413 = arith.constant 0 : i32
      %dma_start3A_414 = tpu.memref_slice %arg7[%mul3A_410, %dma_start3A_413] : memref<1000x32xf32, #tpu.memory_space<hbm>> -> memref<40x32xf32, #tpu.memory_space<hbm>>
      tpu.enqueue_dma source(%dma_start3A_414 : memref<40x32xf32, #tpu.memory_space<hbm>>) target(%arg32 : memref<40x32xf32, #tpu.memory_space<vmem>>) target_semaphore(%arg36 : memref<!tpu.dma_semaphore, #tpu.memory_space<semaphore_mem>>)
    } else {
    }
    %scan3A = arith.constant 0 : i32
    %scan3A_33 = arith.constant 0 : i32
    %mul3A_34 = arith.constant 2 : i32
    %mul3A_35 = arith.muli %mul3A_34, %scan3A_33 : i32
    %lt3A = arith.cmpi slt, %mul3A_35, %select_n3A : i32
    %convert_element_type3A_36 = arith.extui %lt3A : i1 to i32
    %cond3A_37 = arith.constant 0 : i32
    %cond3A_38 = arith.cmpi ne, %convert_element_type3A_36, %cond3A_37 : i32
    scf.if %cond3A_38 {
      %mul3A_407 = arith.constant 16 : i32
      %mul3A_408 = arith.muli %mul3A_35, %mul3A_407 : i32
      %add3A_409 = arith.addi %arg1, %mul3A_408 : i32
      %mul3A_410 = arith.constant 40 : i32
      %mul3A_411 = arith.muli %add3A_409, %mul3A_410 : i32
      %dma_wait3A = arith.constant 0 : i32
      %dma_wait3A_412 = tpu.memref_slice %arg7[%mul3A_411, %dma_wait3A] : memref<1000x32xf32, #tpu.memory_space<hbm>> -> memref<40x32xf32, #tpu.memory_space<hbm>>
      %dma_wait3A_413 = arith.constant 0 : i32
      %dma_wait3A_414 = tpu.memref_slice %arg7[%mul3A_411, %dma_wait3A_413] : memref<1000x32xf32, #tpu.memory_space<hbm>> -> memref<40x32xf32, #tpu.memory_space<hbm>>
      tpu.wait_dma2 semaphore(%arg36 : memref<!tpu.dma_semaphore, #tpu.memory_space<semaphore_mem>>) src(%dma_wait3A_414 : memref<40x32xf32, #tpu.memory_space<hbm>>) dst(%arg31 : memref<40x32xf32, #tpu.memory_space<vmem>>)
      %scan3A_415 = arith.constant 0 : i32
      %scan3A_416 = arith.constant 0 : i32
      %scan3A_417 = arith.constant 40 : i32
      %scan3A_418 = arith.addi %scan3A_416, %scan3A_417 : i32
      %scan3A_419 = arith.constant 1 : i32
      scf.for %scan3A_449 = %scan3A_416 to %scan3A_418 step %scan3A_419  : i32 {
        %get3A = arith.index_cast %scan3A_449 : i32 to index
        %get3A_450 = arith.constant 0 : index
        %get3A_451 = tpu.vector_load %arg31[%get3A, %get3A_450] {strides = array<i32>} : memref<40x32xf32, #tpu.memory_space<vmem>>, vector<16xf32>,
        %swap3A = arith.constant 0 : i32
        %swap3A_452 = arith.constant 0 : i32
        %swap3A_453 = tpu.memref_slice %arg15[%swap3A, %swap3A_452] : memref<80x128xf32, #tpu.memory_space<vmem>> -> memref<40x128xf32, #tpu.memory_space<vmem>>
        %swap3A_454 = arith.index_cast %scan3A_449 : i32 to index
        %swap3A_455 = arith.constant 0 : index
        %swap3A_456 = tpu.vector_load %swap3A_453[%swap3A_454, %swap3A_455] {strides = array<i32>} : memref<40x128xf32, #tpu.memory_space<vmem>>, vector<16xf32>,
        tpu.vector_store %swap3A_453[%swap3A_454, %swap3A_455], %get3A_451 {strides = array<i32>} : memref<40x128xf32, #tpu.memory_space<vmem>>, vector<16xf32>,
        %get3A_457 = arith.index_cast %scan3A_449 : i32 to index
        %get3A_458 = arith.constant 16 : index
        %get3A_459 = tpu.vector_load %arg31[%get3A_457, %get3A_458] {strides = array<i32>} : memref<40x32xf32, #tpu.memory_space<vmem>>, vector<16xf32>,
        %swap3A_460 = arith.constant 0 : i32
        %swap3A_461 = arith.constant 0 : i32
        %swap3A_462 = tpu.memref_slice %arg15[%swap3A_460, %swap3A_461] : memref<80x128xf32, #tpu.memory_space<vmem>> -> memref<40x128xf32, #tpu.memory_space<vmem>>
        %swap3A_463 = arith.index_cast %scan3A_449 : i32 to index
        %swap3A_464 = arith.constant 16 : index
        %swap3A_465 = tpu.vector_load %swap3A_462[%swap3A_463, %swap3A_464] {strides = array<i32>} : memref<40x128xf32, #tpu.memory_space<vmem>>, vector<16xf32>,
        tpu.vector_store %swap3A_462[%swap3A_463, %swap3A_464], %get3A_459 {strides = array<i32>} : memref<40x128xf32, #tpu.memory_space<vmem>>, vector<16xf32>,
        %swap3A_466 = arith.constant 0 : i32
        %swap3A_467 = arith.constant 0 : i32
        %swap3A_468 = tpu.memref_slice %arg15[%swap3A_466, %swap3A_467] : memref<80x128xf32, #tpu.memory_space<vmem>> -> memref<40x128xf32, #tpu.memory_space<vmem>>
        %swap3A_469 = arith.index_cast %scan3A_449 : i32 to index
        %swap3A_470 = arith.constant 32 : index
        %swap3A_471 = tpu.vector_load %swap3A_468[%swap3A_469, %swap3A_470] {strides = array<i32>} : memref<40x128xf32, #tpu.memory_space<vmem>>, vector<16xf32>,
        tpu.vector_store %swap3A_468[%swap3A_469, %swap3A_470], %broadcast_in_dim3A_3 {strides = array<i32>} : memref<40x128xf32, #tpu.memory_space<vmem>>, vector<16xf32>,
        %swap3A_472 = arith.constant 0 : i32
        %swap3A_473 = arith.constant 0 : i32
        %swap3A_474 = tpu.memref_slice %arg15[%swap3A_472, %swap3A_473] : memref<80x128xf32, #tpu.memory_space<vmem>> -> memref<40x128xf32, #tpu.memory_space<vmem>>
        %swap3A_475 = arith.index_cast %scan3A_449 : i32 to index
        %swap3A_476 = arith.constant 48 : index
        %swap3A_477 = tpu.vector_load %swap3A_474[%swap3A_475, %swap3A_476] {strides = array<i32>} : memref<40x128xf32, #tpu.memory_space<vmem>>, vector<16xf32>,
        tpu.vector_store %swap3A_474[%swap3A_475, %swap3A_476], %broadcast_in_dim3A_3 {strides = array<i32>} : memref<40x128xf32, #tpu.memory_space<vmem>>, vector<16xf32>,
        %swap3A_478 = arith.constant 0 : i32
        %swap3A_479 = arith.constant 0 : i32
        %swap3A_480 = tpu.memref_slice %arg15[%swap3A_478, %swap3A_479] : memref<80x128xf32, #tpu.memory_space<vmem>> -> memref<40x128xf32, #tpu.memory_space<vmem>>
        %swap3A_481 = arith.index_cast %scan3A_449 : i32 to index
        %swap3A_482 = arith.constant 64 : index
        %swap3A_483 = tpu.vector_load %swap3A_480[%swap3A_481, %swap3A_482] {strides = array<i32>} : memref<40x128xf32, #tpu.memory_space<vmem>>, vector<16xf32>,
        tpu.vector_store %swap3A_480[%swap3A_481, %swap3A_482], %broadcast_in_dim3A_3 {strides = array<i32>} : memref<40x128xf32, #tpu.memory_space<vmem>>, vector<16xf32>,
        %swap3A_484 = arith.constant 0 : i32
        %swap3A_485 = arith.constant 0 : i32
        %swap3A_486 = tpu.memref_slice %arg15[%swap3A_484, %swap3A_485] : memref<80x128xf32, #tpu.memory_space<vmem>> -> memref<40x128xf32, #tpu.memory_space<vmem>>
        %swap3A_487 = arith.index_cast %scan3A_449 : i32 to index
        %swap3A_488 = arith.constant 80 : index
        %swap3A_489 = tpu.vector_load %swap3A_486[%swap3A_487, %swap3A_488] {strides = array<i32>} : memref<40x128xf32, #tpu.memory_space<vmem>>, vector<16xf32>,
        tpu.vector_store %swap3A_486[%swap3A_487, %swap3A_488], %broadcast_in_dim3A_3 {strides = array<i32>} : memref<40x128xf32, #tpu.memory_space<vmem>>, vector<16xf32>,
        %swap3A_490 = arith.constant 0 : i32
        %swap3A_491 = arith.constant 0 : i32
        %swap3A_492 = tpu.memref_slice %arg15[%swap3A_490, %swap3A_491] : memref<80x128xf32, #tpu.memory_space<vmem>> -> memref<40x128xf32, #tpu.memory_space<vmem>>
        %swap3A_493 = arith.index_cast %scan3A_449 : i32 to index
        %swap3A_494 = arith.constant 96 : index
        %swap3A_495 = tpu.vector_load %swap3A_492[%swap3A_493, %swap3A_494] {strides = array<i32>} : memref<40x128xf32, #tpu.memory_space<vmem>>, vector<16xf32>,
        tpu.vector_store %swap3A_492[%swap3A_493, %swap3A_494], %broadcast_in_dim3A_3 {strides = array<i32>} : memref<40x128xf32, #tpu.memory_space<vmem>>, vector<16xf32>,
        %swap3A_496 = arith.constant 0 : i32
        %swap3A_497 = arith.constant 0 : i32
        %swap3A_498 = tpu.memref_slice %arg15[%swap3A_496, %swap3A_497] : memref<80x128xf32, #tpu.memory_space<vmem>> -> memref<40x128xf32, #tpu.memory_space<vmem>>
        %swap3A_499 = arith.index_cast %scan3A_449 : i32 to index
        %swap3A_500 = arith.constant 112 : index
        %swap3A_501 = tpu.vector_load %swap3A_498[%swap3A_499, %swap3A_500] {strides = array<i32>} : memref<40x128xf32, #tpu.memory_space<vmem>>, vector<16xf32>,
        tpu.vector_store %swap3A_498[%swap3A_499, %swap3A_500], %broadcast_in_dim3A_3 {strides = array<i32>} : memref<40x128xf32, #tpu.memory_space<vmem>>, vector<16xf32>,
      }
      %scan3A_420 = arith.constant 40 : i32
      %ge3A = arith.constant 2 : i32
      %ge3A_421 = arith.cmpi sge, %mul3A_35, %ge3A : i32
      %convert_element_type3A_422 = arith.extui %ge3A_421 : i1 to i32
      %cond3A_423 = arith.constant 0 : i32
      %cond3A_424 = arith.cmpi ne, %convert_element_type3A_422, %cond3A_423 : i32
      scf.if %cond3A_424 {
        %sub3A_449 = arith.constant 2 : i32
        %sub3A_450 = arith.subi %mul3A_35, %sub3A_449 : i32
        %mul3A_451 = arith.constant 1000 : i32
        %mul3A_452 = arith.muli %arg0, %mul3A_451 : i32
        %mul3A_453 = arith.constant 16 : i32
        %mul3A_454 = arith.muli %sub3A_450, %mul3A_453 : i32
        %add3A_455 = arith.addi %arg1, %mul3A_454 : i32
        %mul3A_456 = arith.constant 40 : i32
        %mul3A_457 = arith.muli %add3A_455, %mul3A_456 : i32
        %add3A_458 = arith.addi %mul3A_452, %mul3A_457 : i32
        %dma_wait3A_459 = arith.constant 0 : i32
        %dma_wait3A_460 = arith.constant 0 : i32
        %dma_wait3A_461 = tpu.memref_slice %arg15[%dma_wait3A_459, %dma_wait3A_460] : memref<80x128xf32, #tpu.memory_space<vmem>> -> memref<40x128xf32, #tpu.memory_space<vmem>>
        %dma_wait3A_462 = arith.constant 0 : i32
        %dma_wait3A_463 = tpu.memref_slice %arg33[%add3A_458, %dma_wait3A_462] : memref<2000x128xf32, #tpu.memory_space<hbm>> -> memref<40x128xf32, #tpu.memory_space<hbm>>
        %dma_wait3A_464 = arith.constant 0 : i32
        %dma_wait3A_465 = tpu.memref_slice %arg33[%add3A_458, %dma_wait3A_464] : memref<2000x128xf32, #tpu.memory_space<hbm>> -> memref<40x128xf32, #tpu.memory_space<hbm>>
        %dma_wait3A_466 = arith.constant 0 : i32
        %dma_wait3A_467 = arith.constant 0 : i32
        %dma_wait3A_468 = tpu.memref_slice %arg15[%dma_wait3A_466, %dma_wait3A_467] : memref<80x128xf32, #tpu.memory_space<vmem>> -> memref<40x128xf32, #tpu.memory_space<vmem>>
        tpu.wait_dma2 semaphore(%arg38 : memref<!tpu.dma_semaphore, #tpu.memory_space<semaphore_mem>>) src(%dma_wait3A_468 : memref<40x128xf32, #tpu.memory_space<vmem>>) dst(%dma_wait3A_465 : memref<40x128xf32, #tpu.memory_space<hbm>>)
      } else {
      }
      %mul3A_425 = arith.constant 1000 : i32
      %mul3A_426 = arith.muli %arg0, %mul3A_425 : i32
      %mul3A_427 = arith.constant 16 : i32
      %mul3A_428 = arith.muli %mul3A_35, %mul3A_427 : i32
      %add3A_429 = arith.addi %arg1, %mul3A_428 : i32
      %mul3A_430 = arith.constant 40 : i32
      %mul3A_431 = arith.muli %add3A_429, %mul3A_430 : i32
      %add3A_432 = arith.addi %mul3A_426, %mul3A_431 : i32
      %dma_start3A_433 = arith.constant 0 : i32
      %dma_start3A_434 = arith.constant 0 : i32
      %dma_start3A_435 = tpu.memref_slice %arg15[%dma_start3A_433, %dma_start3A_434] : memref<80x128xf32, #tpu.memory_space<vmem>> -> memref<40x128xf32, #tpu.memory_space<vmem>>
      %dma_start3A_436 = arith.constant 0 : i32
      %dma_start3A_437 = tpu.memref_slice %arg33[%add3A_432, %dma_start3A_436] : memref<2000x128xf32, #tpu.memory_space<hbm>> -> memref<40x128xf32, #tpu.memory_space<hbm>>
      %dma_start3A_438 = arith.constant 0 : i32
      %dma_start3A_439 = tpu.memref_slice %arg33[%add3A_432, %dma_start3A_438] : memref<2000x128xf32, #tpu.memory_space<hbm>> -> memref<40x128xf32, #tpu.memory_space<hbm>>
      %dma_start3A_440 = arith.constant 0 : i32
      %dma_start3A_441 = arith.constant 0 : i32
      %dma_start3A_442 = tpu.memref_slice %arg15[%dma_start3A_440, %dma_start3A_441] : memref<80x128xf32, #tpu.memory_space<vmem>> -> memref<40x128xf32, #tpu.memory_space<vmem>>
      tpu.enqueue_dma source(%dma_start3A_442 : memref<40x128xf32, #tpu.memory_space<vmem>>) target(%dma_start3A_439 : memref<40x128xf32, #tpu.memory_space<hbm>>) target_semaphore(%arg38 : memref<!tpu.dma_semaphore, #tpu.memory_space<semaphore_mem>>)
      %add3A_443 = arith.constant 2 : i32
      %add3A_444 = arith.addi %mul3A_35, %add3A_443 : i32
      %lt3A_445 = arith.cmpi slt, %add3A_444, %select_n3A : i32
      %convert_element_type3A_446 = arith.extui %lt3A_445 : i1 to i32
      %cond3A_447 = arith.constant 0 : i32
      %cond3A_448 = arith.cmpi ne, %convert_element_type3A_446, %cond3A_447 : i32
      scf.if %cond3A_448 {
        %add3A_449 = arith.constant 2 : i32
        %add3A_450 = arith.addi %mul3A_35, %add3A_449 : i32
        %mul3A_451 = arith.constant 16 : i32
        %mul3A_452 = arith.muli %add3A_450, %mul3A_451 : i32
        %add3A_453 = arith.addi %arg1, %mul3A_452 : i32
        %mul3A_454 = arith.constant 40 : i32
        %mul3A_455 = arith.muli %add3A_453, %mul3A_454 : i32
        %dma_start3A_456 = arith.constant 0 : i32
        %dma_start3A_457 = tpu.memref_slice %arg7[%mul3A_455, %dma_start3A_456] : memref<1000x32xf32, #tpu.memory_space<hbm>> -> memref<40x32xf32, #tpu.memory_space<hbm>>
        %dma_start3A_458 = arith.constant 0 : i32
        %dma_start3A_459 = tpu.memref_slice %arg7[%mul3A_455, %dma_start3A_458] : memref<1000x32xf32, #tpu.memory_space<hbm>> -> memref<40x32xf32, #tpu.memory_space<hbm>>
        tpu.enqueue_dma source(%dma_start3A_459 : memref<40x32xf32, #tpu.memory_space<hbm>>) target(%arg31 : memref<40x32xf32, #tpu.memory_space<vmem>>) target_semaphore(%arg36 : memref<!tpu.dma_semaphore, #tpu.memory_space<semaphore_mem>>)
      } else {
      }
    } else {
    }
    %mul3A_39 = arith.constant 2 : i32
    %mul3A_40 = arith.muli %mul3A_39, %scan3A_33 : i32
    %add3A_41 = arith.constant 1 : i32
    %add3A_42 = arith.addi %mul3A_40, %add3A_41 : i32
    %lt3A_43 = arith.cmpi slt, %add3A_42, %select_n3A : i32
    %convert_element_type3A_44 = arith.extui %lt3A_43 : i1 to i32
    %cond3A_45 = arith.constant 0 : i32
    %cond3A_46 = arith.cmpi ne, %convert_element_type3A_44, %cond3A_45 : i32
    scf.if %cond3A_46 {
      %mul3A_407 = arith.constant 16 : i32
      %mul3A_408 = arith.muli %add3A_42, %mul3A_407 : i32
      %add3A_409 = arith.addi %arg1, %mul3A_408 : i32
      %mul3A_410 = arith.constant 40 : i32
      %mul3A_411 = arith.muli %add3A_409, %mul3A_410 : i32
      %dma_wait3A = arith.constant 0 : i32
      %dma_wait3A_412 = tpu.memref_slice %arg7[%mul3A_411, %dma_wait3A] : memref<1000x32xf32, #tpu.memory_space<hbm>> -> memref<40x32xf32, #tpu.memory_space<hbm>>
      %dma_wait3A_413 = arith.constant 0 : i32
      %dma_wait3A_414 = tpu.memref_slice %arg7[%mul3A_411, %dma_wait3A_413] : memref<1000x32xf32, #tpu.memory_space<hbm>> -> memref<40x32xf32, #tpu.memory_space<hbm>>
      tpu.wait_dma2 semaphore(%arg36 : memref<!tpu.dma_semaphore, #tpu.memory_space<semaphore_mem>>) src(%dma_wait3A_414 : memref<40x32xf32, #tpu.memory_space<hbm>>) dst(%arg32 : memref<40x32xf32, #tpu.memory_space<vmem>>)
      %scan3A_415 = arith.constant 0 : i32
      %scan3A_416 = arith.constant 0 : i32
      %scan3A_417 = arith.constant 40 : i32
      %scan3A_418 = arith.addi %scan3A_416, %scan3A_417 : i32
      %scan3A_419 = arith.constant 1 : i32
      scf.for %scan3A_449 = %scan3A_416 to %scan3A_418 step %scan3A_419  : i32 {
        %get3A = arith.index_cast %scan3A_449 : i32 to index
        %get3A_450 = arith.constant 0 : index
        %get3A_451 = tpu.vector_load %arg32[%get3A, %get3A_450] {strides = array<i32>} : memref<40x32xf32, #tpu.memory_space<vmem>>, vector<16xf32>,
        %swap3A = arith.constant 0 : i32
        %swap3A_452 = arith.constant 0 : i32
        %swap3A_453 = tpu.memref_slice %arg22[%swap3A, %swap3A_452] : memref<80x128xf32, #tpu.memory_space<vmem>> -> memref<40x128xf32, #tpu.memory_space<vmem>>
        %swap3A_454 = arith.index_cast %scan3A_449 : i32 to index
        %swap3A_455 = arith.constant 0 : index
        %swap3A_456 = tpu.vector_load %swap3A_453[%swap3A_454, %swap3A_455] {strides = array<i32>} : memref<40x128xf32, #tpu.memory_space<vmem>>, vector<16xf32>,
        tpu.vector_store %swap3A_453[%swap3A_454, %swap3A_455], %get3A_451 {strides = array<i32>} : memref<40x128xf32, #tpu.memory_space<vmem>>, vector<16xf32>,
        %get3A_457 = arith.index_cast %scan3A_449 : i32 to index
        %get3A_458 = arith.constant 16 : index
        %get3A_459 = tpu.vector_load %arg32[%get3A_457, %get3A_458] {strides = array<i32>} : memref<40x32xf32, #tpu.memory_space<vmem>>, vector<16xf32>,
        %swap3A_460 = arith.constant 0 : i32
        %swap3A_461 = arith.constant 0 : i32
        %swap3A_462 = tpu.memref_slice %arg22[%swap3A_460, %swap3A_461] : memref<80x128xf32, #tpu.memory_space<vmem>> -> memref<40x128xf32, #tpu.memory_space<vmem>>
        %swap3A_463 = arith.index_cast %scan3A_449 : i32 to index
        %swap3A_464 = arith.constant 16 : index
        %swap3A_465 = tpu.vector_load %swap3A_462[%swap3A_463, %swap3A_464] {strides = array<i32>} : memref<40x128xf32, #tpu.memory_space<vmem>>, vector<16xf32>,
        tpu.vector_store %swap3A_462[%swap3A_463, %swap3A_464], %get3A_459 {strides = array<i32>} : memref<40x128xf32, #tpu.memory_space<vmem>>, vector<16xf32>,
        %swap3A_466 = arith.constant 0 : i32
        %swap3A_467 = arith.constant 0 : i32
        %swap3A_468 = tpu.memref_slice %arg22[%swap3A_466, %swap3A_467] : memref<80x128xf32, #tpu.memory_space<vmem>> -> memref<40x128xf32, #tpu.memory_space<vmem>>
        %swap3A_469 = arith.index_cast %scan3A_449 : i32 to index
        %swap3A_470 = arith.constant 32 : index
        %swap3A_471 = tpu.vector_load %swap3A_468[%swap3A_469, %swap3A_470] {strides = array<i32>} : memref<40x128xf32, #tpu.memory_space<vmem>>, vector<16xf32>,
        tpu.vector_store %swap3A_468[%swap3A_469, %swap3A_470], %broadcast_in_dim3A_3 {strides = array<i32>} : memref<40x128xf32, #tpu.memory_space<vmem>>, vector<16xf32>,
        %swap3A_472 = arith.constant 0 : i32
        %swap3A_473 = arith.constant 0 : i32
        %swap3A_474 = tpu.memref_slice %arg22[%swap3A_472, %swap3A_473] : memref<80x128xf32, #tpu.memory_space<vmem>> -> memref<40x128xf32, #tpu.memory_space<vmem>>
        %swap3A_475 = arith.index_cast %scan3A_449 : i32 to index
        %swap3A_476 = arith.constant 48 : index
        %swap3A_477 = tpu.vector_load %swap3A_474[%swap3A_475, %swap3A_476] {strides = array<i32>} : memref<40x128xf32, #tpu.memory_space<vmem>>, vector<16xf32>,
        tpu.vector_store %swap3A_474[%swap3A_475, %swap3A_476], %broadcast_in_dim3A_3 {strides = array<i32>} : memref<40x128xf32, #tpu.memory_space<vmem>>, vector<16xf32>,
        %swap3A_478 = arith.constant 0 : i32
        %swap3A_479 = arith.constant 0 : i32
        %swap3A_480 = tpu.memref_slice %arg22[%swap3A_478, %swap3A_479] : memref<80x128xf32, #tpu.memory_space<vmem>> -> memref<40x128xf32, #tpu.memory_space<vmem>>
        %swap3A_481 = arith.index_cast %scan3A_449 : i32 to index
        %swap3A_482 = arith.constant 64 : index
        %swap3A_483 = tpu.vector_load %swap3A_480[%swap3A_481, %swap3A_482] {strides = array<i32>} : memref<40x128xf32, #tpu.memory_space<vmem>>, vector<16xf32>,
        tpu.vector_store %swap3A_480[%swap3A_481, %swap3A_482], %broadcast_in_dim3A_3 {strides = array<i32>} : memref<40x128xf32, #tpu.memory_space<vmem>>, vector<16xf32>,
        %swap3A_484 = arith.constant 0 : i32
        %swap3A_485 = arith.constant 0 : i32
        %swap3A_486 = tpu.memref_slice %arg22[%swap3A_484, %swap3A_485] : memref<80x128xf32, #tpu.memory_space<vmem>> -> memref<40x128xf32, #tpu.memory_space<vmem>>
        %swap3A_487 = arith.index_cast %scan3A_449 : i32 to index
        %swap3A_488 = arith.constant 80 : index
        %swap3A_489 = tpu.vector_load %swap3A_486[%swap3A_487, %swap3A_488] {strides = array<i32>} : memref<40x128xf32, #tpu.memory_space<vmem>>, vector<16xf32>,
        tpu.vector_store %swap3A_486[%swap3A_487, %swap3A_488], %broadcast_in_dim3A_3 {strides = array<i32>} : memref<40x128xf32, #tpu.memory_space<vmem>>, vector<16xf32>,
        %swap3A_490 = arith.constant 0 : i32
        %swap3A_491 = arith.constant 0 : i32
        %swap3A_492 = tpu.memref_slice %arg22[%swap3A_490, %swap3A_491] : memref<80x128xf32, #tpu.memory_space<vmem>> -> memref<40x128xf32, #tpu.memory_space<vmem>>
        %swap3A_493 = arith.index_cast %scan3A_449 : i32 to index
        %swap3A_494 = arith.constant 96 : index
        %swap3A_495 = tpu.vector_load %swap3A_492[%swap3A_493, %swap3A_494] {strides = array<i32>} : memref<40x128xf32, #tpu.memory_space<vmem>>, vector<16xf32>,
        tpu.vector_store %swap3A_492[%swap3A_493, %swap3A_494], %broadcast_in_dim3A_3 {strides = array<i32>} : memref<40x128xf32, #tpu.memory_space<vmem>>, vector<16xf32>,
        %swap3A_496 = arith.constant 0 : i32
        %swap3A_497 = arith.constant 0 : i32
        %swap3A_498 = tpu.memref_slice %arg22[%swap3A_496, %swap3A_497] : memref<80x128xf32, #tpu.memory_space<vmem>> -> memref<40x128xf32, #tpu.memory_space<vmem>>
        %swap3A_499 = arith.index_cast %scan3A_449 : i32 to index
        %swap3A_500 = arith.constant 112 : index
        %swap3A_501 = tpu.vector_load %swap3A_498[%swap3A_499, %swap3A_500] {strides = array<i32>} : memref<40x128xf32, #tpu.memory_space<vmem>>, vector<16xf32>,
        tpu.vector_store %swap3A_498[%swap3A_499, %swap3A_500], %broadcast_in_dim3A_3 {strides = array<i32>} : memref<40x128xf32, #tpu.memory_space<vmem>>, vector<16xf32>,
      }
      %scan3A_420 = arith.constant 40 : i32
      %ge3A = arith.constant 2 : i32
      %ge3A_421 = arith.cmpi sge, %add3A_42, %ge3A : i32
      %convert_element_type3A_422 = arith.extui %ge3A_421 : i1 to i32
      %cond3A_423 = arith.constant 0 : i32
      %cond3A_424 = arith.cmpi ne, %convert_element_type3A_422, %cond3A_423 : i32
      scf.if %cond3A_424 {
        %sub3A_449 = arith.constant 2 : i32
        %sub3A_450 = arith.subi %add3A_42, %sub3A_449 : i32
        %mul3A_451 = arith.constant 1000 : i32
        %mul3A_452 = arith.muli %arg0, %mul3A_451 : i32
        %mul3A_453 = arith.constant 16 : i32
        %mul3A_454 = arith.muli %sub3A_450, %mul3A_453 : i32
        %add3A_455 = arith.addi %arg1, %mul3A_454 : i32
        %mul3A_456 = arith.constant 40 : i32
        %mul3A_457 = arith.muli %add3A_455, %mul3A_456 : i32
        %add3A_458 = arith.addi %mul3A_452, %mul3A_457 : i32
        %dma_wait3A_459 = arith.constant 0 : i32
        %dma_wait3A_460 = arith.constant 0 : i32
        %dma_wait3A_461 = tpu.memref_slice %arg22[%dma_wait3A_459, %dma_wait3A_460] : memref<80x128xf32, #tpu.memory_space<vmem>> -> memref<40x128xf32, #tpu.memory_space<vmem>>
        %dma_wait3A_462 = arith.constant 0 : i32
        %dma_wait3A_463 = tpu.memref_slice %arg33[%add3A_458, %dma_wait3A_462] : memref<2000x128xf32, #tpu.memory_space<hbm>> -> memref<40x128xf32, #tpu.memory_space<hbm>>
        %dma_wait3A_464 = arith.constant 0 : i32
        %dma_wait3A_465 = tpu.memref_slice %arg33[%add3A_458, %dma_wait3A_464] : memref<2000x128xf32, #tpu.memory_space<hbm>> -> memref<40x128xf32, #tpu.memory_space<hbm>>
        %dma_wait3A_466 = arith.constant 0 : i32
        %dma_wait3A_467 = arith.constant 0 : i32
        %dma_wait3A_468 = tpu.memref_slice %arg22[%dma_wait3A_466, %dma_wait3A_467] : memref<80x128xf32, #tpu.memory_space<vmem>> -> memref<40x128xf32, #tpu.memory_space<vmem>>
        tpu.wait_dma2 semaphore(%arg38 : memref<!tpu.dma_semaphore, #tpu.memory_space<semaphore_mem>>) src(%dma_wait3A_468 : memref<40x128xf32, #tpu.memory_space<vmem>>) dst(%dma_wait3A_465 : memref<40x128xf32, #tpu.memory_space<hbm>>)
      } else {
      }
      %mul3A_425 = arith.constant 1000 : i32
      %mul3A_426 = arith.muli %arg0, %mul3A_425 : i32
      %mul3A_427 = arith.constant 16 : i32
      %mul3A_428 = arith.muli %add3A_42, %mul3A_427 : i32
      %add3A_429 = arith.addi %arg1, %mul3A_428 : i32
      %mul3A_430 = arith.constant 40 : i32
      %mul3A_431 = arith.muli %add3A_429, %mul3A_430 : i32
      %add3A_432 = arith.addi %mul3A_426, %mul3A_431 : i32
      %dma_start3A_433 = arith.constant 0 : i32
      %dma_start3A_434 = arith.constant 0 : i32
      %dma_start3A_435 = tpu.memref_slice %arg22[%dma_start3A_433, %dma_start3A_434] : memref<80x128xf32, #tpu.memory_space<vmem>> -> memref<40x128xf32, #tpu.memory_space<vmem>>
      %dma_start3A_436 = arith.constant 0 : i32
      %dma_start3A_437 = tpu.memref_slice %arg33[%add3A_432, %dma_start3A_436] : memref<2000x128xf32, #tpu.memory_space<hbm>> -> memref<40x128xf32, #tpu.memory_space<hbm>>
      %dma_start3A_438 = arith.constant 0 : i32
      %dma_start3A_439 = tpu.memref_slice %arg33[%add3A_432, %dma_start3A_438] : memref<2000x128xf32, #tpu.memory_space<hbm>> -> memref<40x128xf32, #tpu.memory_space<hbm>>
      %dma_start3A_440 = arith.constant 0 : i32
      %dma_start3A_441 = arith.constant 0 : i32
      %dma_start3A_442 = tpu.memref_slice %arg22[%dma_start3A_440, %dma_start3A_441] : memref<80x128xf32, #tpu.memory_space<vmem>> -> memref<40x128xf32, #tpu.memory_space<vmem>>
      tpu.enqueue_dma source(%dma_start3A_442 : memref<40x128xf32, #tpu.memory_space<vmem>>) target(%dma_start3A_439 : memref<40x128xf32, #tpu.memory_space<hbm>>) target_semaphore(%arg38 : memref<!tpu.dma_semaphore, #tpu.memory_space<semaphore_mem>>)
      %add3A_443 = arith.constant 2 : i32
      %add3A_444 = arith.addi %add3A_42, %add3A_443 : i32
      %lt3A_445 = arith.cmpi slt, %add3A_444, %select_n3A : i32
      %convert_element_type3A_446 = arith.extui %lt3A_445 : i1 to i32
      %cond3A_447 = arith.constant 0 : i32
      %cond3A_448 = arith.cmpi ne, %convert_element_type3A_446, %cond3A_447 : i32
      scf.if %cond3A_448 {
        %add3A_449 = arith.constant 2 : i32
        %add3A_450 = arith.addi %add3A_42, %add3A_449 : i32
        %mul3A_451 = arith.constant 16 : i32
        %mul3A_452 = arith.muli %add3A_450, %mul3A_451 : i32
        %add3A_453 = arith.addi %arg1, %mul3A_452 : i32
        %mul3A_454 = arith.constant 40 : i32
        %mul3A_455 = arith.muli %add3A_453, %mul3A_454 : i32
        %dma_start3A_456 = arith.constant 0 : i32
        %dma_start3A_457 = tpu.memref_slice %arg7[%mul3A_455, %dma_start3A_456] : memref<1000x32xf32, #tpu.memory_space<hbm>> -> memref<40x32xf32, #tpu.memory_space<hbm>>
        %dma_start3A_458 = arith.constant 0 : i32
        %dma_start3A_459 = tpu.memref_slice %arg7[%mul3A_455, %dma_start3A_458] : memref<1000x32xf32, #tpu.memory_space<hbm>> -> memref<40x32xf32, #tpu.memory_space<hbm>>
        tpu.enqueue_dma source(%dma_start3A_459 : memref<40x32xf32, #tpu.memory_space<hbm>>) target(%arg32 : memref<40x32xf32, #tpu.memory_space<vmem>>) target_semaphore(%arg36 : memref<!tpu.dma_semaphore, #tpu.memory_space<semaphore_mem>>)
      } else {
      }
    } else {
    }
    %scan3A_47 = arith.constant 1 : i32
    %sub3A_48 = arith.constant 1 : i32
    %sub3A_49 = arith.subi %select_n3A, %sub3A_48 : i32
    %sub3A_50 = arith.constant 0 : i32
    %sub3A_51 = arith.subi %sub3A_49, %sub3A_50 : i32
    %jit3A_52 = arith.constant 2 : i32
    %div3A_53 = arith.divsi %sub3A_51, %jit3A_52 : i32
    %sign3A_54 = arith.constant 0 : i32
    %sign3A_55 = arith.cmpi sgt, %sub3A_51, %sign3A_54 : i32
    %sign3A_56 = arith.extui %sign3A_55 : i1 to i32
    %sign3A_57 = arith.constant 0 : i32
    %sign3A_58 = arith.cmpi slt, %sub3A_51, %sign3A_57 : i32
    %sign3A_59 = arith.extui %sign3A_58 : i1 to i32
    %sign3A_60 = arith.subi %sign3A_56, %sign3A_59 : i32
    %sign3A_61 = arith.constant 0 : i32
    %sign3A_62 = arith.cmpi sgt, %jit3A_52, %sign3A_61 : i32
    %sign3A_63 = arith.extui %sign3A_62 : i1 to i32
    %sign3A_64 = arith.constant 0 : i32
    %sign3A_65 = arith.cmpi slt, %jit3A_52, %sign3A_64 : i32
    %sign3A_66 = arith.extui %sign3A_65 : i1 to i32
    %sign3A_67 = arith.subi %sign3A_63, %sign3A_66 : i32
    %ne3A_68 = arith.cmpi ne, %sign3A_60, %sign3A_67 : i32
    %rem3A_69 = arith.remsi %sub3A_51, %jit3A_52 : i32
    %ne3A_70 = arith.constant 0 : i32
    %ne3A_71 = arith.cmpi ne, %rem3A_69, %ne3A_70 : i32
    %and3A_72 = arith.andi %ne3A_68, %ne3A_71 : i1
    %sub3A_73 = arith.constant 1 : i32
    %sub3A_74 = arith.subi %div3A_53, %sub3A_73 : i32
    %select_n3A_75 = arith.select %and3A_72, %sub3A_74, %div3A_53 : i32
    %mul3A_76 = arith.constant 2 : i32
    %mul3A_77 = arith.muli %mul3A_76, %select_n3A_75 : i32
    %add3A_78 = arith.constant 0 : i32
    %add3A_79 = arith.addi %mul3A_77, %add3A_78 : i32
    %gt3A_80 = arith.constant 0 : i32
    %gt3A_81 = arith.cmpi sgt, %select_n3A, %gt3A_80 : i32
    %convert_element_type3A_82 = arith.extui %gt3A_81 : i1 to i32
    %cond3A_83 = arith.constant 0 : i32
    %cond3A_84 = arith.cmpi ne, %convert_element_type3A_82, %cond3A_83 : i32
    scf.if %cond3A_84 {
      %mul3A_407 = arith.constant 1000 : i32
      %mul3A_408 = arith.muli %arg0, %mul3A_407 : i32
      %mul3A_409 = arith.constant 16 : i32
      %mul3A_410 = arith.muli %add3A_79, %mul3A_409 : i32
      %add3A_411 = arith.addi %arg1, %mul3A_410 : i32
      %mul3A_412 = arith.constant 40 : i32
      %mul3A_413 = arith.muli %add3A_411, %mul3A_412 : i32
      %add3A_414 = arith.addi %mul3A_408, %mul3A_413 : i32
      %dma_wait3A = arith.constant 0 : i32
      %dma_wait3A_415 = arith.constant 0 : i32
      %dma_wait3A_416 = tpu.memref_slice %arg15[%dma_wait3A, %dma_wait3A_415] : memref<80x128xf32, #tpu.memory_space<vmem>> -> memref<40x128xf32, #tpu.memory_space<vmem>>
      %dma_wait3A_417 = arith.constant 0 : i32
      %dma_wait3A_418 = tpu.memref_slice %arg33[%add3A_414, %dma_wait3A_417] : memref<2000x128xf32, #tpu.memory_space<hbm>> -> memref<40x128xf32, #tpu.memory_space<hbm>>
      %dma_wait3A_419 = arith.constant 0 : i32
      %dma_wait3A_420 = tpu.memref_slice %arg33[%add3A_414, %dma_wait3A_419] : memref<2000x128xf32, #tpu.memory_space<hbm>> -> memref<40x128xf32, #tpu.memory_space<hbm>>
      %dma_wait3A_421 = arith.constant 0 : i32
      %dma_wait3A_422 = arith.constant 0 : i32
      %dma_wait3A_423 = tpu.memref_slice %arg15[%dma_wait3A_421, %dma_wait3A_422] : memref<80x128xf32, #tpu.memory_space<vmem>> -> memref<40x128xf32, #tpu.memory_space<vmem>>
      tpu.wait_dma2 semaphore(%arg38 : memref<!tpu.dma_semaphore, #tpu.memory_space<semaphore_mem>>) src(%dma_wait3A_423 : memref<40x128xf32, #tpu.memory_space<vmem>>) dst(%dma_wait3A_420 : memref<40x128xf32, #tpu.memory_space<hbm>>)
    } else {
    }
    %sub3A_85 = arith.constant 1 : i32
    %sub3A_86 = arith.subi %select_n3A, %sub3A_85 : i32
    %sub3A_87 = arith.constant 1 : i32
    %sub3A_88 = arith.subi %sub3A_86, %sub3A_87 : i32
    %jit3A_89 = arith.constant 2 : i32
    %div3A_90 = arith.divsi %sub3A_88, %jit3A_89 : i32
    %sign3A_91 = arith.constant 0 : i32
    %sign3A_92 = arith.cmpi sgt, %sub3A_88, %sign3A_91 : i32
    %sign3A_93 = arith.extui %sign3A_92 : i1 to i32
    %sign3A_94 = arith.constant 0 : i32
    %sign3A_95 = arith.cmpi slt, %sub3A_88, %sign3A_94 : i32
    %sign3A_96 = arith.extui %sign3A_95 : i1 to i32
    %sign3A_97 = arith.subi %sign3A_93, %sign3A_96 : i32
    %sign3A_98 = arith.constant 0 : i32
    %sign3A_99 = arith.cmpi sgt, %jit3A_89, %sign3A_98 : i32
    %sign3A_100 = arith.extui %sign3A_99 : i1 to i32
    %sign3A_101 = arith.constant 0 : i32
    %sign3A_102 = arith.cmpi slt, %jit3A_89, %sign3A_101 : i32
    %sign3A_103 = arith.extui %sign3A_102 : i1 to i32
    %sign3A_104 = arith.subi %sign3A_100, %sign3A_103 : i32
    %ne3A_105 = arith.cmpi ne, %sign3A_97, %sign3A_104 : i32
    %rem3A_106 = arith.remsi %sub3A_88, %jit3A_89 : i32
    %ne3A_107 = arith.constant 0 : i32
    %ne3A_108 = arith.cmpi ne, %rem3A_106, %ne3A_107 : i32
    %and3A_109 = arith.andi %ne3A_105, %ne3A_108 : i1
    %sub3A_110 = arith.constant 1 : i32
    %sub3A_111 = arith.subi %div3A_90, %sub3A_110 : i32
    %select_n3A_112 = arith.select %and3A_109, %sub3A_111, %div3A_90 : i32
    %mul3A_113 = arith.constant 2 : i32
    %mul3A_114 = arith.muli %mul3A_113, %select_n3A_112 : i32
    %add3A_115 = arith.constant 1 : i32
    %add3A_116 = arith.addi %mul3A_114, %add3A_115 : i32
    %gt3A_117 = arith.constant 1 : i32
    %gt3A_118 = arith.cmpi sgt, %select_n3A, %gt3A_117 : i32
    %convert_element_type3A_119 = arith.extui %gt3A_118 : i1 to i32
    %cond3A_120 = arith.constant 0 : i32
    %cond3A_121 = arith.cmpi ne, %convert_element_type3A_119, %cond3A_120 : i32
    scf.if %cond3A_121 {
      %mul3A_407 = arith.constant 1000 : i32
      %mul3A_408 = arith.muli %arg0, %mul3A_407 : i32
      %mul3A_409 = arith.constant 16 : i32
      %mul3A_410 = arith.muli %add3A_116, %mul3A_409 : i32
      %add3A_411 = arith.addi %arg1, %mul3A_410 : i32
      %mul3A_412 = arith.constant 40 : i32
      %mul3A_413 = arith.muli %add3A_411, %mul3A_412 : i32
      %add3A_414 = arith.addi %mul3A_408, %mul3A_413 : i32
      %dma_wait3A = arith.constant 0 : i32
      %dma_wait3A_415 = arith.constant 0 : i32
      %dma_wait3A_416 = tpu.memref_slice %arg22[%dma_wait3A, %dma_wait3A_415] : memref<80x128xf32, #tpu.memory_space<vmem>> -> memref<40x128xf32, #tpu.memory_space<vmem>>
      %dma_wait3A_417 = arith.constant 0 : i32
      %dma_wait3A_418 = tpu.memref_slice %arg33[%add3A_414, %dma_wait3A_417] : memref<2000x128xf32, #tpu.memory_space<hbm>> -> memref<40x128xf32, #tpu.memory_space<hbm>>
      %dma_wait3A_419 = arith.constant 0 : i32
      %dma_wait3A_420 = tpu.memref_slice %arg33[%add3A_414, %dma_wait3A_419] : memref<2000x128xf32, #tpu.memory_space<hbm>> -> memref<40x128xf32, #tpu.memory_space<hbm>>
      %dma_wait3A_421 = arith.constant 0 : i32
      %dma_wait3A_422 = arith.constant 0 : i32
      %dma_wait3A_423 = tpu.memref_slice %arg22[%dma_wait3A_421, %dma_wait3A_422] : memref<80x128xf32, #tpu.memory_space<vmem>> -> memref<40x128xf32, #tpu.memory_space<vmem>>
      tpu.wait_dma2 semaphore(%arg38 : memref<!tpu.dma_semaphore, #tpu.memory_space<semaphore_mem>>) src(%dma_wait3A_423 : memref<40x128xf32, #tpu.memory_space<vmem>>) dst(%dma_wait3A_420 : memref<40x128xf32, #tpu.memory_space<hbm>>)
    } else {
    }
    %sub3A_122 = arith.constant 250 : i32
    %sub3A_123 = arith.subi %sub3A_122, %arg1 : i32
    %add3A_124 = arith.constant 16 : i32
    %add3A_125 = arith.addi %sub3A_123, %add3A_124 : i32
    %sub3A_126 = arith.constant 1 : i32
    %sub3A_127 = arith.subi %add3A_125, %sub3A_126 : i32
    %jit3A_128 = arith.constant 16 : i32
    %div3A_129 = arith.divsi %sub3A_127, %jit3A_128 : i32
    %sign3A_130 = arith.constant 0 : i32
    %sign3A_131 = arith.cmpi sgt, %sub3A_127, %sign3A_130 : i32
    %sign3A_132 = arith.extui %sign3A_131 : i1 to i32
    %sign3A_133 = arith.constant 0 : i32
    %sign3A_134 = arith.cmpi slt, %sub3A_127, %sign3A_133 : i32
    %sign3A_135 = arith.extui %sign3A_134 : i1 to i32
    %sign3A_136 = arith.subi %sign3A_132, %sign3A_135 : i32
    %sign3A_137 = arith.constant 0 : i32
    %sign3A_138 = arith.cmpi sgt, %jit3A_128, %sign3A_137 : i32
    %sign3A_139 = arith.extui %sign3A_138 : i1 to i32
    %sign3A_140 = arith.constant 0 : i32
    %sign3A_141 = arith.cmpi slt, %jit3A_128, %sign3A_140 : i32
    %sign3A_142 = arith.extui %sign3A_141 : i1 to i32
    %sign3A_143 = arith.subi %sign3A_139, %sign3A_142 : i32
    %ne3A_144 = arith.cmpi ne, %sign3A_136, %sign3A_143 : i32
    %rem3A_145 = arith.remsi %sub3A_127, %jit3A_128 : i32
    %ne3A_146 = arith.constant 0 : i32
    %ne3A_147 = arith.cmpi ne, %rem3A_145, %ne3A_146 : i32
    %and3A_148 = arith.andi %ne3A_144, %ne3A_147 : i1
    %sub3A_149 = arith.constant 1 : i32
    %sub3A_150 = arith.subi %div3A_129, %sub3A_149 : i32
    %select_n3A_151 = arith.select %and3A_148, %sub3A_150, %div3A_129 : i32
    %gt3A_152 = arith.constant 0 : i32
    %gt3A_153 = arith.cmpi sgt, %select_n3A_151, %gt3A_152 : i32
    %convert_element_type3A_154 = arith.extui %gt3A_153 : i1 to i32
    %cond3A_155 = arith.constant 0 : i32
    %cond3A_156 = arith.cmpi ne, %convert_element_type3A_154, %cond3A_155 : i32
    scf.if %cond3A_156 {
      %add3A_407 = arith.constant 0 : i32
      %add3A_408 = arith.addi %arg1, %add3A_407 : i32
      %mul3A_409 = arith.constant 40 : i32
      %mul3A_410 = arith.muli %add3A_408, %mul3A_409 : i32
      %dma_start3A_411 = arith.constant 0 : i32
      %dma_start3A_412 = tpu.memref_slice %arg9[%mul3A_410, %dma_start3A_411] : memref<10000x32xf32, #tpu.memory_space<hbm>> -> memref<40x32xf32, #tpu.memory_space<hbm>>
      %dma_start3A_413 = arith.constant 0 : i32
      %dma_start3A_414 = tpu.memref_slice %arg9[%mul3A_410, %dma_start3A_413] : memref<10000x32xf32, #tpu.memory_space<hbm>> -> memref<40x32xf32, #tpu.memory_space<hbm>>
      tpu.enqueue_dma source(%dma_start3A_414 : memref<40x32xf32, #tpu.memory_space<hbm>>) target(%arg31 : memref<40x32xf32, #tpu.memory_space<vmem>>) target_semaphore(%arg36 : memref<!tpu.dma_semaphore, #tpu.memory_space<semaphore_mem>>)
    } else {
    }
    %gt3A_157 = arith.constant 1 : i32
    %gt3A_158 = arith.cmpi sgt, %select_n3A_151, %gt3A_157 : i32
    %convert_element_type3A_159 = arith.extui %gt3A_158 : i1 to i32
    %cond3A_160 = arith.constant 0 : i32
    %cond3A_161 = arith.cmpi ne, %convert_element_type3A_159, %cond3A_160 : i32
    scf.if %cond3A_161 {
      %add3A_407 = arith.constant 16 : i32
      %add3A_408 = arith.addi %arg1, %add3A_407 : i32
      %mul3A_409 = arith.constant 40 : i32
      %mul3A_410 = arith.muli %add3A_408, %mul3A_409 : i32
      %dma_start3A_411 = arith.constant 0 : i32
      %dma_start3A_412 = tpu.memref_slice %arg9[%mul3A_410, %dma_start3A_411] : memref<10000x32xf32, #tpu.memory_space<hbm>> -> memref<40x32xf32, #tpu.memory_space<hbm>>
      %dma_start3A_413 = arith.constant 0 : i32
      %dma_start3A_414 = tpu.memref_slice %arg9[%mul3A_410, %dma_start3A_413] : memref<10000x32xf32, #tpu.memory_space<hbm>> -> memref<40x32xf32, #tpu.memory_space<hbm>>
      tpu.enqueue_dma source(%dma_start3A_414 : memref<40x32xf32, #tpu.memory_space<hbm>>) target(%arg32 : memref<40x32xf32, #tpu.memory_space<vmem>>) target_semaphore(%arg36 : memref<!tpu.dma_semaphore, #tpu.memory_space<semaphore_mem>>)
    } else {
    }
    %scan3A_162 = arith.constant 0 : i32
    %scan3A_163 = arith.constant 0 : i32
    %scan3A_164 = arith.constant 8 : i32
    %scan3A_165 = arith.addi %scan3A_163, %scan3A_164 : i32
    %scan3A_166 = arith.constant 1 : i32
    scf.for %scan3A_407 = %scan3A_163 to %scan3A_165 step %scan3A_166  : i32 {
      %mul3A_408 = arith.constant 2 : i32
      %mul3A_409 = arith.muli %mul3A_408, %scan3A_407 : i32
      %lt3A_410 = arith.cmpi slt, %mul3A_409, %select_n3A_151 : i32
      %convert_element_type3A_411 = arith.extui %lt3A_410 : i1 to i32
      %cond3A_412 = arith.constant 0 : i32
      %cond3A_413 = arith.cmpi ne, %convert_element_type3A_411, %cond3A_412 : i32
      scf.if %cond3A_413 {
        %mul3A_422 = arith.constant 16 : i32
        %mul3A_423 = arith.muli %mul3A_409, %mul3A_422 : i32
        %add3A_424 = arith.addi %arg1, %mul3A_423 : i32
        %mul3A_425 = arith.constant 40 : i32
        %mul3A_426 = arith.muli %add3A_424, %mul3A_425 : i32
        %dma_wait3A = arith.constant 0 : i32
        %dma_wait3A_427 = tpu.memref_slice %arg9[%mul3A_426, %dma_wait3A] : memref<10000x32xf32, #tpu.memory_space<hbm>> -> memref<40x32xf32, #tpu.memory_space<hbm>>
        %dma_wait3A_428 = arith.constant 0 : i32
        %dma_wait3A_429 = tpu.memref_slice %arg9[%mul3A_426, %dma_wait3A_428] : memref<10000x32xf32, #tpu.memory_space<hbm>> -> memref<40x32xf32, #tpu.memory_space<hbm>>
        tpu.wait_dma2 semaphore(%arg36 : memref<!tpu.dma_semaphore, #tpu.memory_space<semaphore_mem>>) src(%dma_wait3A_429 : memref<40x32xf32, #tpu.memory_space<hbm>>) dst(%arg31 : memref<40x32xf32, #tpu.memory_space<vmem>>)
        %scan3A_430 = arith.constant 0 : i32
        %scan3A_431 = arith.constant 0 : i32
        %scan3A_432 = arith.constant 40 : i32
        %scan3A_433 = arith.addi %scan3A_431, %scan3A_432 : i32
        %scan3A_434 = arith.constant 1 : i32
        scf.for %scan3A_464 = %scan3A_431 to %scan3A_433 step %scan3A_434  : i32 {
          %get3A = arith.index_cast %scan3A_464 : i32 to index
          %get3A_465 = arith.constant 0 : index
          %get3A_466 = tpu.vector_load %arg31[%get3A, %get3A_465] {strides = array<i32>} : memref<40x32xf32, #tpu.memory_space<vmem>>, vector<16xf32>,
          %swap3A = arith.constant 0 : i32
          %swap3A_467 = arith.constant 0 : i32
          %swap3A_468 = tpu.memref_slice %arg15[%swap3A, %swap3A_467] : memref<80x128xf32, #tpu.memory_space<vmem>> -> memref<40x128xf32, #tpu.memory_space<vmem>>
          %swap3A_469 = arith.index_cast %scan3A_464 : i32 to index
          %swap3A_470 = arith.constant 0 : index
          %swap3A_471 = tpu.vector_load %swap3A_468[%swap3A_469, %swap3A_470] {strides = array<i32>} : memref<40x128xf32, #tpu.memory_space<vmem>>, vector<16xf32>,
          tpu.vector_store %swap3A_468[%swap3A_469, %swap3A_470], %get3A_466 {strides = array<i32>} : memref<40x128xf32, #tpu.memory_space<vmem>>, vector<16xf32>,
          %get3A_472 = arith.index_cast %scan3A_464 : i32 to index
          %get3A_473 = arith.constant 16 : index
          %get3A_474 = tpu.vector_load %arg31[%get3A_472, %get3A_473] {strides = array<i32>} : memref<40x32xf32, #tpu.memory_space<vmem>>, vector<16xf32>,
          %swap3A_475 = arith.constant 0 : i32
          %swap3A_476 = arith.constant 0 : i32
          %swap3A_477 = tpu.memref_slice %arg15[%swap3A_475, %swap3A_476] : memref<80x128xf32, #tpu.memory_space<vmem>> -> memref<40x128xf32, #tpu.memory_space<vmem>>
          %swap3A_478 = arith.index_cast %scan3A_464 : i32 to index
          %swap3A_479 = arith.constant 16 : index
          %swap3A_480 = tpu.vector_load %swap3A_477[%swap3A_478, %swap3A_479] {strides = array<i32>} : memref<40x128xf32, #tpu.memory_space<vmem>>, vector<16xf32>,
          tpu.vector_store %swap3A_477[%swap3A_478, %swap3A_479], %get3A_474 {strides = array<i32>} : memref<40x128xf32, #tpu.memory_space<vmem>>, vector<16xf32>,
          %swap3A_481 = arith.constant 0 : i32
          %swap3A_482 = arith.constant 0 : i32
          %swap3A_483 = tpu.memref_slice %arg15[%swap3A_481, %swap3A_482] : memref<80x128xf32, #tpu.memory_space<vmem>> -> memref<40x128xf32, #tpu.memory_space<vmem>>
          %swap3A_484 = arith.index_cast %scan3A_464 : i32 to index
          %swap3A_485 = arith.constant 32 : index
          %swap3A_486 = tpu.vector_load %swap3A_483[%swap3A_484, %swap3A_485] {strides = array<i32>} : memref<40x128xf32, #tpu.memory_space<vmem>>, vector<16xf32>,
          tpu.vector_store %swap3A_483[%swap3A_484, %swap3A_485], %broadcast_in_dim3A_3 {strides = array<i32>} : memref<40x128xf32, #tpu.memory_space<vmem>>, vector<16xf32>,
          %swap3A_487 = arith.constant 0 : i32
          %swap3A_488 = arith.constant 0 : i32
          %swap3A_489 = tpu.memref_slice %arg15[%swap3A_487, %swap3A_488] : memref<80x128xf32, #tpu.memory_space<vmem>> -> memref<40x128xf32, #tpu.memory_space<vmem>>
          %swap3A_490 = arith.index_cast %scan3A_464 : i32 to index
          %swap3A_491 = arith.constant 48 : index
          %swap3A_492 = tpu.vector_load %swap3A_489[%swap3A_490, %swap3A_491] {strides = array<i32>} : memref<40x128xf32, #tpu.memory_space<vmem>>, vector<16xf32>,
          tpu.vector_store %swap3A_489[%swap3A_490, %swap3A_491], %broadcast_in_dim3A_3 {strides = array<i32>} : memref<40x128xf32, #tpu.memory_space<vmem>>, vector<16xf32>,
          %swap3A_493 = arith.constant 0 : i32
          %swap3A_494 = arith.constant 0 : i32
          %swap3A_495 = tpu.memref_slice %arg15[%swap3A_493, %swap3A_494] : memref<80x128xf32, #tpu.memory_space<vmem>> -> memref<40x128xf32, #tpu.memory_space<vmem>>
          %swap3A_496 = arith.index_cast %scan3A_464 : i32 to index
          %swap3A_497 = arith.constant 64 : index
          %swap3A_498 = tpu.vector_load %swap3A_495[%swap3A_496, %swap3A_497] {strides = array<i32>} : memref<40x128xf32, #tpu.memory_space<vmem>>, vector<16xf32>,
          tpu.vector_store %swap3A_495[%swap3A_496, %swap3A_497], %broadcast_in_dim3A_3 {strides = array<i32>} : memref<40x128xf32, #tpu.memory_space<vmem>>, vector<16xf32>,
          %swap3A_499 = arith.constant 0 : i32
          %swap3A_500 = arith.constant 0 : i32
          %swap3A_501 = tpu.memref_slice %arg15[%swap3A_499, %swap3A_500] : memref<80x128xf32, #tpu.memory_space<vmem>> -> memref<40x128xf32, #tpu.memory_space<vmem>>
          %swap3A_502 = arith.index_cast %scan3A_464 : i32 to index
          %swap3A_503 = arith.constant 80 : index
          %swap3A_504 = tpu.vector_load %swap3A_501[%swap3A_502, %swap3A_503] {strides = array<i32>} : memref<40x128xf32, #tpu.memory_space<vmem>>, vector<16xf32>,
          tpu.vector_store %swap3A_501[%swap3A_502, %swap3A_503], %broadcast_in_dim3A_3 {strides = array<i32>} : memref<40x128xf32, #tpu.memory_space<vmem>>, vector<16xf32>,
          %swap3A_505 = arith.constant 0 : i32
          %swap3A_506 = arith.constant 0 : i32
          %swap3A_507 = tpu.memref_slice %arg15[%swap3A_505, %swap3A_506] : memref<80x128xf32, #tpu.memory_space<vmem>> -> memref<40x128xf32, #tpu.memory_space<vmem>>
          %swap3A_508 = arith.index_cast %scan3A_464 : i32 to index
          %swap3A_509 = arith.constant 96 : index
          %swap3A_510 = tpu.vector_load %swap3A_507[%swap3A_508, %swap3A_509] {strides = array<i32>} : memref<40x128xf32, #tpu.memory_space<vmem>>, vector<16xf32>,
          tpu.vector_store %swap3A_507[%swap3A_508, %swap3A_509], %broadcast_in_dim3A_3 {strides = array<i32>} : memref<40x128xf32, #tpu.memory_space<vmem>>, vector<16xf32>,
          %swap3A_511 = arith.constant 0 : i32
          %swap3A_512 = arith.constant 0 : i32
          %swap3A_513 = tpu.memref_slice %arg15[%swap3A_511, %swap3A_512] : memref<80x128xf32, #tpu.memory_space<vmem>> -> memref<40x128xf32, #tpu.memory_space<vmem>>
          %swap3A_514 = arith.index_cast %scan3A_464 : i32 to index
          %swap3A_515 = arith.constant 112 : index
          %swap3A_516 = tpu.vector_load %swap3A_513[%swap3A_514, %swap3A_515] {strides = array<i32>} : memref<40x128xf32, #tpu.memory_space<vmem>>, vector<16xf32>,
          tpu.vector_store %swap3A_513[%swap3A_514, %swap3A_515], %broadcast_in_dim3A_3 {strides = array<i32>} : memref<40x128xf32, #tpu.memory_space<vmem>>, vector<16xf32>,
        }
        %scan3A_435 = arith.constant 40 : i32
        %ge3A = arith.constant 2 : i32
        %ge3A_436 = arith.cmpi sge, %mul3A_409, %ge3A : i32
        %convert_element_type3A_437 = arith.extui %ge3A_436 : i1 to i32
        %cond3A_438 = arith.constant 0 : i32
        %cond3A_439 = arith.cmpi ne, %convert_element_type3A_437, %cond3A_438 : i32
        scf.if %cond3A_439 {
          %sub3A_464 = arith.constant 2 : i32
          %sub3A_465 = arith.subi %mul3A_409, %sub3A_464 : i32
          %mul3A_466 = arith.constant 10000 : i32
          %mul3A_467 = arith.muli %arg0, %mul3A_466 : i32
          %mul3A_468 = arith.constant 16 : i32
          %mul3A_469 = arith.muli %sub3A_465, %mul3A_468 : i32
          %add3A_470 = arith.addi %arg1, %mul3A_469 : i32
          %mul3A_471 = arith.constant 40 : i32
          %mul3A_472 = arith.muli %add3A_470, %mul3A_471 : i32
          %add3A_473 = arith.addi %mul3A_467, %mul3A_472 : i32
          %dma_wait3A_474 = arith.constant 0 : i32
          %dma_wait3A_475 = arith.constant 0 : i32
          %dma_wait3A_476 = tpu.memref_slice %arg15[%dma_wait3A_474, %dma_wait3A_475] : memref<80x128xf32, #tpu.memory_space<vmem>> -> memref<40x128xf32, #tpu.memory_space<vmem>>
          %dma_wait3A_477 = arith.constant 0 : i32
          %dma_wait3A_478 = tpu.memref_slice %arg34[%add3A_473, %dma_wait3A_477] : memref<20000x128xf32, #tpu.memory_space<hbm>> -> memref<40x128xf32, #tpu.memory_space<hbm>>
          %dma_wait3A_479 = arith.constant 0 : i32
          %dma_wait3A_480 = tpu.memref_slice %arg34[%add3A_473, %dma_wait3A_479] : memref<20000x128xf32, #tpu.memory_space<hbm>> -> memref<40x128xf32, #tpu.memory_space<hbm>>
          %dma_wait3A_481 = arith.constant 0 : i32
          %dma_wait3A_482 = arith.constant 0 : i32
          %dma_wait3A_483 = tpu.memref_slice %arg15[%dma_wait3A_481, %dma_wait3A_482] : memref<80x128xf32, #tpu.memory_space<vmem>> -> memref<40x128xf32, #tpu.memory_space<vmem>>
          tpu.wait_dma2 semaphore(%arg38 : memref<!tpu.dma_semaphore, #tpu.memory_space<semaphore_mem>>) src(%dma_wait3A_483 : memref<40x128xf32, #tpu.memory_space<vmem>>) dst(%dma_wait3A_480 : memref<40x128xf32, #tpu.memory_space<hbm>>)
        } else {
        }
        %mul3A_440 = arith.constant 10000 : i32
        %mul3A_441 = arith.muli %arg0, %mul3A_440 : i32
        %mul3A_442 = arith.constant 16 : i32
        %mul3A_443 = arith.muli %mul3A_409, %mul3A_442 : i32
        %add3A_444 = arith.addi %arg1, %mul3A_443 : i32
        %mul3A_445 = arith.constant 40 : i32
        %mul3A_446 = arith.muli %add3A_444, %mul3A_445 : i32
        %add3A_447 = arith.addi %mul3A_441, %mul3A_446 : i32
        %dma_start3A_448 = arith.constant 0 : i32
        %dma_start3A_449 = arith.constant 0 : i32
        %dma_start3A_450 = tpu.memref_slice %arg15[%dma_start3A_448, %dma_start3A_449] : memref<80x128xf32, #tpu.memory_space<vmem>> -> memref<40x128xf32, #tpu.memory_space<vmem>>
        %dma_start3A_451 = arith.constant 0 : i32
        %dma_start3A_452 = tpu.memref_slice %arg34[%add3A_447, %dma_start3A_451] : memref<20000x128xf32, #tpu.memory_space<hbm>> -> memref<40x128xf32, #tpu.memory_space<hbm>>
        %dma_start3A_453 = arith.constant 0 : i32
        %dma_start3A_454 = tpu.memref_slice %arg34[%add3A_447, %dma_start3A_453] : memref<20000x128xf32, #tpu.memory_space<hbm>> -> memref<40x128xf32, #tpu.memory_space<hbm>>
        %dma_start3A_455 = arith.constant 0 : i32
        %dma_start3A_456 = arith.constant 0 : i32
        %dma_start3A_457 = tpu.memref_slice %arg15[%dma_start3A_455, %dma_start3A_456] : memref<80x128xf32, #tpu.memory_space<vmem>> -> memref<40x128xf32, #tpu.memory_space<vmem>>
        tpu.enqueue_dma source(%dma_start3A_457 : memref<40x128xf32, #tpu.memory_space<vmem>>) target(%dma_start3A_454 : memref<40x128xf32, #tpu.memory_space<hbm>>) target_semaphore(%arg38 : memref<!tpu.dma_semaphore, #tpu.memory_space<semaphore_mem>>)
        %add3A_458 = arith.constant 2 : i32
        %add3A_459 = arith.addi %mul3A_409, %add3A_458 : i32
        %lt3A_460 = arith.cmpi slt, %add3A_459, %select_n3A_151 : i32
        %convert_element_type3A_461 = arith.extui %lt3A_460 : i1 to i32
        %cond3A_462 = arith.constant 0 : i32
        %cond3A_463 = arith.cmpi ne, %convert_element_type3A_461, %cond3A_462 : i32
        scf.if %cond3A_463 {
          %add3A_464 = arith.constant 2 : i32
          %add3A_465 = arith.addi %mul3A_409, %add3A_464 : i32
          %mul3A_466 = arith.constant 16 : i32
          %mul3A_467 = arith.muli %add3A_465, %mul3A_466 : i32
          %add3A_468 = arith.addi %arg1, %mul3A_467 : i32
          %mul3A_469 = arith.constant 40 : i32
          %mul3A_470 = arith.muli %add3A_468, %mul3A_469 : i32
          %dma_start3A_471 = arith.constant 0 : i32
          %dma_start3A_472 = tpu.memref_slice %arg9[%mul3A_470, %dma_start3A_471] : memref<10000x32xf32, #tpu.memory_space<hbm>> -> memref<40x32xf32, #tpu.memory_space<hbm>>
          %dma_start3A_473 = arith.constant 0 : i32
          %dma_start3A_474 = tpu.memref_slice %arg9[%mul3A_470, %dma_start3A_473] : memref<10000x32xf32, #tpu.memory_space<hbm>> -> memref<40x32xf32, #tpu.memory_space<hbm>>
          tpu.enqueue_dma source(%dma_start3A_474 : memref<40x32xf32, #tpu.memory_space<hbm>>) target(%arg31 : memref<40x32xf32, #tpu.memory_space<vmem>>) target_semaphore(%arg36 : memref<!tpu.dma_semaphore, #tpu.memory_space<semaphore_mem>>)
        } else {
        }
      } else {
      }
      %mul3A_414 = arith.constant 2 : i32
      %mul3A_415 = arith.muli %mul3A_414, %scan3A_407 : i32
      %add3A_416 = arith.constant 1 : i32
      %add3A_417 = arith.addi %mul3A_415, %add3A_416 : i32
      %lt3A_418 = arith.cmpi slt, %add3A_417, %select_n3A_151 : i32
      %convert_element_type3A_419 = arith.extui %lt3A_418 : i1 to i32
      %cond3A_420 = arith.constant 0 : i32
      %cond3A_421 = arith.cmpi ne, %convert_element_type3A_419, %cond3A_420 : i32
      scf.if %cond3A_421 {
        %mul3A_422 = arith.constant 16 : i32
        %mul3A_423 = arith.muli %add3A_417, %mul3A_422 : i32
        %add3A_424 = arith.addi %arg1, %mul3A_423 : i32
        %mul3A_425 = arith.constant 40 : i32
        %mul3A_426 = arith.muli %add3A_424, %mul3A_425 : i32
        %dma_wait3A = arith.constant 0 : i32
        %dma_wait3A_427 = tpu.memref_slice %arg9[%mul3A_426, %dma_wait3A] : memref<10000x32xf32, #tpu.memory_space<hbm>> -> memref<40x32xf32, #tpu.memory_space<hbm>>
        %dma_wait3A_428 = arith.constant 0 : i32
        %dma_wait3A_429 = tpu.memref_slice %arg9[%mul3A_426, %dma_wait3A_428] : memref<10000x32xf32, #tpu.memory_space<hbm>> -> memref<40x32xf32, #tpu.memory_space<hbm>>
        tpu.wait_dma2 semaphore(%arg36 : memref<!tpu.dma_semaphore, #tpu.memory_space<semaphore_mem>>) src(%dma_wait3A_429 : memref<40x32xf32, #tpu.memory_space<hbm>>) dst(%arg32 : memref<40x32xf32, #tpu.memory_space<vmem>>)
        %scan3A_430 = arith.constant 0 : i32
        %scan3A_431 = arith.constant 0 : i32
        %scan3A_432 = arith.constant 40 : i32
        %scan3A_433 = arith.addi %scan3A_431, %scan3A_432 : i32
        %scan3A_434 = arith.constant 1 : i32
        scf.for %scan3A_464 = %scan3A_431 to %scan3A_433 step %scan3A_434  : i32 {
          %get3A = arith.index_cast %scan3A_464 : i32 to index
          %get3A_465 = arith.constant 0 : index
          %get3A_466 = tpu.vector_load %arg32[%get3A, %get3A_465] {strides = array<i32>} : memref<40x32xf32, #tpu.memory_space<vmem>>, vector<16xf32>,
          %swap3A = arith.constant 0 : i32
          %swap3A_467 = arith.constant 0 : i32
          %swap3A_468 = tpu.memref_slice %arg22[%swap3A, %swap3A_467] : memref<80x128xf32, #tpu.memory_space<vmem>> -> memref<40x128xf32, #tpu.memory_space<vmem>>
          %swap3A_469 = arith.index_cast %scan3A_464 : i32 to index
          %swap3A_470 = arith.constant 0 : index
          %swap3A_471 = tpu.vector_load %swap3A_468[%swap3A_469, %swap3A_470] {strides = array<i32>} : memref<40x128xf32, #tpu.memory_space<vmem>>, vector<16xf32>,
          tpu.vector_store %swap3A_468[%swap3A_469, %swap3A_470], %get3A_466 {strides = array<i32>} : memref<40x128xf32, #tpu.memory_space<vmem>>, vector<16xf32>,
          %get3A_472 = arith.index_cast %scan3A_464 : i32 to index
          %get3A_473 = arith.constant 16 : index
          %get3A_474 = tpu.vector_load %arg32[%get3A_472, %get3A_473] {strides = array<i32>} : memref<40x32xf32, #tpu.memory_space<vmem>>, vector<16xf32>,
          %swap3A_475 = arith.constant 0 : i32
          %swap3A_476 = arith.constant 0 : i32
          %swap3A_477 = tpu.memref_slice %arg22[%swap3A_475, %swap3A_476] : memref<80x128xf32, #tpu.memory_space<vmem>> -> memref<40x128xf32, #tpu.memory_space<vmem>>
          %swap3A_478 = arith.index_cast %scan3A_464 : i32 to index
          %swap3A_479 = arith.constant 16 : index
          %swap3A_480 = tpu.vector_load %swap3A_477[%swap3A_478, %swap3A_479] {strides = array<i32>} : memref<40x128xf32, #tpu.memory_space<vmem>>, vector<16xf32>,
          tpu.vector_store %swap3A_477[%swap3A_478, %swap3A_479], %get3A_474 {strides = array<i32>} : memref<40x128xf32, #tpu.memory_space<vmem>>, vector<16xf32>,
          %swap3A_481 = arith.constant 0 : i32
          %swap3A_482 = arith.constant 0 : i32
          %swap3A_483 = tpu.memref_slice %arg22[%swap3A_481, %swap3A_482] : memref<80x128xf32, #tpu.memory_space<vmem>> -> memref<40x128xf32, #tpu.memory_space<vmem>>
          %swap3A_484 = arith.index_cast %scan3A_464 : i32 to index
          %swap3A_485 = arith.constant 32 : index
          %swap3A_486 = tpu.vector_load %swap3A_483[%swap3A_484, %swap3A_485] {strides = array<i32>} : memref<40x128xf32, #tpu.memory_space<vmem>>, vector<16xf32>,
          tpu.vector_store %swap3A_483[%swap3A_484, %swap3A_485], %broadcast_in_dim3A_3 {strides = array<i32>} : memref<40x128xf32, #tpu.memory_space<vmem>>, vector<16xf32>,
          %swap3A_487 = arith.constant 0 : i32
          %swap3A_488 = arith.constant 0 : i32
          %swap3A_489 = tpu.memref_slice %arg22[%swap3A_487, %swap3A_488] : memref<80x128xf32, #tpu.memory_space<vmem>> -> memref<40x128xf32, #tpu.memory_space<vmem>>
          %swap3A_490 = arith.index_cast %scan3A_464 : i32 to index
          %swap3A_491 = arith.constant 48 : index
          %swap3A_492 = tpu.vector_load %swap3A_489[%swap3A_490, %swap3A_491] {strides = array<i32>} : memref<40x128xf32, #tpu.memory_space<vmem>>, vector<16xf32>,
          tpu.vector_store %swap3A_489[%swap3A_490, %swap3A_491], %broadcast_in_dim3A_3 {strides = array<i32>} : memref<40x128xf32, #tpu.memory_space<vmem>>, vector<16xf32>,
          %swap3A_493 = arith.constant 0 : i32
          %swap3A_494 = arith.constant 0 : i32
          %swap3A_495 = tpu.memref_slice %arg22[%swap3A_493, %swap3A_494] : memref<80x128xf32, #tpu.memory_space<vmem>> -> memref<40x128xf32, #tpu.memory_space<vmem>>
          %swap3A_496 = arith.index_cast %scan3A_464 : i32 to index
          %swap3A_497 = arith.constant 64 : index
          %swap3A_498 = tpu.vector_load %swap3A_495[%swap3A_496, %swap3A_497] {strides = array<i32>} : memref<40x128xf32, #tpu.memory_space<vmem>>, vector<16xf32>,
          tpu.vector_store %swap3A_495[%swap3A_496, %swap3A_497], %broadcast_in_dim3A_3 {strides = array<i32>} : memref<40x128xf32, #tpu.memory_space<vmem>>, vector<16xf32>,
          %swap3A_499 = arith.constant 0 : i32
          %swap3A_500 = arith.constant 0 : i32
          %swap3A_501 = tpu.memref_slice %arg22[%swap3A_499, %swap3A_500] : memref<80x128xf32, #tpu.memory_space<vmem>> -> memref<40x128xf32, #tpu.memory_space<vmem>>
          %swap3A_502 = arith.index_cast %scan3A_464 : i32 to index
          %swap3A_503 = arith.constant 80 : index
          %swap3A_504 = tpu.vector_load %swap3A_501[%swap3A_502, %swap3A_503] {strides = array<i32>} : memref<40x128xf32, #tpu.memory_space<vmem>>, vector<16xf32>,
          tpu.vector_store %swap3A_501[%swap3A_502, %swap3A_503], %broadcast_in_dim3A_3 {strides = array<i32>} : memref<40x128xf32, #tpu.memory_space<vmem>>, vector<16xf32>,
          %swap3A_505 = arith.constant 0 : i32
          %swap3A_506 = arith.constant 0 : i32
          %swap3A_507 = tpu.memref_slice %arg22[%swap3A_505, %swap3A_506] : memref<80x128xf32, #tpu.memory_space<vmem>> -> memref<40x128xf32, #tpu.memory_space<vmem>>
          %swap3A_508 = arith.index_cast %scan3A_464 : i32 to index
          %swap3A_509 = arith.constant 96 : index
          %swap3A_510 = tpu.vector_load %swap3A_507[%swap3A_508, %swap3A_509] {strides = array<i32>} : memref<40x128xf32, #tpu.memory_space<vmem>>, vector<16xf32>,
          tpu.vector_store %swap3A_507[%swap3A_508, %swap3A_509], %broadcast_in_dim3A_3 {strides = array<i32>} : memref<40x128xf32, #tpu.memory_space<vmem>>, vector<16xf32>,
          %swap3A_511 = arith.constant 0 : i32
          %swap3A_512 = arith.constant 0 : i32
          %swap3A_513 = tpu.memref_slice %arg22[%swap3A_511, %swap3A_512] : memref<80x128xf32, #tpu.memory_space<vmem>> -> memref<40x128xf32, #tpu.memory_space<vmem>>
          %swap3A_514 = arith.index_cast %scan3A_464 : i32 to index
          %swap3A_515 = arith.constant 112 : index
          %swap3A_516 = tpu.vector_load %swap3A_513[%swap3A_514, %swap3A_515] {strides = array<i32>} : memref<40x128xf32, #tpu.memory_space<vmem>>, vector<16xf32>,
          tpu.vector_store %swap3A_513[%swap3A_514, %swap3A_515], %broadcast_in_dim3A_3 {strides = array<i32>} : memref<40x128xf32, #tpu.memory_space<vmem>>, vector<16xf32>,
        }
        %scan3A_435 = arith.constant 40 : i32
        %ge3A = arith.constant 2 : i32
        %ge3A_436 = arith.cmpi sge, %add3A_417, %ge3A : i32
        %convert_element_type3A_437 = arith.extui %ge3A_436 : i1 to i32
        %cond3A_438 = arith.constant 0 : i32
        %cond3A_439 = arith.cmpi ne, %convert_element_type3A_437, %cond3A_438 : i32
        scf.if %cond3A_439 {
          %sub3A_464 = arith.constant 2 : i32
          %sub3A_465 = arith.subi %add3A_417, %sub3A_464 : i32
          %mul3A_466 = arith.constant 10000 : i32
          %mul3A_467 = arith.muli %arg0, %mul3A_466 : i32
          %mul3A_468 = arith.constant 16 : i32
          %mul3A_469 = arith.muli %sub3A_465, %mul3A_468 : i32
          %add3A_470 = arith.addi %arg1, %mul3A_469 : i32
          %mul3A_471 = arith.constant 40 : i32
          %mul3A_472 = arith.muli %add3A_470, %mul3A_471 : i32
          %add3A_473 = arith.addi %mul3A_467, %mul3A_472 : i32
          %dma_wait3A_474 = arith.constant 0 : i32
          %dma_wait3A_475 = arith.constant 0 : i32
          %dma_wait3A_476 = tpu.memref_slice %arg22[%dma_wait3A_474, %dma_wait3A_475] : memref<80x128xf32, #tpu.memory_space<vmem>> -> memref<40x128xf32, #tpu.memory_space<vmem>>
          %dma_wait3A_477 = arith.constant 0 : i32
          %dma_wait3A_478 = tpu.memref_slice %arg34[%add3A_473, %dma_wait3A_477] : memref<20000x128xf32, #tpu.memory_space<hbm>> -> memref<40x128xf32, #tpu.memory_space<hbm>>
          %dma_wait3A_479 = arith.constant 0 : i32
          %dma_wait3A_480 = tpu.memref_slice %arg34[%add3A_473, %dma_wait3A_479] : memref<20000x128xf32, #tpu.memory_space<hbm>> -> memref<40x128xf32, #tpu.memory_space<hbm>>
          %dma_wait3A_481 = arith.constant 0 : i32
          %dma_wait3A_482 = arith.constant 0 : i32
          %dma_wait3A_483 = tpu.memref_slice %arg22[%dma_wait3A_481, %dma_wait3A_482] : memref<80x128xf32, #tpu.memory_space<vmem>> -> memref<40x128xf32, #tpu.memory_space<vmem>>
          tpu.wait_dma2 semaphore(%arg38 : memref<!tpu.dma_semaphore, #tpu.memory_space<semaphore_mem>>) src(%dma_wait3A_483 : memref<40x128xf32, #tpu.memory_space<vmem>>) dst(%dma_wait3A_480 : memref<40x128xf32, #tpu.memory_space<hbm>>)
        } else {
        }
        %mul3A_440 = arith.constant 10000 : i32
        %mul3A_441 = arith.muli %arg0, %mul3A_440 : i32
        %mul3A_442 = arith.constant 16 : i32
        %mul3A_443 = arith.muli %add3A_417, %mul3A_442 : i32
        %add3A_444 = arith.addi %arg1, %mul3A_443 : i32
        %mul3A_445 = arith.constant 40 : i32
        %mul3A_446 = arith.muli %add3A_444, %mul3A_445 : i32
        %add3A_447 = arith.addi %mul3A_441, %mul3A_446 : i32
        %dma_start3A_448 = arith.constant 0 : i32
        %dma_start3A_449 = arith.constant 0 : i32
        %dma_start3A_450 = tpu.memref_slice %arg22[%dma_start3A_448, %dma_start3A_449] : memref<80x128xf32, #tpu.memory_space<vmem>> -> memref<40x128xf32, #tpu.memory_space<vmem>>
        %dma_start3A_451 = arith.constant 0 : i32
        %dma_start3A_452 = tpu.memref_slice %arg34[%add3A_447, %dma_start3A_451] : memref<20000x128xf32, #tpu.memory_space<hbm>> -> memref<40x128xf32, #tpu.memory_space<hbm>>
        %dma_start3A_453 = arith.constant 0 : i32
        %dma_start3A_454 = tpu.memref_slice %arg34[%add3A_447, %dma_start3A_453] : memref<20000x128xf32, #tpu.memory_space<hbm>> -> memref<40x128xf32, #tpu.memory_space<hbm>>
        %dma_start3A_455 = arith.constant 0 : i32
        %dma_start3A_456 = arith.constant 0 : i32
        %dma_start3A_457 = tpu.memref_slice %arg22[%dma_start3A_455, %dma_start3A_456] : memref<80x128xf32, #tpu.memory_space<vmem>> -> memref<40x128xf32, #tpu.memory_space<vmem>>
        tpu.enqueue_dma source(%dma_start3A_457 : memref<40x128xf32, #tpu.memory_space<vmem>>) target(%dma_start3A_454 : memref<40x128xf32, #tpu.memory_space<hbm>>) target_semaphore(%arg38 : memref<!tpu.dma_semaphore, #tpu.memory_space<semaphore_mem>>)
        %add3A_458 = arith.constant 2 : i32
        %add3A_459 = arith.addi %add3A_417, %add3A_458 : i32
        %lt3A_460 = arith.cmpi slt, %add3A_459, %select_n3A_151 : i32
        %convert_element_type3A_461 = arith.extui %lt3A_460 : i1 to i32
        %cond3A_462 = arith.constant 0 : i32
        %cond3A_463 = arith.cmpi ne, %convert_element_type3A_461, %cond3A_462 : i32
        scf.if %cond3A_463 {
          %add3A_464 = arith.constant 2 : i32
          %add3A_465 = arith.addi %add3A_417, %add3A_464 : i32
          %mul3A_466 = arith.constant 16 : i32
          %mul3A_467 = arith.muli %add3A_465, %mul3A_466 : i32
          %add3A_468 = arith.addi %arg1, %mul3A_467 : i32
          %mul3A_469 = arith.constant 40 : i32
          %mul3A_470 = arith.muli %add3A_468, %mul3A_469 : i32
          %dma_start3A_471 = arith.constant 0 : i32
          %dma_start3A_472 = tpu.memref_slice %arg9[%mul3A_470, %dma_start3A_471] : memref<10000x32xf32, #tpu.memory_space<hbm>> -> memref<40x32xf32, #tpu.memory_space<hbm>>
          %dma_start3A_473 = arith.constant 0 : i32
          %dma_start3A_474 = tpu.memref_slice %arg9[%mul3A_470, %dma_start3A_473] : memref<10000x32xf32, #tpu.memory_space<hbm>> -> memref<40x32xf32, #tpu.memory_space<hbm>>
          tpu.enqueue_dma source(%dma_start3A_474 : memref<40x32xf32, #tpu.memory_space<hbm>>) target(%arg32 : memref<40x32xf32, #tpu.memory_space<vmem>>) target_semaphore(%arg36 : memref<!tpu.dma_semaphore, #tpu.memory_space<semaphore_mem>>)
        } else {
        }
      } else {
      }
    }
    %scan3A_167 = arith.constant 8 : i32
    %sub3A_168 = arith.constant 1 : i32
    %sub3A_169 = arith.subi %select_n3A_151, %sub3A_168 : i32
    %sub3A_170 = arith.constant 0 : i32
    %sub3A_171 = arith.subi %sub3A_169, %sub3A_170 : i32
    %jit3A_172 = arith.constant 2 : i32
    %div3A_173 = arith.divsi %sub3A_171, %jit3A_172 : i32
    %sign3A_174 = arith.constant 0 : i32
    %sign3A_175 = arith.cmpi sgt, %sub3A_171, %sign3A_174 : i32
    %sign3A_176 = arith.extui %sign3A_175 : i1 to i32
    %sign3A_177 = arith.constant 0 : i32
    %sign3A_178 = arith.cmpi slt, %sub3A_171, %sign3A_177 : i32
    %sign3A_179 = arith.extui %sign3A_178 : i1 to i32
    %sign3A_180 = arith.subi %sign3A_176, %sign3A_179 : i32
    %sign3A_181 = arith.constant 0 : i32
    %sign3A_182 = arith.cmpi sgt, %jit3A_172, %sign3A_181 : i32
    %sign3A_183 = arith.extui %sign3A_182 : i1 to i32
    %sign3A_184 = arith.constant 0 : i32
    %sign3A_185 = arith.cmpi slt, %jit3A_172, %sign3A_184 : i32
    %sign3A_186 = arith.extui %sign3A_185 : i1 to i32
    %sign3A_187 = arith.subi %sign3A_183, %sign3A_186 : i32
    %ne3A_188 = arith.cmpi ne, %sign3A_180, %sign3A_187 : i32
    %rem3A_189 = arith.remsi %sub3A_171, %jit3A_172 : i32
    %ne3A_190 = arith.constant 0 : i32
    %ne3A_191 = arith.cmpi ne, %rem3A_189, %ne3A_190 : i32
    %and3A_192 = arith.andi %ne3A_188, %ne3A_191 : i1
    %sub3A_193 = arith.constant 1 : i32
    %sub3A_194 = arith.subi %div3A_173, %sub3A_193 : i32
    %select_n3A_195 = arith.select %and3A_192, %sub3A_194, %div3A_173 : i32
    %mul3A_196 = arith.constant 2 : i32
    %mul3A_197 = arith.muli %mul3A_196, %select_n3A_195 : i32
    %add3A_198 = arith.constant 0 : i32
    %add3A_199 = arith.addi %mul3A_197, %add3A_198 : i32
    %gt3A_200 = arith.constant 0 : i32
    %gt3A_201 = arith.cmpi sgt, %select_n3A_151, %gt3A_200 : i32
    %convert_element_type3A_202 = arith.extui %gt3A_201 : i1 to i32
    %cond3A_203 = arith.constant 0 : i32
    %cond3A_204 = arith.cmpi ne, %convert_element_type3A_202, %cond3A_203 : i32
    scf.if %cond3A_204 {
      %mul3A_407 = arith.constant 10000 : i32
      %mul3A_408 = arith.muli %arg0, %mul3A_407 : i32
      %mul3A_409 = arith.constant 16 : i32
      %mul3A_410 = arith.muli %add3A_199, %mul3A_409 : i32
      %add3A_411 = arith.addi %arg1, %mul3A_410 : i32
      %mul3A_412 = arith.constant 40 : i32
      %mul3A_413 = arith.muli %add3A_411, %mul3A_412 : i32
      %add3A_414 = arith.addi %mul3A_408, %mul3A_413 : i32
      %dma_wait3A = arith.constant 0 : i32
      %dma_wait3A_415 = arith.constant 0 : i32
      %dma_wait3A_416 = tpu.memref_slice %arg15[%dma_wait3A, %dma_wait3A_415] : memref<80x128xf32, #tpu.memory_space<vmem>> -> memref<40x128xf32, #tpu.memory_space<vmem>>
      %dma_wait3A_417 = arith.constant 0 : i32
      %dma_wait3A_418 = tpu.memref_slice %arg34[%add3A_414, %dma_wait3A_417] : memref<20000x128xf32, #tpu.memory_space<hbm>> -> memref<40x128xf32, #tpu.memory_space<hbm>>
      %dma_wait3A_419 = arith.constant 0 : i32
      %dma_wait3A_420 = tpu.memref_slice %arg34[%add3A_414, %dma_wait3A_419] : memref<20000x128xf32, #tpu.memory_space<hbm>> -> memref<40x128xf32, #tpu.memory_space<hbm>>
      %dma_wait3A_421 = arith.constant 0 : i32
      %dma_wait3A_422 = arith.constant 0 : i32
      %dma_wait3A_423 = tpu.memref_slice %arg15[%dma_wait3A_421, %dma_wait3A_422] : memref<80x128xf32, #tpu.memory_space<vmem>> -> memref<40x128xf32, #tpu.memory_space<vmem>>
      tpu.wait_dma2 semaphore(%arg38 : memref<!tpu.dma_semaphore, #tpu.memory_space<semaphore_mem>>) src(%dma_wait3A_423 : memref<40x128xf32, #tpu.memory_space<vmem>>) dst(%dma_wait3A_420 : memref<40x128xf32, #tpu.memory_space<hbm>>)
    } else {
    }
    %sub3A_205 = arith.constant 1 : i32
    %sub3A_206 = arith.subi %select_n3A_151, %sub3A_205 : i32
    %sub3A_207 = arith.constant 1 : i32
    %sub3A_208 = arith.subi %sub3A_206, %sub3A_207 : i32
    %jit3A_209 = arith.constant 2 : i32
    %div3A_210 = arith.divsi %sub3A_208, %jit3A_209 : i32
    %sign3A_211 = arith.constant 0 : i32
    %sign3A_212 = arith.cmpi sgt, %sub3A_208, %sign3A_211 : i32
    %sign3A_213 = arith.extui %sign3A_212 : i1 to i32
    %sign3A_214 = arith.constant 0 : i32
    %sign3A_215 = arith.cmpi slt, %sub3A_208, %sign3A_214 : i32
    %sign3A_216 = arith.extui %sign3A_215 : i1 to i32
    %sign3A_217 = arith.subi %sign3A_213, %sign3A_216 : i32
    %sign3A_218 = arith.constant 0 : i32
    %sign3A_219 = arith.cmpi sgt, %jit3A_209, %sign3A_218 : i32
    %sign3A_220 = arith.extui %sign3A_219 : i1 to i32
    %sign3A_221 = arith.constant 0 : i32
    %sign3A_222 = arith.cmpi slt, %jit3A_209, %sign3A_221 : i32
    %sign3A_223 = arith.extui %sign3A_222 : i1 to i32
    %sign3A_224 = arith.subi %sign3A_220, %sign3A_223 : i32
    %ne3A_225 = arith.cmpi ne, %sign3A_217, %sign3A_224 : i32
    %rem3A_226 = arith.remsi %sub3A_208, %jit3A_209 : i32
    %ne3A_227 = arith.constant 0 : i32
    %ne3A_228 = arith.cmpi ne, %rem3A_226, %ne3A_227 : i32
    %and3A_229 = arith.andi %ne3A_225, %ne3A_228 : i1
    %sub3A_230 = arith.constant 1 : i32
    %sub3A_231 = arith.subi %div3A_210, %sub3A_230 : i32
    %select_n3A_232 = arith.select %and3A_229, %sub3A_231, %div3A_210 : i32
    %mul3A_233 = arith.constant 2 : i32
    %mul3A_234 = arith.muli %mul3A_233, %select_n3A_232 : i32
    %add3A_235 = arith.constant 1 : i32
    %add3A_236 = arith.addi %mul3A_234, %add3A_235 : i32
    %gt3A_237 = arith.constant 1 : i32
    %gt3A_238 = arith.cmpi sgt, %select_n3A_151, %gt3A_237 : i32
    %convert_element_type3A_239 = arith.extui %gt3A_238 : i1 to i32
    %cond3A_240 = arith.constant 0 : i32
    %cond3A_241 = arith.cmpi ne, %convert_element_type3A_239, %cond3A_240 : i32
    scf.if %cond3A_241 {
      %mul3A_407 = arith.constant 10000 : i32
      %mul3A_408 = arith.muli %arg0, %mul3A_407 : i32
      %mul3A_409 = arith.constant 16 : i32
      %mul3A_410 = arith.muli %add3A_236, %mul3A_409 : i32
      %add3A_411 = arith.addi %arg1, %mul3A_410 : i32
      %mul3A_412 = arith.constant 40 : i32
      %mul3A_413 = arith.muli %add3A_411, %mul3A_412 : i32
      %add3A_414 = arith.addi %mul3A_408, %mul3A_413 : i32
      %dma_wait3A = arith.constant 0 : i32
      %dma_wait3A_415 = arith.constant 0 : i32
      %dma_wait3A_416 = tpu.memref_slice %arg22[%dma_wait3A, %dma_wait3A_415] : memref<80x128xf32, #tpu.memory_space<vmem>> -> memref<40x128xf32, #tpu.memory_space<vmem>>
      %dma_wait3A_417 = arith.constant 0 : i32
      %dma_wait3A_418 = tpu.memref_slice %arg34[%add3A_414, %dma_wait3A_417] : memref<20000x128xf32, #tpu.memory_space<hbm>> -> memref<40x128xf32, #tpu.memory_space<hbm>>
      %dma_wait3A_419 = arith.constant 0 : i32
      %dma_wait3A_420 = tpu.memref_slice %arg34[%add3A_414, %dma_wait3A_419] : memref<20000x128xf32, #tpu.memory_space<hbm>> -> memref<40x128xf32, #tpu.memory_space<hbm>>
      %dma_wait3A_421 = arith.constant 0 : i32
      %dma_wait3A_422 = arith.constant 0 : i32
      %dma_wait3A_423 = tpu.memref_slice %arg22[%dma_wait3A_421, %dma_wait3A_422] : memref<80x128xf32, #tpu.memory_space<vmem>> -> memref<40x128xf32, #tpu.memory_space<vmem>>
      tpu.wait_dma2 semaphore(%arg38 : memref<!tpu.dma_semaphore, #tpu.memory_space<semaphore_mem>>) src(%dma_wait3A_423 : memref<40x128xf32, #tpu.memory_space<vmem>>) dst(%dma_wait3A_420 : memref<40x128xf32, #tpu.memory_space<hbm>>)
    } else {
    }
    %sub3A_242 = arith.constant 2500 : i32
    %sub3A_243 = arith.subi %sub3A_242, %arg1 : i32
    %add3A_244 = arith.constant 16 : i32
    %add3A_245 = arith.addi %sub3A_243, %add3A_244 : i32
    %sub3A_246 = arith.constant 1 : i32
    %sub3A_247 = arith.subi %add3A_245, %sub3A_246 : i32
    %jit3A_248 = arith.constant 16 : i32
    %div3A_249 = arith.divsi %sub3A_247, %jit3A_248 : i32
    %sign3A_250 = arith.constant 0 : i32
    %sign3A_251 = arith.cmpi sgt, %sub3A_247, %sign3A_250 : i32
    %sign3A_252 = arith.extui %sign3A_251 : i1 to i32
    %sign3A_253 = arith.constant 0 : i32
    %sign3A_254 = arith.cmpi slt, %sub3A_247, %sign3A_253 : i32
    %sign3A_255 = arith.extui %sign3A_254 : i1 to i32
    %sign3A_256 = arith.subi %sign3A_252, %sign3A_255 : i32
    %sign3A_257 = arith.constant 0 : i32
    %sign3A_258 = arith.cmpi sgt, %jit3A_248, %sign3A_257 : i32
    %sign3A_259 = arith.extui %sign3A_258 : i1 to i32
    %sign3A_260 = arith.constant 0 : i32
    %sign3A_261 = arith.cmpi slt, %jit3A_248, %sign3A_260 : i32
    %sign3A_262 = arith.extui %sign3A_261 : i1 to i32
    %sign3A_263 = arith.subi %sign3A_259, %sign3A_262 : i32
    %ne3A_264 = arith.cmpi ne, %sign3A_256, %sign3A_263 : i32
    %rem3A_265 = arith.remsi %sub3A_247, %jit3A_248 : i32
    %ne3A_266 = arith.constant 0 : i32
    %ne3A_267 = arith.cmpi ne, %rem3A_265, %ne3A_266 : i32
    %and3A_268 = arith.andi %ne3A_264, %ne3A_267 : i1
    %sub3A_269 = arith.constant 1 : i32
    %sub3A_270 = arith.subi %div3A_249, %sub3A_269 : i32
    %select_n3A_271 = arith.select %and3A_268, %sub3A_270, %div3A_249 : i32
    %gt3A_272 = arith.constant 0 : i32
    %gt3A_273 = arith.cmpi sgt, %select_n3A_271, %gt3A_272 : i32
    %convert_element_type3A_274 = arith.extui %gt3A_273 : i1 to i32
    %cond3A_275 = arith.constant 0 : i32
    %cond3A_276 = arith.cmpi ne, %convert_element_type3A_274, %cond3A_275 : i32
    scf.if %cond3A_276 {
      %add3A_407 = arith.constant 0 : i32
      %add3A_408 = arith.addi %arg1, %add3A_407 : i32
      %mul3A_409 = arith.constant 40 : i32
      %mul3A_410 = arith.muli %add3A_408, %mul3A_409 : i32
      %dma_start3A_411 = arith.constant 0 : i32
      %dma_start3A_412 = tpu.memref_slice %arg8[%mul3A_410, %dma_start3A_411] : memref<100000x64xf32, #tpu.memory_space<hbm>> -> memref<40x64xf32, #tpu.memory_space<hbm>>
      %dma_start3A_413 = arith.constant 0 : i32
      %dma_start3A_414 = tpu.memref_slice %arg8[%mul3A_410, %dma_start3A_413] : memref<100000x64xf32, #tpu.memory_space<hbm>> -> memref<40x64xf32, #tpu.memory_space<hbm>>
      tpu.enqueue_dma source(%dma_start3A_414 : memref<40x64xf32, #tpu.memory_space<hbm>>) target(%arg29 : memref<40x64xf32, #tpu.memory_space<vmem>>) target_semaphore(%arg37 : memref<!tpu.dma_semaphore, #tpu.memory_space<semaphore_mem>>)
    } else {
    }
    %gt3A_277 = arith.constant 1 : i32
    %gt3A_278 = arith.cmpi sgt, %select_n3A_271, %gt3A_277 : i32
    %convert_element_type3A_279 = arith.extui %gt3A_278 : i1 to i32
    %cond3A_280 = arith.constant 0 : i32
    %cond3A_281 = arith.cmpi ne, %convert_element_type3A_279, %cond3A_280 : i32
    scf.if %cond3A_281 {
      %add3A_407 = arith.constant 16 : i32
      %add3A_408 = arith.addi %arg1, %add3A_407 : i32
      %mul3A_409 = arith.constant 40 : i32
      %mul3A_410 = arith.muli %add3A_408, %mul3A_409 : i32
      %dma_start3A_411 = arith.constant 0 : i32
      %dma_start3A_412 = tpu.memref_slice %arg8[%mul3A_410, %dma_start3A_411] : memref<100000x64xf32, #tpu.memory_space<hbm>> -> memref<40x64xf32, #tpu.memory_space<hbm>>
      %dma_start3A_413 = arith.constant 0 : i32
      %dma_start3A_414 = tpu.memref_slice %arg8[%mul3A_410, %dma_start3A_413] : memref<100000x64xf32, #tpu.memory_space<hbm>> -> memref<40x64xf32, #tpu.memory_space<hbm>>
      tpu.enqueue_dma source(%dma_start3A_414 : memref<40x64xf32, #tpu.memory_space<hbm>>) target(%arg30 : memref<40x64xf32, #tpu.memory_space<vmem>>) target_semaphore(%arg37 : memref<!tpu.dma_semaphore, #tpu.memory_space<semaphore_mem>>)
    } else {
    }
    %scan3A_282 = arith.constant 0 : i32
    %scan3A_283 = arith.constant 0 : i32
    %scan3A_284 = arith.constant 79 : i32
    %scan3A_285 = arith.addi %scan3A_283, %scan3A_284 : i32
    %scan3A_286 = arith.constant 1 : i32
    scf.for %scan3A_407 = %scan3A_283 to %scan3A_285 step %scan3A_286  : i32 {
      %mul3A_408 = arith.constant 2 : i32
      %mul3A_409 = arith.muli %mul3A_408, %scan3A_407 : i32
      %lt3A_410 = arith.cmpi slt, %mul3A_409, %select_n3A_271 : i32
      %convert_element_type3A_411 = arith.extui %lt3A_410 : i1 to i32
      %cond3A_412 = arith.constant 0 : i32
      %cond3A_413 = arith.cmpi ne, %convert_element_type3A_411, %cond3A_412 : i32
      scf.if %cond3A_413 {
        %mul3A_422 = arith.constant 16 : i32
        %mul3A_423 = arith.muli %mul3A_409, %mul3A_422 : i32
        %add3A_424 = arith.addi %arg1, %mul3A_423 : i32
        %mul3A_425 = arith.constant 40 : i32
        %mul3A_426 = arith.muli %add3A_424, %mul3A_425 : i32
        %dma_wait3A = arith.constant 0 : i32
        %dma_wait3A_427 = tpu.memref_slice %arg8[%mul3A_426, %dma_wait3A] : memref<100000x64xf32, #tpu.memory_space<hbm>> -> memref<40x64xf32, #tpu.memory_space<hbm>>
        %dma_wait3A_428 = arith.constant 0 : i32
        %dma_wait3A_429 = tpu.memref_slice %arg8[%mul3A_426, %dma_wait3A_428] : memref<100000x64xf32, #tpu.memory_space<hbm>> -> memref<40x64xf32, #tpu.memory_space<hbm>>
        tpu.wait_dma2 semaphore(%arg37 : memref<!tpu.dma_semaphore, #tpu.memory_space<semaphore_mem>>) src(%dma_wait3A_429 : memref<40x64xf32, #tpu.memory_space<hbm>>) dst(%arg29 : memref<40x64xf32, #tpu.memory_space<vmem>>)
        %scan3A_430 = arith.constant 0 : i32
        %scan3A_431 = arith.constant 0 : i32
        %scan3A_432 = arith.constant 40 : i32
        %scan3A_433 = arith.addi %scan3A_431, %scan3A_432 : i32
        %scan3A_434 = arith.constant 1 : i32
        scf.for %scan3A_464 = %scan3A_431 to %scan3A_433 step %scan3A_434  : i32 {
          %get3A = arith.index_cast %scan3A_464 : i32 to index
          %get3A_465 = arith.constant 0 : index
          %get3A_466 = tpu.vector_load %arg29[%get3A, %get3A_465] {strides = array<i32>} : memref<40x64xf32, #tpu.memory_space<vmem>>, vector<16xf32>,
          %swap3A = arith.constant 0 : i32
          %swap3A_467 = arith.constant 0 : i32
          %swap3A_468 = tpu.memref_slice %arg15[%swap3A, %swap3A_467] : memref<80x128xf32, #tpu.memory_space<vmem>> -> memref<40x128xf32, #tpu.memory_space<vmem>>
          %swap3A_469 = arith.index_cast %scan3A_464 : i32 to index
          %swap3A_470 = arith.constant 0 : index
          %swap3A_471 = tpu.vector_load %swap3A_468[%swap3A_469, %swap3A_470] {strides = array<i32>} : memref<40x128xf32, #tpu.memory_space<vmem>>, vector<16xf32>,
          tpu.vector_store %swap3A_468[%swap3A_469, %swap3A_470], %get3A_466 {strides = array<i32>} : memref<40x128xf32, #tpu.memory_space<vmem>>, vector<16xf32>,
          %get3A_472 = arith.index_cast %scan3A_464 : i32 to index
          %get3A_473 = arith.constant 16 : index
          %get3A_474 = tpu.vector_load %arg29[%get3A_472, %get3A_473] {strides = array<i32>} : memref<40x64xf32, #tpu.memory_space<vmem>>, vector<16xf32>,
          %swap3A_475 = arith.constant 0 : i32
          %swap3A_476 = arith.constant 0 : i32
          %swap3A_477 = tpu.memref_slice %arg15[%swap3A_475, %swap3A_476] : memref<80x128xf32, #tpu.memory_space<vmem>> -> memref<40x128xf32, #tpu.memory_space<vmem>>
          %swap3A_478 = arith.index_cast %scan3A_464 : i32 to index
          %swap3A_479 = arith.constant 16 : index
          %swap3A_480 = tpu.vector_load %swap3A_477[%swap3A_478, %swap3A_479] {strides = array<i32>} : memref<40x128xf32, #tpu.memory_space<vmem>>, vector<16xf32>,
          tpu.vector_store %swap3A_477[%swap3A_478, %swap3A_479], %get3A_474 {strides = array<i32>} : memref<40x128xf32, #tpu.memory_space<vmem>>, vector<16xf32>,
          %get3A_481 = arith.index_cast %scan3A_464 : i32 to index
          %get3A_482 = arith.constant 32 : index
          %get3A_483 = tpu.vector_load %arg29[%get3A_481, %get3A_482] {strides = array<i32>} : memref<40x64xf32, #tpu.memory_space<vmem>>, vector<16xf32>,
          %swap3A_484 = arith.constant 0 : i32
          %swap3A_485 = arith.constant 0 : i32
          %swap3A_486 = tpu.memref_slice %arg15[%swap3A_484, %swap3A_485] : memref<80x128xf32, #tpu.memory_space<vmem>> -> memref<40x128xf32, #tpu.memory_space<vmem>>
          %swap3A_487 = arith.index_cast %scan3A_464 : i32 to index
          %swap3A_488 = arith.constant 32 : index
          %swap3A_489 = tpu.vector_load %swap3A_486[%swap3A_487, %swap3A_488] {strides = array<i32>} : memref<40x128xf32, #tpu.memory_space<vmem>>, vector<16xf32>,
          tpu.vector_store %swap3A_486[%swap3A_487, %swap3A_488], %get3A_483 {strides = array<i32>} : memref<40x128xf32, #tpu.memory_space<vmem>>, vector<16xf32>,
          %get3A_490 = arith.index_cast %scan3A_464 : i32 to index
          %get3A_491 = arith.constant 48 : index
          %get3A_492 = tpu.vector_load %arg29[%get3A_490, %get3A_491] {strides = array<i32>} : memref<40x64xf32, #tpu.memory_space<vmem>>, vector<16xf32>,
          %swap3A_493 = arith.constant 0 : i32
          %swap3A_494 = arith.constant 0 : i32
          %swap3A_495 = tpu.memref_slice %arg15[%swap3A_493, %swap3A_494] : memref<80x128xf32, #tpu.memory_space<vmem>> -> memref<40x128xf32, #tpu.memory_space<vmem>>
          %swap3A_496 = arith.index_cast %scan3A_464 : i32 to index
          %swap3A_497 = arith.constant 48 : index
          %swap3A_498 = tpu.vector_load %swap3A_495[%swap3A_496, %swap3A_497] {strides = array<i32>} : memref<40x128xf32, #tpu.memory_space<vmem>>, vector<16xf32>,
          tpu.vector_store %swap3A_495[%swap3A_496, %swap3A_497], %get3A_492 {strides = array<i32>} : memref<40x128xf32, #tpu.memory_space<vmem>>, vector<16xf32>,
          %swap3A_499 = arith.constant 0 : i32
          %swap3A_500 = arith.constant 0 : i32
          %swap3A_501 = tpu.memref_slice %arg15[%swap3A_499, %swap3A_500] : memref<80x128xf32, #tpu.memory_space<vmem>> -> memref<40x128xf32, #tpu.memory_space<vmem>>
          %swap3A_502 = arith.index_cast %scan3A_464 : i32 to index
          %swap3A_503 = arith.constant 64 : index
          %swap3A_504 = tpu.vector_load %swap3A_501[%swap3A_502, %swap3A_503] {strides = array<i32>} : memref<40x128xf32, #tpu.memory_space<vmem>>, vector<16xf32>,
          tpu.vector_store %swap3A_501[%swap3A_502, %swap3A_503], %broadcast_in_dim3A_3 {strides = array<i32>} : memref<40x128xf32, #tpu.memory_space<vmem>>, vector<16xf32>,
          %swap3A_505 = arith.constant 0 : i32
          %swap3A_506 = arith.constant 0 : i32
          %swap3A_507 = tpu.memref_slice %arg15[%swap3A_505, %swap3A_506] : memref<80x128xf32, #tpu.memory_space<vmem>> -> memref<40x128xf32, #tpu.memory_space<vmem>>
          %swap3A_508 = arith.index_cast %scan3A_464 : i32 to index
          %swap3A_509 = arith.constant 80 : index
          %swap3A_510 = tpu.vector_load %swap3A_507[%swap3A_508, %swap3A_509] {strides = array<i32>} : memref<40x128xf32, #tpu.memory_space<vmem>>, vector<16xf32>,
          tpu.vector_store %swap3A_507[%swap3A_508, %swap3A_509], %broadcast_in_dim3A_3 {strides = array<i32>} : memref<40x128xf32, #tpu.memory_space<vmem>>, vector<16xf32>,
          %swap3A_511 = arith.constant 0 : i32
          %swap3A_512 = arith.constant 0 : i32
          %swap3A_513 = tpu.memref_slice %arg15[%swap3A_511, %swap3A_512] : memref<80x128xf32, #tpu.memory_space<vmem>> -> memref<40x128xf32, #tpu.memory_space<vmem>>
          %swap3A_514 = arith.index_cast %scan3A_464 : i32 to index
          %swap3A_515 = arith.constant 96 : index
          %swap3A_516 = tpu.vector_load %swap3A_513[%swap3A_514, %swap3A_515] {strides = array<i32>} : memref<40x128xf32, #tpu.memory_space<vmem>>, vector<16xf32>,
          tpu.vector_store %swap3A_513[%swap3A_514, %swap3A_515], %broadcast_in_dim3A_3 {strides = array<i32>} : memref<40x128xf32, #tpu.memory_space<vmem>>, vector<16xf32>,
          %swap3A_517 = arith.constant 0 : i32
          %swap3A_518 = arith.constant 0 : i32
          %swap3A_519 = tpu.memref_slice %arg15[%swap3A_517, %swap3A_518] : memref<80x128xf32, #tpu.memory_space<vmem>> -> memref<40x128xf32, #tpu.memory_space<vmem>>
          %swap3A_520 = arith.index_cast %scan3A_464 : i32 to index
          %swap3A_521 = arith.constant 112 : index
          %swap3A_522 = tpu.vector_load %swap3A_519[%swap3A_520, %swap3A_521] {strides = array<i32>} : memref<40x128xf32, #tpu.memory_space<vmem>>, vector<16xf32>,
          tpu.vector_store %swap3A_519[%swap3A_520, %swap3A_521], %broadcast_in_dim3A_3 {strides = array<i32>} : memref<40x128xf32, #tpu.memory_space<vmem>>, vector<16xf32>,
        }
        %scan3A_435 = arith.constant 40 : i32
        %ge3A = arith.constant 2 : i32
        %ge3A_436 = arith.cmpi sge, %mul3A_409, %ge3A : i32
        %convert_element_type3A_437 = arith.extui %ge3A_436 : i1 to i32
        %cond3A_438 = arith.constant 0 : i32
        %cond3A_439 = arith.cmpi ne, %convert_element_type3A_437, %cond3A_438 : i32
        scf.if %cond3A_439 {
          %sub3A_464 = arith.constant 2 : i32
          %sub3A_465 = arith.subi %mul3A_409, %sub3A_464 : i32
          %mul3A_466 = arith.constant 100000 : i32
          %mul3A_467 = arith.muli %arg0, %mul3A_466 : i32
          %mul3A_468 = arith.constant 16 : i32
          %mul3A_469 = arith.muli %sub3A_465, %mul3A_468 : i32
          %add3A_470 = arith.addi %arg1, %mul3A_469 : i32
          %mul3A_471 = arith.constant 40 : i32
          %mul3A_472 = arith.muli %add3A_470, %mul3A_471 : i32
          %add3A_473 = arith.addi %mul3A_467, %mul3A_472 : i32
          %dma_wait3A_474 = arith.constant 0 : i32
          %dma_wait3A_475 = arith.constant 0 : i32
          %dma_wait3A_476 = tpu.memref_slice %arg15[%dma_wait3A_474, %dma_wait3A_475] : memref<80x128xf32, #tpu.memory_space<vmem>> -> memref<40x128xf32, #tpu.memory_space<vmem>>
          %dma_wait3A_477 = arith.constant 0 : i32
          %dma_wait3A_478 = tpu.memref_slice %arg35[%add3A_473, %dma_wait3A_477] : memref<200000x128xf32, #tpu.memory_space<hbm>> -> memref<40x128xf32, #tpu.memory_space<hbm>>
          %dma_wait3A_479 = arith.constant 0 : i32
          %dma_wait3A_480 = tpu.memref_slice %arg35[%add3A_473, %dma_wait3A_479] : memref<200000x128xf32, #tpu.memory_space<hbm>> -> memref<40x128xf32, #tpu.memory_space<hbm>>
          %dma_wait3A_481 = arith.constant 0 : i32
          %dma_wait3A_482 = arith.constant 0 : i32
          %dma_wait3A_483 = tpu.memref_slice %arg15[%dma_wait3A_481, %dma_wait3A_482] : memref<80x128xf32, #tpu.memory_space<vmem>> -> memref<40x128xf32, #tpu.memory_space<vmem>>
          tpu.wait_dma2 semaphore(%arg39 : memref<!tpu.dma_semaphore, #tpu.memory_space<semaphore_mem>>) src(%dma_wait3A_483 : memref<40x128xf32, #tpu.memory_space<vmem>>) dst(%dma_wait3A_480 : memref<40x128xf32, #tpu.memory_space<hbm>>)
        } else {
        }
        %mul3A_440 = arith.constant 100000 : i32
        %mul3A_441 = arith.muli %arg0, %mul3A_440 : i32
        %mul3A_442 = arith.constant 16 : i32
        %mul3A_443 = arith.muli %mul3A_409, %mul3A_442 : i32
        %add3A_444 = arith.addi %arg1, %mul3A_443 : i32
        %mul3A_445 = arith.constant 40 : i32
        %mul3A_446 = arith.muli %add3A_444, %mul3A_445 : i32
        %add3A_447 = arith.addi %mul3A_441, %mul3A_446 : i32
        %dma_start3A_448 = arith.constant 0 : i32
        %dma_start3A_449 = arith.constant 0 : i32
        %dma_start3A_450 = tpu.memref_slice %arg15[%dma_start3A_448, %dma_start3A_449] : memref<80x128xf32, #tpu.memory_space<vmem>> -> memref<40x128xf32, #tpu.memory_space<vmem>>
        %dma_start3A_451 = arith.constant 0 : i32
        %dma_start3A_452 = tpu.memref_slice %arg35[%add3A_447, %dma_start3A_451] : memref<200000x128xf32, #tpu.memory_space<hbm>> -> memref<40x128xf32, #tpu.memory_space<hbm>>
        %dma_start3A_453 = arith.constant 0 : i32
        %dma_start3A_454 = tpu.memref_slice %arg35[%add3A_447, %dma_start3A_453] : memref<200000x128xf32, #tpu.memory_space<hbm>> -> memref<40x128xf32, #tpu.memory_space<hbm>>
        %dma_start3A_455 = arith.constant 0 : i32
        %dma_start3A_456 = arith.constant 0 : i32
        %dma_start3A_457 = tpu.memref_slice %arg15[%dma_start3A_455, %dma_start3A_456] : memref<80x128xf32, #tpu.memory_space<vmem>> -> memref<40x128xf32, #tpu.memory_space<vmem>>
        tpu.enqueue_dma source(%dma_start3A_457 : memref<40x128xf32, #tpu.memory_space<vmem>>) target(%dma_start3A_454 : memref<40x128xf32, #tpu.memory_space<hbm>>) target_semaphore(%arg39 : memref<!tpu.dma_semaphore, #tpu.memory_space<semaphore_mem>>)
        %add3A_458 = arith.constant 2 : i32
        %add3A_459 = arith.addi %mul3A_409, %add3A_458 : i32
        %lt3A_460 = arith.cmpi slt, %add3A_459, %select_n3A_271 : i32
        %convert_element_type3A_461 = arith.extui %lt3A_460 : i1 to i32
        %cond3A_462 = arith.constant 0 : i32
        %cond3A_463 = arith.cmpi ne, %convert_element_type3A_461, %cond3A_462 : i32
        scf.if %cond3A_463 {
          %add3A_464 = arith.constant 2 : i32
          %add3A_465 = arith.addi %mul3A_409, %add3A_464 : i32
          %mul3A_466 = arith.constant 16 : i32
          %mul3A_467 = arith.muli %add3A_465, %mul3A_466 : i32
          %add3A_468 = arith.addi %arg1, %mul3A_467 : i32
          %mul3A_469 = arith.constant 40 : i32
          %mul3A_470 = arith.muli %add3A_468, %mul3A_469 : i32
          %dma_start3A_471 = arith.constant 0 : i32
          %dma_start3A_472 = tpu.memref_slice %arg8[%mul3A_470, %dma_start3A_471] : memref<100000x64xf32, #tpu.memory_space<hbm>> -> memref<40x64xf32, #tpu.memory_space<hbm>>
          %dma_start3A_473 = arith.constant 0 : i32
          %dma_start3A_474 = tpu.memref_slice %arg8[%mul3A_470, %dma_start3A_473] : memref<100000x64xf32, #tpu.memory_space<hbm>> -> memref<40x64xf32, #tpu.memory_space<hbm>>
          tpu.enqueue_dma source(%dma_start3A_474 : memref<40x64xf32, #tpu.memory_space<hbm>>) target(%arg29 : memref<40x64xf32, #tpu.memory_space<vmem>>) target_semaphore(%arg37 : memref<!tpu.dma_semaphore, #tpu.memory_space<semaphore_mem>>)
        } else {
        }
      } else {
      }
      %mul3A_414 = arith.constant 2 : i32
      %mul3A_415 = arith.muli %mul3A_414, %scan3A_407 : i32
      %add3A_416 = arith.constant 1 : i32
      %add3A_417 = arith.addi %mul3A_415, %add3A_416 : i32
      %lt3A_418 = arith.cmpi slt, %add3A_417, %select_n3A_271 : i32
      %convert_element_type3A_419 = arith.extui %lt3A_418 : i1 to i32
      %cond3A_420 = arith.constant 0 : i32
      %cond3A_421 = arith.cmpi ne, %convert_element_type3A_419, %cond3A_420 : i32
      scf.if %cond3A_421 {
        %mul3A_422 = arith.constant 16 : i32
        %mul3A_423 = arith.muli %add3A_417, %mul3A_422 : i32
        %add3A_424 = arith.addi %arg1, %mul3A_423 : i32
        %mul3A_425 = arith.constant 40 : i32
        %mul3A_426 = arith.muli %add3A_424, %mul3A_425 : i32
        %dma_wait3A = arith.constant 0 : i32
        %dma_wait3A_427 = tpu.memref_slice %arg8[%mul3A_426, %dma_wait3A] : memref<100000x64xf32, #tpu.memory_space<hbm>> -> memref<40x64xf32, #tpu.memory_space<hbm>>
        %dma_wait3A_428 = arith.constant 0 : i32
        %dma_wait3A_429 = tpu.memref_slice %arg8[%mul3A_426, %dma_wait3A_428] : memref<100000x64xf32, #tpu.memory_space<hbm>> -> memref<40x64xf32, #tpu.memory_space<hbm>>
        tpu.wait_dma2 semaphore(%arg37 : memref<!tpu.dma_semaphore, #tpu.memory_space<semaphore_mem>>) src(%dma_wait3A_429 : memref<40x64xf32, #tpu.memory_space<hbm>>) dst(%arg30 : memref<40x64xf32, #tpu.memory_space<vmem>>)
        %scan3A_430 = arith.constant 0 : i32
        %scan3A_431 = arith.constant 0 : i32
        %scan3A_432 = arith.constant 40 : i32
        %scan3A_433 = arith.addi %scan3A_431, %scan3A_432 : i32
        %scan3A_434 = arith.constant 1 : i32
        scf.for %scan3A_464 = %scan3A_431 to %scan3A_433 step %scan3A_434  : i32 {
          %get3A = arith.index_cast %scan3A_464 : i32 to index
          %get3A_465 = arith.constant 0 : index
          %get3A_466 = tpu.vector_load %arg30[%get3A, %get3A_465] {strides = array<i32>} : memref<40x64xf32, #tpu.memory_space<vmem>>, vector<16xf32>,
          %swap3A = arith.constant 0 : i32
          %swap3A_467 = arith.constant 0 : i32
          %swap3A_468 = tpu.memref_slice %arg22[%swap3A, %swap3A_467] : memref<80x128xf32, #tpu.memory_space<vmem>> -> memref<40x128xf32, #tpu.memory_space<vmem>>
          %swap3A_469 = arith.index_cast %scan3A_464 : i32 to index
          %swap3A_470 = arith.constant 0 : index
          %swap3A_471 = tpu.vector_load %swap3A_468[%swap3A_469, %swap3A_470] {strides = array<i32>} : memref<40x128xf32, #tpu.memory_space<vmem>>, vector<16xf32>,
          tpu.vector_store %swap3A_468[%swap3A_469, %swap3A_470], %get3A_466 {strides = array<i32>} : memref<40x128xf32, #tpu.memory_space<vmem>>, vector<16xf32>,
          %get3A_472 = arith.index_cast %scan3A_464 : i32 to index
          %get3A_473 = arith.constant 16 : index
          %get3A_474 = tpu.vector_load %arg30[%get3A_472, %get3A_473] {strides = array<i32>} : memref<40x64xf32, #tpu.memory_space<vmem>>, vector<16xf32>,
          %swap3A_475 = arith.constant 0 : i32
          %swap3A_476 = arith.constant 0 : i32
          %swap3A_477 = tpu.memref_slice %arg22[%swap3A_475, %swap3A_476] : memref<80x128xf32, #tpu.memory_space<vmem>> -> memref<40x128xf32, #tpu.memory_space<vmem>>
          %swap3A_478 = arith.index_cast %scan3A_464 : i32 to index
          %swap3A_479 = arith.constant 16 : index
          %swap3A_480 = tpu.vector_load %swap3A_477[%swap3A_478, %swap3A_479] {strides = array<i32>} : memref<40x128xf32, #tpu.memory_space<vmem>>, vector<16xf32>,
          tpu.vector_store %swap3A_477[%swap3A_478, %swap3A_479], %get3A_474 {strides = array<i32>} : memref<40x128xf32, #tpu.memory_space<vmem>>, vector<16xf32>,
          %get3A_481 = arith.index_cast %scan3A_464 : i32 to index
          %get3A_482 = arith.constant 32 : index
          %get3A_483 = tpu.vector_load %arg30[%get3A_481, %get3A_482] {strides = array<i32>} : memref<40x64xf32, #tpu.memory_space<vmem>>, vector<16xf32>,
          %swap3A_484 = arith.constant 0 : i32
          %swap3A_485 = arith.constant 0 : i32
          %swap3A_486 = tpu.memref_slice %arg22[%swap3A_484, %swap3A_485] : memref<80x128xf32, #tpu.memory_space<vmem>> -> memref<40x128xf32, #tpu.memory_space<vmem>>
          %swap3A_487 = arith.index_cast %scan3A_464 : i32 to index
          %swap3A_488 = arith.constant 32 : index
          %swap3A_489 = tpu.vector_load %swap3A_486[%swap3A_487, %swap3A_488] {strides = array<i32>} : memref<40x128xf32, #tpu.memory_space<vmem>>, vector<16xf32>,
          tpu.vector_store %swap3A_486[%swap3A_487, %swap3A_488], %get3A_483 {strides = array<i32>} : memref<40x128xf32, #tpu.memory_space<vmem>>, vector<16xf32>,
          %get3A_490 = arith.index_cast %scan3A_464 : i32 to index
          %get3A_491 = arith.constant 48 : index
          %get3A_492 = tpu.vector_load %arg30[%get3A_490, %get3A_491] {strides = array<i32>} : memref<40x64xf32, #tpu.memory_space<vmem>>, vector<16xf32>,
          %swap3A_493 = arith.constant 0 : i32
          %swap3A_494 = arith.constant 0 : i32
          %swap3A_495 = tpu.memref_slice %arg22[%swap3A_493, %swap3A_494] : memref<80x128xf32, #tpu.memory_space<vmem>> -> memref<40x128xf32, #tpu.memory_space<vmem>>
          %swap3A_496 = arith.index_cast %scan3A_464 : i32 to index
          %swap3A_497 = arith.constant 48 : index
          %swap3A_498 = tpu.vector_load %swap3A_495[%swap3A_496, %swap3A_497] {strides = array<i32>} : memref<40x128xf32, #tpu.memory_space<vmem>>, vector<16xf32>,
          tpu.vector_store %swap3A_495[%swap3A_496, %swap3A_497], %get3A_492 {strides = array<i32>} : memref<40x128xf32, #tpu.memory_space<vmem>>, vector<16xf32>,
          %swap3A_499 = arith.constant 0 : i32
          %swap3A_500 = arith.constant 0 : i32
          %swap3A_501 = tpu.memref_slice %arg22[%swap3A_499, %swap3A_500] : memref<80x128xf32, #tpu.memory_space<vmem>> -> memref<40x128xf32, #tpu.memory_space<vmem>>
          %swap3A_502 = arith.index_cast %scan3A_464 : i32 to index
          %swap3A_503 = arith.constant 64 : index
          %swap3A_504 = tpu.vector_load %swap3A_501[%swap3A_502, %swap3A_503] {strides = array<i32>} : memref<40x128xf32, #tpu.memory_space<vmem>>, vector<16xf32>,
          tpu.vector_store %swap3A_501[%swap3A_502, %swap3A_503], %broadcast_in_dim3A_3 {strides = array<i32>} : memref<40x128xf32, #tpu.memory_space<vmem>>, vector<16xf32>,
          %swap3A_505 = arith.constant 0 : i32
          %swap3A_506 = arith.constant 0 : i32
          %swap3A_507 = tpu.memref_slice %arg22[%swap3A_505, %swap3A_506] : memref<80x128xf32, #tpu.memory_space<vmem>> -> memref<40x128xf32, #tpu.memory_space<vmem>>
          %swap3A_508 = arith.index_cast %scan3A_464 : i32 to index
          %swap3A_509 = arith.constant 80 : index
          %swap3A_510 = tpu.vector_load %swap3A_507[%swap3A_508, %swap3A_509] {strides = array<i32>} : memref<40x128xf32, #tpu.memory_space<vmem>>, vector<16xf32>,
          tpu.vector_store %swap3A_507[%swap3A_508, %swap3A_509], %broadcast_in_dim3A_3 {strides = array<i32>} : memref<40x128xf32, #tpu.memory_space<vmem>>, vector<16xf32>,
          %swap3A_511 = arith.constant 0 : i32
          %swap3A_512 = arith.constant 0 : i32
          %swap3A_513 = tpu.memref_slice %arg22[%swap3A_511, %swap3A_512] : memref<80x128xf32, #tpu.memory_space<vmem>> -> memref<40x128xf32, #tpu.memory_space<vmem>>
          %swap3A_514 = arith.index_cast %scan3A_464 : i32 to index
          %swap3A_515 = arith.constant 96 : index
          %swap3A_516 = tpu.vector_load %swap3A_513[%swap3A_514, %swap3A_515] {strides = array<i32>} : memref<40x128xf32, #tpu.memory_space<vmem>>, vector<16xf32>,
          tpu.vector_store %swap3A_513[%swap3A_514, %swap3A_515], %broadcast_in_dim3A_3 {strides = array<i32>} : memref<40x128xf32, #tpu.memory_space<vmem>>, vector<16xf32>,
          %swap3A_517 = arith.constant 0 : i32
          %swap3A_518 = arith.constant 0 : i32
          %swap3A_519 = tpu.memref_slice %arg22[%swap3A_517, %swap3A_518] : memref<80x128xf32, #tpu.memory_space<vmem>> -> memref<40x128xf32, #tpu.memory_space<vmem>>
          %swap3A_520 = arith.index_cast %scan3A_464 : i32 to index
          %swap3A_521 = arith.constant 112 : index
          %swap3A_522 = tpu.vector_load %swap3A_519[%swap3A_520, %swap3A_521] {strides = array<i32>} : memref<40x128xf32, #tpu.memory_space<vmem>>, vector<16xf32>,
          tpu.vector_store %swap3A_519[%swap3A_520, %swap3A_521], %broadcast_in_dim3A_3 {strides = array<i32>} : memref<40x128xf32, #tpu.memory_space<vmem>>, vector<16xf32>,
        }
        %scan3A_435 = arith.constant 40 : i32
        %ge3A = arith.constant 2 : i32
        %ge3A_436 = arith.cmpi sge, %add3A_417, %ge3A : i32
        %convert_element_type3A_437 = arith.extui %ge3A_436 : i1 to i32
        %cond3A_438 = arith.constant 0 : i32
        %cond3A_439 = arith.cmpi ne, %convert_element_type3A_437, %cond3A_438 : i32
        scf.if %cond3A_439 {
          %sub3A_464 = arith.constant 2 : i32
          %sub3A_465 = arith.subi %add3A_417, %sub3A_464 : i32
          %mul3A_466 = arith.constant 100000 : i32
          %mul3A_467 = arith.muli %arg0, %mul3A_466 : i32
          %mul3A_468 = arith.constant 16 : i32
          %mul3A_469 = arith.muli %sub3A_465, %mul3A_468 : i32
          %add3A_470 = arith.addi %arg1, %mul3A_469 : i32
          %mul3A_471 = arith.constant 40 : i32
          %mul3A_472 = arith.muli %add3A_470, %mul3A_471 : i32
          %add3A_473 = arith.addi %mul3A_467, %mul3A_472 : i32
          %dma_wait3A_474 = arith.constant 0 : i32
          %dma_wait3A_475 = arith.constant 0 : i32
          %dma_wait3A_476 = tpu.memref_slice %arg22[%dma_wait3A_474, %dma_wait3A_475] : memref<80x128xf32, #tpu.memory_space<vmem>> -> memref<40x128xf32, #tpu.memory_space<vmem>>
          %dma_wait3A_477 = arith.constant 0 : i32
          %dma_wait3A_478 = tpu.memref_slice %arg35[%add3A_473, %dma_wait3A_477] : memref<200000x128xf32, #tpu.memory_space<hbm>> -> memref<40x128xf32, #tpu.memory_space<hbm>>
          %dma_wait3A_479 = arith.constant 0 : i32
          %dma_wait3A_480 = tpu.memref_slice %arg35[%add3A_473, %dma_wait3A_479] : memref<200000x128xf32, #tpu.memory_space<hbm>> -> memref<40x128xf32, #tpu.memory_space<hbm>>
          %dma_wait3A_481 = arith.constant 0 : i32
          %dma_wait3A_482 = arith.constant 0 : i32
          %dma_wait3A_483 = tpu.memref_slice %arg22[%dma_wait3A_481, %dma_wait3A_482] : memref<80x128xf32, #tpu.memory_space<vmem>> -> memref<40x128xf32, #tpu.memory_space<vmem>>
          tpu.wait_dma2 semaphore(%arg39 : memref<!tpu.dma_semaphore, #tpu.memory_space<semaphore_mem>>) src(%dma_wait3A_483 : memref<40x128xf32, #tpu.memory_space<vmem>>) dst(%dma_wait3A_480 : memref<40x128xf32, #tpu.memory_space<hbm>>)
        } else {
        }
        %mul3A_440 = arith.constant 100000 : i32
        %mul3A_441 = arith.muli %arg0, %mul3A_440 : i32
        %mul3A_442 = arith.constant 16 : i32
        %mul3A_443 = arith.muli %add3A_417, %mul3A_442 : i32
        %add3A_444 = arith.addi %arg1, %mul3A_443 : i32
        %mul3A_445 = arith.constant 40 : i32
        %mul3A_446 = arith.muli %add3A_444, %mul3A_445 : i32
        %add3A_447 = arith.addi %mul3A_441, %mul3A_446 : i32
        %dma_start3A_448 = arith.constant 0 : i32
        %dma_start3A_449 = arith.constant 0 : i32
        %dma_start3A_450 = tpu.memref_slice %arg22[%dma_start3A_448, %dma_start3A_449] : memref<80x128xf32, #tpu.memory_space<vmem>> -> memref<40x128xf32, #tpu.memory_space<vmem>>
        %dma_start3A_451 = arith.constant 0 : i32
        %dma_start3A_452 = tpu.memref_slice %arg35[%add3A_447, %dma_start3A_451] : memref<200000x128xf32, #tpu.memory_space<hbm>> -> memref<40x128xf32, #tpu.memory_space<hbm>>
        %dma_start3A_453 = arith.constant 0 : i32
        %dma_start3A_454 = tpu.memref_slice %arg35[%add3A_447, %dma_start3A_453] : memref<200000x128xf32, #tpu.memory_space<hbm>> -> memref<40x128xf32, #tpu.memory_space<hbm>>
        %dma_start3A_455 = arith.constant 0 : i32
        %dma_start3A_456 = arith.constant 0 : i32
        %dma_start3A_457 = tpu.memref_slice %arg22[%dma_start3A_455, %dma_start3A_456] : memref<80x128xf32, #tpu.memory_space<vmem>> -> memref<40x128xf32, #tpu.memory_space<vmem>>
        tpu.enqueue_dma source(%dma_start3A_457 : memref<40x128xf32, #tpu.memory_space<vmem>>) target(%dma_start3A_454 : memref<40x128xf32, #tpu.memory_space<hbm>>) target_semaphore(%arg39 : memref<!tpu.dma_semaphore, #tpu.memory_space<semaphore_mem>>)
        %add3A_458 = arith.constant 2 : i32
        %add3A_459 = arith.addi %add3A_417, %add3A_458 : i32
        %lt3A_460 = arith.cmpi slt, %add3A_459, %select_n3A_271 : i32
        %convert_element_type3A_461 = arith.extui %lt3A_460 : i1 to i32
        %cond3A_462 = arith.constant 0 : i32
        %cond3A_463 = arith.cmpi ne, %convert_element_type3A_461, %cond3A_462 : i32
        scf.if %cond3A_463 {
          %add3A_464 = arith.constant 2 : i32
          %add3A_465 = arith.addi %add3A_417, %add3A_464 : i32
          %mul3A_466 = arith.constant 16 : i32
          %mul3A_467 = arith.muli %add3A_465, %mul3A_466 : i32
          %add3A_468 = arith.addi %arg1, %mul3A_467 : i32
          %mul3A_469 = arith.constant 40 : i32
          %mul3A_470 = arith.muli %add3A_468, %mul3A_469 : i32
          %dma_start3A_471 = arith.constant 0 : i32
          %dma_start3A_472 = tpu.memref_slice %arg8[%mul3A_470, %dma_start3A_471] : memref<100000x64xf32, #tpu.memory_space<hbm>> -> memref<40x64xf32, #tpu.memory_space<hbm>>
          %dma_start3A_473 = arith.constant 0 : i32
          %dma_start3A_474 = tpu.memref_slice %arg8[%mul3A_470, %dma_start3A_473] : memref<100000x64xf32, #tpu.memory_space<hbm>> -> memref<40x64xf32, #tpu.memory_space<hbm>>
          tpu.enqueue_dma source(%dma_start3A_474 : memref<40x64xf32, #tpu.memory_space<hbm>>) target(%arg30 : memref<40x64xf32, #tpu.memory_space<vmem>>) target_semaphore(%arg37 : memref<!tpu.dma_semaphore, #tpu.memory_space<semaphore_mem>>)
        } else {
        }
      } else {
      }
    }
    %scan3A_287 = arith.constant 79 : i32
    %sub3A_288 = arith.constant 1 : i32
    %sub3A_289 = arith.subi %select_n3A_271, %sub3A_288 : i32
    %sub3A_290 = arith.constant 0 : i32
    %sub3A_291 = arith.subi %sub3A_289, %sub3A_290 : i32
    %jit3A_292 = arith.constant 2 : i32
    %div3A_293 = arith.divsi %sub3A_291, %jit3A_292 : i32
    %sign3A_294 = arith.constant 0 : i32
    %sign3A_295 = arith.cmpi sgt, %sub3A_291, %sign3A_294 : i32
    %sign3A_296 = arith.extui %sign3A_295 : i1 to i32
    %sign3A_297 = arith.constant 0 : i32
    %sign3A_298 = arith.cmpi slt, %sub3A_291, %sign3A_297 : i32
    %sign3A_299 = arith.extui %sign3A_298 : i1 to i32
    %sign3A_300 = arith.subi %sign3A_296, %sign3A_299 : i32
    %sign3A_301 = arith.constant 0 : i32
    %sign3A_302 = arith.cmpi sgt, %jit3A_292, %sign3A_301 : i32
    %sign3A_303 = arith.extui %sign3A_302 : i1 to i32
    %sign3A_304 = arith.constant 0 : i32
    %sign3A_305 = arith.cmpi slt, %jit3A_292, %sign3A_304 : i32
    %sign3A_306 = arith.extui %sign3A_305 : i1 to i32
    %sign3A_307 = arith.subi %sign3A_303, %sign3A_306 : i32
    %ne3A_308 = arith.cmpi ne, %sign3A_300, %sign3A_307 : i32
    %rem3A_309 = arith.remsi %sub3A_291, %jit3A_292 : i32
    %ne3A_310 = arith.constant 0 : i32
    %ne3A_311 = arith.cmpi ne, %rem3A_309, %ne3A_310 : i32
    %and3A_312 = arith.andi %ne3A_308, %ne3A_311 : i1
    %sub3A_313 = arith.constant 1 : i32
    %sub3A_314 = arith.subi %div3A_293, %sub3A_313 : i32
    %select_n3A_315 = arith.select %and3A_312, %sub3A_314, %div3A_293 : i32
    %mul3A_316 = arith.constant 2 : i32
    %mul3A_317 = arith.muli %mul3A_316, %select_n3A_315 : i32
    %add3A_318 = arith.constant 0 : i32
    %add3A_319 = arith.addi %mul3A_317, %add3A_318 : i32
    %gt3A_320 = arith.constant 0 : i32
    %gt3A_321 = arith.cmpi sgt, %select_n3A_271, %gt3A_320 : i32
    %convert_element_type3A_322 = arith.extui %gt3A_321 : i1 to i32
    %cond3A_323 = arith.constant 0 : i32
    %cond3A_324 = arith.cmpi ne, %convert_element_type3A_322, %cond3A_323 : i32
    scf.if %cond3A_324 {
      %mul3A_407 = arith.constant 100000 : i32
      %mul3A_408 = arith.muli %arg0, %mul3A_407 : i32
      %mul3A_409 = arith.constant 16 : i32
      %mul3A_410 = arith.muli %add3A_319, %mul3A_409 : i32
      %add3A_411 = arith.addi %arg1, %mul3A_410 : i32
      %mul3A_412 = arith.constant 40 : i32
      %mul3A_413 = arith.muli %add3A_411, %mul3A_412 : i32
      %add3A_414 = arith.addi %mul3A_408, %mul3A_413 : i32
      %dma_wait3A = arith.constant 0 : i32
      %dma_wait3A_415 = arith.constant 0 : i32
      %dma_wait3A_416 = tpu.memref_slice %arg15[%dma_wait3A, %dma_wait3A_415] : memref<80x128xf32, #tpu.memory_space<vmem>> -> memref<40x128xf32, #tpu.memory_space<vmem>>
      %dma_wait3A_417 = arith.constant 0 : i32
      %dma_wait3A_418 = tpu.memref_slice %arg35[%add3A_414, %dma_wait3A_417] : memref<200000x128xf32, #tpu.memory_space<hbm>> -> memref<40x128xf32, #tpu.memory_space<hbm>>
      %dma_wait3A_419 = arith.constant 0 : i32
      %dma_wait3A_420 = tpu.memref_slice %arg35[%add3A_414, %dma_wait3A_419] : memref<200000x128xf32, #tpu.memory_space<hbm>> -> memref<40x128xf32, #tpu.memory_space<hbm>>
      %dma_wait3A_421 = arith.constant 0 : i32
      %dma_wait3A_422 = arith.constant 0 : i32
      %dma_wait3A_423 = tpu.memref_slice %arg15[%dma_wait3A_421, %dma_wait3A_422] : memref<80x128xf32, #tpu.memory_space<vmem>> -> memref<40x128xf32, #tpu.memory_space<vmem>>
      tpu.wait_dma2 semaphore(%arg39 : memref<!tpu.dma_semaphore, #tpu.memory_space<semaphore_mem>>) src(%dma_wait3A_423 : memref<40x128xf32, #tpu.memory_space<vmem>>) dst(%dma_wait3A_420 : memref<40x128xf32, #tpu.memory_space<hbm>>)
    } else {
    }
    %sub3A_325 = arith.constant 1 : i32
    %sub3A_326 = arith.subi %select_n3A_271, %sub3A_325 : i32
    %sub3A_327 = arith.constant 1 : i32
    %sub3A_328 = arith.subi %sub3A_326, %sub3A_327 : i32
    %jit3A_329 = arith.constant 2 : i32
    %div3A_330 = arith.divsi %sub3A_328, %jit3A_329 : i32
    %sign3A_331 = arith.constant 0 : i32
    %sign3A_332 = arith.cmpi sgt, %sub3A_328, %sign3A_331 : i32
    %sign3A_333 = arith.extui %sign3A_332 : i1 to i32
    %sign3A_334 = arith.constant 0 : i32
    %sign3A_335 = arith.cmpi slt, %sub3A_328, %sign3A_334 : i32
    %sign3A_336 = arith.extui %sign3A_335 : i1 to i32
    %sign3A_337 = arith.subi %sign3A_333, %sign3A_336 : i32
    %sign3A_338 = arith.constant 0 : i32
    %sign3A_339 = arith.cmpi sgt, %jit3A_329, %sign3A_338 : i32
    %sign3A_340 = arith.extui %sign3A_339 : i1 to i32
    %sign3A_341 = arith.constant 0 : i32
    %sign3A_342 = arith.cmpi slt, %jit3A_329, %sign3A_341 : i32
    %sign3A_343 = arith.extui %sign3A_342 : i1 to i32
    %sign3A_344 = arith.subi %sign3A_340, %sign3A_343 : i32
    %ne3A_345 = arith.cmpi ne, %sign3A_337, %sign3A_344 : i32
    %rem3A_346 = arith.remsi %sub3A_328, %jit3A_329 : i32
    %ne3A_347 = arith.constant 0 : i32
    %ne3A_348 = arith.cmpi ne, %rem3A_346, %ne3A_347 : i32
    %and3A_349 = arith.andi %ne3A_345, %ne3A_348 : i1
    %sub3A_350 = arith.constant 1 : i32
    %sub3A_351 = arith.subi %div3A_330, %sub3A_350 : i32
    %select_n3A_352 = arith.select %and3A_349, %sub3A_351, %div3A_330 : i32
    %mul3A_353 = arith.constant 2 : i32
    %mul3A_354 = arith.muli %mul3A_353, %select_n3A_352 : i32
    %add3A_355 = arith.constant 1 : i32
    %add3A_356 = arith.addi %mul3A_354, %add3A_355 : i32
    %gt3A_357 = arith.constant 1 : i32
    %gt3A_358 = arith.cmpi sgt, %select_n3A_271, %gt3A_357 : i32
    %convert_element_type3A_359 = arith.extui %gt3A_358 : i1 to i32
    %cond3A_360 = arith.constant 0 : i32
    %cond3A_361 = arith.cmpi ne, %convert_element_type3A_359, %cond3A_360 : i32
    scf.if %cond3A_361 {
      %mul3A_407 = arith.constant 100000 : i32
      %mul3A_408 = arith.muli %arg0, %mul3A_407 : i32
      %mul3A_409 = arith.constant 16 : i32
      %mul3A_410 = arith.muli %add3A_356, %mul3A_409 : i32
      %add3A_411 = arith.addi %arg1, %mul3A_410 : i32
      %mul3A_412 = arith.constant 40 : i32
      %mul3A_413 = arith.muli %add3A_411, %mul3A_412 : i32
      %add3A_414 = arith.addi %mul3A_408, %mul3A_413 : i32
      %dma_wait3A = arith.constant 0 : i32
      %dma_wait3A_415 = arith.constant 0 : i32
      %dma_wait3A_416 = tpu.memref_slice %arg22[%dma_wait3A, %dma_wait3A_415] : memref<80x128xf32, #tpu.memory_space<vmem>> -> memref<40x128xf32, #tpu.memory_space<vmem>>
      %dma_wait3A_417 = arith.constant 0 : i32
      %dma_wait3A_418 = tpu.memref_slice %arg35[%add3A_414, %dma_wait3A_417] : memref<200000x128xf32, #tpu.memory_space<hbm>> -> memref<40x128xf32, #tpu.memory_space<hbm>>
      %dma_wait3A_419 = arith.constant 0 : i32
      %dma_wait3A_420 = tpu.memref_slice %arg35[%add3A_414, %dma_wait3A_419] : memref<200000x128xf32, #tpu.memory_space<hbm>> -> memref<40x128xf32, #tpu.memory_space<hbm>>
      %dma_wait3A_421 = arith.constant 0 : i32
      %dma_wait3A_422 = arith.constant 0 : i32
      %dma_wait3A_423 = tpu.memref_slice %arg22[%dma_wait3A_421, %dma_wait3A_422] : memref<80x128xf32, #tpu.memory_space<vmem>> -> memref<40x128xf32, #tpu.memory_space<vmem>>
      tpu.wait_dma2 semaphore(%arg39 : memref<!tpu.dma_semaphore, #tpu.memory_space<semaphore_mem>>) src(%dma_wait3A_423 : memref<40x128xf32, #tpu.memory_space<vmem>>) dst(%dma_wait3A_420 : memref<40x128xf32, #tpu.memory_space<hbm>>)
    } else {
    }
    %barrier3A = arith.constant 0 : index
    tpu.barrier barrier_id(%barrier3A)
    "tpu.region"() ({
      %run_scoped3A = tpu.sem_alloc : memref<!tpu.dma_semaphore, #tpu.memory_space<semaphore_mem>>
      %dma_start3A_407 = tpu.memref_slice %arg2[%mul3A_2] : memref<204800xi32, #tpu.memory_space<hbm>> -> memref<6400xi32, #tpu.memory_space<hbm>>
      %dma_start3A_408 = tpu.memref_slice %arg2[%mul3A_2] : memref<204800xi32, #tpu.memory_space<hbm>> -> memref<6400xi32, #tpu.memory_space<hbm>>
      tpu.enqueue_dma source(%dma_start3A_408 : memref<6400xi32, #tpu.memory_space<hbm>>) target(%arg11 : memref<6400xi32, #tpu.memory_space<vmem>>) target_semaphore(%run_scoped3A : memref<!tpu.dma_semaphore, #tpu.memory_space<semaphore_mem>>)
      %dma_wait3A = tpu.memref_slice %arg2[%mul3A_2] : memref<204800xi32, #tpu.memory_space<hbm>> -> memref<6400xi32, #tpu.memory_space<hbm>>
      %dma_wait3A_409 = tpu.memref_slice %arg2[%mul3A_2] : memref<204800xi32, #tpu.memory_space<hbm>> -> memref<6400xi32, #tpu.memory_space<hbm>>
      tpu.wait_dma2 semaphore(%run_scoped3A : memref<!tpu.dma_semaphore, #tpu.memory_space<semaphore_mem>>) src(%dma_wait3A_409 : memref<6400xi32, #tpu.memory_space<hbm>>) dst(%arg11 : memref<6400xi32, #tpu.memory_space<vmem>>)
      tpu.yield
    }) : () -> ()
    "tpu.region"() ({
      %run_scoped3A = tpu.sem_alloc : memref<!tpu.dma_semaphore, #tpu.memory_space<semaphore_mem>>
      %dma_start3A_407 = tpu.memref_slice %arg3[%mul3A_2] : memref<204800xi32, #tpu.memory_space<hbm>> -> memref<6400xi32, #tpu.memory_space<hbm>>
      %dma_start3A_408 = tpu.memref_slice %arg3[%mul3A_2] : memref<204800xi32, #tpu.memory_space<hbm>> -> memref<6400xi32, #tpu.memory_space<hbm>>
      tpu.enqueue_dma source(%dma_start3A_408 : memref<6400xi32, #tpu.memory_space<hbm>>) target(%arg12 : memref<6400xi32, #tpu.memory_space<vmem>>) target_semaphore(%run_scoped3A : memref<!tpu.dma_semaphore, #tpu.memory_space<semaphore_mem>>)
      %dma_wait3A = tpu.memref_slice %arg3[%mul3A_2] : memref<204800xi32, #tpu.memory_space<hbm>> -> memref<6400xi32, #tpu.memory_space<hbm>>
      %dma_wait3A_409 = tpu.memref_slice %arg3[%mul3A_2] : memref<204800xi32, #tpu.memory_space<hbm>> -> memref<6400xi32, #tpu.memory_space<hbm>>
      tpu.wait_dma2 semaphore(%run_scoped3A : memref<!tpu.dma_semaphore, #tpu.memory_space<semaphore_mem>>) src(%dma_wait3A_409 : memref<6400xi32, #tpu.memory_space<hbm>>) dst(%arg12 : memref<6400xi32, #tpu.memory_space<vmem>>)
      tpu.yield
    }) : () -> ()
    "tpu.region"() ({
      %run_scoped3A = tpu.sem_alloc : memref<!tpu.dma_semaphore, #tpu.memory_space<semaphore_mem>>
      %dma_start3A_407 = tpu.memref_slice %arg4[%mul3A_2] : memref<204800xi32, #tpu.memory_space<hbm>> -> memref<6400xi32, #tpu.memory_space<hbm>>
      %dma_start3A_408 = tpu.memref_slice %arg4[%mul3A_2] : memref<204800xi32, #tpu.memory_space<hbm>> -> memref<6400xi32, #tpu.memory_space<hbm>>
      tpu.enqueue_dma source(%dma_start3A_408 : memref<6400xi32, #tpu.memory_space<hbm>>) target(%arg13 : memref<6400xi32, #tpu.memory_space<vmem>>) target_semaphore(%run_scoped3A : memref<!tpu.dma_semaphore, #tpu.memory_space<semaphore_mem>>)
      %dma_wait3A = tpu.memref_slice %arg4[%mul3A_2] : memref<204800xi32, #tpu.memory_space<hbm>> -> memref<6400xi32, #tpu.memory_space<hbm>>
      %dma_wait3A_409 = tpu.memref_slice %arg4[%mul3A_2] : memref<204800xi32, #tpu.memory_space<hbm>> -> memref<6400xi32, #tpu.memory_space<hbm>>
      tpu.wait_dma2 semaphore(%run_scoped3A : memref<!tpu.dma_semaphore, #tpu.memory_space<semaphore_mem>>) src(%dma_wait3A_409 : memref<6400xi32, #tpu.memory_space<hbm>>) dst(%arg13 : memref<6400xi32, #tpu.memory_space<vmem>>)
      tpu.yield
    }) : () -> ()
    "tpu.region"() ({
      %run_scoped3A = tpu.sem_alloc : memref<!tpu.dma_semaphore, #tpu.memory_space<semaphore_mem>>
      %dma_start3A_407 = tpu.memref_slice %arg5[%mul3A_2] : memref<204800xi32, #tpu.memory_space<hbm>> -> memref<6400xi32, #tpu.memory_space<hbm>>
      %dma_start3A_408 = tpu.memref_slice %arg5[%mul3A_2] : memref<204800xi32, #tpu.memory_space<hbm>> -> memref<6400xi32, #tpu.memory_space<hbm>>
      tpu.enqueue_dma source(%dma_start3A_408 : memref<6400xi32, #tpu.memory_space<hbm>>) target(%arg14 : memref<6400xi32, #tpu.memory_space<vmem>>) target_semaphore(%run_scoped3A : memref<!tpu.dma_semaphore, #tpu.memory_space<semaphore_mem>>)
      %dma_wait3A = tpu.memref_slice %arg5[%mul3A_2] : memref<204800xi32, #tpu.memory_space<hbm>> -> memref<6400xi32, #tpu.memory_space<hbm>>
      %dma_wait3A_409 = tpu.memref_slice %arg5[%mul3A_2] : memref<204800xi32, #tpu.memory_space<hbm>> -> memref<6400xi32, #tpu.memory_space<hbm>>
      tpu.wait_dma2 semaphore(%run_scoped3A : memref<!tpu.dma_semaphore, #tpu.memory_space<semaphore_mem>>) src(%dma_wait3A_409 : memref<6400xi32, #tpu.memory_space<hbm>>) dst(%arg14 : memref<6400xi32, #tpu.memory_space<vmem>>)
      tpu.yield
    }) : () -> ()
    %scan3A_362 = arith.constant 0 : i32
    %scan3A_363 = arith.constant 0 : i32
    %scan3A_364 = arith.constant 5 : i32
    %scan3A_365 = arith.addi %scan3A_363, %scan3A_364 : i32
    %scan3A_366 = arith.constant 1 : i32
    scf.for %scan3A_407 = %scan3A_363 to %scan3A_365 step %scan3A_366  : i32 {
      %mul3A_408 = arith.constant 16 : i32
      %mul3A_409 = arith.muli %scan3A_407, %mul3A_408 : i32
      %add3A_410 = arith.constant 0 : i32
      %add3A_411 = arith.addi %add3A_410, %mul3A_409 : i32
      %get3A = arith.index_cast %add3A_411 : i32 to index
      %get3A_412 = tpu.vector_load %arg12[%get3A] {strides = array<i32>} : memref<6400xi32, #tpu.memory_space<vmem>>, vector<16xi32>,
      %mul3A_413 = arith.constant 1000 : i32
      %mul3A_414 = arith.muli %arg0, %mul3A_413 : i32
      %add3A_415 = vector.broadcast %mul3A_414 : i32 to vector<16xi32>
      %add3A_416 = arith.addi %get3A_412, %add3A_415 : vector<16xi32>
      %mul3A_417 = arith.constant 16 : i32
      %mul3A_418 = arith.muli %scan3A_407, %mul3A_417 : i32
      %swap3A = arith.index_cast %mul3A_418 : i32 to index
      %swap3A_419 = tpu.vector_load %arg21[%swap3A] {strides = array<i32>} : memref<80xi32, #tpu.memory_space<vmem>>, vector<16xi32>,
      tpu.vector_store %arg21[%swap3A], %add3A_416 {strides = array<i32>} : memref<80xi32, #tpu.memory_space<vmem>>, vector<16xi32>,
      %mul3A_420 = arith.constant 16 : i32
      %mul3A_421 = arith.muli %scan3A_407, %mul3A_420 : i32
      %add3A_422 = arith.constant 0 : i32
      %add3A_423 = arith.addi %add3A_422, %mul3A_421 : i32
      %get3A_424 = arith.index_cast %add3A_423 : i32 to index
      %get3A_425 = tpu.vector_load %arg14[%get3A_424] {strides = array<i32>} : memref<6400xi32, #tpu.memory_space<vmem>>, vector<16xi32>,
      %mul3A_426 = arith.constant 10000 : i32
      %mul3A_427 = arith.muli %arg0, %mul3A_426 : i32
      %add3A_428 = vector.broadcast %mul3A_427 : i32 to vector<16xi32>
      %add3A_429 = arith.addi %get3A_425, %add3A_428 : vector<16xi32>
      %mul3A_430 = arith.constant 16 : i32
      %mul3A_431 = arith.muli %scan3A_407, %mul3A_430 : i32
      %swap3A_432 = arith.index_cast %mul3A_431 : i32 to index
      %swap3A_433 = tpu.vector_load %arg20[%swap3A_432] {strides = array<i32>} : memref<80xi32, #tpu.memory_space<vmem>>, vector<16xi32>,
      tpu.vector_store %arg20[%swap3A_432], %add3A_429 {strides = array<i32>} : memref<80xi32, #tpu.memory_space<vmem>>, vector<16xi32>,
      %mul3A_434 = arith.constant 16 : i32
      %mul3A_435 = arith.muli %scan3A_407, %mul3A_434 : i32
      %add3A_436 = arith.constant 0 : i32
      %add3A_437 = arith.addi %add3A_436, %mul3A_435 : i32
      %get3A_438 = arith.index_cast %add3A_437 : i32 to index
      %get3A_439 = tpu.vector_load %arg13[%get3A_438] {strides = array<i32>} : memref<6400xi32, #tpu.memory_space<vmem>>, vector<16xi32>,
      %mul3A_440 = arith.constant 100000 : i32
      %mul3A_441 = arith.muli %arg0, %mul3A_440 : i32
      %add3A_442 = vector.broadcast %mul3A_441 : i32 to vector<16xi32>
      %add3A_443 = arith.addi %get3A_439, %add3A_442 : vector<16xi32>
      %mul3A_444 = arith.constant 16 : i32
      %mul3A_445 = arith.muli %scan3A_407, %mul3A_444 : i32
      %swap3A_446 = arith.index_cast %mul3A_445 : i32 to index
      %swap3A_447 = tpu.vector_load %arg19[%swap3A_446] {strides = array<i32>} : memref<80xi32, #tpu.memory_space<vmem>>, vector<16xi32>,
      tpu.vector_store %arg19[%swap3A_446], %add3A_443 {strides = array<i32>} : memref<80xi32, #tpu.memory_space<vmem>>, vector<16xi32>,
    }
    %scan3A_367 = arith.constant 5 : i32
    %dma_start3A = arith.constant 0 : i32
    %dma_start3A_368 = tpu.memref_slice %arg11[%dma_start3A] : memref<6400xi32, #tpu.memory_space<vmem>> -> memref<80xi32, #tpu.memory_space<vmem>>
    %dma_start3A_369 = arith.constant 0 : i32
    %dma_start3A_370 = arith.constant 0 : i32
    %dma_start3A_371 = tpu.memref_slice %arg6[%dma_start3A_369, %dma_start3A_370] : memref<100000x128xf32, #tpu.memory_space<hbm>> -> memref<100000x128xf32, #tpu.memory_space<hbm>>
    tpu.enqueue_indirect_dma source(%dma_start3A_371 : memref<100000x128xf32, #tpu.memory_space<hbm>>) target(%arg15 : memref<80x128xf32, #tpu.memory_space<vmem>>) offsets(%dma_start3A_368 : memref<80xi32, #tpu.memory_space<vmem>>) semaphore(%arg36 : memref<!tpu.dma_semaphore, #tpu.memory_space<semaphore_mem>>)
    %dma_start3A_372 = arith.constant 0 : i32
    %dma_start3A_373 = arith.constant 0 : i32
    %dma_start3A_374 = tpu.memref_slice %arg33[%dma_start3A_372, %dma_start3A_373] : memref<2000x128xf32, #tpu.memory_space<hbm>> -> memref<2000x128xf32, #tpu.memory_space<hbm>>
    tpu.enqueue_indirect_dma source(%dma_start3A_374 : memref<2000x128xf32, #tpu.memory_space<hbm>>) target(%arg16 : memref<80x128xf32, #tpu.memory_space<vmem>>) offsets(%arg21 : memref<80xi32, #tpu.memory_space<vmem>>) semaphore(%arg36 : memref<!tpu.dma_semaphore, #tpu.memory_space<semaphore_mem>>)
    %dma_start3A_375 = arith.constant 0 : i32
    %dma_start3A_376 = arith.constant 0 : i32
    %dma_start3A_377 = tpu.memref_slice %arg35[%dma_start3A_375, %dma_start3A_376] : memref<200000x128xf32, #tpu.memory_space<hbm>> -> memref<200000x128xf32, #tpu.memory_space<hbm>>
    tpu.enqueue_indirect_dma source(%dma_start3A_377 : memref<200000x128xf32, #tpu.memory_space<hbm>>) target(%arg17 : memref<80x128xf32, #tpu.memory_space<vmem>>) offsets(%arg19 : memref<80xi32, #tpu.memory_space<vmem>>) semaphore(%arg36 : memref<!tpu.dma_semaphore, #tpu.memory_space<semaphore_mem>>)
    %dma_start3A_378 = arith.constant 0 : i32
    %dma_start3A_379 = arith.constant 0 : i32
    %dma_start3A_380 = tpu.memref_slice %arg34[%dma_start3A_378, %dma_start3A_379] : memref<20000x128xf32, #tpu.memory_space<hbm>> -> memref<20000x128xf32, #tpu.memory_space<hbm>>
    tpu.enqueue_indirect_dma source(%dma_start3A_380 : memref<20000x128xf32, #tpu.memory_space<hbm>>) target(%arg18 : memref<80x128xf32, #tpu.memory_space<vmem>>) offsets(%arg20 : memref<80xi32, #tpu.memory_space<vmem>>) semaphore(%arg36 : memref<!tpu.dma_semaphore, #tpu.memory_space<semaphore_mem>>)
    %scan3A_381 = arith.constant 0 : i32
    %scan3A_382 = arith.constant 0 : i32
    %scan3A_383 = arith.constant 5 : i32
    %scan3A_384 = arith.addi %scan3A_382, %scan3A_383 : i32
    %scan3A_385 = arith.constant 1 : i32
    scf.for %scan3A_407 = %scan3A_382 to %scan3A_384 step %scan3A_385  : i32 {
      %mul3A_408 = arith.constant 16 : i32
      %mul3A_409 = arith.muli %scan3A_407, %mul3A_408 : i32
      %add3A_410 = arith.constant 80 : i32
      %add3A_411 = arith.addi %add3A_410, %mul3A_409 : i32
      %get3A = arith.index_cast %add3A_411 : i32 to index
      %get3A_412 = tpu.vector_load %arg12[%get3A] {strides = array<i32>} : memref<6400xi32, #tpu.memory_space<vmem>>, vector<16xi32>,
      %mul3A_413 = arith.constant 1000 : i32
      %mul3A_414 = arith.muli %arg0, %mul3A_413 : i32
      %add3A_415 = vector.broadcast %mul3A_414 : i32 to vector<16xi32>
      %add3A_416 = arith.addi %get3A_412, %add3A_415 : vector<16xi32>
      %mul3A_417 = arith.constant 16 : i32
      %mul3A_418 = arith.muli %scan3A_407, %mul3A_417 : i32
      %swap3A = arith.index_cast %mul3A_418 : i32 to index
      %swap3A_419 = tpu.vector_load %arg28[%swap3A] {strides = array<i32>} : memref<80xi32, #tpu.memory_space<vmem>>, vector<16xi32>,
      tpu.vector_store %arg28[%swap3A], %add3A_416 {strides = array<i32>} : memref<80xi32, #tpu.memory_space<vmem>>, vector<16xi32>,
      %mul3A_420 = arith.constant 16 : i32
      %mul3A_421 = arith.muli %scan3A_407, %mul3A_420 : i32
      %add3A_422 = arith.constant 80 : i32
      %add3A_423 = arith.addi %add3A_422, %mul3A_421 : i32
      %get3A_424 = arith.index_cast %add3A_423 : i32 to index
      %get3A_425 = tpu.vector_load %arg14[%get3A_424] {strides = array<i32>} : memref<6400xi32, #tpu.memory_space<vmem>>, vector<16xi32>,
      %mul3A_426 = arith.constant 10000 : i32
      %mul3A_427 = arith.muli %arg0, %mul3A_426 : i32
      %add3A_428 = vector.broadcast %mul3A_427 : i32 to vector<16xi32>
      %add3A_429 = arith.addi %get3A_425, %add3A_428 : vector<16xi32>
      %mul3A_430 = arith.constant 16 : i32
      %mul3A_431 = arith.muli %scan3A_407, %mul3A_430 : i32
      %swap3A_432 = arith.index_cast %mul3A_431 : i32 to index
      %swap3A_433 = tpu.vector_load %arg27[%swap3A_432] {strides = array<i32>} : memref<80xi32, #tpu.memory_space<vmem>>, vector<16xi32>,
      tpu.vector_store %arg27[%swap3A_432], %add3A_429 {strides = array<i32>} : memref<80xi32, #tpu.memory_space<vmem>>, vector<16xi32>,
      %mul3A_434 = arith.constant 16 : i32
      %mul3A_435 = arith.muli %scan3A_407, %mul3A_434 : i32
      %add3A_436 = arith.constant 80 : i32
      %add3A_437 = arith.addi %add3A_436, %mul3A_435 : i32
      %get3A_438 = arith.index_cast %add3A_437 : i32 to index
      %get3A_439 = tpu.vector_load %arg13[%get3A_438] {strides = array<i32>} : memref<6400xi32, #tpu.memory_space<vmem>>, vector<16xi32>,
      %mul3A_440 = arith.constant 100000 : i32
      %mul3A_441 = arith.muli %arg0, %mul3A_440 : i32
      %add3A_442 = vector.broadcast %mul3A_441 : i32 to vector<16xi32>
      %add3A_443 = arith.addi %get3A_439, %add3A_442 : vector<16xi32>
      %mul3A_444 = arith.constant 16 : i32
      %mul3A_445 = arith.muli %scan3A_407, %mul3A_444 : i32
      %swap3A_446 = arith.index_cast %mul3A_445 : i32 to index
      %swap3A_447 = tpu.vector_load %arg26[%swap3A_446] {strides = array<i32>} : memref<80xi32, #tpu.memory_space<vmem>>, vector<16xi32>,
      tpu.vector_store %arg26[%swap3A_446], %add3A_443 {strides = array<i32>} : memref<80xi32, #tpu.memory_space<vmem>>, vector<16xi32>,
    }
    %scan3A_386 = arith.constant 5 : i32
    %dma_start3A_387 = arith.constant 80 : i32
    %dma_start3A_388 = tpu.memref_slice %arg11[%dma_start3A_387] : memref<6400xi32, #tpu.memory_space<vmem>> -> memref<80xi32, #tpu.memory_space<vmem>>
    %dma_start3A_389 = arith.constant 0 : i32
    %dma_start3A_390 = arith.constant 0 : i32
    %dma_start3A_391 = tpu.memref_slice %arg6[%dma_start3A_389, %dma_start3A_390] : memref<100000x128xf32, #tpu.memory_space<hbm>> -> memref<100000x128xf32, #tpu.memory_space<hbm>>
    tpu.enqueue_indirect_dma source(%dma_start3A_391 : memref<100000x128xf32, #tpu.memory_space<hbm>>) target(%arg22 : memref<80x128xf32, #tpu.memory_space<vmem>>) offsets(%dma_start3A_388 : memref<80xi32, #tpu.memory_space<vmem>>) semaphore(%arg37 : memref<!tpu.dma_semaphore, #tpu.memory_space<semaphore_mem>>)
    %dma_start3A_392 = arith.constant 0 : i32
    %dma_start3A_393 = arith.constant 0 : i32
    %dma_start3A_394 = tpu.memref_slice %arg33[%dma_start3A_392, %dma_start3A_393] : memref<2000x128xf32, #tpu.memory_space<hbm>> -> memref<2000x128xf32, #tpu.memory_space<hbm>>
    tpu.enqueue_indirect_dma source(%dma_start3A_394 : memref<2000x128xf32, #tpu.memory_space<hbm>>) target(%arg23 : memref<80x128xf32, #tpu.memory_space<vmem>>) offsets(%arg28 : memref<80xi32, #tpu.memory_space<vmem>>) semaphore(%arg37 : memref<!tpu.dma_semaphore, #tpu.memory_space<semaphore_mem>>)
    %dma_start3A_395 = arith.constant 0 : i32
    %dma_start3A_396 = arith.constant 0 : i32
    %dma_start3A_397 = tpu.memref_slice %arg35[%dma_start3A_395, %dma_start3A_396] : memref<200000x128xf32, #tpu.memory_space<hbm>> -> memref<200000x128xf32, #tpu.memory_space<hbm>>
    tpu.enqueue_indirect_dma source(%dma_start3A_397 : memref<200000x128xf32, #tpu.memory_space<hbm>>) target(%arg24 : memref<80x128xf32, #tpu.memory_space<vmem>>) offsets(%arg26 : memref<80xi32, #tpu.memory_space<vmem>>) semaphore(%arg37 : memref<!tpu.dma_semaphore, #tpu.memory_space<semaphore_mem>>)
    %dma_start3A_398 = arith.constant 0 : i32
    %dma_start3A_399 = arith.constant 0 : i32
    %dma_start3A_400 = tpu.memref_slice %arg34[%dma_start3A_398, %dma_start3A_399] : memref<20000x128xf32, #tpu.memory_space<hbm>> -> memref<20000x128xf32, #tpu.memory_space<hbm>>
    tpu.enqueue_indirect_dma source(%dma_start3A_400 : memref<20000x128xf32, #tpu.memory_space<hbm>>) target(%arg25 : memref<80x128xf32, #tpu.memory_space<vmem>>) offsets(%arg27 : memref<80xi32, #tpu.memory_space<vmem>>) semaphore(%arg37 : memref<!tpu.dma_semaphore, #tpu.memory_space<semaphore_mem>>)
    %scan3A_401 = arith.constant 0 : i32
    %scan3A_402 = arith.constant 0 : i32
    %scan3A_403 = arith.constant 40 : i32
    %scan3A_404 = arith.addi %scan3A_402, %scan3A_403 : i32
    %scan3A_405 = arith.constant 1 : i32
    scf.for %scan3A_407 = %scan3A_402 to %scan3A_404 step %scan3A_405  : i32 {
      %mul3A_408 = arith.constant 2 : i32
      %mul3A_409 = arith.muli %mul3A_408, %scan3A_407 : i32
      %add3A_410 = arith.constant 1 : i32
      %add3A_411 = arith.addi %mul3A_409, %add3A_410 : i32
      %mul3A_412 = arith.constant 80 : i32
      %mul3A_413 = arith.muli %mul3A_409, %mul3A_412 : i32
      %dma_wait3A = tpu.memref_slice %arg11[%mul3A_413] : memref<6400xi32, #tpu.memory_space<vmem>> -> memref<80xi32, #tpu.memory_space<vmem>>
      %dma_wait3A_414 = arith.constant 0 : i32
      %dma_wait3A_415 = arith.constant 0 : i32
      %dma_wait3A_416 = tpu.memref_slice %arg6[%dma_wait3A_414, %dma_wait3A_415] : memref<100000x128xf32, #tpu.memory_space<hbm>> -> memref<100000x128xf32, #tpu.memory_space<hbm>>
      tpu.wait_indirect_dma semaphore(%arg36 : memref<!tpu.dma_semaphore, #tpu.memory_space<semaphore_mem>>) src(%dma_wait3A_416 : memref<100000x128xf32, #tpu.memory_space<hbm>>) dst(%arg15 : memref<80x128xf32, #tpu.memory_space<vmem>>)
      %dma_wait3A_417 = arith.constant 0 : i32
      %dma_wait3A_418 = arith.constant 0 : i32
      %dma_wait3A_419 = tpu.memref_slice %arg33[%dma_wait3A_417, %dma_wait3A_418] : memref<2000x128xf32, #tpu.memory_space<hbm>> -> memref<2000x128xf32, #tpu.memory_space<hbm>>
      tpu.wait_indirect_dma semaphore(%arg36 : memref<!tpu.dma_semaphore, #tpu.memory_space<semaphore_mem>>) src(%dma_wait3A_419 : memref<2000x128xf32, #tpu.memory_space<hbm>>) dst(%arg16 : memref<80x128xf32, #tpu.memory_space<vmem>>)
      %dma_wait3A_420 = arith.constant 0 : i32
      %dma_wait3A_421 = arith.constant 0 : i32
      %dma_wait3A_422 = tpu.memref_slice %arg35[%dma_wait3A_420, %dma_wait3A_421] : memref<200000x128xf32, #tpu.memory_space<hbm>> -> memref<200000x128xf32, #tpu.memory_space<hbm>>
      tpu.wait_indirect_dma semaphore(%arg36 : memref<!tpu.dma_semaphore, #tpu.memory_space<semaphore_mem>>) src(%dma_wait3A_422 : memref<200000x128xf32, #tpu.memory_space<hbm>>) dst(%arg17 : memref<80x128xf32, #tpu.memory_space<vmem>>)
      %dma_wait3A_423 = arith.constant 0 : i32
      %dma_wait3A_424 = arith.constant 0 : i32
      %dma_wait3A_425 = tpu.memref_slice %arg34[%dma_wait3A_423, %dma_wait3A_424] : memref<20000x128xf32, #tpu.memory_space<hbm>> -> memref<20000x128xf32, #tpu.memory_space<hbm>>
      tpu.wait_indirect_dma semaphore(%arg36 : memref<!tpu.dma_semaphore, #tpu.memory_space<semaphore_mem>>) src(%dma_wait3A_425 : memref<20000x128xf32, #tpu.memory_space<hbm>>) dst(%arg18 : memref<80x128xf32, #tpu.memory_space<vmem>>)
      %mul3A_426 = arith.constant 80 : i32
      %mul3A_427 = arith.muli %mul3A_409, %mul3A_426 : i32
      %scan3A_428 = arith.constant 0 : i32
      %scan3A_429 = arith.constant 0 : i32
      %scan3A_430 = arith.constant 80 : i32
      %scan3A_431 = arith.addi %scan3A_429, %scan3A_430 : i32
      %scan3A_432 = arith.constant 1 : i32
      scf.for %scan3A_667 = %scan3A_429 to %scan3A_431 step %scan3A_432  : i32 {
        %get3A_668 = arith.index_cast %scan3A_667 : i32 to index
        %get3A_669 = arith.constant 0 : index
        %get3A_670 = tpu.vector_load %arg17[%get3A_668, %get3A_669] {strides = array<i32>} : memref<80x128xf32, #tpu.memory_space<vmem>>, vector<16xf32>,
        %swap3A = arith.index_cast %scan3A_667 : i32 to index
        %swap3A_671 = arith.constant 32 : index
        %swap3A_672 = tpu.vector_load %arg16[%swap3A, %swap3A_671] {strides = array<i32>} : memref<80x128xf32, #tpu.memory_space<vmem>>, vector<16xf32>,
        tpu.vector_store %arg16[%swap3A, %swap3A_671], %get3A_670 {strides = array<i32>} : memref<80x128xf32, #tpu.memory_space<vmem>>, vector<16xf32>,
        %get3A_673 = arith.index_cast %scan3A_667 : i32 to index
        %get3A_674 = arith.constant 16 : index
        %get3A_675 = tpu.vector_load %arg17[%get3A_673, %get3A_674] {strides = array<i32>} : memref<80x128xf32, #tpu.memory_space<vmem>>, vector<16xf32>,
        %swap3A_676 = arith.index_cast %scan3A_667 : i32 to index
        %swap3A_677 = arith.constant 48 : index
        %swap3A_678 = tpu.vector_load %arg16[%swap3A_676, %swap3A_677] {strides = array<i32>} : memref<80x128xf32, #tpu.memory_space<vmem>>, vector<16xf32>,
        tpu.vector_store %arg16[%swap3A_676, %swap3A_677], %get3A_675 {strides = array<i32>} : memref<80x128xf32, #tpu.memory_space<vmem>>, vector<16xf32>,
        %get3A_679 = arith.index_cast %scan3A_667 : i32 to index
        %get3A_680 = arith.constant 32 : index
        %get3A_681 = tpu.vector_load %arg17[%get3A_679, %get3A_680] {strides = array<i32>} : memref<80x128xf32, #tpu.memory_space<vmem>>, vector<16xf32>,
        %swap3A_682 = arith.index_cast %scan3A_667 : i32 to index
        %swap3A_683 = arith.constant 64 : index
        %swap3A_684 = tpu.vector_load %arg16[%swap3A_682, %swap3A_683] {strides = array<i32>} : memref<80x128xf32, #tpu.memory_space<vmem>>, vector<16xf32>,
        tpu.vector_store %arg16[%swap3A_682, %swap3A_683], %get3A_681 {strides = array<i32>} : memref<80x128xf32, #tpu.memory_space<vmem>>, vector<16xf32>,
        %get3A_685 = arith.index_cast %scan3A_667 : i32 to index
        %get3A_686 = arith.constant 48 : index
        %get3A_687 = tpu.vector_load %arg17[%get3A_685, %get3A_686] {strides = array<i32>} : memref<80x128xf32, #tpu.memory_space<vmem>>, vector<16xf32>,
        %swap3A_688 = arith.index_cast %scan3A_667 : i32 to index
        %swap3A_689 = arith.constant 80 : index
        %swap3A_690 = tpu.vector_load %arg16[%swap3A_688, %swap3A_689] {strides = array<i32>} : memref<80x128xf32, #tpu.memory_space<vmem>>, vector<16xf32>,
        tpu.vector_store %arg16[%swap3A_688, %swap3A_689], %get3A_687 {strides = array<i32>} : memref<80x128xf32, #tpu.memory_space<vmem>>, vector<16xf32>,
        %get3A_691 = arith.index_cast %scan3A_667 : i32 to index
        %get3A_692 = arith.constant 0 : index
        %get3A_693 = tpu.vector_load %arg18[%get3A_691, %get3A_692] {strides = array<i32>} : memref<80x128xf32, #tpu.memory_space<vmem>>, vector<16xf32>,
        %swap3A_694 = arith.index_cast %scan3A_667 : i32 to index
        %swap3A_695 = arith.constant 96 : index
        %swap3A_696 = tpu.vector_load %arg16[%swap3A_694, %swap3A_695] {strides = array<i32>} : memref<80x128xf32, #tpu.memory_space<vmem>>, vector<16xf32>,
        tpu.vector_store %arg16[%swap3A_694, %swap3A_695], %get3A_693 {strides = array<i32>} : memref<80x128xf32, #tpu.memory_space<vmem>>, vector<16xf32>,
        %get3A_697 = arith.index_cast %scan3A_667 : i32 to index
        %get3A_698 = arith.constant 16 : index
        %get3A_699 = tpu.vector_load %arg18[%get3A_697, %get3A_698] {strides = array<i32>} : memref<80x128xf32, #tpu.memory_space<vmem>>, vector<16xf32>,
        %swap3A_700 = arith.index_cast %scan3A_667 : i32 to index
        %swap3A_701 = arith.constant 112 : index
        %swap3A_702 = tpu.vector_load %arg16[%swap3A_700, %swap3A_701] {strides = array<i32>} : memref<80x128xf32, #tpu.memory_space<vmem>>, vector<16xf32>,
        tpu.vector_store %arg16[%swap3A_700, %swap3A_701], %get3A_699 {strides = array<i32>} : memref<80x128xf32, #tpu.memory_space<vmem>>, vector<16xf32>,
      }
      %scan3A_433 = arith.constant 80 : i32
      %broadcast_in_dim3A_434 = arith.constant 0 : i32
      %broadcast_in_dim3A_435 = vector.broadcast %broadcast_in_dim3A_434 : i32 to vector<16xi32>
      %add3A_436 = arith.constant 0 : i32
      %add3A_437 = arith.addi %mul3A_427, %add3A_436 : i32
      %get3A = arith.index_cast %add3A_437 : i32 to index
      %get3A_438 = tpu.vector_load %arg11[%get3A] {strides = array<i32>} : memref<6400xi32, #tpu.memory_space<vmem>>, vector<16xi32>,
      %eq3A = arith.constant 0 : i32
      %eq3A_439 = vector.broadcast %eq3A : i32 to vector<16xi32>
      %eq3A_440 = arith.cmpi eq, %get3A_438, %eq3A_439 : vector<16xi32>
      %jit3A_441 = arith.constant 1 : i32
      %jit3A_442 = arith.constant 0 : i32
      %broadcast_in_dim3A_443 = vector.broadcast %jit3A_441 : i32 to vector<16xi32>
      %broadcast_in_dim3A_444 = vector.broadcast %jit3A_442 : i32 to vector<16xi32>
      %select_n3A_445 = arith.select %eq3A_440, %broadcast_in_dim3A_443, %broadcast_in_dim3A_444 : vector<16xi1>, vector<16xi32>
      %or3A = arith.ori %broadcast_in_dim3A_435, %select_n3A_445 : vector<16xi32>
      %add3A_446 = arith.constant 16 : i32
      %add3A_447 = arith.addi %mul3A_427, %add3A_446 : i32
      %get3A_448 = arith.index_cast %add3A_447 : i32 to index
      %get3A_449 = tpu.vector_load %arg11[%get3A_448] {strides = array<i32>} : memref<6400xi32, #tpu.memory_space<vmem>>, vector<16xi32>,
      %eq3A_450 = arith.constant 0 : i32
      %eq3A_451 = vector.broadcast %eq3A_450 : i32 to vector<16xi32>
      %eq3A_452 = arith.cmpi eq, %get3A_449, %eq3A_451 : vector<16xi32>
      %jit3A_453 = arith.constant 1 : i32
      %jit3A_454 = arith.constant 0 : i32
      %broadcast_in_dim3A_455 = vector.broadcast %jit3A_453 : i32 to vector<16xi32>
      %broadcast_in_dim3A_456 = vector.broadcast %jit3A_454 : i32 to vector<16xi32>
      %select_n3A_457 = arith.select %eq3A_452, %broadcast_in_dim3A_455, %broadcast_in_dim3A_456 : vector<16xi1>, vector<16xi32>
      %or3A_458 = arith.ori %or3A, %select_n3A_457 : vector<16xi32>
      %add3A_459 = arith.constant 32 : i32
      %add3A_460 = arith.addi %mul3A_427, %add3A_459 : i32
      %get3A_461 = arith.index_cast %add3A_460 : i32 to index
      %get3A_462 = tpu.vector_load %arg11[%get3A_461] {strides = array<i32>} : memref<6400xi32, #tpu.memory_space<vmem>>, vector<16xi32>,
      %eq3A_463 = arith.constant 0 : i32
      %eq3A_464 = vector.broadcast %eq3A_463 : i32 to vector<16xi32>
      %eq3A_465 = arith.cmpi eq, %get3A_462, %eq3A_464 : vector<16xi32>
      %jit3A_466 = arith.constant 1 : i32
      %jit3A_467 = arith.constant 0 : i32
      %broadcast_in_dim3A_468 = vector.broadcast %jit3A_466 : i32 to vector<16xi32>
      %broadcast_in_dim3A_469 = vector.broadcast %jit3A_467 : i32 to vector<16xi32>
      %select_n3A_470 = arith.select %eq3A_465, %broadcast_in_dim3A_468, %broadcast_in_dim3A_469 : vector<16xi1>, vector<16xi32>
      %or3A_471 = arith.ori %or3A_458, %select_n3A_470 : vector<16xi32>
      %add3A_472 = arith.constant 48 : i32
      %add3A_473 = arith.addi %mul3A_427, %add3A_472 : i32
      %get3A_474 = arith.index_cast %add3A_473 : i32 to index
      %get3A_475 = tpu.vector_load %arg11[%get3A_474] {strides = array<i32>} : memref<6400xi32, #tpu.memory_space<vmem>>, vector<16xi32>,
      %eq3A_476 = arith.constant 0 : i32
      %eq3A_477 = vector.broadcast %eq3A_476 : i32 to vector<16xi32>
      %eq3A_478 = arith.cmpi eq, %get3A_475, %eq3A_477 : vector<16xi32>
      %jit3A_479 = arith.constant 1 : i32
      %jit3A_480 = arith.constant 0 : i32
      %broadcast_in_dim3A_481 = vector.broadcast %jit3A_479 : i32 to vector<16xi32>
      %broadcast_in_dim3A_482 = vector.broadcast %jit3A_480 : i32 to vector<16xi32>
      %select_n3A_483 = arith.select %eq3A_478, %broadcast_in_dim3A_481, %broadcast_in_dim3A_482 : vector<16xi1>, vector<16xi32>
      %or3A_484 = arith.ori %or3A_471, %select_n3A_483 : vector<16xi32>
      %add3A_485 = arith.constant 64 : i32
      %add3A_486 = arith.addi %mul3A_427, %add3A_485 : i32
      %get3A_487 = arith.index_cast %add3A_486 : i32 to index
      %get3A_488 = tpu.vector_load %arg11[%get3A_487] {strides = array<i32>} : memref<6400xi32, #tpu.memory_space<vmem>>, vector<16xi32>,
      %eq3A_489 = arith.constant 0 : i32
      %eq3A_490 = vector.broadcast %eq3A_489 : i32 to vector<16xi32>
      %eq3A_491 = arith.cmpi eq, %get3A_488, %eq3A_490 : vector<16xi32>
      %jit3A_492 = arith.constant 1 : i32
      %jit3A_493 = arith.constant 0 : i32
      %broadcast_in_dim3A_494 = vector.broadcast %jit3A_492 : i32 to vector<16xi32>
      %broadcast_in_dim3A_495 = vector.broadcast %jit3A_493 : i32 to vector<16xi32>
      %select_n3A_496 = arith.select %eq3A_491, %broadcast_in_dim3A_494, %broadcast_in_dim3A_495 : vector<16xi1>, vector<16xi32>
      %or3A_497 = arith.ori %or3A_484, %select_n3A_496 : vector<16xi32>
      %reduce_max3A = arith.constant true
      %reduce_max3A_498 = vector.broadcast %reduce_max3A : i1 to vector<16xi1>
      %reduce_max3A_499 = arith.constant -2147483648 : i32
      %reduce_max3A_500 = vector.broadcast %reduce_max3A_499 : i32 to vector<16xi32>
      %reduce_max3A_501 = arith.xori %or3A_497, %reduce_max3A_500 : vector<16xi32>
      %reduce_max3A_502 = tpu.scan <max>, %reduce_max3A_501 masked %reduce_max3A_498 : vector<16xi32>, vector<16xi1> -> vector<16xi32>
      %reduce_max3A_503 = arith.xori %reduce_max3A_502, %reduce_max3A_500 : vector<16xi32>
      %reduce_max3A_504 = vector.extract %reduce_max3A_503[15] : i32 from vector<16xi32>
      %gt3A_505 = arith.constant 0 : i32
      %gt3A_506 = arith.cmpi sgt, %reduce_max3A_504, %gt3A_505 : i32
      %convert_element_type3A_507 = arith.extui %gt3A_506 : i1 to i32
      %cond3A_508 = arith.constant 0 : i32
      %cond3A_509 = arith.cmpi ne, %convert_element_type3A_507, %cond3A_508 : i32
      scf.if %cond3A_509 {
        %scan3A_667 = arith.constant 0 : i32
        %scan3A_668 = arith.constant 0 : i32
        %scan3A_669 = arith.constant 5 : i32
        %scan3A_670 = arith.addi %scan3A_668, %scan3A_669 : i32
        %scan3A_671 = arith.constant 1 : i32
        scf.for %scan3A_673 = %scan3A_668 to %scan3A_670 step %scan3A_671  : i32 {
          %mul3A_674 = arith.constant 16 : i32
          %mul3A_675 = arith.muli %scan3A_673, %mul3A_674 : i32
          %add3A_676 = arith.addi %mul3A_427, %mul3A_675 : i32
          %get3A_677 = arith.index_cast %add3A_676 : i32 to index
          %get3A_678 = tpu.vector_load %arg11[%get3A_677] {strides = array<i32>} : memref<6400xi32, #tpu.memory_space<vmem>>, vector<16xi32>,
          %eq3A_679 = arith.constant 0 : i32
          %eq3A_680 = vector.broadcast %eq3A_679 : i32 to vector<16xi32>
          %eq3A_681 = arith.cmpi eq, %get3A_678, %eq3A_680 : vector<16xi32>
          %iota3A = tpu.iota {dimensions = array<i32: 0>} : vector<16xi32>
          %mul3A_682 = arith.constant 16 : i32
          %mul3A_683 = arith.muli %scan3A_673, %mul3A_682 : i32
          %add3A_684 = vector.broadcast %mul3A_683 : i32 to vector<16xi32>
          %add3A_685 = arith.addi %iota3A, %add3A_684 : vector<16xi32>
          %broadcast_in_dim3A_686 = arith.constant 0.000000e+00 : f32
          %broadcast_in_dim3A_687 = vector.broadcast %broadcast_in_dim3A_686 : f32 to vector<16xf32>
          %broadcast_in_dim3A_688 = arith.constant 0 : i32
          %broadcast_in_dim3A_689 = vector.broadcast %broadcast_in_dim3A_688 : i32 to vector<16xi32>
          tpu.vector_store_idx %arg15[%add3A_685, %broadcast_in_dim3A_689], %broadcast_in_dim3A_687 masked %eq3A_681 : memref<80x128xf32, #tpu.memory_space<vmem>>[vector<16xi32>, vector<16xi32>], vector<16xf32>, vector<16xi1>
          %broadcast_in_dim3A_690 = arith.constant 1 : i32
          %broadcast_in_dim3A_691 = vector.broadcast %broadcast_in_dim3A_690 : i32 to vector<16xi32>
          tpu.vector_store_idx %arg15[%add3A_685, %broadcast_in_dim3A_691], %broadcast_in_dim3A_687 masked %eq3A_681 : memref<80x128xf32, #tpu.memory_space<vmem>>[vector<16xi32>, vector<16xi32>], vector<16xf32>, vector<16xi1>
          %broadcast_in_dim3A_692 = arith.constant 2 : i32
          %broadcast_in_dim3A_693 = vector.broadcast %broadcast_in_dim3A_692 : i32 to vector<16xi32>
          tpu.vector_store_idx %arg15[%add3A_685, %broadcast_in_dim3A_693], %broadcast_in_dim3A_687 masked %eq3A_681 : memref<80x128xf32, #tpu.memory_space<vmem>>[vector<16xi32>, vector<16xi32>], vector<16xf32>, vector<16xi1>
          %broadcast_in_dim3A_694 = arith.constant 3 : i32
          %broadcast_in_dim3A_695 = vector.broadcast %broadcast_in_dim3A_694 : i32 to vector<16xi32>
          tpu.vector_store_idx %arg15[%add3A_685, %broadcast_in_dim3A_695], %broadcast_in_dim3A_687 masked %eq3A_681 : memref<80x128xf32, #tpu.memory_space<vmem>>[vector<16xi32>, vector<16xi32>], vector<16xf32>, vector<16xi1>
          %broadcast_in_dim3A_696 = arith.constant 4 : i32
          %broadcast_in_dim3A_697 = vector.broadcast %broadcast_in_dim3A_696 : i32 to vector<16xi32>
          tpu.vector_store_idx %arg15[%add3A_685, %broadcast_in_dim3A_697], %broadcast_in_dim3A_687 masked %eq3A_681 : memref<80x128xf32, #tpu.memory_space<vmem>>[vector<16xi32>, vector<16xi32>], vector<16xf32>, vector<16xi1>
          %broadcast_in_dim3A_698 = arith.constant 5 : i32
          %broadcast_in_dim3A_699 = vector.broadcast %broadcast_in_dim3A_698 : i32 to vector<16xi32>
          tpu.vector_store_idx %arg15[%add3A_685, %broadcast_in_dim3A_699], %broadcast_in_dim3A_687 masked %eq3A_681 : memref<80x128xf32, #tpu.memory_space<vmem>>[vector<16xi32>, vector<16xi32>], vector<16xf32>, vector<16xi1>
          %broadcast_in_dim3A_700 = arith.constant 6 : i32
          %broadcast_in_dim3A_701 = vector.broadcast %broadcast_in_dim3A_700 : i32 to vector<16xi32>
          tpu.vector_store_idx %arg15[%add3A_685, %broadcast_in_dim3A_701], %broadcast_in_dim3A_687 masked %eq3A_681 : memref<80x128xf32, #tpu.memory_space<vmem>>[vector<16xi32>, vector<16xi32>], vector<16xf32>, vector<16xi1>
          %broadcast_in_dim3A_702 = arith.constant 7 : i32
          %broadcast_in_dim3A_703 = vector.broadcast %broadcast_in_dim3A_702 : i32 to vector<16xi32>
          tpu.vector_store_idx %arg15[%add3A_685, %broadcast_in_dim3A_703], %broadcast_in_dim3A_687 masked %eq3A_681 : memref<80x128xf32, #tpu.memory_space<vmem>>[vector<16xi32>, vector<16xi32>], vector<16xf32>, vector<16xi1>
          %broadcast_in_dim3A_704 = arith.constant 8 : i32
          %broadcast_in_dim3A_705 = vector.broadcast %broadcast_in_dim3A_704 : i32 to vector<16xi32>
          tpu.vector_store_idx %arg15[%add3A_685, %broadcast_in_dim3A_705], %broadcast_in_dim3A_687 masked %eq3A_681 : memref<80x128xf32, #tpu.memory_space<vmem>>[vector<16xi32>, vector<16xi32>], vector<16xf32>, vector<16xi1>
          %broadcast_in_dim3A_706 = arith.constant 9 : i32
          %broadcast_in_dim3A_707 = vector.broadcast %broadcast_in_dim3A_706 : i32 to vector<16xi32>
          tpu.vector_store_idx %arg15[%add3A_685, %broadcast_in_dim3A_707], %broadcast_in_dim3A_687 masked %eq3A_681 : memref<80x128xf32, #tpu.memory_space<vmem>>[vector<16xi32>, vector<16xi32>], vector<16xf32>, vector<16xi1>
          %broadcast_in_dim3A_708 = arith.constant 10 : i32
          %broadcast_in_dim3A_709 = vector.broadcast %broadcast_in_dim3A_708 : i32 to vector<16xi32>
          tpu.vector_store_idx %arg15[%add3A_685, %broadcast_in_dim3A_709], %broadcast_in_dim3A_687 masked %eq3A_681 : memref<80x128xf32, #tpu.memory_space<vmem>>[vector<16xi32>, vector<16xi32>], vector<16xf32>, vector<16xi1>
          %broadcast_in_dim3A_710 = arith.constant 11 : i32
          %broadcast_in_dim3A_711 = vector.broadcast %broadcast_in_dim3A_710 : i32 to vector<16xi32>
          tpu.vector_store_idx %arg15[%add3A_685, %broadcast_in_dim3A_711], %broadcast_in_dim3A_687 masked %eq3A_681 : memref<80x128xf32, #tpu.memory_space<vmem>>[vector<16xi32>, vector<16xi32>], vector<16xf32>, vector<16xi1>
          %broadcast_in_dim3A_712 = arith.constant 12 : i32
          %broadcast_in_dim3A_713 = vector.broadcast %broadcast_in_dim3A_712 : i32 to vector<16xi32>
          tpu.vector_store_idx %arg15[%add3A_685, %broadcast_in_dim3A_713], %broadcast_in_dim3A_687 masked %eq3A_681 : memref<80x128xf32, #tpu.memory_space<vmem>>[vector<16xi32>, vector<16xi32>], vector<16xf32>, vector<16xi1>
          %broadcast_in_dim3A_714 = arith.constant 13 : i32
          %broadcast_in_dim3A_715 = vector.broadcast %broadcast_in_dim3A_714 : i32 to vector<16xi32>
          tpu.vector_store_idx %arg15[%add3A_685, %broadcast_in_dim3A_715], %broadcast_in_dim3A_687 masked %eq3A_681 : memref<80x128xf32, #tpu.memory_space<vmem>>[vector<16xi32>, vector<16xi32>], vector<16xf32>, vector<16xi1>
          %broadcast_in_dim3A_716 = arith.constant 14 : i32
          %broadcast_in_dim3A_717 = vector.broadcast %broadcast_in_dim3A_716 : i32 to vector<16xi32>
          tpu.vector_store_idx %arg15[%add3A_685, %broadcast_in_dim3A_717], %broadcast_in_dim3A_687 masked %eq3A_681 : memref<80x128xf32, #tpu.memory_space<vmem>>[vector<16xi32>, vector<16xi32>], vector<16xf32>, vector<16xi1>
          %broadcast_in_dim3A_718 = arith.constant 15 : i32
          %broadcast_in_dim3A_719 = vector.broadcast %broadcast_in_dim3A_718 : i32 to vector<16xi32>
          tpu.vector_store_idx %arg15[%add3A_685, %broadcast_in_dim3A_719], %broadcast_in_dim3A_687 masked %eq3A_681 : memref<80x128xf32, #tpu.memory_space<vmem>>[vector<16xi32>, vector<16xi32>], vector<16xf32>, vector<16xi1>
          %broadcast_in_dim3A_720 = arith.constant 16 : i32
          %broadcast_in_dim3A_721 = vector.broadcast %broadcast_in_dim3A_720 : i32 to vector<16xi32>
          tpu.vector_store_idx %arg15[%add3A_685, %broadcast_in_dim3A_721], %broadcast_in_dim3A_687 masked %eq3A_681 : memref<80x128xf32, #tpu.memory_space<vmem>>[vector<16xi32>, vector<16xi32>], vector<16xf32>, vector<16xi1>
          %broadcast_in_dim3A_722 = arith.constant 17 : i32
          %broadcast_in_dim3A_723 = vector.broadcast %broadcast_in_dim3A_722 : i32 to vector<16xi32>
          tpu.vector_store_idx %arg15[%add3A_685, %broadcast_in_dim3A_723], %broadcast_in_dim3A_687 masked %eq3A_681 : memref<80x128xf32, #tpu.memory_space<vmem>>[vector<16xi32>, vector<16xi32>], vector<16xf32>, vector<16xi1>
          %broadcast_in_dim3A_724 = arith.constant 18 : i32
          %broadcast_in_dim3A_725 = vector.broadcast %broadcast_in_dim3A_724 : i32 to vector<16xi32>
          tpu.vector_store_idx %arg15[%add3A_685, %broadcast_in_dim3A_725], %broadcast_in_dim3A_687 masked %eq3A_681 : memref<80x128xf32, #tpu.memory_space<vmem>>[vector<16xi32>, vector<16xi32>], vector<16xf32>, vector<16xi1>
          %broadcast_in_dim3A_726 = arith.constant 19 : i32
          %broadcast_in_dim3A_727 = vector.broadcast %broadcast_in_dim3A_726 : i32 to vector<16xi32>
          tpu.vector_store_idx %arg15[%add3A_685, %broadcast_in_dim3A_727], %broadcast_in_dim3A_687 masked %eq3A_681 : memref<80x128xf32, #tpu.memory_space<vmem>>[vector<16xi32>, vector<16xi32>], vector<16xf32>, vector<16xi1>
          %broadcast_in_dim3A_728 = arith.constant 20 : i32
          %broadcast_in_dim3A_729 = vector.broadcast %broadcast_in_dim3A_728 : i32 to vector<16xi32>
          tpu.vector_store_idx %arg15[%add3A_685, %broadcast_in_dim3A_729], %broadcast_in_dim3A_687 masked %eq3A_681 : memref<80x128xf32, #tpu.memory_space<vmem>>[vector<16xi32>, vector<16xi32>], vector<16xf32>, vector<16xi1>
          %broadcast_in_dim3A_730 = arith.constant 21 : i32
          %broadcast_in_dim3A_731 = vector.broadcast %broadcast_in_dim3A_730 : i32 to vector<16xi32>
          tpu.vector_store_idx %arg15[%add3A_685, %broadcast_in_dim3A_731], %broadcast_in_dim3A_687 masked %eq3A_681 : memref<80x128xf32, #tpu.memory_space<vmem>>[vector<16xi32>, vector<16xi32>], vector<16xf32>, vector<16xi1>
          %broadcast_in_dim3A_732 = arith.constant 22 : i32
          %broadcast_in_dim3A_733 = vector.broadcast %broadcast_in_dim3A_732 : i32 to vector<16xi32>
          tpu.vector_store_idx %arg15[%add3A_685, %broadcast_in_dim3A_733], %broadcast_in_dim3A_687 masked %eq3A_681 : memref<80x128xf32, #tpu.memory_space<vmem>>[vector<16xi32>, vector<16xi32>], vector<16xf32>, vector<16xi1>
          %broadcast_in_dim3A_734 = arith.constant 23 : i32
          %broadcast_in_dim3A_735 = vector.broadcast %broadcast_in_dim3A_734 : i32 to vector<16xi32>
          tpu.vector_store_idx %arg15[%add3A_685, %broadcast_in_dim3A_735], %broadcast_in_dim3A_687 masked %eq3A_681 : memref<80x128xf32, #tpu.memory_space<vmem>>[vector<16xi32>, vector<16xi32>], vector<16xf32>, vector<16xi1>
          %broadcast_in_dim3A_736 = arith.constant 24 : i32
          %broadcast_in_dim3A_737 = vector.broadcast %broadcast_in_dim3A_736 : i32 to vector<16xi32>
          tpu.vector_store_idx %arg15[%add3A_685, %broadcast_in_dim3A_737], %broadcast_in_dim3A_687 masked %eq3A_681 : memref<80x128xf32, #tpu.memory_space<vmem>>[vector<16xi32>, vector<16xi32>], vector<16xf32>, vector<16xi1>
          %broadcast_in_dim3A_738 = arith.constant 25 : i32
          %broadcast_in_dim3A_739 = vector.broadcast %broadcast_in_dim3A_738 : i32 to vector<16xi32>
          tpu.vector_store_idx %arg15[%add3A_685, %broadcast_in_dim3A_739], %broadcast_in_dim3A_687 masked %eq3A_681 : memref<80x128xf32, #tpu.memory_space<vmem>>[vector<16xi32>, vector<16xi32>], vector<16xf32>, vector<16xi1>
          %broadcast_in_dim3A_740 = arith.constant 26 : i32
          %broadcast_in_dim3A_741 = vector.broadcast %broadcast_in_dim3A_740 : i32 to vector<16xi32>
          tpu.vector_store_idx %arg15[%add3A_685, %broadcast_in_dim3A_741], %broadcast_in_dim3A_687 masked %eq3A_681 : memref<80x128xf32, #tpu.memory_space<vmem>>[vector<16xi32>, vector<16xi32>], vector<16xf32>, vector<16xi1>
          %broadcast_in_dim3A_742 = arith.constant 27 : i32
          %broadcast_in_dim3A_743 = vector.broadcast %broadcast_in_dim3A_742 : i32 to vector<16xi32>
          tpu.vector_store_idx %arg15[%add3A_685, %broadcast_in_dim3A_743], %broadcast_in_dim3A_687 masked %eq3A_681 : memref<80x128xf32, #tpu.memory_space<vmem>>[vector<16xi32>, vector<16xi32>], vector<16xf32>, vector<16xi1>
          %broadcast_in_dim3A_744 = arith.constant 28 : i32
          %broadcast_in_dim3A_745 = vector.broadcast %broadcast_in_dim3A_744 : i32 to vector<16xi32>
          tpu.vector_store_idx %arg15[%add3A_685, %broadcast_in_dim3A_745], %broadcast_in_dim3A_687 masked %eq3A_681 : memref<80x128xf32, #tpu.memory_space<vmem>>[vector<16xi32>, vector<16xi32>], vector<16xf32>, vector<16xi1>
          %broadcast_in_dim3A_746 = arith.constant 29 : i32
          %broadcast_in_dim3A_747 = vector.broadcast %broadcast_in_dim3A_746 : i32 to vector<16xi32>
          tpu.vector_store_idx %arg15[%add3A_685, %broadcast_in_dim3A_747], %broadcast_in_dim3A_687 masked %eq3A_681 : memref<80x128xf32, #tpu.memory_space<vmem>>[vector<16xi32>, vector<16xi32>], vector<16xf32>, vector<16xi1>
          %broadcast_in_dim3A_748 = arith.constant 30 : i32
          %broadcast_in_dim3A_749 = vector.broadcast %broadcast_in_dim3A_748 : i32 to vector<16xi32>
          tpu.vector_store_idx %arg15[%add3A_685, %broadcast_in_dim3A_749], %broadcast_in_dim3A_687 masked %eq3A_681 : memref<80x128xf32, #tpu.memory_space<vmem>>[vector<16xi32>, vector<16xi32>], vector<16xf32>, vector<16xi1>
          %broadcast_in_dim3A_750 = arith.constant 31 : i32
          %broadcast_in_dim3A_751 = vector.broadcast %broadcast_in_dim3A_750 : i32 to vector<16xi32>
          tpu.vector_store_idx %arg15[%add3A_685, %broadcast_in_dim3A_751], %broadcast_in_dim3A_687 masked %eq3A_681 : memref<80x128xf32, #tpu.memory_space<vmem>>[vector<16xi32>, vector<16xi32>], vector<16xf32>, vector<16xi1>
          %broadcast_in_dim3A_752 = arith.constant 32 : i32
          %broadcast_in_dim3A_753 = vector.broadcast %broadcast_in_dim3A_752 : i32 to vector<16xi32>
          tpu.vector_store_idx %arg15[%add3A_685, %broadcast_in_dim3A_753], %broadcast_in_dim3A_687 masked %eq3A_681 : memref<80x128xf32, #tpu.memory_space<vmem>>[vector<16xi32>, vector<16xi32>], vector<16xf32>, vector<16xi1>
          %broadcast_in_dim3A_754 = arith.constant 33 : i32
          %broadcast_in_dim3A_755 = vector.broadcast %broadcast_in_dim3A_754 : i32 to vector<16xi32>
          tpu.vector_store_idx %arg15[%add3A_685, %broadcast_in_dim3A_755], %broadcast_in_dim3A_687 masked %eq3A_681 : memref<80x128xf32, #tpu.memory_space<vmem>>[vector<16xi32>, vector<16xi32>], vector<16xf32>, vector<16xi1>
          %broadcast_in_dim3A_756 = arith.constant 34 : i32
          %broadcast_in_dim3A_757 = vector.broadcast %broadcast_in_dim3A_756 : i32 to vector<16xi32>
          tpu.vector_store_idx %arg15[%add3A_685, %broadcast_in_dim3A_757], %broadcast_in_dim3A_687 masked %eq3A_681 : memref<80x128xf32, #tpu.memory_space<vmem>>[vector<16xi32>, vector<16xi32>], vector<16xf32>, vector<16xi1>
          %broadcast_in_dim3A_758 = arith.constant 35 : i32
          %broadcast_in_dim3A_759 = vector.broadcast %broadcast_in_dim3A_758 : i32 to vector<16xi32>
          tpu.vector_store_idx %arg15[%add3A_685, %broadcast_in_dim3A_759], %broadcast_in_dim3A_687 masked %eq3A_681 : memref<80x128xf32, #tpu.memory_space<vmem>>[vector<16xi32>, vector<16xi32>], vector<16xf32>, vector<16xi1>
          %broadcast_in_dim3A_760 = arith.constant 36 : i32
          %broadcast_in_dim3A_761 = vector.broadcast %broadcast_in_dim3A_760 : i32 to vector<16xi32>
          tpu.vector_store_idx %arg15[%add3A_685, %broadcast_in_dim3A_761], %broadcast_in_dim3A_687 masked %eq3A_681 : memref<80x128xf32, #tpu.memory_space<vmem>>[vector<16xi32>, vector<16xi32>], vector<16xf32>, vector<16xi1>
          %broadcast_in_dim3A_762 = arith.constant 37 : i32
          %broadcast_in_dim3A_763 = vector.broadcast %broadcast_in_dim3A_762 : i32 to vector<16xi32>
          tpu.vector_store_idx %arg15[%add3A_685, %broadcast_in_dim3A_763], %broadcast_in_dim3A_687 masked %eq3A_681 : memref<80x128xf32, #tpu.memory_space<vmem>>[vector<16xi32>, vector<16xi32>], vector<16xf32>, vector<16xi1>
          %broadcast_in_dim3A_764 = arith.constant 38 : i32
          %broadcast_in_dim3A_765 = vector.broadcast %broadcast_in_dim3A_764 : i32 to vector<16xi32>
          tpu.vector_store_idx %arg15[%add3A_685, %broadcast_in_dim3A_765], %broadcast_in_dim3A_687 masked %eq3A_681 : memref<80x128xf32, #tpu.memory_space<vmem>>[vector<16xi32>, vector<16xi32>], vector<16xf32>, vector<16xi1>
          %broadcast_in_dim3A_766 = arith.constant 39 : i32
          %broadcast_in_dim3A_767 = vector.broadcast %broadcast_in_dim3A_766 : i32 to vector<16xi32>
          tpu.vector_store_idx %arg15[%add3A_685, %broadcast_in_dim3A_767], %broadcast_in_dim3A_687 masked %eq3A_681 : memref<80x128xf32, #tpu.memory_space<vmem>>[vector<16xi32>, vector<16xi32>], vector<16xf32>, vector<16xi1>
          %broadcast_in_dim3A_768 = arith.constant 40 : i32
          %broadcast_in_dim3A_769 = vector.broadcast %broadcast_in_dim3A_768 : i32 to vector<16xi32>
          tpu.vector_store_idx %arg15[%add3A_685, %broadcast_in_dim3A_769], %broadcast_in_dim3A_687 masked %eq3A_681 : memref<80x128xf32, #tpu.memory_space<vmem>>[vector<16xi32>, vector<16xi32>], vector<16xf32>, vector<16xi1>
          %broadcast_in_dim3A_770 = arith.constant 41 : i32
          %broadcast_in_dim3A_771 = vector.broadcast %broadcast_in_dim3A_770 : i32 to vector<16xi32>
          tpu.vector_store_idx %arg15[%add3A_685, %broadcast_in_dim3A_771], %broadcast_in_dim3A_687 masked %eq3A_681 : memref<80x128xf32, #tpu.memory_space<vmem>>[vector<16xi32>, vector<16xi32>], vector<16xf32>, vector<16xi1>
          %broadcast_in_dim3A_772 = arith.constant 42 : i32
          %broadcast_in_dim3A_773 = vector.broadcast %broadcast_in_dim3A_772 : i32 to vector<16xi32>
          tpu.vector_store_idx %arg15[%add3A_685, %broadcast_in_dim3A_773], %broadcast_in_dim3A_687 masked %eq3A_681 : memref<80x128xf32, #tpu.memory_space<vmem>>[vector<16xi32>, vector<16xi32>], vector<16xf32>, vector<16xi1>
          %broadcast_in_dim3A_774 = arith.constant 43 : i32
          %broadcast_in_dim3A_775 = vector.broadcast %broadcast_in_dim3A_774 : i32 to vector<16xi32>
          tpu.vector_store_idx %arg15[%add3A_685, %broadcast_in_dim3A_775], %broadcast_in_dim3A_687 masked %eq3A_681 : memref<80x128xf32, #tpu.memory_space<vmem>>[vector<16xi32>, vector<16xi32>], vector<16xf32>, vector<16xi1>
          %broadcast_in_dim3A_776 = arith.constant 44 : i32
          %broadcast_in_dim3A_777 = vector.broadcast %broadcast_in_dim3A_776 : i32 to vector<16xi32>
          tpu.vector_store_idx %arg15[%add3A_685, %broadcast_in_dim3A_777], %broadcast_in_dim3A_687 masked %eq3A_681 : memref<80x128xf32, #tpu.memory_space<vmem>>[vector<16xi32>, vector<16xi32>], vector<16xf32>, vector<16xi1>
          %broadcast_in_dim3A_778 = arith.constant 45 : i32
          %broadcast_in_dim3A_779 = vector.broadcast %broadcast_in_dim3A_778 : i32 to vector<16xi32>
          tpu.vector_store_idx %arg15[%add3A_685, %broadcast_in_dim3A_779], %broadcast_in_dim3A_687 masked %eq3A_681 : memref<80x128xf32, #tpu.memory_space<vmem>>[vector<16xi32>, vector<16xi32>], vector<16xf32>, vector<16xi1>
          %broadcast_in_dim3A_780 = arith.constant 46 : i32
          %broadcast_in_dim3A_781 = vector.broadcast %broadcast_in_dim3A_780 : i32 to vector<16xi32>
          tpu.vector_store_idx %arg15[%add3A_685, %broadcast_in_dim3A_781], %broadcast_in_dim3A_687 masked %eq3A_681 : memref<80x128xf32, #tpu.memory_space<vmem>>[vector<16xi32>, vector<16xi32>], vector<16xf32>, vector<16xi1>
          %broadcast_in_dim3A_782 = arith.constant 47 : i32
          %broadcast_in_dim3A_783 = vector.broadcast %broadcast_in_dim3A_782 : i32 to vector<16xi32>
          tpu.vector_store_idx %arg15[%add3A_685, %broadcast_in_dim3A_783], %broadcast_in_dim3A_687 masked %eq3A_681 : memref<80x128xf32, #tpu.memory_space<vmem>>[vector<16xi32>, vector<16xi32>], vector<16xf32>, vector<16xi1>
          %broadcast_in_dim3A_784 = arith.constant 48 : i32
          %broadcast_in_dim3A_785 = vector.broadcast %broadcast_in_dim3A_784 : i32 to vector<16xi32>
          tpu.vector_store_idx %arg15[%add3A_685, %broadcast_in_dim3A_785], %broadcast_in_dim3A_687 masked %eq3A_681 : memref<80x128xf32, #tpu.memory_space<vmem>>[vector<16xi32>, vector<16xi32>], vector<16xf32>, vector<16xi1>
          %broadcast_in_dim3A_786 = arith.constant 49 : i32
          %broadcast_in_dim3A_787 = vector.broadcast %broadcast_in_dim3A_786 : i32 to vector<16xi32>
          tpu.vector_store_idx %arg15[%add3A_685, %broadcast_in_dim3A_787], %broadcast_in_dim3A_687 masked %eq3A_681 : memref<80x128xf32, #tpu.memory_space<vmem>>[vector<16xi32>, vector<16xi32>], vector<16xf32>, vector<16xi1>
          %broadcast_in_dim3A_788 = arith.constant 50 : i32
          %broadcast_in_dim3A_789 = vector.broadcast %broadcast_in_dim3A_788 : i32 to vector<16xi32>
          tpu.vector_store_idx %arg15[%add3A_685, %broadcast_in_dim3A_789], %broadcast_in_dim3A_687 masked %eq3A_681 : memref<80x128xf32, #tpu.memory_space<vmem>>[vector<16xi32>, vector<16xi32>], vector<16xf32>, vector<16xi1>
          %broadcast_in_dim3A_790 = arith.constant 51 : i32
          %broadcast_in_dim3A_791 = vector.broadcast %broadcast_in_dim3A_790 : i32 to vector<16xi32>
          tpu.vector_store_idx %arg15[%add3A_685, %broadcast_in_dim3A_791], %broadcast_in_dim3A_687 masked %eq3A_681 : memref<80x128xf32, #tpu.memory_space<vmem>>[vector<16xi32>, vector<16xi32>], vector<16xf32>, vector<16xi1>
          %broadcast_in_dim3A_792 = arith.constant 52 : i32
          %broadcast_in_dim3A_793 = vector.broadcast %broadcast_in_dim3A_792 : i32 to vector<16xi32>
          tpu.vector_store_idx %arg15[%add3A_685, %broadcast_in_dim3A_793], %broadcast_in_dim3A_687 masked %eq3A_681 : memref<80x128xf32, #tpu.memory_space<vmem>>[vector<16xi32>, vector<16xi32>], vector<16xf32>, vector<16xi1>
          %broadcast_in_dim3A_794 = arith.constant 53 : i32
          %broadcast_in_dim3A_795 = vector.broadcast %broadcast_in_dim3A_794 : i32 to vector<16xi32>
          tpu.vector_store_idx %arg15[%add3A_685, %broadcast_in_dim3A_795], %broadcast_in_dim3A_687 masked %eq3A_681 : memref<80x128xf32, #tpu.memory_space<vmem>>[vector<16xi32>, vector<16xi32>], vector<16xf32>, vector<16xi1>
          %broadcast_in_dim3A_796 = arith.constant 54 : i32
          %broadcast_in_dim3A_797 = vector.broadcast %broadcast_in_dim3A_796 : i32 to vector<16xi32>
          tpu.vector_store_idx %arg15[%add3A_685, %broadcast_in_dim3A_797], %broadcast_in_dim3A_687 masked %eq3A_681 : memref<80x128xf32, #tpu.memory_space<vmem>>[vector<16xi32>, vector<16xi32>], vector<16xf32>, vector<16xi1>
          %broadcast_in_dim3A_798 = arith.constant 55 : i32
          %broadcast_in_dim3A_799 = vector.broadcast %broadcast_in_dim3A_798 : i32 to vector<16xi32>
          tpu.vector_store_idx %arg15[%add3A_685, %broadcast_in_dim3A_799], %broadcast_in_dim3A_687 masked %eq3A_681 : memref<80x128xf32, #tpu.memory_space<vmem>>[vector<16xi32>, vector<16xi32>], vector<16xf32>, vector<16xi1>
          %broadcast_in_dim3A_800 = arith.constant 56 : i32
          %broadcast_in_dim3A_801 = vector.broadcast %broadcast_in_dim3A_800 : i32 to vector<16xi32>
          tpu.vector_store_idx %arg15[%add3A_685, %broadcast_in_dim3A_801], %broadcast_in_dim3A_687 masked %eq3A_681 : memref<80x128xf32, #tpu.memory_space<vmem>>[vector<16xi32>, vector<16xi32>], vector<16xf32>, vector<16xi1>
          %broadcast_in_dim3A_802 = arith.constant 57 : i32
          %broadcast_in_dim3A_803 = vector.broadcast %broadcast_in_dim3A_802 : i32 to vector<16xi32>
          tpu.vector_store_idx %arg15[%add3A_685, %broadcast_in_dim3A_803], %broadcast_in_dim3A_687 masked %eq3A_681 : memref<80x128xf32, #tpu.memory_space<vmem>>[vector<16xi32>, vector<16xi32>], vector<16xf32>, vector<16xi1>
          %broadcast_in_dim3A_804 = arith.constant 58 : i32
          %broadcast_in_dim3A_805 = vector.broadcast %broadcast_in_dim3A_804 : i32 to vector<16xi32>
          tpu.vector_store_idx %arg15[%add3A_685, %broadcast_in_dim3A_805], %broadcast_in_dim3A_687 masked %eq3A_681 : memref<80x128xf32, #tpu.memory_space<vmem>>[vector<16xi32>, vector<16xi32>], vector<16xf32>, vector<16xi1>
          %broadcast_in_dim3A_806 = arith.constant 59 : i32
          %broadcast_in_dim3A_807 = vector.broadcast %broadcast_in_dim3A_806 : i32 to vector<16xi32>
          tpu.vector_store_idx %arg15[%add3A_685, %broadcast_in_dim3A_807], %broadcast_in_dim3A_687 masked %eq3A_681 : memref<80x128xf32, #tpu.memory_space<vmem>>[vector<16xi32>, vector<16xi32>], vector<16xf32>, vector<16xi1>
          %broadcast_in_dim3A_808 = arith.constant 60 : i32
          %broadcast_in_dim3A_809 = vector.broadcast %broadcast_in_dim3A_808 : i32 to vector<16xi32>
          tpu.vector_store_idx %arg15[%add3A_685, %broadcast_in_dim3A_809], %broadcast_in_dim3A_687 masked %eq3A_681 : memref<80x128xf32, #tpu.memory_space<vmem>>[vector<16xi32>, vector<16xi32>], vector<16xf32>, vector<16xi1>
          %broadcast_in_dim3A_810 = arith.constant 61 : i32
          %broadcast_in_dim3A_811 = vector.broadcast %broadcast_in_dim3A_810 : i32 to vector<16xi32>
          tpu.vector_store_idx %arg15[%add3A_685, %broadcast_in_dim3A_811], %broadcast_in_dim3A_687 masked %eq3A_681 : memref<80x128xf32, #tpu.memory_space<vmem>>[vector<16xi32>, vector<16xi32>], vector<16xf32>, vector<16xi1>
          %broadcast_in_dim3A_812 = arith.constant 62 : i32
          %broadcast_in_dim3A_813 = vector.broadcast %broadcast_in_dim3A_812 : i32 to vector<16xi32>
          tpu.vector_store_idx %arg15[%add3A_685, %broadcast_in_dim3A_813], %broadcast_in_dim3A_687 masked %eq3A_681 : memref<80x128xf32, #tpu.memory_space<vmem>>[vector<16xi32>, vector<16xi32>], vector<16xf32>, vector<16xi1>
          %broadcast_in_dim3A_814 = arith.constant 63 : i32
          %broadcast_in_dim3A_815 = vector.broadcast %broadcast_in_dim3A_814 : i32 to vector<16xi32>
          tpu.vector_store_idx %arg15[%add3A_685, %broadcast_in_dim3A_815], %broadcast_in_dim3A_687 masked %eq3A_681 : memref<80x128xf32, #tpu.memory_space<vmem>>[vector<16xi32>, vector<16xi32>], vector<16xf32>, vector<16xi1>
          %broadcast_in_dim3A_816 = arith.constant 64 : i32
          %broadcast_in_dim3A_817 = vector.broadcast %broadcast_in_dim3A_816 : i32 to vector<16xi32>
          tpu.vector_store_idx %arg15[%add3A_685, %broadcast_in_dim3A_817], %broadcast_in_dim3A_687 masked %eq3A_681 : memref<80x128xf32, #tpu.memory_space<vmem>>[vector<16xi32>, vector<16xi32>], vector<16xf32>, vector<16xi1>
          %broadcast_in_dim3A_818 = arith.constant 65 : i32
          %broadcast_in_dim3A_819 = vector.broadcast %broadcast_in_dim3A_818 : i32 to vector<16xi32>
          tpu.vector_store_idx %arg15[%add3A_685, %broadcast_in_dim3A_819], %broadcast_in_dim3A_687 masked %eq3A_681 : memref<80x128xf32, #tpu.memory_space<vmem>>[vector<16xi32>, vector<16xi32>], vector<16xf32>, vector<16xi1>
          %broadcast_in_dim3A_820 = arith.constant 66 : i32
          %broadcast_in_dim3A_821 = vector.broadcast %broadcast_in_dim3A_820 : i32 to vector<16xi32>
          tpu.vector_store_idx %arg15[%add3A_685, %broadcast_in_dim3A_821], %broadcast_in_dim3A_687 masked %eq3A_681 : memref<80x128xf32, #tpu.memory_space<vmem>>[vector<16xi32>, vector<16xi32>], vector<16xf32>, vector<16xi1>
          %broadcast_in_dim3A_822 = arith.constant 67 : i32
          %broadcast_in_dim3A_823 = vector.broadcast %broadcast_in_dim3A_822 : i32 to vector<16xi32>
          tpu.vector_store_idx %arg15[%add3A_685, %broadcast_in_dim3A_823], %broadcast_in_dim3A_687 masked %eq3A_681 : memref<80x128xf32, #tpu.memory_space<vmem>>[vector<16xi32>, vector<16xi32>], vector<16xf32>, vector<16xi1>
          %broadcast_in_dim3A_824 = arith.constant 68 : i32
          %broadcast_in_dim3A_825 = vector.broadcast %broadcast_in_dim3A_824 : i32 to vector<16xi32>
          tpu.vector_store_idx %arg15[%add3A_685, %broadcast_in_dim3A_825], %broadcast_in_dim3A_687 masked %eq3A_681 : memref<80x128xf32, #tpu.memory_space<vmem>>[vector<16xi32>, vector<16xi32>], vector<16xf32>, vector<16xi1>
          %broadcast_in_dim3A_826 = arith.constant 69 : i32
          %broadcast_in_dim3A_827 = vector.broadcast %broadcast_in_dim3A_826 : i32 to vector<16xi32>
          tpu.vector_store_idx %arg15[%add3A_685, %broadcast_in_dim3A_827], %broadcast_in_dim3A_687 masked %eq3A_681 : memref<80x128xf32, #tpu.memory_space<vmem>>[vector<16xi32>, vector<16xi32>], vector<16xf32>, vector<16xi1>
          %broadcast_in_dim3A_828 = arith.constant 70 : i32
          %broadcast_in_dim3A_829 = vector.broadcast %broadcast_in_dim3A_828 : i32 to vector<16xi32>
          tpu.vector_store_idx %arg15[%add3A_685, %broadcast_in_dim3A_829], %broadcast_in_dim3A_687 masked %eq3A_681 : memref<80x128xf32, #tpu.memory_space<vmem>>[vector<16xi32>, vector<16xi32>], vector<16xf32>, vector<16xi1>
          %broadcast_in_dim3A_830 = arith.constant 71 : i32
          %broadcast_in_dim3A_831 = vector.broadcast %broadcast_in_dim3A_830 : i32 to vector<16xi32>
          tpu.vector_store_idx %arg15[%add3A_685, %broadcast_in_dim3A_831], %broadcast_in_dim3A_687 masked %eq3A_681 : memref<80x128xf32, #tpu.memory_space<vmem>>[vector<16xi32>, vector<16xi32>], vector<16xf32>, vector<16xi1>
          %broadcast_in_dim3A_832 = arith.constant 72 : i32
          %broadcast_in_dim3A_833 = vector.broadcast %broadcast_in_dim3A_832 : i32 to vector<16xi32>
          tpu.vector_store_idx %arg15[%add3A_685, %broadcast_in_dim3A_833], %broadcast_in_dim3A_687 masked %eq3A_681 : memref<80x128xf32, #tpu.memory_space<vmem>>[vector<16xi32>, vector<16xi32>], vector<16xf32>, vector<16xi1>
          %broadcast_in_dim3A_834 = arith.constant 73 : i32
          %broadcast_in_dim3A_835 = vector.broadcast %broadcast_in_dim3A_834 : i32 to vector<16xi32>
          tpu.vector_store_idx %arg15[%add3A_685, %broadcast_in_dim3A_835], %broadcast_in_dim3A_687 masked %eq3A_681 : memref<80x128xf32, #tpu.memory_space<vmem>>[vector<16xi32>, vector<16xi32>], vector<16xf32>, vector<16xi1>
          %broadcast_in_dim3A_836 = arith.constant 74 : i32
          %broadcast_in_dim3A_837 = vector.broadcast %broadcast_in_dim3A_836 : i32 to vector<16xi32>
          tpu.vector_store_idx %arg15[%add3A_685, %broadcast_in_dim3A_837], %broadcast_in_dim3A_687 masked %eq3A_681 : memref<80x128xf32, #tpu.memory_space<vmem>>[vector<16xi32>, vector<16xi32>], vector<16xf32>, vector<16xi1>
          %broadcast_in_dim3A_838 = arith.constant 75 : i32
          %broadcast_in_dim3A_839 = vector.broadcast %broadcast_in_dim3A_838 : i32 to vector<16xi32>
          tpu.vector_store_idx %arg15[%add3A_685, %broadcast_in_dim3A_839], %broadcast_in_dim3A_687 masked %eq3A_681 : memref<80x128xf32, #tpu.memory_space<vmem>>[vector<16xi32>, vector<16xi32>], vector<16xf32>, vector<16xi1>
          %broadcast_in_dim3A_840 = arith.constant 76 : i32
          %broadcast_in_dim3A_841 = vector.broadcast %broadcast_in_dim3A_840 : i32 to vector<16xi32>
          tpu.vector_store_idx %arg15[%add3A_685, %broadcast_in_dim3A_841], %broadcast_in_dim3A_687 masked %eq3A_681 : memref<80x128xf32, #tpu.memory_space<vmem>>[vector<16xi32>, vector<16xi32>], vector<16xf32>, vector<16xi1>
          %broadcast_in_dim3A_842 = arith.constant 77 : i32
          %broadcast_in_dim3A_843 = vector.broadcast %broadcast_in_dim3A_842 : i32 to vector<16xi32>
          tpu.vector_store_idx %arg15[%add3A_685, %broadcast_in_dim3A_843], %broadcast_in_dim3A_687 masked %eq3A_681 : memref<80x128xf32, #tpu.memory_space<vmem>>[vector<16xi32>, vector<16xi32>], vector<16xf32>, vector<16xi1>
          %broadcast_in_dim3A_844 = arith.constant 78 : i32
          %broadcast_in_dim3A_845 = vector.broadcast %broadcast_in_dim3A_844 : i32 to vector<16xi32>
          tpu.vector_store_idx %arg15[%add3A_685, %broadcast_in_dim3A_845], %broadcast_in_dim3A_687 masked %eq3A_681 : memref<80x128xf32, #tpu.memory_space<vmem>>[vector<16xi32>, vector<16xi32>], vector<16xf32>, vector<16xi1>
          %broadcast_in_dim3A_846 = arith.constant 79 : i32
          %broadcast_in_dim3A_847 = vector.broadcast %broadcast_in_dim3A_846 : i32 to vector<16xi32>
          tpu.vector_store_idx %arg15[%add3A_685, %broadcast_in_dim3A_847], %broadcast_in_dim3A_687 masked %eq3A_681 : memref<80x128xf32, #tpu.memory_space<vmem>>[vector<16xi32>, vector<16xi32>], vector<16xf32>, vector<16xi1>
          %broadcast_in_dim3A_848 = arith.constant 80 : i32
          %broadcast_in_dim3A_849 = vector.broadcast %broadcast_in_dim3A_848 : i32 to vector<16xi32>
          tpu.vector_store_idx %arg15[%add3A_685, %broadcast_in_dim3A_849], %broadcast_in_dim3A_687 masked %eq3A_681 : memref<80x128xf32, #tpu.memory_space<vmem>>[vector<16xi32>, vector<16xi32>], vector<16xf32>, vector<16xi1>
          %broadcast_in_dim3A_850 = arith.constant 81 : i32
          %broadcast_in_dim3A_851 = vector.broadcast %broadcast_in_dim3A_850 : i32 to vector<16xi32>
          tpu.vector_store_idx %arg15[%add3A_685, %broadcast_in_dim3A_851], %broadcast_in_dim3A_687 masked %eq3A_681 : memref<80x128xf32, #tpu.memory_space<vmem>>[vector<16xi32>, vector<16xi32>], vector<16xf32>, vector<16xi1>
          %broadcast_in_dim3A_852 = arith.constant 82 : i32
          %broadcast_in_dim3A_853 = vector.broadcast %broadcast_in_dim3A_852 : i32 to vector<16xi32>
          tpu.vector_store_idx %arg15[%add3A_685, %broadcast_in_dim3A_853], %broadcast_in_dim3A_687 masked %eq3A_681 : memref<80x128xf32, #tpu.memory_space<vmem>>[vector<16xi32>, vector<16xi32>], vector<16xf32>, vector<16xi1>
          %broadcast_in_dim3A_854 = arith.constant 83 : i32
          %broadcast_in_dim3A_855 = vector.broadcast %broadcast_in_dim3A_854 : i32 to vector<16xi32>
          tpu.vector_store_idx %arg15[%add3A_685, %broadcast_in_dim3A_855], %broadcast_in_dim3A_687 masked %eq3A_681 : memref<80x128xf32, #tpu.memory_space<vmem>>[vector<16xi32>, vector<16xi32>], vector<16xf32>, vector<16xi1>
          %broadcast_in_dim3A_856 = arith.constant 84 : i32
          %broadcast_in_dim3A_857 = vector.broadcast %broadcast_in_dim3A_856 : i32 to vector<16xi32>
          tpu.vector_store_idx %arg15[%add3A_685, %broadcast_in_dim3A_857], %broadcast_in_dim3A_687 masked %eq3A_681 : memref<80x128xf32, #tpu.memory_space<vmem>>[vector<16xi32>, vector<16xi32>], vector<16xf32>, vector<16xi1>
          %broadcast_in_dim3A_858 = arith.constant 85 : i32
          %broadcast_in_dim3A_859 = vector.broadcast %broadcast_in_dim3A_858 : i32 to vector<16xi32>
          tpu.vector_store_idx %arg15[%add3A_685, %broadcast_in_dim3A_859], %broadcast_in_dim3A_687 masked %eq3A_681 : memref<80x128xf32, #tpu.memory_space<vmem>>[vector<16xi32>, vector<16xi32>], vector<16xf32>, vector<16xi1>
          %broadcast_in_dim3A_860 = arith.constant 86 : i32
          %broadcast_in_dim3A_861 = vector.broadcast %broadcast_in_dim3A_860 : i32 to vector<16xi32>
          tpu.vector_store_idx %arg15[%add3A_685, %broadcast_in_dim3A_861], %broadcast_in_dim3A_687 masked %eq3A_681 : memref<80x128xf32, #tpu.memory_space<vmem>>[vector<16xi32>, vector<16xi32>], vector<16xf32>, vector<16xi1>
          %broadcast_in_dim3A_862 = arith.constant 87 : i32
          %broadcast_in_dim3A_863 = vector.broadcast %broadcast_in_dim3A_862 : i32 to vector<16xi32>
          tpu.vector_store_idx %arg15[%add3A_685, %broadcast_in_dim3A_863], %broadcast_in_dim3A_687 masked %eq3A_681 : memref<80x128xf32, #tpu.memory_space<vmem>>[vector<16xi32>, vector<16xi32>], vector<16xf32>, vector<16xi1>
          %broadcast_in_dim3A_864 = arith.constant 88 : i32
          %broadcast_in_dim3A_865 = vector.broadcast %broadcast_in_dim3A_864 : i32 to vector<16xi32>
          tpu.vector_store_idx %arg15[%add3A_685, %broadcast_in_dim3A_865], %broadcast_in_dim3A_687 masked %eq3A_681 : memref<80x128xf32, #tpu.memory_space<vmem>>[vector<16xi32>, vector<16xi32>], vector<16xf32>, vector<16xi1>
          %broadcast_in_dim3A_866 = arith.constant 89 : i32
          %broadcast_in_dim3A_867 = vector.broadcast %broadcast_in_dim3A_866 : i32 to vector<16xi32>
          tpu.vector_store_idx %arg15[%add3A_685, %broadcast_in_dim3A_867], %broadcast_in_dim3A_687 masked %eq3A_681 : memref<80x128xf32, #tpu.memory_space<vmem>>[vector<16xi32>, vector<16xi32>], vector<16xf32>, vector<16xi1>
          %broadcast_in_dim3A_868 = arith.constant 90 : i32
          %broadcast_in_dim3A_869 = vector.broadcast %broadcast_in_dim3A_868 : i32 to vector<16xi32>
          tpu.vector_store_idx %arg15[%add3A_685, %broadcast_in_dim3A_869], %broadcast_in_dim3A_687 masked %eq3A_681 : memref<80x128xf32, #tpu.memory_space<vmem>>[vector<16xi32>, vector<16xi32>], vector<16xf32>, vector<16xi1>
          %broadcast_in_dim3A_870 = arith.constant 91 : i32
          %broadcast_in_dim3A_871 = vector.broadcast %broadcast_in_dim3A_870 : i32 to vector<16xi32>
          tpu.vector_store_idx %arg15[%add3A_685, %broadcast_in_dim3A_871], %broadcast_in_dim3A_687 masked %eq3A_681 : memref<80x128xf32, #tpu.memory_space<vmem>>[vector<16xi32>, vector<16xi32>], vector<16xf32>, vector<16xi1>
          %broadcast_in_dim3A_872 = arith.constant 92 : i32
          %broadcast_in_dim3A_873 = vector.broadcast %broadcast_in_dim3A_872 : i32 to vector<16xi32>
          tpu.vector_store_idx %arg15[%add3A_685, %broadcast_in_dim3A_873], %broadcast_in_dim3A_687 masked %eq3A_681 : memref<80x128xf32, #tpu.memory_space<vmem>>[vector<16xi32>, vector<16xi32>], vector<16xf32>, vector<16xi1>
          %broadcast_in_dim3A_874 = arith.constant 93 : i32
          %broadcast_in_dim3A_875 = vector.broadcast %broadcast_in_dim3A_874 : i32 to vector<16xi32>
          tpu.vector_store_idx %arg15[%add3A_685, %broadcast_in_dim3A_875], %broadcast_in_dim3A_687 masked %eq3A_681 : memref<80x128xf32, #tpu.memory_space<vmem>>[vector<16xi32>, vector<16xi32>], vector<16xf32>, vector<16xi1>
          %broadcast_in_dim3A_876 = arith.constant 94 : i32
          %broadcast_in_dim3A_877 = vector.broadcast %broadcast_in_dim3A_876 : i32 to vector<16xi32>
          tpu.vector_store_idx %arg15[%add3A_685, %broadcast_in_dim3A_877], %broadcast_in_dim3A_687 masked %eq3A_681 : memref<80x128xf32, #tpu.memory_space<vmem>>[vector<16xi32>, vector<16xi32>], vector<16xf32>, vector<16xi1>
          %broadcast_in_dim3A_878 = arith.constant 95 : i32
          %broadcast_in_dim3A_879 = vector.broadcast %broadcast_in_dim3A_878 : i32 to vector<16xi32>
          tpu.vector_store_idx %arg15[%add3A_685, %broadcast_in_dim3A_879], %broadcast_in_dim3A_687 masked %eq3A_681 : memref<80x128xf32, #tpu.memory_space<vmem>>[vector<16xi32>, vector<16xi32>], vector<16xf32>, vector<16xi1>
          %broadcast_in_dim3A_880 = arith.constant 96 : i32
          %broadcast_in_dim3A_881 = vector.broadcast %broadcast_in_dim3A_880 : i32 to vector<16xi32>
          tpu.vector_store_idx %arg15[%add3A_685, %broadcast_in_dim3A_881], %broadcast_in_dim3A_687 masked %eq3A_681 : memref<80x128xf32, #tpu.memory_space<vmem>>[vector<16xi32>, vector<16xi32>], vector<16xf32>, vector<16xi1>
          %broadcast_in_dim3A_882 = arith.constant 97 : i32
          %broadcast_in_dim3A_883 = vector.broadcast %broadcast_in_dim3A_882 : i32 to vector<16xi32>
          tpu.vector_store_idx %arg15[%add3A_685, %broadcast_in_dim3A_883], %broadcast_in_dim3A_687 masked %eq3A_681 : memref<80x128xf32, #tpu.memory_space<vmem>>[vector<16xi32>, vector<16xi32>], vector<16xf32>, vector<16xi1>
          %broadcast_in_dim3A_884 = arith.constant 98 : i32
          %broadcast_in_dim3A_885 = vector.broadcast %broadcast_in_dim3A_884 : i32 to vector<16xi32>
          tpu.vector_store_idx %arg15[%add3A_685, %broadcast_in_dim3A_885], %broadcast_in_dim3A_687 masked %eq3A_681 : memref<80x128xf32, #tpu.memory_space<vmem>>[vector<16xi32>, vector<16xi32>], vector<16xf32>, vector<16xi1>
          %broadcast_in_dim3A_886 = arith.constant 99 : i32
          %broadcast_in_dim3A_887 = vector.broadcast %broadcast_in_dim3A_886 : i32 to vector<16xi32>
          tpu.vector_store_idx %arg15[%add3A_685, %broadcast_in_dim3A_887], %broadcast_in_dim3A_687 masked %eq3A_681 : memref<80x128xf32, #tpu.memory_space<vmem>>[vector<16xi32>, vector<16xi32>], vector<16xf32>, vector<16xi1>
          %broadcast_in_dim3A_888 = arith.constant 100 : i32
          %broadcast_in_dim3A_889 = vector.broadcast %broadcast_in_dim3A_888 : i32 to vector<16xi32>
          tpu.vector_store_idx %arg15[%add3A_685, %broadcast_in_dim3A_889], %broadcast_in_dim3A_687 masked %eq3A_681 : memref<80x128xf32, #tpu.memory_space<vmem>>[vector<16xi32>, vector<16xi32>], vector<16xf32>, vector<16xi1>
          %broadcast_in_dim3A_890 = arith.constant 101 : i32
          %broadcast_in_dim3A_891 = vector.broadcast %broadcast_in_dim3A_890 : i32 to vector<16xi32>
          tpu.vector_store_idx %arg15[%add3A_685, %broadcast_in_dim3A_891], %broadcast_in_dim3A_687 masked %eq3A_681 : memref<80x128xf32, #tpu.memory_space<vmem>>[vector<16xi32>, vector<16xi32>], vector<16xf32>, vector<16xi1>
          %broadcast_in_dim3A_892 = arith.constant 102 : i32
          %broadcast_in_dim3A_893 = vector.broadcast %broadcast_in_dim3A_892 : i32 to vector<16xi32>
          tpu.vector_store_idx %arg15[%add3A_685, %broadcast_in_dim3A_893], %broadcast_in_dim3A_687 masked %eq3A_681 : memref<80x128xf32, #tpu.memory_space<vmem>>[vector<16xi32>, vector<16xi32>], vector<16xf32>, vector<16xi1>
          %broadcast_in_dim3A_894 = arith.constant 103 : i32
          %broadcast_in_dim3A_895 = vector.broadcast %broadcast_in_dim3A_894 : i32 to vector<16xi32>
          tpu.vector_store_idx %arg15[%add3A_685, %broadcast_in_dim3A_895], %broadcast_in_dim3A_687 masked %eq3A_681 : memref<80x128xf32, #tpu.memory_space<vmem>>[vector<16xi32>, vector<16xi32>], vector<16xf32>, vector<16xi1>
          %broadcast_in_dim3A_896 = arith.constant 104 : i32
          %broadcast_in_dim3A_897 = vector.broadcast %broadcast_in_dim3A_896 : i32 to vector<16xi32>
          tpu.vector_store_idx %arg15[%add3A_685, %broadcast_in_dim3A_897], %broadcast_in_dim3A_687 masked %eq3A_681 : memref<80x128xf32, #tpu.memory_space<vmem>>[vector<16xi32>, vector<16xi32>], vector<16xf32>, vector<16xi1>
          %broadcast_in_dim3A_898 = arith.constant 105 : i32
          %broadcast_in_dim3A_899 = vector.broadcast %broadcast_in_dim3A_898 : i32 to vector<16xi32>
          tpu.vector_store_idx %arg15[%add3A_685, %broadcast_in_dim3A_899], %broadcast_in_dim3A_687 masked %eq3A_681 : memref<80x128xf32, #tpu.memory_space<vmem>>[vector<16xi32>, vector<16xi32>], vector<16xf32>, vector<16xi1>
          %broadcast_in_dim3A_900 = arith.constant 106 : i32
          %broadcast_in_dim3A_901 = vector.broadcast %broadcast_in_dim3A_900 : i32 to vector<16xi32>
          tpu.vector_store_idx %arg15[%add3A_685, %broadcast_in_dim3A_901], %broadcast_in_dim3A_687 masked %eq3A_681 : memref<80x128xf32, #tpu.memory_space<vmem>>[vector<16xi32>, vector<16xi32>], vector<16xf32>, vector<16xi1>
          %broadcast_in_dim3A_902 = arith.constant 107 : i32
          %broadcast_in_dim3A_903 = vector.broadcast %broadcast_in_dim3A_902 : i32 to vector<16xi32>
          tpu.vector_store_idx %arg15[%add3A_685, %broadcast_in_dim3A_903], %broadcast_in_dim3A_687 masked %eq3A_681 : memref<80x128xf32, #tpu.memory_space<vmem>>[vector<16xi32>, vector<16xi32>], vector<16xf32>, vector<16xi1>
          %broadcast_in_dim3A_904 = arith.constant 108 : i32
          %broadcast_in_dim3A_905 = vector.broadcast %broadcast_in_dim3A_904 : i32 to vector<16xi32>
          tpu.vector_store_idx %arg15[%add3A_685, %broadcast_in_dim3A_905], %broadcast_in_dim3A_687 masked %eq3A_681 : memref<80x128xf32, #tpu.memory_space<vmem>>[vector<16xi32>, vector<16xi32>], vector<16xf32>, vector<16xi1>
          %broadcast_in_dim3A_906 = arith.constant 109 : i32
          %broadcast_in_dim3A_907 = vector.broadcast %broadcast_in_dim3A_906 : i32 to vector<16xi32>
          tpu.vector_store_idx %arg15[%add3A_685, %broadcast_in_dim3A_907], %broadcast_in_dim3A_687 masked %eq3A_681 : memref<80x128xf32, #tpu.memory_space<vmem>>[vector<16xi32>, vector<16xi32>], vector<16xf32>, vector<16xi1>
          %broadcast_in_dim3A_908 = arith.constant 110 : i32
          %broadcast_in_dim3A_909 = vector.broadcast %broadcast_in_dim3A_908 : i32 to vector<16xi32>
          tpu.vector_store_idx %arg15[%add3A_685, %broadcast_in_dim3A_909], %broadcast_in_dim3A_687 masked %eq3A_681 : memref<80x128xf32, #tpu.memory_space<vmem>>[vector<16xi32>, vector<16xi32>], vector<16xf32>, vector<16xi1>
          %broadcast_in_dim3A_910 = arith.constant 111 : i32
          %broadcast_in_dim3A_911 = vector.broadcast %broadcast_in_dim3A_910 : i32 to vector<16xi32>
          tpu.vector_store_idx %arg15[%add3A_685, %broadcast_in_dim3A_911], %broadcast_in_dim3A_687 masked %eq3A_681 : memref<80x128xf32, #tpu.memory_space<vmem>>[vector<16xi32>, vector<16xi32>], vector<16xf32>, vector<16xi1>
          %broadcast_in_dim3A_912 = arith.constant 112 : i32
          %broadcast_in_dim3A_913 = vector.broadcast %broadcast_in_dim3A_912 : i32 to vector<16xi32>
          tpu.vector_store_idx %arg15[%add3A_685, %broadcast_in_dim3A_913], %broadcast_in_dim3A_687 masked %eq3A_681 : memref<80x128xf32, #tpu.memory_space<vmem>>[vector<16xi32>, vector<16xi32>], vector<16xf32>, vector<16xi1>
          %broadcast_in_dim3A_914 = arith.constant 113 : i32
          %broadcast_in_dim3A_915 = vector.broadcast %broadcast_in_dim3A_914 : i32 to vector<16xi32>
          tpu.vector_store_idx %arg15[%add3A_685, %broadcast_in_dim3A_915], %broadcast_in_dim3A_687 masked %eq3A_681 : memref<80x128xf32, #tpu.memory_space<vmem>>[vector<16xi32>, vector<16xi32>], vector<16xf32>, vector<16xi1>
          %broadcast_in_dim3A_916 = arith.constant 114 : i32
          %broadcast_in_dim3A_917 = vector.broadcast %broadcast_in_dim3A_916 : i32 to vector<16xi32>
          tpu.vector_store_idx %arg15[%add3A_685, %broadcast_in_dim3A_917], %broadcast_in_dim3A_687 masked %eq3A_681 : memref<80x128xf32, #tpu.memory_space<vmem>>[vector<16xi32>, vector<16xi32>], vector<16xf32>, vector<16xi1>
          %broadcast_in_dim3A_918 = arith.constant 115 : i32
          %broadcast_in_dim3A_919 = vector.broadcast %broadcast_in_dim3A_918 : i32 to vector<16xi32>
          tpu.vector_store_idx %arg15[%add3A_685, %broadcast_in_dim3A_919], %broadcast_in_dim3A_687 masked %eq3A_681 : memref<80x128xf32, #tpu.memory_space<vmem>>[vector<16xi32>, vector<16xi32>], vector<16xf32>, vector<16xi1>
          %broadcast_in_dim3A_920 = arith.constant 116 : i32
          %broadcast_in_dim3A_921 = vector.broadcast %broadcast_in_dim3A_920 : i32 to vector<16xi32>
          tpu.vector_store_idx %arg15[%add3A_685, %broadcast_in_dim3A_921], %broadcast_in_dim3A_687 masked %eq3A_681 : memref<80x128xf32, #tpu.memory_space<vmem>>[vector<16xi32>, vector<16xi32>], vector<16xf32>, vector<16xi1>
          %broadcast_in_dim3A_922 = arith.constant 117 : i32
          %broadcast_in_dim3A_923 = vector.broadcast %broadcast_in_dim3A_922 : i32 to vector<16xi32>
          tpu.vector_store_idx %arg15[%add3A_685, %broadcast_in_dim3A_923], %broadcast_in_dim3A_687 masked %eq3A_681 : memref<80x128xf32, #tpu.memory_space<vmem>>[vector<16xi32>, vector<16xi32>], vector<16xf32>, vector<16xi1>
          %broadcast_in_dim3A_924 = arith.constant 118 : i32
          %broadcast_in_dim3A_925 = vector.broadcast %broadcast_in_dim3A_924 : i32 to vector<16xi32>
          tpu.vector_store_idx %arg15[%add3A_685, %broadcast_in_dim3A_925], %broadcast_in_dim3A_687 masked %eq3A_681 : memref<80x128xf32, #tpu.memory_space<vmem>>[vector<16xi32>, vector<16xi32>], vector<16xf32>, vector<16xi1>
          %broadcast_in_dim3A_926 = arith.constant 119 : i32
          %broadcast_in_dim3A_927 = vector.broadcast %broadcast_in_dim3A_926 : i32 to vector<16xi32>
          tpu.vector_store_idx %arg15[%add3A_685, %broadcast_in_dim3A_927], %broadcast_in_dim3A_687 masked %eq3A_681 : memref<80x128xf32, #tpu.memory_space<vmem>>[vector<16xi32>, vector<16xi32>], vector<16xf32>, vector<16xi1>
          %broadcast_in_dim3A_928 = arith.constant 120 : i32
          %broadcast_in_dim3A_929 = vector.broadcast %broadcast_in_dim3A_928 : i32 to vector<16xi32>
          tpu.vector_store_idx %arg15[%add3A_685, %broadcast_in_dim3A_929], %broadcast_in_dim3A_687 masked %eq3A_681 : memref<80x128xf32, #tpu.memory_space<vmem>>[vector<16xi32>, vector<16xi32>], vector<16xf32>, vector<16xi1>
          %broadcast_in_dim3A_930 = arith.constant 121 : i32
          %broadcast_in_dim3A_931 = vector.broadcast %broadcast_in_dim3A_930 : i32 to vector<16xi32>
          tpu.vector_store_idx %arg15[%add3A_685, %broadcast_in_dim3A_931], %broadcast_in_dim3A_687 masked %eq3A_681 : memref<80x128xf32, #tpu.memory_space<vmem>>[vector<16xi32>, vector<16xi32>], vector<16xf32>, vector<16xi1>
          %broadcast_in_dim3A_932 = arith.constant 122 : i32
          %broadcast_in_dim3A_933 = vector.broadcast %broadcast_in_dim3A_932 : i32 to vector<16xi32>
          tpu.vector_store_idx %arg15[%add3A_685, %broadcast_in_dim3A_933], %broadcast_in_dim3A_687 masked %eq3A_681 : memref<80x128xf32, #tpu.memory_space<vmem>>[vector<16xi32>, vector<16xi32>], vector<16xf32>, vector<16xi1>
          %broadcast_in_dim3A_934 = arith.constant 123 : i32
          %broadcast_in_dim3A_935 = vector.broadcast %broadcast_in_dim3A_934 : i32 to vector<16xi32>
          tpu.vector_store_idx %arg15[%add3A_685, %broadcast_in_dim3A_935], %broadcast_in_dim3A_687 masked %eq3A_681 : memref<80x128xf32, #tpu.memory_space<vmem>>[vector<16xi32>, vector<16xi32>], vector<16xf32>, vector<16xi1>
          %broadcast_in_dim3A_936 = arith.constant 124 : i32
          %broadcast_in_dim3A_937 = vector.broadcast %broadcast_in_dim3A_936 : i32 to vector<16xi32>
          tpu.vector_store_idx %arg15[%add3A_685, %broadcast_in_dim3A_937], %broadcast_in_dim3A_687 masked %eq3A_681 : memref<80x128xf32, #tpu.memory_space<vmem>>[vector<16xi32>, vector<16xi32>], vector<16xf32>, vector<16xi1>
          %broadcast_in_dim3A_938 = arith.constant 125 : i32
          %broadcast_in_dim3A_939 = vector.broadcast %broadcast_in_dim3A_938 : i32 to vector<16xi32>
          tpu.vector_store_idx %arg15[%add3A_685, %broadcast_in_dim3A_939], %broadcast_in_dim3A_687 masked %eq3A_681 : memref<80x128xf32, #tpu.memory_space<vmem>>[vector<16xi32>, vector<16xi32>], vector<16xf32>, vector<16xi1>
          %broadcast_in_dim3A_940 = arith.constant 126 : i32
          %broadcast_in_dim3A_941 = vector.broadcast %broadcast_in_dim3A_940 : i32 to vector<16xi32>
          tpu.vector_store_idx %arg15[%add3A_685, %broadcast_in_dim3A_941], %broadcast_in_dim3A_687 masked %eq3A_681 : memref<80x128xf32, #tpu.memory_space<vmem>>[vector<16xi32>, vector<16xi32>], vector<16xf32>, vector<16xi1>
          %broadcast_in_dim3A_942 = arith.constant 127 : i32
          %broadcast_in_dim3A_943 = vector.broadcast %broadcast_in_dim3A_942 : i32 to vector<16xi32>
          tpu.vector_store_idx %arg15[%add3A_685, %broadcast_in_dim3A_943], %broadcast_in_dim3A_687 masked %eq3A_681 : memref<80x128xf32, #tpu.memory_space<vmem>>[vector<16xi32>, vector<16xi32>], vector<16xf32>, vector<16xi1>
        }
        %scan3A_672 = arith.constant 5 : i32
      } else {
      }
      %mul3A_510 = arith.constant 80 : i32
      %mul3A_511 = arith.muli %mul3A_409, %mul3A_510 : i32
      %add3A_512 = arith.addi %mul3A_2, %mul3A_511 : i32
      %dma_start3A_513 = arith.constant 0 : i32
      %dma_start3A_514 = tpu.memref_slice %arg10[%add3A_512, %dma_start3A_513] : memref<204800x256xf32, #tpu.memory_space<hbm>> -> memref<80x128xf32, #tpu.memory_space<hbm>>
      %dma_start3A_515 = arith.constant 0 : i32
      %dma_start3A_516 = tpu.memref_slice %arg10[%add3A_512, %dma_start3A_515] : memref<204800x256xf32, #tpu.memory_space<hbm>> -> memref<80x128xf32, #tpu.memory_space<hbm>>
      tpu.enqueue_dma source(%arg15 : memref<80x128xf32, #tpu.memory_space<vmem>>) target(%dma_start3A_516 : memref<80x128xf32, #tpu.memory_space<hbm>>) target_semaphore(%arg38 : memref<!tpu.dma_semaphore, #tpu.memory_space<semaphore_mem>>)
      %dma_start3A_517 = arith.constant 128 : i32
      %dma_start3A_518 = tpu.memref_slice %arg10[%add3A_512, %dma_start3A_517] : memref<204800x256xf32, #tpu.memory_space<hbm>> -> memref<80x128xf32, #tpu.memory_space<hbm>>
      %dma_start3A_519 = arith.constant 128 : i32
      %dma_start3A_520 = tpu.memref_slice %arg10[%add3A_512, %dma_start3A_519] : memref<204800x256xf32, #tpu.memory_space<hbm>> -> memref<80x128xf32, #tpu.memory_space<hbm>>
      tpu.enqueue_dma source(%arg16 : memref<80x128xf32, #tpu.memory_space<vmem>>) target(%dma_start3A_520 : memref<80x128xf32, #tpu.memory_space<hbm>>) target_semaphore(%arg38 : memref<!tpu.dma_semaphore, #tpu.memory_space<semaphore_mem>>)
      %mul3A_521 = arith.constant 80 : i32
      %mul3A_522 = arith.muli %add3A_411, %mul3A_521 : i32
      %dma_wait3A_523 = tpu.memref_slice %arg11[%mul3A_522] : memref<6400xi32, #tpu.memory_space<vmem>> -> memref<80xi32, #tpu.memory_space<vmem>>
      %dma_wait3A_524 = arith.constant 0 : i32
      %dma_wait3A_525 = arith.constant 0 : i32
      %dma_wait3A_526 = tpu.memref_slice %arg6[%dma_wait3A_524, %dma_wait3A_525] : memref<100000x128xf32, #tpu.memory_space<hbm>> -> memref<100000x128xf32, #tpu.memory_space<hbm>>
      tpu.wait_indirect_dma semaphore(%arg37 : memref<!tpu.dma_semaphore, #tpu.memory_space<semaphore_mem>>) src(%dma_wait3A_526 : memref<100000x128xf32, #tpu.memory_space<hbm>>) dst(%arg22 : memref<80x128xf32, #tpu.memory_space<vmem>>)
      %dma_wait3A_527 = arith.constant 0 : i32
      %dma_wait3A_528 = arith.constant 0 : i32
      %dma_wait3A_529 = tpu.memref_slice %arg33[%dma_wait3A_527, %dma_wait3A_528] : memref<2000x128xf32, #tpu.memory_space<hbm>> -> memref<2000x128xf32, #tpu.memory_space<hbm>>
      tpu.wait_indirect_dma semaphore(%arg37 : memref<!tpu.dma_semaphore, #tpu.memory_space<semaphore_mem>>) src(%dma_wait3A_529 : memref<2000x128xf32, #tpu.memory_space<hbm>>) dst(%arg23 : memref<80x128xf32, #tpu.memory_space<vmem>>)
      %dma_wait3A_530 = arith.constant 0 : i32
      %dma_wait3A_531 = arith.constant 0 : i32
      %dma_wait3A_532 = tpu.memref_slice %arg35[%dma_wait3A_530, %dma_wait3A_531] : memref<200000x128xf32, #tpu.memory_space<hbm>> -> memref<200000x128xf32, #tpu.memory_space<hbm>>
      tpu.wait_indirect_dma semaphore(%arg37 : memref<!tpu.dma_semaphore, #tpu.memory_space<semaphore_mem>>) src(%dma_wait3A_532 : memref<200000x128xf32, #tpu.memory_space<hbm>>) dst(%arg24 : memref<80x128xf32, #tpu.memory_space<vmem>>)
      %dma_wait3A_533 = arith.constant 0 : i32
      %dma_wait3A_534 = arith.constant 0 : i32
      %dma_wait3A_535 = tpu.memref_slice %arg34[%dma_wait3A_533, %dma_wait3A_534] : memref<20000x128xf32, #tpu.memory_space<hbm>> -> memref<20000x128xf32, #tpu.memory_space<hbm>>
      tpu.wait_indirect_dma semaphore(%arg37 : memref<!tpu.dma_semaphore, #tpu.memory_space<semaphore_mem>>) src(%dma_wait3A_535 : memref<20000x128xf32, #tpu.memory_space<hbm>>) dst(%arg25 : memref<80x128xf32, #tpu.memory_space<vmem>>)
      %mul3A_536 = arith.constant 80 : i32
      %mul3A_537 = arith.muli %add3A_411, %mul3A_536 : i32
      %scan3A_538 = arith.constant 0 : i32
      %scan3A_539 = arith.constant 0 : i32
      %scan3A_540 = arith.constant 80 : i32
      %scan3A_541 = arith.addi %scan3A_539, %scan3A_540 : i32
      %scan3A_542 = arith.constant 1 : i32
      scf.for %scan3A_667 = %scan3A_539 to %scan3A_541 step %scan3A_542  : i32 {
        %get3A_668 = arith.index_cast %scan3A_667 : i32 to index
        %get3A_669 = arith.constant 0 : index
        %get3A_670 = tpu.vector_load %arg24[%get3A_668, %get3A_669] {strides = array<i32>} : memref<80x128xf32, #tpu.memory_space<vmem>>, vector<16xf32>,
        %swap3A = arith.index_cast %scan3A_667 : i32 to index
        %swap3A_671 = arith.constant 32 : index
        %swap3A_672 = tpu.vector_load %arg23[%swap3A, %swap3A_671] {strides = array<i32>} : memref<80x128xf32, #tpu.memory_space<vmem>>, vector<16xf32>,
        tpu.vector_store %arg23[%swap3A, %swap3A_671], %get3A_670 {strides = array<i32>} : memref<80x128xf32, #tpu.memory_space<vmem>>, vector<16xf32>,
        %get3A_673 = arith.index_cast %scan3A_667 : i32 to index
        %get3A_674 = arith.constant 16 : index
        %get3A_675 = tpu.vector_load %arg24[%get3A_673, %get3A_674] {strides = array<i32>} : memref<80x128xf32, #tpu.memory_space<vmem>>, vector<16xf32>,
        %swap3A_676 = arith.index_cast %scan3A_667 : i32 to index
        %swap3A_677 = arith.constant 48 : index
        %swap3A_678 = tpu.vector_load %arg23[%swap3A_676, %swap3A_677] {strides = array<i32>} : memref<80x128xf32, #tpu.memory_space<vmem>>, vector<16xf32>,
        tpu.vector_store %arg23[%swap3A_676, %swap3A_677], %get3A_675 {strides = array<i32>} : memref<80x128xf32, #tpu.memory_space<vmem>>, vector<16xf32>,
        %get3A_679 = arith.index_cast %scan3A_667 : i32 to index
        %get3A_680 = arith.constant 32 : index
        %get3A_681 = tpu.vector_load %arg24[%get3A_679, %get3A_680] {strides = array<i32>} : memref<80x128xf32, #tpu.memory_space<vmem>>, vector<16xf32>,
        %swap3A_682 = arith.index_cast %scan3A_667 : i32 to index
        %swap3A_683 = arith.constant 64 : index
        %swap3A_684 = tpu.vector_load %arg23[%swap3A_682, %swap3A_683] {strides = array<i32>} : memref<80x128xf32, #tpu.memory_space<vmem>>, vector<16xf32>,
        tpu.vector_store %arg23[%swap3A_682, %swap3A_683], %get3A_681 {strides = array<i32>} : memref<80x128xf32, #tpu.memory_space<vmem>>, vector<16xf32>,
        %get3A_685 = arith.index_cast %scan3A_667 : i32 to index
        %get3A_686 = arith.constant 48 : index
        %get3A_687 = tpu.vector_load %arg24[%get3A_685, %get3A_686] {strides = array<i32>} : memref<80x128xf32, #tpu.memory_space<vmem>>, vector<16xf32>,
        %swap3A_688 = arith.index_cast %scan3A_667 : i32 to index
        %swap3A_689 = arith.constant 80 : index
        %swap3A_690 = tpu.vector_load %arg23[%swap3A_688, %swap3A_689] {strides = array<i32>} : memref<80x128xf32, #tpu.memory_space<vmem>>, vector<16xf32>,
        tpu.vector_store %arg23[%swap3A_688, %swap3A_689], %get3A_687 {strides = array<i32>} : memref<80x128xf32, #tpu.memory_space<vmem>>, vector<16xf32>,
        %get3A_691 = arith.index_cast %scan3A_667 : i32 to index
        %get3A_692 = arith.constant 0 : index
        %get3A_693 = tpu.vector_load %arg25[%get3A_691, %get3A_692] {strides = array<i32>} : memref<80x128xf32, #tpu.memory_space<vmem>>, vector<16xf32>,
        %swap3A_694 = arith.index_cast %scan3A_667 : i32 to index
        %swap3A_695 = arith.constant 96 : index
        %swap3A_696 = tpu.vector_load %arg23[%swap3A_694, %swap3A_695] {strides = array<i32>} : memref<80x128xf32, #tpu.memory_space<vmem>>, vector<16xf32>,
        tpu.vector_store %arg23[%swap3A_694, %swap3A_695], %get3A_693 {strides = array<i32>} : memref<80x128xf32, #tpu.memory_space<vmem>>, vector<16xf32>,
        %get3A_697 = arith.index_cast %scan3A_667 : i32 to index
        %get3A_698 = arith.constant 16 : index
        %get3A_699 = tpu.vector_load %arg25[%get3A_697, %get3A_698] {strides = array<i32>} : memref<80x128xf32, #tpu.memory_space<vmem>>, vector<16xf32>,
        %swap3A_700 = arith.index_cast %scan3A_667 : i32 to index
        %swap3A_701 = arith.constant 112 : index
        %swap3A_702 = tpu.vector_load %arg23[%swap3A_700, %swap3A_701] {strides = array<i32>} : memref<80x128xf32, #tpu.memory_space<vmem>>, vector<16xf32>,
        tpu.vector_store %arg23[%swap3A_700, %swap3A_701], %get3A_699 {strides = array<i32>} : memref<80x128xf32, #tpu.memory_space<vmem>>, vector<16xf32>,
      }
      %scan3A_543 = arith.constant 80 : i32
      %broadcast_in_dim3A_544 = arith.constant 0 : i32
      %broadcast_in_dim3A_545 = vector.broadcast %broadcast_in_dim3A_544 : i32 to vector<16xi32>
      %add3A_546 = arith.constant 0 : i32
      %add3A_547 = arith.addi %mul3A_537, %add3A_546 : i32
      %get3A_548 = arith.index_cast %add3A_547 : i32 to index
      %get3A_549 = tpu.vector_load %arg11[%get3A_548] {strides = array<i32>} : memref<6400xi32, #tpu.memory_space<vmem>>, vector<16xi32>,
      %eq3A_550 = arith.constant 0 : i32
      %eq3A_551 = vector.broadcast %eq3A_550 : i32 to vector<16xi32>
      %eq3A_552 = arith.cmpi eq, %get3A_549, %eq3A_551 : vector<16xi32>
      %jit3A_553 = arith.constant 1 : i32
      %jit3A_554 = arith.constant 0 : i32
      %broadcast_in_dim3A_555 = vector.broadcast %jit3A_553 : i32 to vector<16xi32>
      %broadcast_in_dim3A_556 = vector.broadcast %jit3A_554 : i32 to vector<16xi32>
      %select_n3A_557 = arith.select %eq3A_552, %broadcast_in_dim3A_555, %broadcast_in_dim3A_556 : vector<16xi1>, vector<16xi32>
      %or3A_558 = arith.ori %broadcast_in_dim3A_545, %select_n3A_557 : vector<16xi32>
      %add3A_559 = arith.constant 16 : i32
      %add3A_560 = arith.addi %mul3A_537, %add3A_559 : i32
      %get3A_561 = arith.index_cast %add3A_560 : i32 to index
      %get3A_562 = tpu.vector_load %arg11[%get3A_561] {strides = array<i32>} : memref<6400xi32, #tpu.memory_space<vmem>>, vector<16xi32>,
      %eq3A_563 = arith.constant 0 : i32
      %eq3A_564 = vector.broadcast %eq3A_563 : i32 to vector<16xi32>
      %eq3A_565 = arith.cmpi eq, %get3A_562, %eq3A_564 : vector<16xi32>
      %jit3A_566 = arith.constant 1 : i32
      %jit3A_567 = arith.constant 0 : i32
      %broadcast_in_dim3A_568 = vector.broadcast %jit3A_566 : i32 to vector<16xi32>
      %broadcast_in_dim3A_569 = vector.broadcast %jit3A_567 : i32 to vector<16xi32>
      %select_n3A_570 = arith.select %eq3A_565, %broadcast_in_dim3A_568, %broadcast_in_dim3A_569 : vector<16xi1>, vector<16xi32>
      %or3A_571 = arith.ori %or3A_558, %select_n3A_570 : vector<16xi32>
      %add3A_572 = arith.constant 32 : i32
      %add3A_573 = arith.addi %mul3A_537, %add3A_572 : i32
      %get3A_574 = arith.index_cast %add3A_573 : i32 to index
      %get3A_575 = tpu.vector_load %arg11[%get3A_574] {strides = array<i32>} : memref<6400xi32, #tpu.memory_space<vmem>>, vector<16xi32>,
      %eq3A_576 = arith.constant 0 : i32
      %eq3A_577 = vector.broadcast %eq3A_576 : i32 to vector<16xi32>
      %eq3A_578 = arith.cmpi eq, %get3A_575, %eq3A_577 : vector<16xi32>
      %jit3A_579 = arith.constant 1 : i32
      %jit3A_580 = arith.constant 0 : i32
      %broadcast_in_dim3A_581 = vector.broadcast %jit3A_579 : i32 to vector<16xi32>
      %broadcast_in_dim3A_582 = vector.broadcast %jit3A_580 : i32 to vector<16xi32>
      %select_n3A_583 = arith.select %eq3A_578, %broadcast_in_dim3A_581, %broadcast_in_dim3A_582 : vector<16xi1>, vector<16xi32>
      %or3A_584 = arith.ori %or3A_571, %select_n3A_583 : vector<16xi32>
      %add3A_585 = arith.constant 48 : i32
      %add3A_586 = arith.addi %mul3A_537, %add3A_585 : i32
      %get3A_587 = arith.index_cast %add3A_586 : i32 to index
      %get3A_588 = tpu.vector_load %arg11[%get3A_587] {strides = array<i32>} : memref<6400xi32, #tpu.memory_space<vmem>>, vector<16xi32>,
      %eq3A_589 = arith.constant 0 : i32
      %eq3A_590 = vector.broadcast %eq3A_589 : i32 to vector<16xi32>
      %eq3A_591 = arith.cmpi eq, %get3A_588, %eq3A_590 : vector<16xi32>
      %jit3A_592 = arith.constant 1 : i32
      %jit3A_593 = arith.constant 0 : i32
      %broadcast_in_dim3A_594 = vector.broadcast %jit3A_592 : i32 to vector<16xi32>
      %broadcast_in_dim3A_595 = vector.broadcast %jit3A_593 : i32 to vector<16xi32>
      %select_n3A_596 = arith.select %eq3A_591, %broadcast_in_dim3A_594, %broadcast_in_dim3A_595 : vector<16xi1>, vector<16xi32>
      %or3A_597 = arith.ori %or3A_584, %select_n3A_596 : vector<16xi32>
      %add3A_598 = arith.constant 64 : i32
      %add3A_599 = arith.addi %mul3A_537, %add3A_598 : i32
      %get3A_600 = arith.index_cast %add3A_599 : i32 to index
      %get3A_601 = tpu.vector_load %arg11[%get3A_600] {strides = array<i32>} : memref<6400xi32, #tpu.memory_space<vmem>>, vector<16xi32>,
      %eq3A_602 = arith.constant 0 : i32
      %eq3A_603 = vector.broadcast %eq3A_602 : i32 to vector<16xi32>
      %eq3A_604 = arith.cmpi eq, %get3A_601, %eq3A_603 : vector<16xi32>
      %jit3A_605 = arith.constant 1 : i32
      %jit3A_606 = arith.constant 0 : i32
      %broadcast_in_dim3A_607 = vector.broadcast %jit3A_605 : i32 to vector<16xi32>
      %broadcast_in_dim3A_608 = vector.broadcast %jit3A_606 : i32 to vector<16xi32>
      %select_n3A_609 = arith.select %eq3A_604, %broadcast_in_dim3A_607, %broadcast_in_dim3A_608 : vector<16xi1>, vector<16xi32>
      %or3A_610 = arith.ori %or3A_597, %select_n3A_609 : vector<16xi32>
      %reduce_max3A_611 = arith.constant true
      %reduce_max3A_612 = vector.broadcast %reduce_max3A_611 : i1 to vector<16xi1>
      %reduce_max3A_613 = arith.constant -2147483648 : i32
      %reduce_max3A_614 = vector.broadcast %reduce_max3A_613 : i32 to vector<16xi32>
      %reduce_max3A_615 = arith.xori %or3A_610, %reduce_max3A_614 : vector<16xi32>
      %reduce_max3A_616 = tpu.scan <max>, %reduce_max3A_615 masked %reduce_max3A_612 : vector<16xi32>, vector<16xi1> -> vector<16xi32>
      %reduce_max3A_617 = arith.xori %reduce_max3A_616, %reduce_max3A_614 : vector<16xi32>
      %reduce_max3A_618 = vector.extract %reduce_max3A_617[15] : i32 from vector<16xi32>
      %gt3A_619 = arith.constant 0 : i32
      %gt3A_620 = arith.cmpi sgt, %reduce_max3A_618, %gt3A_619 : i32
      %convert_element_type3A_621 = arith.extui %gt3A_620 : i1 to i32
      %cond3A_622 = arith.constant 0 : i32
      %cond3A_623 = arith.cmpi ne, %convert_element_type3A_621, %cond3A_622 : i32
      scf.if %cond3A_623 {
        %scan3A_667 = arith.constant 0 : i32
        %scan3A_668 = arith.constant 0 : i32
        %scan3A_669 = arith.constant 5 : i32
        %scan3A_670 = arith.addi %scan3A_668, %scan3A_669 : i32
        %scan3A_671 = arith.constant 1 : i32
        scf.for %scan3A_673 = %scan3A_668 to %scan3A_670 step %scan3A_671  : i32 {
          %mul3A_674 = arith.constant 16 : i32
          %mul3A_675 = arith.muli %scan3A_673, %mul3A_674 : i32
          %add3A_676 = arith.addi %mul3A_537, %mul3A_675 : i32
          %get3A_677 = arith.index_cast %add3A_676 : i32 to index
          %get3A_678 = tpu.vector_load %arg11[%get3A_677] {strides = array<i32>} : memref<6400xi32, #tpu.memory_space<vmem>>, vector<16xi32>,
          %eq3A_679 = arith.constant 0 : i32
          %eq3A_680 = vector.broadcast %eq3A_679 : i32 to vector<16xi32>
          %eq3A_681 = arith.cmpi eq, %get3A_678, %eq3A_680 : vector<16xi32>
          %iota3A = tpu.iota {dimensions = array<i32: 0>} : vector<16xi32>
          %mul3A_682 = arith.constant 16 : i32
          %mul3A_683 = arith.muli %scan3A_673, %mul3A_682 : i32
          %add3A_684 = vector.broadcast %mul3A_683 : i32 to vector<16xi32>
          %add3A_685 = arith.addi %iota3A, %add3A_684 : vector<16xi32>
          %broadcast_in_dim3A_686 = arith.constant 0.000000e+00 : f32
          %broadcast_in_dim3A_687 = vector.broadcast %broadcast_in_dim3A_686 : f32 to vector<16xf32>
          %broadcast_in_dim3A_688 = arith.constant 0 : i32
          %broadcast_in_dim3A_689 = vector.broadcast %broadcast_in_dim3A_688 : i32 to vector<16xi32>
          tpu.vector_store_idx %arg22[%add3A_685, %broadcast_in_dim3A_689], %broadcast_in_dim3A_687 masked %eq3A_681 : memref<80x128xf32, #tpu.memory_space<vmem>>[vector<16xi32>, vector<16xi32>], vector<16xf32>, vector<16xi1>
          %broadcast_in_dim3A_690 = arith.constant 1 : i32
          %broadcast_in_dim3A_691 = vector.broadcast %broadcast_in_dim3A_690 : i32 to vector<16xi32>
          tpu.vector_store_idx %arg22[%add3A_685, %broadcast_in_dim3A_691], %broadcast_in_dim3A_687 masked %eq3A_681 : memref<80x128xf32, #tpu.memory_space<vmem>>[vector<16xi32>, vector<16xi32>], vector<16xf32>, vector<16xi1>
          %broadcast_in_dim3A_692 = arith.constant 2 : i32
          %broadcast_in_dim3A_693 = vector.broadcast %broadcast_in_dim3A_692 : i32 to vector<16xi32>
          tpu.vector_store_idx %arg22[%add3A_685, %broadcast_in_dim3A_693], %broadcast_in_dim3A_687 masked %eq3A_681 : memref<80x128xf32, #tpu.memory_space<vmem>>[vector<16xi32>, vector<16xi32>], vector<16xf32>, vector<16xi1>
          %broadcast_in_dim3A_694 = arith.constant 3 : i32
          %broadcast_in_dim3A_695 = vector.broadcast %broadcast_in_dim3A_694 : i32 to vector<16xi32>
          tpu.vector_store_idx %arg22[%add3A_685, %broadcast_in_dim3A_695], %broadcast_in_dim3A_687 masked %eq3A_681 : memref<80x128xf32, #tpu.memory_space<vmem>>[vector<16xi32>, vector<16xi32>], vector<16xf32>, vector<16xi1>
          %broadcast_in_dim3A_696 = arith.constant 4 : i32
          %broadcast_in_dim3A_697 = vector.broadcast %broadcast_in_dim3A_696 : i32 to vector<16xi32>
          tpu.vector_store_idx %arg22[%add3A_685, %broadcast_in_dim3A_697], %broadcast_in_dim3A_687 masked %eq3A_681 : memref<80x128xf32, #tpu.memory_space<vmem>>[vector<16xi32>, vector<16xi32>], vector<16xf32>, vector<16xi1>
          %broadcast_in_dim3A_698 = arith.constant 5 : i32
          %broadcast_in_dim3A_699 = vector.broadcast %broadcast_in_dim3A_698 : i32 to vector<16xi32>
          tpu.vector_store_idx %arg22[%add3A_685, %broadcast_in_dim3A_699], %broadcast_in_dim3A_687 masked %eq3A_681 : memref<80x128xf32, #tpu.memory_space<vmem>>[vector<16xi32>, vector<16xi32>], vector<16xf32>, vector<16xi1>
          %broadcast_in_dim3A_700 = arith.constant 6 : i32
          %broadcast_in_dim3A_701 = vector.broadcast %broadcast_in_dim3A_700 : i32 to vector<16xi32>
          tpu.vector_store_idx %arg22[%add3A_685, %broadcast_in_dim3A_701], %broadcast_in_dim3A_687 masked %eq3A_681 : memref<80x128xf32, #tpu.memory_space<vmem>>[vector<16xi32>, vector<16xi32>], vector<16xf32>, vector<16xi1>
          %broadcast_in_dim3A_702 = arith.constant 7 : i32
          %broadcast_in_dim3A_703 = vector.broadcast %broadcast_in_dim3A_702 : i32 to vector<16xi32>
          tpu.vector_store_idx %arg22[%add3A_685, %broadcast_in_dim3A_703], %broadcast_in_dim3A_687 masked %eq3A_681 : memref<80x128xf32, #tpu.memory_space<vmem>>[vector<16xi32>, vector<16xi32>], vector<16xf32>, vector<16xi1>
          %broadcast_in_dim3A_704 = arith.constant 8 : i32
          %broadcast_in_dim3A_705 = vector.broadcast %broadcast_in_dim3A_704 : i32 to vector<16xi32>
          tpu.vector_store_idx %arg22[%add3A_685, %broadcast_in_dim3A_705], %broadcast_in_dim3A_687 masked %eq3A_681 : memref<80x128xf32, #tpu.memory_space<vmem>>[vector<16xi32>, vector<16xi32>], vector<16xf32>, vector<16xi1>
          %broadcast_in_dim3A_706 = arith.constant 9 : i32
          %broadcast_in_dim3A_707 = vector.broadcast %broadcast_in_dim3A_706 : i32 to vector<16xi32>
          tpu.vector_store_idx %arg22[%add3A_685, %broadcast_in_dim3A_707], %broadcast_in_dim3A_687 masked %eq3A_681 : memref<80x128xf32, #tpu.memory_space<vmem>>[vector<16xi32>, vector<16xi32>], vector<16xf32>, vector<16xi1>
          %broadcast_in_dim3A_708 = arith.constant 10 : i32
          %broadcast_in_dim3A_709 = vector.broadcast %broadcast_in_dim3A_708 : i32 to vector<16xi32>
          tpu.vector_store_idx %arg22[%add3A_685, %broadcast_in_dim3A_709], %broadcast_in_dim3A_687 masked %eq3A_681 : memref<80x128xf32, #tpu.memory_space<vmem>>[vector<16xi32>, vector<16xi32>], vector<16xf32>, vector<16xi1>
          %broadcast_in_dim3A_710 = arith.constant 11 : i32
          %broadcast_in_dim3A_711 = vector.broadcast %broadcast_in_dim3A_710 : i32 to vector<16xi32>
          tpu.vector_store_idx %arg22[%add3A_685, %broadcast_in_dim3A_711], %broadcast_in_dim3A_687 masked %eq3A_681 : memref<80x128xf32, #tpu.memory_space<vmem>>[vector<16xi32>, vector<16xi32>], vector<16xf32>, vector<16xi1>
          %broadcast_in_dim3A_712 = arith.constant 12 : i32
          %broadcast_in_dim3A_713 = vector.broadcast %broadcast_in_dim3A_712 : i32 to vector<16xi32>
          tpu.vector_store_idx %arg22[%add3A_685, %broadcast_in_dim3A_713], %broadcast_in_dim3A_687 masked %eq3A_681 : memref<80x128xf32, #tpu.memory_space<vmem>>[vector<16xi32>, vector<16xi32>], vector<16xf32>, vector<16xi1>
          %broadcast_in_dim3A_714 = arith.constant 13 : i32
          %broadcast_in_dim3A_715 = vector.broadcast %broadcast_in_dim3A_714 : i32 to vector<16xi32>
          tpu.vector_store_idx %arg22[%add3A_685, %broadcast_in_dim3A_715], %broadcast_in_dim3A_687 masked %eq3A_681 : memref<80x128xf32, #tpu.memory_space<vmem>>[vector<16xi32>, vector<16xi32>], vector<16xf32>, vector<16xi1>
          %broadcast_in_dim3A_716 = arith.constant 14 : i32
          %broadcast_in_dim3A_717 = vector.broadcast %broadcast_in_dim3A_716 : i32 to vector<16xi32>
          tpu.vector_store_idx %arg22[%add3A_685, %broadcast_in_dim3A_717], %broadcast_in_dim3A_687 masked %eq3A_681 : memref<80x128xf32, #tpu.memory_space<vmem>>[vector<16xi32>, vector<16xi32>], vector<16xf32>, vector<16xi1>
          %broadcast_in_dim3A_718 = arith.constant 15 : i32
          %broadcast_in_dim3A_719 = vector.broadcast %broadcast_in_dim3A_718 : i32 to vector<16xi32>
          tpu.vector_store_idx %arg22[%add3A_685, %broadcast_in_dim3A_719], %broadcast_in_dim3A_687 masked %eq3A_681 : memref<80x128xf32, #tpu.memory_space<vmem>>[vector<16xi32>, vector<16xi32>], vector<16xf32>, vector<16xi1>
          %broadcast_in_dim3A_720 = arith.constant 16 : i32
          %broadcast_in_dim3A_721 = vector.broadcast %broadcast_in_dim3A_720 : i32 to vector<16xi32>
          tpu.vector_store_idx %arg22[%add3A_685, %broadcast_in_dim3A_721], %broadcast_in_dim3A_687 masked %eq3A_681 : memref<80x128xf32, #tpu.memory_space<vmem>>[vector<16xi32>, vector<16xi32>], vector<16xf32>, vector<16xi1>
          %broadcast_in_dim3A_722 = arith.constant 17 : i32
          %broadcast_in_dim3A_723 = vector.broadcast %broadcast_in_dim3A_722 : i32 to vector<16xi32>
          tpu.vector_store_idx %arg22[%add3A_685, %broadcast_in_dim3A_723], %broadcast_in_dim3A_687 masked %eq3A_681 : memref<80x128xf32, #tpu.memory_space<vmem>>[vector<16xi32>, vector<16xi32>], vector<16xf32>, vector<16xi1>
          %broadcast_in_dim3A_724 = arith.constant 18 : i32
          %broadcast_in_dim3A_725 = vector.broadcast %broadcast_in_dim3A_724 : i32 to vector<16xi32>
          tpu.vector_store_idx %arg22[%add3A_685, %broadcast_in_dim3A_725], %broadcast_in_dim3A_687 masked %eq3A_681 : memref<80x128xf32, #tpu.memory_space<vmem>>[vector<16xi32>, vector<16xi32>], vector<16xf32>, vector<16xi1>
          %broadcast_in_dim3A_726 = arith.constant 19 : i32
          %broadcast_in_dim3A_727 = vector.broadcast %broadcast_in_dim3A_726 : i32 to vector<16xi32>
          tpu.vector_store_idx %arg22[%add3A_685, %broadcast_in_dim3A_727], %broadcast_in_dim3A_687 masked %eq3A_681 : memref<80x128xf32, #tpu.memory_space<vmem>>[vector<16xi32>, vector<16xi32>], vector<16xf32>, vector<16xi1>
          %broadcast_in_dim3A_728 = arith.constant 20 : i32
          %broadcast_in_dim3A_729 = vector.broadcast %broadcast_in_dim3A_728 : i32 to vector<16xi32>
          tpu.vector_store_idx %arg22[%add3A_685, %broadcast_in_dim3A_729], %broadcast_in_dim3A_687 masked %eq3A_681 : memref<80x128xf32, #tpu.memory_space<vmem>>[vector<16xi32>, vector<16xi32>], vector<16xf32>, vector<16xi1>
          %broadcast_in_dim3A_730 = arith.constant 21 : i32
          %broadcast_in_dim3A_731 = vector.broadcast %broadcast_in_dim3A_730 : i32 to vector<16xi32>
          tpu.vector_store_idx %arg22[%add3A_685, %broadcast_in_dim3A_731], %broadcast_in_dim3A_687 masked %eq3A_681 : memref<80x128xf32, #tpu.memory_space<vmem>>[vector<16xi32>, vector<16xi32>], vector<16xf32>, vector<16xi1>
          %broadcast_in_dim3A_732 = arith.constant 22 : i32
          %broadcast_in_dim3A_733 = vector.broadcast %broadcast_in_dim3A_732 : i32 to vector<16xi32>
          tpu.vector_store_idx %arg22[%add3A_685, %broadcast_in_dim3A_733], %broadcast_in_dim3A_687 masked %eq3A_681 : memref<80x128xf32, #tpu.memory_space<vmem>>[vector<16xi32>, vector<16xi32>], vector<16xf32>, vector<16xi1>
          %broadcast_in_dim3A_734 = arith.constant 23 : i32
          %broadcast_in_dim3A_735 = vector.broadcast %broadcast_in_dim3A_734 : i32 to vector<16xi32>
          tpu.vector_store_idx %arg22[%add3A_685, %broadcast_in_dim3A_735], %broadcast_in_dim3A_687 masked %eq3A_681 : memref<80x128xf32, #tpu.memory_space<vmem>>[vector<16xi32>, vector<16xi32>], vector<16xf32>, vector<16xi1>
          %broadcast_in_dim3A_736 = arith.constant 24 : i32
          %broadcast_in_dim3A_737 = vector.broadcast %broadcast_in_dim3A_736 : i32 to vector<16xi32>
          tpu.vector_store_idx %arg22[%add3A_685, %broadcast_in_dim3A_737], %broadcast_in_dim3A_687 masked %eq3A_681 : memref<80x128xf32, #tpu.memory_space<vmem>>[vector<16xi32>, vector<16xi32>], vector<16xf32>, vector<16xi1>
          %broadcast_in_dim3A_738 = arith.constant 25 : i32
          %broadcast_in_dim3A_739 = vector.broadcast %broadcast_in_dim3A_738 : i32 to vector<16xi32>
          tpu.vector_store_idx %arg22[%add3A_685, %broadcast_in_dim3A_739], %broadcast_in_dim3A_687 masked %eq3A_681 : memref<80x128xf32, #tpu.memory_space<vmem>>[vector<16xi32>, vector<16xi32>], vector<16xf32>, vector<16xi1>
          %broadcast_in_dim3A_740 = arith.constant 26 : i32
          %broadcast_in_dim3A_741 = vector.broadcast %broadcast_in_dim3A_740 : i32 to vector<16xi32>
          tpu.vector_store_idx %arg22[%add3A_685, %broadcast_in_dim3A_741], %broadcast_in_dim3A_687 masked %eq3A_681 : memref<80x128xf32, #tpu.memory_space<vmem>>[vector<16xi32>, vector<16xi32>], vector<16xf32>, vector<16xi1>
          %broadcast_in_dim3A_742 = arith.constant 27 : i32
          %broadcast_in_dim3A_743 = vector.broadcast %broadcast_in_dim3A_742 : i32 to vector<16xi32>
          tpu.vector_store_idx %arg22[%add3A_685, %broadcast_in_dim3A_743], %broadcast_in_dim3A_687 masked %eq3A_681 : memref<80x128xf32, #tpu.memory_space<vmem>>[vector<16xi32>, vector<16xi32>], vector<16xf32>, vector<16xi1>
          %broadcast_in_dim3A_744 = arith.constant 28 : i32
          %broadcast_in_dim3A_745 = vector.broadcast %broadcast_in_dim3A_744 : i32 to vector<16xi32>
          tpu.vector_store_idx %arg22[%add3A_685, %broadcast_in_dim3A_745], %broadcast_in_dim3A_687 masked %eq3A_681 : memref<80x128xf32, #tpu.memory_space<vmem>>[vector<16xi32>, vector<16xi32>], vector<16xf32>, vector<16xi1>
          %broadcast_in_dim3A_746 = arith.constant 29 : i32
          %broadcast_in_dim3A_747 = vector.broadcast %broadcast_in_dim3A_746 : i32 to vector<16xi32>
          tpu.vector_store_idx %arg22[%add3A_685, %broadcast_in_dim3A_747], %broadcast_in_dim3A_687 masked %eq3A_681 : memref<80x128xf32, #tpu.memory_space<vmem>>[vector<16xi32>, vector<16xi32>], vector<16xf32>, vector<16xi1>
          %broadcast_in_dim3A_748 = arith.constant 30 : i32
          %broadcast_in_dim3A_749 = vector.broadcast %broadcast_in_dim3A_748 : i32 to vector<16xi32>
          tpu.vector_store_idx %arg22[%add3A_685, %broadcast_in_dim3A_749], %broadcast_in_dim3A_687 masked %eq3A_681 : memref<80x128xf32, #tpu.memory_space<vmem>>[vector<16xi32>, vector<16xi32>], vector<16xf32>, vector<16xi1>
          %broadcast_in_dim3A_750 = arith.constant 31 : i32
          %broadcast_in_dim3A_751 = vector.broadcast %broadcast_in_dim3A_750 : i32 to vector<16xi32>
          tpu.vector_store_idx %arg22[%add3A_685, %broadcast_in_dim3A_751], %broadcast_in_dim3A_687 masked %eq3A_681 : memref<80x128xf32, #tpu.memory_space<vmem>>[vector<16xi32>, vector<16xi32>], vector<16xf32>, vector<16xi1>
          %broadcast_in_dim3A_752 = arith.constant 32 : i32
          %broadcast_in_dim3A_753 = vector.broadcast %broadcast_in_dim3A_752 : i32 to vector<16xi32>
          tpu.vector_store_idx %arg22[%add3A_685, %broadcast_in_dim3A_753], %broadcast_in_dim3A_687 masked %eq3A_681 : memref<80x128xf32, #tpu.memory_space<vmem>>[vector<16xi32>, vector<16xi32>], vector<16xf32>, vector<16xi1>
          %broadcast_in_dim3A_754 = arith.constant 33 : i32
          %broadcast_in_dim3A_755 = vector.broadcast %broadcast_in_dim3A_754 : i32 to vector<16xi32>
          tpu.vector_store_idx %arg22[%add3A_685, %broadcast_in_dim3A_755], %broadcast_in_dim3A_687 masked %eq3A_681 : memref<80x128xf32, #tpu.memory_space<vmem>>[vector<16xi32>, vector<16xi32>], vector<16xf32>, vector<16xi1>
          %broadcast_in_dim3A_756 = arith.constant 34 : i32
          %broadcast_in_dim3A_757 = vector.broadcast %broadcast_in_dim3A_756 : i32 to vector<16xi32>
          tpu.vector_store_idx %arg22[%add3A_685, %broadcast_in_dim3A_757], %broadcast_in_dim3A_687 masked %eq3A_681 : memref<80x128xf32, #tpu.memory_space<vmem>>[vector<16xi32>, vector<16xi32>], vector<16xf32>, vector<16xi1>
          %broadcast_in_dim3A_758 = arith.constant 35 : i32
          %broadcast_in_dim3A_759 = vector.broadcast %broadcast_in_dim3A_758 : i32 to vector<16xi32>
          tpu.vector_store_idx %arg22[%add3A_685, %broadcast_in_dim3A_759], %broadcast_in_dim3A_687 masked %eq3A_681 : memref<80x128xf32, #tpu.memory_space<vmem>>[vector<16xi32>, vector<16xi32>], vector<16xf32>, vector<16xi1>
          %broadcast_in_dim3A_760 = arith.constant 36 : i32
          %broadcast_in_dim3A_761 = vector.broadcast %broadcast_in_dim3A_760 : i32 to vector<16xi32>
          tpu.vector_store_idx %arg22[%add3A_685, %broadcast_in_dim3A_761], %broadcast_in_dim3A_687 masked %eq3A_681 : memref<80x128xf32, #tpu.memory_space<vmem>>[vector<16xi32>, vector<16xi32>], vector<16xf32>, vector<16xi1>
          %broadcast_in_dim3A_762 = arith.constant 37 : i32
          %broadcast_in_dim3A_763 = vector.broadcast %broadcast_in_dim3A_762 : i32 to vector<16xi32>
          tpu.vector_store_idx %arg22[%add3A_685, %broadcast_in_dim3A_763], %broadcast_in_dim3A_687 masked %eq3A_681 : memref<80x128xf32, #tpu.memory_space<vmem>>[vector<16xi32>, vector<16xi32>], vector<16xf32>, vector<16xi1>
          %broadcast_in_dim3A_764 = arith.constant 38 : i32
          %broadcast_in_dim3A_765 = vector.broadcast %broadcast_in_dim3A_764 : i32 to vector<16xi32>
          tpu.vector_store_idx %arg22[%add3A_685, %broadcast_in_dim3A_765], %broadcast_in_dim3A_687 masked %eq3A_681 : memref<80x128xf32, #tpu.memory_space<vmem>>[vector<16xi32>, vector<16xi32>], vector<16xf32>, vector<16xi1>
          %broadcast_in_dim3A_766 = arith.constant 39 : i32
          %broadcast_in_dim3A_767 = vector.broadcast %broadcast_in_dim3A_766 : i32 to vector<16xi32>
          tpu.vector_store_idx %arg22[%add3A_685, %broadcast_in_dim3A_767], %broadcast_in_dim3A_687 masked %eq3A_681 : memref<80x128xf32, #tpu.memory_space<vmem>>[vector<16xi32>, vector<16xi32>], vector<16xf32>, vector<16xi1>
          %broadcast_in_dim3A_768 = arith.constant 40 : i32
          %broadcast_in_dim3A_769 = vector.broadcast %broadcast_in_dim3A_768 : i32 to vector<16xi32>
          tpu.vector_store_idx %arg22[%add3A_685, %broadcast_in_dim3A_769], %broadcast_in_dim3A_687 masked %eq3A_681 : memref<80x128xf32, #tpu.memory_space<vmem>>[vector<16xi32>, vector<16xi32>], vector<16xf32>, vector<16xi1>
          %broadcast_in_dim3A_770 = arith.constant 41 : i32
          %broadcast_in_dim3A_771 = vector.broadcast %broadcast_in_dim3A_770 : i32 to vector<16xi32>
          tpu.vector_store_idx %arg22[%add3A_685, %broadcast_in_dim3A_771], %broadcast_in_dim3A_687 masked %eq3A_681 : memref<80x128xf32, #tpu.memory_space<vmem>>[vector<16xi32>, vector<16xi32>], vector<16xf32>, vector<16xi1>
          %broadcast_in_dim3A_772 = arith.constant 42 : i32
          %broadcast_in_dim3A_773 = vector.broadcast %broadcast_in_dim3A_772 : i32 to vector<16xi32>
          tpu.vector_store_idx %arg22[%add3A_685, %broadcast_in_dim3A_773], %broadcast_in_dim3A_687 masked %eq3A_681 : memref<80x128xf32, #tpu.memory_space<vmem>>[vector<16xi32>, vector<16xi32>], vector<16xf32>, vector<16xi1>
          %broadcast_in_dim3A_774 = arith.constant 43 : i32
          %broadcast_in_dim3A_775 = vector.broadcast %broadcast_in_dim3A_774 : i32 to vector<16xi32>
          tpu.vector_store_idx %arg22[%add3A_685, %broadcast_in_dim3A_775], %broadcast_in_dim3A_687 masked %eq3A_681 : memref<80x128xf32, #tpu.memory_space<vmem>>[vector<16xi32>, vector<16xi32>], vector<16xf32>, vector<16xi1>
          %broadcast_in_dim3A_776 = arith.constant 44 : i32
          %broadcast_in_dim3A_777 = vector.broadcast %broadcast_in_dim3A_776 : i32 to vector<16xi32>
          tpu.vector_store_idx %arg22[%add3A_685, %broadcast_in_dim3A_777], %broadcast_in_dim3A_687 masked %eq3A_681 : memref<80x128xf32, #tpu.memory_space<vmem>>[vector<16xi32>, vector<16xi32>], vector<16xf32>, vector<16xi1>
          %broadcast_in_dim3A_778 = arith.constant 45 : i32
          %broadcast_in_dim3A_779 = vector.broadcast %broadcast_in_dim3A_778 : i32 to vector<16xi32>
          tpu.vector_store_idx %arg22[%add3A_685, %broadcast_in_dim3A_779], %broadcast_in_dim3A_687 masked %eq3A_681 : memref<80x128xf32, #tpu.memory_space<vmem>>[vector<16xi32>, vector<16xi32>], vector<16xf32>, vector<16xi1>
          %broadcast_in_dim3A_780 = arith.constant 46 : i32
          %broadcast_in_dim3A_781 = vector.broadcast %broadcast_in_dim3A_780 : i32 to vector<16xi32>
          tpu.vector_store_idx %arg22[%add3A_685, %broadcast_in_dim3A_781], %broadcast_in_dim3A_687 masked %eq3A_681 : memref<80x128xf32, #tpu.memory_space<vmem>>[vector<16xi32>, vector<16xi32>], vector<16xf32>, vector<16xi1>
          %broadcast_in_dim3A_782 = arith.constant 47 : i32
          %broadcast_in_dim3A_783 = vector.broadcast %broadcast_in_dim3A_782 : i32 to vector<16xi32>
          tpu.vector_store_idx %arg22[%add3A_685, %broadcast_in_dim3A_783], %broadcast_in_dim3A_687 masked %eq3A_681 : memref<80x128xf32, #tpu.memory_space<vmem>>[vector<16xi32>, vector<16xi32>], vector<16xf32>, vector<16xi1>
          %broadcast_in_dim3A_784 = arith.constant 48 : i32
          %broadcast_in_dim3A_785 = vector.broadcast %broadcast_in_dim3A_784 : i32 to vector<16xi32>
          tpu.vector_store_idx %arg22[%add3A_685, %broadcast_in_dim3A_785], %broadcast_in_dim3A_687 masked %eq3A_681 : memref<80x128xf32, #tpu.memory_space<vmem>>[vector<16xi32>, vector<16xi32>], vector<16xf32>, vector<16xi1>
          %broadcast_in_dim3A_786 = arith.constant 49 : i32
          %broadcast_in_dim3A_787 = vector.broadcast %broadcast_in_dim3A_786 : i32 to vector<16xi32>
          tpu.vector_store_idx %arg22[%add3A_685, %broadcast_in_dim3A_787], %broadcast_in_dim3A_687 masked %eq3A_681 : memref<80x128xf32, #tpu.memory_space<vmem>>[vector<16xi32>, vector<16xi32>], vector<16xf32>, vector<16xi1>
          %broadcast_in_dim3A_788 = arith.constant 50 : i32
          %broadcast_in_dim3A_789 = vector.broadcast %broadcast_in_dim3A_788 : i32 to vector<16xi32>
          tpu.vector_store_idx %arg22[%add3A_685, %broadcast_in_dim3A_789], %broadcast_in_dim3A_687 masked %eq3A_681 : memref<80x128xf32, #tpu.memory_space<vmem>>[vector<16xi32>, vector<16xi32>], vector<16xf32>, vector<16xi1>
          %broadcast_in_dim3A_790 = arith.constant 51 : i32
          %broadcast_in_dim3A_791 = vector.broadcast %broadcast_in_dim3A_790 : i32 to vector<16xi32>
          tpu.vector_store_idx %arg22[%add3A_685, %broadcast_in_dim3A_791], %broadcast_in_dim3A_687 masked %eq3A_681 : memref<80x128xf32, #tpu.memory_space<vmem>>[vector<16xi32>, vector<16xi32>], vector<16xf32>, vector<16xi1>
          %broadcast_in_dim3A_792 = arith.constant 52 : i32
          %broadcast_in_dim3A_793 = vector.broadcast %broadcast_in_dim3A_792 : i32 to vector<16xi32>
          tpu.vector_store_idx %arg22[%add3A_685, %broadcast_in_dim3A_793], %broadcast_in_dim3A_687 masked %eq3A_681 : memref<80x128xf32, #tpu.memory_space<vmem>>[vector<16xi32>, vector<16xi32>], vector<16xf32>, vector<16xi1>
          %broadcast_in_dim3A_794 = arith.constant 53 : i32
          %broadcast_in_dim3A_795 = vector.broadcast %broadcast_in_dim3A_794 : i32 to vector<16xi32>
          tpu.vector_store_idx %arg22[%add3A_685, %broadcast_in_dim3A_795], %broadcast_in_dim3A_687 masked %eq3A_681 : memref<80x128xf32, #tpu.memory_space<vmem>>[vector<16xi32>, vector<16xi32>], vector<16xf32>, vector<16xi1>
          %broadcast_in_dim3A_796 = arith.constant 54 : i32
          %broadcast_in_dim3A_797 = vector.broadcast %broadcast_in_dim3A_796 : i32 to vector<16xi32>
          tpu.vector_store_idx %arg22[%add3A_685, %broadcast_in_dim3A_797], %broadcast_in_dim3A_687 masked %eq3A_681 : memref<80x128xf32, #tpu.memory_space<vmem>>[vector<16xi32>, vector<16xi32>], vector<16xf32>, vector<16xi1>
          %broadcast_in_dim3A_798 = arith.constant 55 : i32
          %broadcast_in_dim3A_799 = vector.broadcast %broadcast_in_dim3A_798 : i32 to vector<16xi32>
          tpu.vector_store_idx %arg22[%add3A_685, %broadcast_in_dim3A_799], %broadcast_in_dim3A_687 masked %eq3A_681 : memref<80x128xf32, #tpu.memory_space<vmem>>[vector<16xi32>, vector<16xi32>], vector<16xf32>, vector<16xi1>
          %broadcast_in_dim3A_800 = arith.constant 56 : i32
          %broadcast_in_dim3A_801 = vector.broadcast %broadcast_in_dim3A_800 : i32 to vector<16xi32>
          tpu.vector_store_idx %arg22[%add3A_685, %broadcast_in_dim3A_801], %broadcast_in_dim3A_687 masked %eq3A_681 : memref<80x128xf32, #tpu.memory_space<vmem>>[vector<16xi32>, vector<16xi32>], vector<16xf32>, vector<16xi1>
          %broadcast_in_dim3A_802 = arith.constant 57 : i32
          %broadcast_in_dim3A_803 = vector.broadcast %broadcast_in_dim3A_802 : i32 to vector<16xi32>
          tpu.vector_store_idx %arg22[%add3A_685, %broadcast_in_dim3A_803], %broadcast_in_dim3A_687 masked %eq3A_681 : memref<80x128xf32, #tpu.memory_space<vmem>>[vector<16xi32>, vector<16xi32>], vector<16xf32>, vector<16xi1>
          %broadcast_in_dim3A_804 = arith.constant 58 : i32
          %broadcast_in_dim3A_805 = vector.broadcast %broadcast_in_dim3A_804 : i32 to vector<16xi32>
          tpu.vector_store_idx %arg22[%add3A_685, %broadcast_in_dim3A_805], %broadcast_in_dim3A_687 masked %eq3A_681 : memref<80x128xf32, #tpu.memory_space<vmem>>[vector<16xi32>, vector<16xi32>], vector<16xf32>, vector<16xi1>
          %broadcast_in_dim3A_806 = arith.constant 59 : i32
          %broadcast_in_dim3A_807 = vector.broadcast %broadcast_in_dim3A_806 : i32 to vector<16xi32>
          tpu.vector_store_idx %arg22[%add3A_685, %broadcast_in_dim3A_807], %broadcast_in_dim3A_687 masked %eq3A_681 : memref<80x128xf32, #tpu.memory_space<vmem>>[vector<16xi32>, vector<16xi32>], vector<16xf32>, vector<16xi1>
          %broadcast_in_dim3A_808 = arith.constant 60 : i32
          %broadcast_in_dim3A_809 = vector.broadcast %broadcast_in_dim3A_808 : i32 to vector<16xi32>
          tpu.vector_store_idx %arg22[%add3A_685, %broadcast_in_dim3A_809], %broadcast_in_dim3A_687 masked %eq3A_681 : memref<80x128xf32, #tpu.memory_space<vmem>>[vector<16xi32>, vector<16xi32>], vector<16xf32>, vector<16xi1>
          %broadcast_in_dim3A_810 = arith.constant 61 : i32
          %broadcast_in_dim3A_811 = vector.broadcast %broadcast_in_dim3A_810 : i32 to vector<16xi32>
          tpu.vector_store_idx %arg22[%add3A_685, %broadcast_in_dim3A_811], %broadcast_in_dim3A_687 masked %eq3A_681 : memref<80x128xf32, #tpu.memory_space<vmem>>[vector<16xi32>, vector<16xi32>], vector<16xf32>, vector<16xi1>
          %broadcast_in_dim3A_812 = arith.constant 62 : i32
          %broadcast_in_dim3A_813 = vector.broadcast %broadcast_in_dim3A_812 : i32 to vector<16xi32>
          tpu.vector_store_idx %arg22[%add3A_685, %broadcast_in_dim3A_813], %broadcast_in_dim3A_687 masked %eq3A_681 : memref<80x128xf32, #tpu.memory_space<vmem>>[vector<16xi32>, vector<16xi32>], vector<16xf32>, vector<16xi1>
          %broadcast_in_dim3A_814 = arith.constant 63 : i32
          %broadcast_in_dim3A_815 = vector.broadcast %broadcast_in_dim3A_814 : i32 to vector<16xi32>
          tpu.vector_store_idx %arg22[%add3A_685, %broadcast_in_dim3A_815], %broadcast_in_dim3A_687 masked %eq3A_681 : memref<80x128xf32, #tpu.memory_space<vmem>>[vector<16xi32>, vector<16xi32>], vector<16xf32>, vector<16xi1>
          %broadcast_in_dim3A_816 = arith.constant 64 : i32
          %broadcast_in_dim3A_817 = vector.broadcast %broadcast_in_dim3A_816 : i32 to vector<16xi32>
          tpu.vector_store_idx %arg22[%add3A_685, %broadcast_in_dim3A_817], %broadcast_in_dim3A_687 masked %eq3A_681 : memref<80x128xf32, #tpu.memory_space<vmem>>[vector<16xi32>, vector<16xi32>], vector<16xf32>, vector<16xi1>
          %broadcast_in_dim3A_818 = arith.constant 65 : i32
          %broadcast_in_dim3A_819 = vector.broadcast %broadcast_in_dim3A_818 : i32 to vector<16xi32>
          tpu.vector_store_idx %arg22[%add3A_685, %broadcast_in_dim3A_819], %broadcast_in_dim3A_687 masked %eq3A_681 : memref<80x128xf32, #tpu.memory_space<vmem>>[vector<16xi32>, vector<16xi32>], vector<16xf32>, vector<16xi1>
          %broadcast_in_dim3A_820 = arith.constant 66 : i32
          %broadcast_in_dim3A_821 = vector.broadcast %broadcast_in_dim3A_820 : i32 to vector<16xi32>
          tpu.vector_store_idx %arg22[%add3A_685, %broadcast_in_dim3A_821], %broadcast_in_dim3A_687 masked %eq3A_681 : memref<80x128xf32, #tpu.memory_space<vmem>>[vector<16xi32>, vector<16xi32>], vector<16xf32>, vector<16xi1>
          %broadcast_in_dim3A_822 = arith.constant 67 : i32
          %broadcast_in_dim3A_823 = vector.broadcast %broadcast_in_dim3A_822 : i32 to vector<16xi32>
          tpu.vector_store_idx %arg22[%add3A_685, %broadcast_in_dim3A_823], %broadcast_in_dim3A_687 masked %eq3A_681 : memref<80x128xf32, #tpu.memory_space<vmem>>[vector<16xi32>, vector<16xi32>], vector<16xf32>, vector<16xi1>
          %broadcast_in_dim3A_824 = arith.constant 68 : i32
          %broadcast_in_dim3A_825 = vector.broadcast %broadcast_in_dim3A_824 : i32 to vector<16xi32>
          tpu.vector_store_idx %arg22[%add3A_685, %broadcast_in_dim3A_825], %broadcast_in_dim3A_687 masked %eq3A_681 : memref<80x128xf32, #tpu.memory_space<vmem>>[vector<16xi32>, vector<16xi32>], vector<16xf32>, vector<16xi1>
          %broadcast_in_dim3A_826 = arith.constant 69 : i32
          %broadcast_in_dim3A_827 = vector.broadcast %broadcast_in_dim3A_826 : i32 to vector<16xi32>
          tpu.vector_store_idx %arg22[%add3A_685, %broadcast_in_dim3A_827], %broadcast_in_dim3A_687 masked %eq3A_681 : memref<80x128xf32, #tpu.memory_space<vmem>>[vector<16xi32>, vector<16xi32>], vector<16xf32>, vector<16xi1>
          %broadcast_in_dim3A_828 = arith.constant 70 : i32
          %broadcast_in_dim3A_829 = vector.broadcast %broadcast_in_dim3A_828 : i32 to vector<16xi32>
          tpu.vector_store_idx %arg22[%add3A_685, %broadcast_in_dim3A_829], %broadcast_in_dim3A_687 masked %eq3A_681 : memref<80x128xf32, #tpu.memory_space<vmem>>[vector<16xi32>, vector<16xi32>], vector<16xf32>, vector<16xi1>
          %broadcast_in_dim3A_830 = arith.constant 71 : i32
          %broadcast_in_dim3A_831 = vector.broadcast %broadcast_in_dim3A_830 : i32 to vector<16xi32>
          tpu.vector_store_idx %arg22[%add3A_685, %broadcast_in_dim3A_831], %broadcast_in_dim3A_687 masked %eq3A_681 : memref<80x128xf32, #tpu.memory_space<vmem>>[vector<16xi32>, vector<16xi32>], vector<16xf32>, vector<16xi1>
          %broadcast_in_dim3A_832 = arith.constant 72 : i32
          %broadcast_in_dim3A_833 = vector.broadcast %broadcast_in_dim3A_832 : i32 to vector<16xi32>
          tpu.vector_store_idx %arg22[%add3A_685, %broadcast_in_dim3A_833], %broadcast_in_dim3A_687 masked %eq3A_681 : memref<80x128xf32, #tpu.memory_space<vmem>>[vector<16xi32>, vector<16xi32>], vector<16xf32>, vector<16xi1>
          %broadcast_in_dim3A_834 = arith.constant 73 : i32
          %broadcast_in_dim3A_835 = vector.broadcast %broadcast_in_dim3A_834 : i32 to vector<16xi32>
          tpu.vector_store_idx %arg22[%add3A_685, %broadcast_in_dim3A_835], %broadcast_in_dim3A_687 masked %eq3A_681 : memref<80x128xf32, #tpu.memory_space<vmem>>[vector<16xi32>, vector<16xi32>], vector<16xf32>, vector<16xi1>
          %broadcast_in_dim3A_836 = arith.constant 74 : i32
          %broadcast_in_dim3A_837 = vector.broadcast %broadcast_in_dim3A_836 : i32 to vector<16xi32>
          tpu.vector_store_idx %arg22[%add3A_685, %broadcast_in_dim3A_837], %broadcast_in_dim3A_687 masked %eq3A_681 : memref<80x128xf32, #tpu.memory_space<vmem>>[vector<16xi32>, vector<16xi32>], vector<16xf32>, vector<16xi1>
          %broadcast_in_dim3A_838 = arith.constant 75 : i32
          %broadcast_in_dim3A_839 = vector.broadcast %broadcast_in_dim3A_838 : i32 to vector<16xi32>
          tpu.vector_store_idx %arg22[%add3A_685, %broadcast_in_dim3A_839], %broadcast_in_dim3A_687 masked %eq3A_681 : memref<80x128xf32, #tpu.memory_space<vmem>>[vector<16xi32>, vector<16xi32>], vector<16xf32>, vector<16xi1>
          %broadcast_in_dim3A_840 = arith.constant 76 : i32
          %broadcast_in_dim3A_841 = vector.broadcast %broadcast_in_dim3A_840 : i32 to vector<16xi32>
          tpu.vector_store_idx %arg22[%add3A_685, %broadcast_in_dim3A_841], %broadcast_in_dim3A_687 masked %eq3A_681 : memref<80x128xf32, #tpu.memory_space<vmem>>[vector<16xi32>, vector<16xi32>], vector<16xf32>, vector<16xi1>
          %broadcast_in_dim3A_842 = arith.constant 77 : i32
          %broadcast_in_dim3A_843 = vector.broadcast %broadcast_in_dim3A_842 : i32 to vector<16xi32>
          tpu.vector_store_idx %arg22[%add3A_685, %broadcast_in_dim3A_843], %broadcast_in_dim3A_687 masked %eq3A_681 : memref<80x128xf32, #tpu.memory_space<vmem>>[vector<16xi32>, vector<16xi32>], vector<16xf32>, vector<16xi1>
          %broadcast_in_dim3A_844 = arith.constant 78 : i32
          %broadcast_in_dim3A_845 = vector.broadcast %broadcast_in_dim3A_844 : i32 to vector<16xi32>
          tpu.vector_store_idx %arg22[%add3A_685, %broadcast_in_dim3A_845], %broadcast_in_dim3A_687 masked %eq3A_681 : memref<80x128xf32, #tpu.memory_space<vmem>>[vector<16xi32>, vector<16xi32>], vector<16xf32>, vector<16xi1>
          %broadcast_in_dim3A_846 = arith.constant 79 : i32
          %broadcast_in_dim3A_847 = vector.broadcast %broadcast_in_dim3A_846 : i32 to vector<16xi32>
          tpu.vector_store_idx %arg22[%add3A_685, %broadcast_in_dim3A_847], %broadcast_in_dim3A_687 masked %eq3A_681 : memref<80x128xf32, #tpu.memory_space<vmem>>[vector<16xi32>, vector<16xi32>], vector<16xf32>, vector<16xi1>
          %broadcast_in_dim3A_848 = arith.constant 80 : i32
          %broadcast_in_dim3A_849 = vector.broadcast %broadcast_in_dim3A_848 : i32 to vector<16xi32>
          tpu.vector_store_idx %arg22[%add3A_685, %broadcast_in_dim3A_849], %broadcast_in_dim3A_687 masked %eq3A_681 : memref<80x128xf32, #tpu.memory_space<vmem>>[vector<16xi32>, vector<16xi32>], vector<16xf32>, vector<16xi1>
          %broadcast_in_dim3A_850 = arith.constant 81 : i32
          %broadcast_in_dim3A_851 = vector.broadcast %broadcast_in_dim3A_850 : i32 to vector<16xi32>
          tpu.vector_store_idx %arg22[%add3A_685, %broadcast_in_dim3A_851], %broadcast_in_dim3A_687 masked %eq3A_681 : memref<80x128xf32, #tpu.memory_space<vmem>>[vector<16xi32>, vector<16xi32>], vector<16xf32>, vector<16xi1>
          %broadcast_in_dim3A_852 = arith.constant 82 : i32
          %broadcast_in_dim3A_853 = vector.broadcast %broadcast_in_dim3A_852 : i32 to vector<16xi32>
          tpu.vector_store_idx %arg22[%add3A_685, %broadcast_in_dim3A_853], %broadcast_in_dim3A_687 masked %eq3A_681 : memref<80x128xf32, #tpu.memory_space<vmem>>[vector<16xi32>, vector<16xi32>], vector<16xf32>, vector<16xi1>
          %broadcast_in_dim3A_854 = arith.constant 83 : i32
          %broadcast_in_dim3A_855 = vector.broadcast %broadcast_in_dim3A_854 : i32 to vector<16xi32>
          tpu.vector_store_idx %arg22[%add3A_685, %broadcast_in_dim3A_855], %broadcast_in_dim3A_687 masked %eq3A_681 : memref<80x128xf32, #tpu.memory_space<vmem>>[vector<16xi32>, vector<16xi32>], vector<16xf32>, vector<16xi1>
          %broadcast_in_dim3A_856 = arith.constant 84 : i32
          %broadcast_in_dim3A_857 = vector.broadcast %broadcast_in_dim3A_856 : i32 to vector<16xi32>
          tpu.vector_store_idx %arg22[%add3A_685, %broadcast_in_dim3A_857], %broadcast_in_dim3A_687 masked %eq3A_681 : memref<80x128xf32, #tpu.memory_space<vmem>>[vector<16xi32>, vector<16xi32>], vector<16xf32>, vector<16xi1>
          %broadcast_in_dim3A_858 = arith.constant 85 : i32
          %broadcast_in_dim3A_859 = vector.broadcast %broadcast_in_dim3A_858 : i32 to vector<16xi32>
          tpu.vector_store_idx %arg22[%add3A_685, %broadcast_in_dim3A_859], %broadcast_in_dim3A_687 masked %eq3A_681 : memref<80x128xf32, #tpu.memory_space<vmem>>[vector<16xi32>, vector<16xi32>], vector<16xf32>, vector<16xi1>
          %broadcast_in_dim3A_860 = arith.constant 86 : i32
          %broadcast_in_dim3A_861 = vector.broadcast %broadcast_in_dim3A_860 : i32 to vector<16xi32>
          tpu.vector_store_idx %arg22[%add3A_685, %broadcast_in_dim3A_861], %broadcast_in_dim3A_687 masked %eq3A_681 : memref<80x128xf32, #tpu.memory_space<vmem>>[vector<16xi32>, vector<16xi32>], vector<16xf32>, vector<16xi1>
          %broadcast_in_dim3A_862 = arith.constant 87 : i32
          %broadcast_in_dim3A_863 = vector.broadcast %broadcast_in_dim3A_862 : i32 to vector<16xi32>
          tpu.vector_store_idx %arg22[%add3A_685, %broadcast_in_dim3A_863], %broadcast_in_dim3A_687 masked %eq3A_681 : memref<80x128xf32, #tpu.memory_space<vmem>>[vector<16xi32>, vector<16xi32>], vector<16xf32>, vector<16xi1>
          %broadcast_in_dim3A_864 = arith.constant 88 : i32
          %broadcast_in_dim3A_865 = vector.broadcast %broadcast_in_dim3A_864 : i32 to vector<16xi32>
          tpu.vector_store_idx %arg22[%add3A_685, %broadcast_in_dim3A_865], %broadcast_in_dim3A_687 masked %eq3A_681 : memref<80x128xf32, #tpu.memory_space<vmem>>[vector<16xi32>, vector<16xi32>], vector<16xf32>, vector<16xi1>
          %broadcast_in_dim3A_866 = arith.constant 89 : i32
          %broadcast_in_dim3A_867 = vector.broadcast %broadcast_in_dim3A_866 : i32 to vector<16xi32>
          tpu.vector_store_idx %arg22[%add3A_685, %broadcast_in_dim3A_867], %broadcast_in_dim3A_687 masked %eq3A_681 : memref<80x128xf32, #tpu.memory_space<vmem>>[vector<16xi32>, vector<16xi32>], vector<16xf32>, vector<16xi1>
          %broadcast_in_dim3A_868 = arith.constant 90 : i32
          %broadcast_in_dim3A_869 = vector.broadcast %broadcast_in_dim3A_868 : i32 to vector<16xi32>
          tpu.vector_store_idx %arg22[%add3A_685, %broadcast_in_dim3A_869], %broadcast_in_dim3A_687 masked %eq3A_681 : memref<80x128xf32, #tpu.memory_space<vmem>>[vector<16xi32>, vector<16xi32>], vector<16xf32>, vector<16xi1>
          %broadcast_in_dim3A_870 = arith.constant 91 : i32
          %broadcast_in_dim3A_871 = vector.broadcast %broadcast_in_dim3A_870 : i32 to vector<16xi32>
          tpu.vector_store_idx %arg22[%add3A_685, %broadcast_in_dim3A_871], %broadcast_in_dim3A_687 masked %eq3A_681 : memref<80x128xf32, #tpu.memory_space<vmem>>[vector<16xi32>, vector<16xi32>], vector<16xf32>, vector<16xi1>
          %broadcast_in_dim3A_872 = arith.constant 92 : i32
          %broadcast_in_dim3A_873 = vector.broadcast %broadcast_in_dim3A_872 : i32 to vector<16xi32>
          tpu.vector_store_idx %arg22[%add3A_685, %broadcast_in_dim3A_873], %broadcast_in_dim3A_687 masked %eq3A_681 : memref<80x128xf32, #tpu.memory_space<vmem>>[vector<16xi32>, vector<16xi32>], vector<16xf32>, vector<16xi1>
          %broadcast_in_dim3A_874 = arith.constant 93 : i32
          %broadcast_in_dim3A_875 = vector.broadcast %broadcast_in_dim3A_874 : i32 to vector<16xi32>
          tpu.vector_store_idx %arg22[%add3A_685, %broadcast_in_dim3A_875], %broadcast_in_dim3A_687 masked %eq3A_681 : memref<80x128xf32, #tpu.memory_space<vmem>>[vector<16xi32>, vector<16xi32>], vector<16xf32>, vector<16xi1>
          %broadcast_in_dim3A_876 = arith.constant 94 : i32
          %broadcast_in_dim3A_877 = vector.broadcast %broadcast_in_dim3A_876 : i32 to vector<16xi32>
          tpu.vector_store_idx %arg22[%add3A_685, %broadcast_in_dim3A_877], %broadcast_in_dim3A_687 masked %eq3A_681 : memref<80x128xf32, #tpu.memory_space<vmem>>[vector<16xi32>, vector<16xi32>], vector<16xf32>, vector<16xi1>
          %broadcast_in_dim3A_878 = arith.constant 95 : i32
          %broadcast_in_dim3A_879 = vector.broadcast %broadcast_in_dim3A_878 : i32 to vector<16xi32>
          tpu.vector_store_idx %arg22[%add3A_685, %broadcast_in_dim3A_879], %broadcast_in_dim3A_687 masked %eq3A_681 : memref<80x128xf32, #tpu.memory_space<vmem>>[vector<16xi32>, vector<16xi32>], vector<16xf32>, vector<16xi1>
          %broadcast_in_dim3A_880 = arith.constant 96 : i32
          %broadcast_in_dim3A_881 = vector.broadcast %broadcast_in_dim3A_880 : i32 to vector<16xi32>
          tpu.vector_store_idx %arg22[%add3A_685, %broadcast_in_dim3A_881], %broadcast_in_dim3A_687 masked %eq3A_681 : memref<80x128xf32, #tpu.memory_space<vmem>>[vector<16xi32>, vector<16xi32>], vector<16xf32>, vector<16xi1>
          %broadcast_in_dim3A_882 = arith.constant 97 : i32
          %broadcast_in_dim3A_883 = vector.broadcast %broadcast_in_dim3A_882 : i32 to vector<16xi32>
          tpu.vector_store_idx %arg22[%add3A_685, %broadcast_in_dim3A_883], %broadcast_in_dim3A_687 masked %eq3A_681 : memref<80x128xf32, #tpu.memory_space<vmem>>[vector<16xi32>, vector<16xi32>], vector<16xf32>, vector<16xi1>
          %broadcast_in_dim3A_884 = arith.constant 98 : i32
          %broadcast_in_dim3A_885 = vector.broadcast %broadcast_in_dim3A_884 : i32 to vector<16xi32>
          tpu.vector_store_idx %arg22[%add3A_685, %broadcast_in_dim3A_885], %broadcast_in_dim3A_687 masked %eq3A_681 : memref<80x128xf32, #tpu.memory_space<vmem>>[vector<16xi32>, vector<16xi32>], vector<16xf32>, vector<16xi1>
          %broadcast_in_dim3A_886 = arith.constant 99 : i32
          %broadcast_in_dim3A_887 = vector.broadcast %broadcast_in_dim3A_886 : i32 to vector<16xi32>
          tpu.vector_store_idx %arg22[%add3A_685, %broadcast_in_dim3A_887], %broadcast_in_dim3A_687 masked %eq3A_681 : memref<80x128xf32, #tpu.memory_space<vmem>>[vector<16xi32>, vector<16xi32>], vector<16xf32>, vector<16xi1>
          %broadcast_in_dim3A_888 = arith.constant 100 : i32
          %broadcast_in_dim3A_889 = vector.broadcast %broadcast_in_dim3A_888 : i32 to vector<16xi32>
          tpu.vector_store_idx %arg22[%add3A_685, %broadcast_in_dim3A_889], %broadcast_in_dim3A_687 masked %eq3A_681 : memref<80x128xf32, #tpu.memory_space<vmem>>[vector<16xi32>, vector<16xi32>], vector<16xf32>, vector<16xi1>
          %broadcast_in_dim3A_890 = arith.constant 101 : i32
          %broadcast_in_dim3A_891 = vector.broadcast %broadcast_in_dim3A_890 : i32 to vector<16xi32>
          tpu.vector_store_idx %arg22[%add3A_685, %broadcast_in_dim3A_891], %broadcast_in_dim3A_687 masked %eq3A_681 : memref<80x128xf32, #tpu.memory_space<vmem>>[vector<16xi32>, vector<16xi32>], vector<16xf32>, vector<16xi1>
          %broadcast_in_dim3A_892 = arith.constant 102 : i32
          %broadcast_in_dim3A_893 = vector.broadcast %broadcast_in_dim3A_892 : i32 to vector<16xi32>
          tpu.vector_store_idx %arg22[%add3A_685, %broadcast_in_dim3A_893], %broadcast_in_dim3A_687 masked %eq3A_681 : memref<80x128xf32, #tpu.memory_space<vmem>>[vector<16xi32>, vector<16xi32>], vector<16xf32>, vector<16xi1>
          %broadcast_in_dim3A_894 = arith.constant 103 : i32
          %broadcast_in_dim3A_895 = vector.broadcast %broadcast_in_dim3A_894 : i32 to vector<16xi32>
          tpu.vector_store_idx %arg22[%add3A_685, %broadcast_in_dim3A_895], %broadcast_in_dim3A_687 masked %eq3A_681 : memref<80x128xf32, #tpu.memory_space<vmem>>[vector<16xi32>, vector<16xi32>], vector<16xf32>, vector<16xi1>
          %broadcast_in_dim3A_896 = arith.constant 104 : i32
          %broadcast_in_dim3A_897 = vector.broadcast %broadcast_in_dim3A_896 : i32 to vector<16xi32>
          tpu.vector_store_idx %arg22[%add3A_685, %broadcast_in_dim3A_897], %broadcast_in_dim3A_687 masked %eq3A_681 : memref<80x128xf32, #tpu.memory_space<vmem>>[vector<16xi32>, vector<16xi32>], vector<16xf32>, vector<16xi1>
          %broadcast_in_dim3A_898 = arith.constant 105 : i32
          %broadcast_in_dim3A_899 = vector.broadcast %broadcast_in_dim3A_898 : i32 to vector<16xi32>
          tpu.vector_store_idx %arg22[%add3A_685, %broadcast_in_dim3A_899], %broadcast_in_dim3A_687 masked %eq3A_681 : memref<80x128xf32, #tpu.memory_space<vmem>>[vector<16xi32>, vector<16xi32>], vector<16xf32>, vector<16xi1>
          %broadcast_in_dim3A_900 = arith.constant 106 : i32
          %broadcast_in_dim3A_901 = vector.broadcast %broadcast_in_dim3A_900 : i32 to vector<16xi32>
          tpu.vector_store_idx %arg22[%add3A_685, %broadcast_in_dim3A_901], %broadcast_in_dim3A_687 masked %eq3A_681 : memref<80x128xf32, #tpu.memory_space<vmem>>[vector<16xi32>, vector<16xi32>], vector<16xf32>, vector<16xi1>
          %broadcast_in_dim3A_902 = arith.constant 107 : i32
          %broadcast_in_dim3A_903 = vector.broadcast %broadcast_in_dim3A_902 : i32 to vector<16xi32>
          tpu.vector_store_idx %arg22[%add3A_685, %broadcast_in_dim3A_903], %broadcast_in_dim3A_687 masked %eq3A_681 : memref<80x128xf32, #tpu.memory_space<vmem>>[vector<16xi32>, vector<16xi32>], vector<16xf32>, vector<16xi1>
          %broadcast_in_dim3A_904 = arith.constant 108 : i32
          %broadcast_in_dim3A_905 = vector.broadcast %broadcast_in_dim3A_904 : i32 to vector<16xi32>
          tpu.vector_store_idx %arg22[%add3A_685, %broadcast_in_dim3A_905], %broadcast_in_dim3A_687 masked %eq3A_681 : memref<80x128xf32, #tpu.memory_space<vmem>>[vector<16xi32>, vector<16xi32>], vector<16xf32>, vector<16xi1>
          %broadcast_in_dim3A_906 = arith.constant 109 : i32
          %broadcast_in_dim3A_907 = vector.broadcast %broadcast_in_dim3A_906 : i32 to vector<16xi32>
          tpu.vector_store_idx %arg22[%add3A_685, %broadcast_in_dim3A_907], %broadcast_in_dim3A_687 masked %eq3A_681 : memref<80x128xf32, #tpu.memory_space<vmem>>[vector<16xi32>, vector<16xi32>], vector<16xf32>, vector<16xi1>
          %broadcast_in_dim3A_908 = arith.constant 110 : i32
          %broadcast_in_dim3A_909 = vector.broadcast %broadcast_in_dim3A_908 : i32 to vector<16xi32>
          tpu.vector_store_idx %arg22[%add3A_685, %broadcast_in_dim3A_909], %broadcast_in_dim3A_687 masked %eq3A_681 : memref<80x128xf32, #tpu.memory_space<vmem>>[vector<16xi32>, vector<16xi32>], vector<16xf32>, vector<16xi1>
          %broadcast_in_dim3A_910 = arith.constant 111 : i32
          %broadcast_in_dim3A_911 = vector.broadcast %broadcast_in_dim3A_910 : i32 to vector<16xi32>
          tpu.vector_store_idx %arg22[%add3A_685, %broadcast_in_dim3A_911], %broadcast_in_dim3A_687 masked %eq3A_681 : memref<80x128xf32, #tpu.memory_space<vmem>>[vector<16xi32>, vector<16xi32>], vector<16xf32>, vector<16xi1>
          %broadcast_in_dim3A_912 = arith.constant 112 : i32
          %broadcast_in_dim3A_913 = vector.broadcast %broadcast_in_dim3A_912 : i32 to vector<16xi32>
          tpu.vector_store_idx %arg22[%add3A_685, %broadcast_in_dim3A_913], %broadcast_in_dim3A_687 masked %eq3A_681 : memref<80x128xf32, #tpu.memory_space<vmem>>[vector<16xi32>, vector<16xi32>], vector<16xf32>, vector<16xi1>
          %broadcast_in_dim3A_914 = arith.constant 113 : i32
          %broadcast_in_dim3A_915 = vector.broadcast %broadcast_in_dim3A_914 : i32 to vector<16xi32>
          tpu.vector_store_idx %arg22[%add3A_685, %broadcast_in_dim3A_915], %broadcast_in_dim3A_687 masked %eq3A_681 : memref<80x128xf32, #tpu.memory_space<vmem>>[vector<16xi32>, vector<16xi32>], vector<16xf32>, vector<16xi1>
          %broadcast_in_dim3A_916 = arith.constant 114 : i32
          %broadcast_in_dim3A_917 = vector.broadcast %broadcast_in_dim3A_916 : i32 to vector<16xi32>
          tpu.vector_store_idx %arg22[%add3A_685, %broadcast_in_dim3A_917], %broadcast_in_dim3A_687 masked %eq3A_681 : memref<80x128xf32, #tpu.memory_space<vmem>>[vector<16xi32>, vector<16xi32>], vector<16xf32>, vector<16xi1>
          %broadcast_in_dim3A_918 = arith.constant 115 : i32
          %broadcast_in_dim3A_919 = vector.broadcast %broadcast_in_dim3A_918 : i32 to vector<16xi32>
          tpu.vector_store_idx %arg22[%add3A_685, %broadcast_in_dim3A_919], %broadcast_in_dim3A_687 masked %eq3A_681 : memref<80x128xf32, #tpu.memory_space<vmem>>[vector<16xi32>, vector<16xi32>], vector<16xf32>, vector<16xi1>
          %broadcast_in_dim3A_920 = arith.constant 116 : i32
          %broadcast_in_dim3A_921 = vector.broadcast %broadcast_in_dim3A_920 : i32 to vector<16xi32>
          tpu.vector_store_idx %arg22[%add3A_685, %broadcast_in_dim3A_921], %broadcast_in_dim3A_687 masked %eq3A_681 : memref<80x128xf32, #tpu.memory_space<vmem>>[vector<16xi32>, vector<16xi32>], vector<16xf32>, vector<16xi1>
          %broadcast_in_dim3A_922 = arith.constant 117 : i32
          %broadcast_in_dim3A_923 = vector.broadcast %broadcast_in_dim3A_922 : i32 to vector<16xi32>
          tpu.vector_store_idx %arg22[%add3A_685, %broadcast_in_dim3A_923], %broadcast_in_dim3A_687 masked %eq3A_681 : memref<80x128xf32, #tpu.memory_space<vmem>>[vector<16xi32>, vector<16xi32>], vector<16xf32>, vector<16xi1>
          %broadcast_in_dim3A_924 = arith.constant 118 : i32
          %broadcast_in_dim3A_925 = vector.broadcast %broadcast_in_dim3A_924 : i32 to vector<16xi32>
          tpu.vector_store_idx %arg22[%add3A_685, %broadcast_in_dim3A_925], %broadcast_in_dim3A_687 masked %eq3A_681 : memref<80x128xf32, #tpu.memory_space<vmem>>[vector<16xi32>, vector<16xi32>], vector<16xf32>, vector<16xi1>
          %broadcast_in_dim3A_926 = arith.constant 119 : i32
          %broadcast_in_dim3A_927 = vector.broadcast %broadcast_in_dim3A_926 : i32 to vector<16xi32>
          tpu.vector_store_idx %arg22[%add3A_685, %broadcast_in_dim3A_927], %broadcast_in_dim3A_687 masked %eq3A_681 : memref<80x128xf32, #tpu.memory_space<vmem>>[vector<16xi32>, vector<16xi32>], vector<16xf32>, vector<16xi1>
          %broadcast_in_dim3A_928 = arith.constant 120 : i32
          %broadcast_in_dim3A_929 = vector.broadcast %broadcast_in_dim3A_928 : i32 to vector<16xi32>
          tpu.vector_store_idx %arg22[%add3A_685, %broadcast_in_dim3A_929], %broadcast_in_dim3A_687 masked %eq3A_681 : memref<80x128xf32, #tpu.memory_space<vmem>>[vector<16xi32>, vector<16xi32>], vector<16xf32>, vector<16xi1>
          %broadcast_in_dim3A_930 = arith.constant 121 : i32
          %broadcast_in_dim3A_931 = vector.broadcast %broadcast_in_dim3A_930 : i32 to vector<16xi32>
          tpu.vector_store_idx %arg22[%add3A_685, %broadcast_in_dim3A_931], %broadcast_in_dim3A_687 masked %eq3A_681 : memref<80x128xf32, #tpu.memory_space<vmem>>[vector<16xi32>, vector<16xi32>], vector<16xf32>, vector<16xi1>
          %broadcast_in_dim3A_932 = arith.constant 122 : i32
          %broadcast_in_dim3A_933 = vector.broadcast %broadcast_in_dim3A_932 : i32 to vector<16xi32>
          tpu.vector_store_idx %arg22[%add3A_685, %broadcast_in_dim3A_933], %broadcast_in_dim3A_687 masked %eq3A_681 : memref<80x128xf32, #tpu.memory_space<vmem>>[vector<16xi32>, vector<16xi32>], vector<16xf32>, vector<16xi1>
          %broadcast_in_dim3A_934 = arith.constant 123 : i32
          %broadcast_in_dim3A_935 = vector.broadcast %broadcast_in_dim3A_934 : i32 to vector<16xi32>
          tpu.vector_store_idx %arg22[%add3A_685, %broadcast_in_dim3A_935], %broadcast_in_dim3A_687 masked %eq3A_681 : memref<80x128xf32, #tpu.memory_space<vmem>>[vector<16xi32>, vector<16xi32>], vector<16xf32>, vector<16xi1>
          %broadcast_in_dim3A_936 = arith.constant 124 : i32
          %broadcast_in_dim3A_937 = vector.broadcast %broadcast_in_dim3A_936 : i32 to vector<16xi32>
          tpu.vector_store_idx %arg22[%add3A_685, %broadcast_in_dim3A_937], %broadcast_in_dim3A_687 masked %eq3A_681 : memref<80x128xf32, #tpu.memory_space<vmem>>[vector<16xi32>, vector<16xi32>], vector<16xf32>, vector<16xi1>
          %broadcast_in_dim3A_938 = arith.constant 125 : i32
          %broadcast_in_dim3A_939 = vector.broadcast %broadcast_in_dim3A_938 : i32 to vector<16xi32>
          tpu.vector_store_idx %arg22[%add3A_685, %broadcast_in_dim3A_939], %broadcast_in_dim3A_687 masked %eq3A_681 : memref<80x128xf32, #tpu.memory_space<vmem>>[vector<16xi32>, vector<16xi32>], vector<16xf32>, vector<16xi1>
          %broadcast_in_dim3A_940 = arith.constant 126 : i32
          %broadcast_in_dim3A_941 = vector.broadcast %broadcast_in_dim3A_940 : i32 to vector<16xi32>
          tpu.vector_store_idx %arg22[%add3A_685, %broadcast_in_dim3A_941], %broadcast_in_dim3A_687 masked %eq3A_681 : memref<80x128xf32, #tpu.memory_space<vmem>>[vector<16xi32>, vector<16xi32>], vector<16xf32>, vector<16xi1>
          %broadcast_in_dim3A_942 = arith.constant 127 : i32
          %broadcast_in_dim3A_943 = vector.broadcast %broadcast_in_dim3A_942 : i32 to vector<16xi32>
          tpu.vector_store_idx %arg22[%add3A_685, %broadcast_in_dim3A_943], %broadcast_in_dim3A_687 masked %eq3A_681 : memref<80x128xf32, #tpu.memory_space<vmem>>[vector<16xi32>, vector<16xi32>], vector<16xf32>, vector<16xi1>
        }
        %scan3A_672 = arith.constant 5 : i32
      } else {
      }
      %mul3A_624 = arith.constant 80 : i32
      %mul3A_625 = arith.muli %add3A_411, %mul3A_624 : i32
      %add3A_626 = arith.addi %mul3A_2, %mul3A_625 : i32
      %dma_start3A_627 = arith.constant 0 : i32
      %dma_start3A_628 = tpu.memref_slice %arg10[%add3A_626, %dma_start3A_627] : memref<204800x256xf32, #tpu.memory_space<hbm>> -> memref<80x128xf32, #tpu.memory_space<hbm>>
      %dma_start3A_629 = arith.constant 0 : i32
      %dma_start3A_630 = tpu.memref_slice %arg10[%add3A_626, %dma_start3A_629] : memref<204800x256xf32, #tpu.memory_space<hbm>> -> memref<80x128xf32, #tpu.memory_space<hbm>>
      tpu.enqueue_dma source(%arg22 : memref<80x128xf32, #tpu.memory_space<vmem>>) target(%dma_start3A_630 : memref<80x128xf32, #tpu.memory_space<hbm>>) target_semaphore(%arg39 : memref<!tpu.dma_semaphore, #tpu.memory_space<semaphore_mem>>)
      %dma_start3A_631 = arith.constant 128 : i32
      %dma_start3A_632 = tpu.memref_slice %arg10[%add3A_626, %dma_start3A_631] : memref<204800x256xf32, #tpu.memory_space<hbm>> -> memref<80x128xf32, #tpu.memory_space<hbm>>
      %dma_start3A_633 = arith.constant 128 : i32
      %dma_start3A_634 = tpu.memref_slice %arg10[%add3A_626, %dma_start3A_633] : memref<204800x256xf32, #tpu.memory_space<hbm>> -> memref<80x128xf32, #tpu.memory_space<hbm>>
      tpu.enqueue_dma source(%arg23 : memref<80x128xf32, #tpu.memory_space<vmem>>) target(%dma_start3A_634 : memref<80x128xf32, #tpu.memory_space<hbm>>) target_semaphore(%arg39 : memref<!tpu.dma_semaphore, #tpu.memory_space<semaphore_mem>>)
      %mul3A_635 = arith.constant 80 : i32
      %mul3A_636 = arith.muli %mul3A_409, %mul3A_635 : i32
      %add3A_637 = arith.addi %mul3A_2, %mul3A_636 : i32
      %dma_wait3A_638 = arith.constant 0 : i32
      %dma_wait3A_639 = tpu.memref_slice %arg10[%add3A_637, %dma_wait3A_638] : memref<204800x256xf32, #tpu.memory_space<hbm>> -> memref<80x128xf32, #tpu.memory_space<hbm>>
      %dma_wait3A_640 = arith.constant 0 : i32
      %dma_wait3A_641 = tpu.memref_slice %arg10[%add3A_637, %dma_wait3A_640] : memref<204800x256xf32, #tpu.memory_space<hbm>> -> memref<80x128xf32, #tpu.memory_space<hbm>>
      tpu.wait_dma2 semaphore(%arg38 : memref<!tpu.dma_semaphore, #tpu.memory_space<semaphore_mem>>) src(%arg15 : memref<80x128xf32, #tpu.memory_space<vmem>>) dst(%dma_wait3A_641 : memref<80x128xf32, #tpu.memory_space<hbm>>)
      %dma_wait3A_642 = arith.constant 128 : i32
      %dma_wait3A_643 = tpu.memref_slice %arg10[%add3A_637, %dma_wait3A_642] : memref<204800x256xf32, #tpu.memory_space<hbm>> -> memref<80x128xf32, #tpu.memory_space<hbm>>
      %dma_wait3A_644 = arith.constant 128 : i32
      %dma_wait3A_645 = tpu.memref_slice %arg10[%add3A_637, %dma_wait3A_644] : memref<204800x256xf32, #tpu.memory_space<hbm>> -> memref<80x128xf32, #tpu.memory_space<hbm>>
      tpu.wait_dma2 semaphore(%arg38 : memref<!tpu.dma_semaphore, #tpu.memory_space<semaphore_mem>>) src(%arg16 : memref<80x128xf32, #tpu.memory_space<vmem>>) dst(%dma_wait3A_645 : memref<80x128xf32, #tpu.memory_space<hbm>>)
      %lt3A_646 = arith.constant 39 : i32
      %lt3A_647 = arith.cmpi slt, %scan3A_407, %lt3A_646 : i32
      %convert_element_type3A_648 = arith.extui %lt3A_647 : i1 to i32
      %cond3A_649 = arith.constant 0 : i32
      %cond3A_650 = arith.cmpi ne, %convert_element_type3A_648, %cond3A_649 : i32
      scf.if %cond3A_650 {
        %add3A_667 = arith.constant 2 : i32
        %add3A_668 = arith.addi %mul3A_409, %add3A_667 : i32
        %mul3A_669 = arith.constant 80 : i32
        %mul3A_670 = arith.muli %add3A_668, %mul3A_669 : i32
        %scan3A_671 = arith.constant 0 : i32
        %scan3A_672 = arith.constant 0 : i32
        %scan3A_673 = arith.constant 5 : i32
        %scan3A_674 = arith.addi %scan3A_672, %scan3A_673 : i32
        %scan3A_675 = arith.constant 1 : i32
        scf.for %scan3A_690 = %scan3A_672 to %scan3A_674 step %scan3A_675  : i32 {
          %mul3A_691 = arith.constant 16 : i32
          %mul3A_692 = arith.muli %scan3A_690, %mul3A_691 : i32
          %add3A_693 = arith.addi %mul3A_670, %mul3A_692 : i32
          %get3A_694 = arith.index_cast %add3A_693 : i32 to index
          %get3A_695 = tpu.vector_load %arg12[%get3A_694] {strides = array<i32>} : memref<6400xi32, #tpu.memory_space<vmem>>, vector<16xi32>,
          %mul3A_696 = arith.constant 1000 : i32
          %mul3A_697 = arith.muli %arg0, %mul3A_696 : i32
          %add3A_698 = vector.broadcast %mul3A_697 : i32 to vector<16xi32>
          %add3A_699 = arith.addi %get3A_695, %add3A_698 : vector<16xi32>
          %mul3A_700 = arith.constant 16 : i32
          %mul3A_701 = arith.muli %scan3A_690, %mul3A_700 : i32
          %swap3A = arith.index_cast %mul3A_701 : i32 to index
          %swap3A_702 = tpu.vector_load %arg21[%swap3A] {strides = array<i32>} : memref<80xi32, #tpu.memory_space<vmem>>, vector<16xi32>,
          tpu.vector_store %arg21[%swap3A], %add3A_699 {strides = array<i32>} : memref<80xi32, #tpu.memory_space<vmem>>, vector<16xi32>,
          %mul3A_703 = arith.constant 16 : i32
          %mul3A_704 = arith.muli %scan3A_690, %mul3A_703 : i32
          %add3A_705 = arith.addi %mul3A_670, %mul3A_704 : i32
          %get3A_706 = arith.index_cast %add3A_705 : i32 to index
          %get3A_707 = tpu.vector_load %arg14[%get3A_706] {strides = array<i32>} : memref<6400xi32, #tpu.memory_space<vmem>>, vector<16xi32>,
          %mul3A_708 = arith.constant 10000 : i32
          %mul3A_709 = arith.muli %arg0, %mul3A_708 : i32
          %add3A_710 = vector.broadcast %mul3A_709 : i32 to vector<16xi32>
          %add3A_711 = arith.addi %get3A_707, %add3A_710 : vector<16xi32>
          %mul3A_712 = arith.constant 16 : i32
          %mul3A_713 = arith.muli %scan3A_690, %mul3A_712 : i32
          %swap3A_714 = arith.index_cast %mul3A_713 : i32 to index
          %swap3A_715 = tpu.vector_load %arg20[%swap3A_714] {strides = array<i32>} : memref<80xi32, #tpu.memory_space<vmem>>, vector<16xi32>,
          tpu.vector_store %arg20[%swap3A_714], %add3A_711 {strides = array<i32>} : memref<80xi32, #tpu.memory_space<vmem>>, vector<16xi32>,
          %mul3A_716 = arith.constant 16 : i32
          %mul3A_717 = arith.muli %scan3A_690, %mul3A_716 : i32
          %add3A_718 = arith.addi %mul3A_670, %mul3A_717 : i32
          %get3A_719 = arith.index_cast %add3A_718 : i32 to index
          %get3A_720 = tpu.vector_load %arg13[%get3A_719] {strides = array<i32>} : memref<6400xi32, #tpu.memory_space<vmem>>, vector<16xi32>,
          %mul3A_721 = arith.constant 100000 : i32
          %mul3A_722 = arith.muli %arg0, %mul3A_721 : i32
          %add3A_723 = vector.broadcast %mul3A_722 : i32 to vector<16xi32>
          %add3A_724 = arith.addi %get3A_720, %add3A_723 : vector<16xi32>
          %mul3A_725 = arith.constant 16 : i32
          %mul3A_726 = arith.muli %scan3A_690, %mul3A_725 : i32
          %swap3A_727 = arith.index_cast %mul3A_726 : i32 to index
          %swap3A_728 = tpu.vector_load %arg19[%swap3A_727] {strides = array<i32>} : memref<80xi32, #tpu.memory_space<vmem>>, vector<16xi32>,
          tpu.vector_store %arg19[%swap3A_727], %add3A_724 {strides = array<i32>} : memref<80xi32, #tpu.memory_space<vmem>>, vector<16xi32>,
        }
        %scan3A_676 = arith.constant 5 : i32
        %dma_start3A_677 = tpu.memref_slice %arg11[%mul3A_670] : memref<6400xi32, #tpu.memory_space<vmem>> -> memref<80xi32, #tpu.memory_space<vmem>>
        %dma_start3A_678 = arith.constant 0 : i32
        %dma_start3A_679 = arith.constant 0 : i32
        %dma_start3A_680 = tpu.memref_slice %arg6[%dma_start3A_678, %dma_start3A_679] : memref<100000x128xf32, #tpu.memory_space<hbm>> -> memref<100000x128xf32, #tpu.memory_space<hbm>>
        tpu.enqueue_indirect_dma source(%dma_start3A_680 : memref<100000x128xf32, #tpu.memory_space<hbm>>) target(%arg15 : memref<80x128xf32, #tpu.memory_space<vmem>>) offsets(%dma_start3A_677 : memref<80xi32, #tpu.memory_space<vmem>>) semaphore(%arg36 : memref<!tpu.dma_semaphore, #tpu.memory_space<semaphore_mem>>)
        %dma_start3A_681 = arith.constant 0 : i32
        %dma_start3A_682 = arith.constant 0 : i32
        %dma_start3A_683 = tpu.memref_slice %arg33[%dma_start3A_681, %dma_start3A_682] : memref<2000x128xf32, #tpu.memory_space<hbm>> -> memref<2000x128xf32, #tpu.memory_space<hbm>>
        tpu.enqueue_indirect_dma source(%dma_start3A_683 : memref<2000x128xf32, #tpu.memory_space<hbm>>) target(%arg16 : memref<80x128xf32, #tpu.memory_space<vmem>>) offsets(%arg21 : memref<80xi32, #tpu.memory_space<vmem>>) semaphore(%arg36 : memref<!tpu.dma_semaphore, #tpu.memory_space<semaphore_mem>>)
        %dma_start3A_684 = arith.constant 0 : i32
        %dma_start3A_685 = arith.constant 0 : i32
        %dma_start3A_686 = tpu.memref_slice %arg35[%dma_start3A_684, %dma_start3A_685] : memref<200000x128xf32, #tpu.memory_space<hbm>> -> memref<200000x128xf32, #tpu.memory_space<hbm>>
        tpu.enqueue_indirect_dma source(%dma_start3A_686 : memref<200000x128xf32, #tpu.memory_space<hbm>>) target(%arg17 : memref<80x128xf32, #tpu.memory_space<vmem>>) offsets(%arg19 : memref<80xi32, #tpu.memory_space<vmem>>) semaphore(%arg36 : memref<!tpu.dma_semaphore, #tpu.memory_space<semaphore_mem>>)
        %dma_start3A_687 = arith.constant 0 : i32
        %dma_start3A_688 = arith.constant 0 : i32
        %dma_start3A_689 = tpu.memref_slice %arg34[%dma_start3A_687, %dma_start3A_688] : memref<20000x128xf32, #tpu.memory_space<hbm>> -> memref<20000x128xf32, #tpu.memory_space<hbm>>
        tpu.enqueue_indirect_dma source(%dma_start3A_689 : memref<20000x128xf32, #tpu.memory_space<hbm>>) target(%arg18 : memref<80x128xf32, #tpu.memory_space<vmem>>) offsets(%arg20 : memref<80xi32, #tpu.memory_space<vmem>>) semaphore(%arg36 : memref<!tpu.dma_semaphore, #tpu.memory_space<semaphore_mem>>)
      } else {
      }
      %mul3A_651 = arith.constant 80 : i32
      %mul3A_652 = arith.muli %add3A_411, %mul3A_651 : i32
      %add3A_653 = arith.addi %mul3A_2, %mul3A_652 : i32
      %dma_wait3A_654 = arith.constant 0 : i32
      %dma_wait3A_655 = tpu.memref_slice %arg10[%add3A_653, %dma_wait3A_654] : memref<204800x256xf32, #tpu.memory_space<hbm>> -> memref<80x128xf32, #tpu.memory_space<hbm>>
      %dma_wait3A_656 = arith.constant 0 : i32
      %dma_wait3A_657 = tpu.memref_slice %arg10[%add3A_653, %dma_wait3A_656] : memref<204800x256xf32, #tpu.memory_space<hbm>> -> memref<80x128xf32, #tpu.memory_space<hbm>>
      tpu.wait_dma2 semaphore(%arg39 : memref<!tpu.dma_semaphore, #tpu.memory_space<semaphore_mem>>) src(%arg22 : memref<80x128xf32, #tpu.memory_space<vmem>>) dst(%dma_wait3A_657 : memref<80x128xf32, #tpu.memory_space<hbm>>)
      %dma_wait3A_658 = arith.constant 128 : i32
      %dma_wait3A_659 = tpu.memref_slice %arg10[%add3A_653, %dma_wait3A_658] : memref<204800x256xf32, #tpu.memory_space<hbm>> -> memref<80x128xf32, #tpu.memory_space<hbm>>
      %dma_wait3A_660 = arith.constant 128 : i32
      %dma_wait3A_661 = tpu.memref_slice %arg10[%add3A_653, %dma_wait3A_660] : memref<204800x256xf32, #tpu.memory_space<hbm>> -> memref<80x128xf32, #tpu.memory_space<hbm>>
      tpu.wait_dma2 semaphore(%arg39 : memref<!tpu.dma_semaphore, #tpu.memory_space<semaphore_mem>>) src(%arg23 : memref<80x128xf32, #tpu.memory_space<vmem>>) dst(%dma_wait3A_661 : memref<80x128xf32, #tpu.memory_space<hbm>>)
      %lt3A_662 = arith.constant 39 : i32
      %lt3A_663 = arith.cmpi slt, %scan3A_407, %lt3A_662 : i32
      %convert_element_type3A_664 = arith.extui %lt3A_663 : i1 to i32
      %cond3A_665 = arith.constant 0 : i32
      %cond3A_666 = arith.cmpi ne, %convert_element_type3A_664, %cond3A_665 : i32
      scf.if %cond3A_666 {
        %add3A_667 = arith.constant 2 : i32
        %add3A_668 = arith.addi %add3A_411, %add3A_667 : i32
        %mul3A_669 = arith.constant 80 : i32
        %mul3A_670 = arith.muli %add3A_668, %mul3A_669 : i32
        %scan3A_671 = arith.constant 0 : i32
        %scan3A_672 = arith.constant 0 : i32
        %scan3A_673 = arith.constant 5 : i32
        %scan3A_674 = arith.addi %scan3A_672, %scan3A_673 : i32
        %scan3A_675 = arith.constant 1 : i32
        scf.for %scan3A_690 = %scan3A_672 to %scan3A_674 step %scan3A_675  : i32 {
          %mul3A_691 = arith.constant 16 : i32
          %mul3A_692 = arith.muli %scan3A_690, %mul3A_691 : i32
          %add3A_693 = arith.addi %mul3A_670, %mul3A_692 : i32
          %get3A_694 = arith.index_cast %add3A_693 : i32 to index
          %get3A_695 = tpu.vector_load %arg12[%get3A_694] {strides = array<i32>} : memref<6400xi32, #tpu.memory_space<vmem>>, vector<16xi32>,
          %mul3A_696 = arith.constant 1000 : i32
          %mul3A_697 = arith.muli %arg0, %mul3A_696 : i32
          %add3A_698 = vector.broadcast %mul3A_697 : i32 to vector<16xi32>
          %add3A_699 = arith.addi %get3A_695, %add3A_698 : vector<16xi32>
          %mul3A_700 = arith.constant 16 : i32
          %mul3A_701 = arith.muli %scan3A_690, %mul3A_700 : i32
          %swap3A = arith.index_cast %mul3A_701 : i32 to index
          %swap3A_702 = tpu.vector_load %arg28[%swap3A] {strides = array<i32>} : memref<80xi32, #tpu.memory_space<vmem>>, vector<16xi32>,
          tpu.vector_store %arg28[%swap3A], %add3A_699 {strides = array<i32>} : memref<80xi32, #tpu.memory_space<vmem>>, vector<16xi32>,
          %mul3A_703 = arith.constant 16 : i32
          %mul3A_704 = arith.muli %scan3A_690, %mul3A_703 : i32
          %add3A_705 = arith.addi %mul3A_670, %mul3A_704 : i32
          %get3A_706 = arith.index_cast %add3A_705 : i32 to index
          %get3A_707 = tpu.vector_load %arg14[%get3A_706] {strides = array<i32>} : memref<6400xi32, #tpu.memory_space<vmem>>, vector<16xi32>,
          %mul3A_708 = arith.constant 10000 : i32
          %mul3A_709 = arith.muli %arg0, %mul3A_708 : i32
          %add3A_710 = vector.broadcast %mul3A_709 : i32 to vector<16xi32>
          %add3A_711 = arith.addi %get3A_707, %add3A_710 : vector<16xi32>
          %mul3A_712 = arith.constant 16 : i32
          %mul3A_713 = arith.muli %scan3A_690, %mul3A_712 : i32
          %swap3A_714 = arith.index_cast %mul3A_713 : i32 to index
          %swap3A_715 = tpu.vector_load %arg27[%swap3A_714] {strides = array<i32>} : memref<80xi32, #tpu.memory_space<vmem>>, vector<16xi32>,
          tpu.vector_store %arg27[%swap3A_714], %add3A_711 {strides = array<i32>} : memref<80xi32, #tpu.memory_space<vmem>>, vector<16xi32>,
          %mul3A_716 = arith.constant 16 : i32
          %mul3A_717 = arith.muli %scan3A_690, %mul3A_716 : i32
          %add3A_718 = arith.addi %mul3A_670, %mul3A_717 : i32
          %get3A_719 = arith.index_cast %add3A_718 : i32 to index
          %get3A_720 = tpu.vector_load %arg13[%get3A_719] {strides = array<i32>} : memref<6400xi32, #tpu.memory_space<vmem>>, vector<16xi32>,
          %mul3A_721 = arith.constant 100000 : i32
          %mul3A_722 = arith.muli %arg0, %mul3A_721 : i32
          %add3A_723 = vector.broadcast %mul3A_722 : i32 to vector<16xi32>
          %add3A_724 = arith.addi %get3A_720, %add3A_723 : vector<16xi32>
          %mul3A_725 = arith.constant 16 : i32
          %mul3A_726 = arith.muli %scan3A_690, %mul3A_725 : i32
          %swap3A_727 = arith.index_cast %mul3A_726 : i32 to index
          %swap3A_728 = tpu.vector_load %arg26[%swap3A_727] {strides = array<i32>} : memref<80xi32, #tpu.memory_space<vmem>>, vector<16xi32>,
          tpu.vector_store %arg26[%swap3A_727], %add3A_724 {strides = array<i32>} : memref<80xi32, #tpu.memory_space<vmem>>, vector<16xi32>,
        }
        %scan3A_676 = arith.constant 5 : i32
        %dma_start3A_677 = tpu.memref_slice %arg11[%mul3A_670] : memref<6400xi32, #tpu.memory_space<vmem>> -> memref<80xi32, #tpu.memory_space<vmem>>
        %dma_start3A_678 = arith.constant 0 : i32
        %dma_start3A_679 = arith.constant 0 : i32
        %dma_start3A_680 = tpu.memref_slice %arg6[%dma_start3A_678, %dma_start3A_679] : memref<100000x128xf32, #tpu.memory_space<hbm>> -> memref<100000x128xf32, #tpu.memory_space<hbm>>
        tpu.enqueue_indirect_dma source(%dma_start3A_680 : memref<100000x128xf32, #tpu.memory_space<hbm>>) target(%arg22 : memref<80x128xf32, #tpu.memory_space<vmem>>) offsets(%dma_start3A_677 : memref<80xi32, #tpu.memory_space<vmem>>) semaphore(%arg37 : memref<!tpu.dma_semaphore, #tpu.memory_space<semaphore_mem>>)
        %dma_start3A_681 = arith.constant 0 : i32
        %dma_start3A_682 = arith.constant 0 : i32
        %dma_start3A_683 = tpu.memref_slice %arg33[%dma_start3A_681, %dma_start3A_682] : memref<2000x128xf32, #tpu.memory_space<hbm>> -> memref<2000x128xf32, #tpu.memory_space<hbm>>
        tpu.enqueue_indirect_dma source(%dma_start3A_683 : memref<2000x128xf32, #tpu.memory_space<hbm>>) target(%arg23 : memref<80x128xf32, #tpu.memory_space<vmem>>) offsets(%arg28 : memref<80xi32, #tpu.memory_space<vmem>>) semaphore(%arg37 : memref<!tpu.dma_semaphore, #tpu.memory_space<semaphore_mem>>)
        %dma_start3A_684 = arith.constant 0 : i32
        %dma_start3A_685 = arith.constant 0 : i32
        %dma_start3A_686 = tpu.memref_slice %arg35[%dma_start3A_684, %dma_start3A_685] : memref<200000x128xf32, #tpu.memory_space<hbm>> -> memref<200000x128xf32, #tpu.memory_space<hbm>>
        tpu.enqueue_indirect_dma source(%dma_start3A_686 : memref<200000x128xf32, #tpu.memory_space<hbm>>) target(%arg24 : memref<80x128xf32, #tpu.memory_space<vmem>>) offsets(%arg26 : memref<80xi32, #tpu.memory_space<vmem>>) semaphore(%arg37 : memref<!tpu.dma_semaphore, #tpu.memory_space<semaphore_mem>>)
        %dma_start3A_687 = arith.constant 0 : i32
        %dma_start3A_688 = arith.constant 0 : i32
        %dma_start3A_689 = tpu.memref_slice %arg34[%dma_start3A_687, %dma_start3A_688] : memref<20000x128xf32, #tpu.memory_space<hbm>> -> memref<20000x128xf32, #tpu.memory_space<hbm>>
        tpu.enqueue_indirect_dma source(%dma_start3A_689 : memref<20000x128xf32, #tpu.memory_space<hbm>>) target(%arg25 : memref<80x128xf32, #tpu.memory_space<vmem>>) offsets(%arg27 : memref<80xi32, #tpu.memory_space<vmem>>) semaphore(%arg37 : memref<!tpu.dma_semaphore, #tpu.memory_space<semaphore_mem>>)
      } else {
      }
    }
    %scan3A_406 = arith.constant 40 : i32
    return
  }
}

</mosaic_0001>

<sc_bundles>
// kernel: kernel.3.cloned.1.call-start
scs
__scs_entry_jumppad:
0x0: {  	(pc) =	sbr.rel $0x88, $3  }
0x1: {  	(tag) =	ssettag $0x0;
	lr =	simm.s32 $0x1  }
0x2: {  	[smem:$0x3F99] =	sst lr;
	_ =	strace $0xD0000000  }
0x3: {  	_ = 	snop  }
0x4: {  	_ = 	snop  }
0x5: {  	_ = 	snop  }
0x6: {  	_ = 	snop  }
0x7: {  	_ = 	snop  }
__scs_overlays_trampoline_lowered:
0x8: {  	[smem:$0x3FA8] =	sst s0  }
0x9: {  	[smem:$0x3FA9] =	sst s1  }
0xa: {  	[smem:$0x3FAA] =	sst s2  }
0xb: {  	[smem:$0x3FAB] =	sst s3  }
0xc: {  	[smem:$0x3FAC] =	sst s4  }
0xd: {  	[smem:$0x3FAD] =	sst s5  }
0xe: {  	[smem:$0x3FAE] =	sst s6  }
0xf: {  	[smem:$0x3FAF] =	sst s7  }
0x10: {  	[smem:$0x3FB0] =	sst s8  }
0x11: {  	[smem:$0x3FB1] =	sst s9;
	s0 =	simm.s32 @!p0 $0x0  }
0x12: {  	s1 =	sld [smem:$0x3F97];
	s0 =	simm.s32 @p0 $0x1  }
0x13: {  	[smem:$0x3FB2] =	sst s0;
	s0 =	simm.s32 @!p1 $0x0  }
0x14: {  	s2 =	sld [smem:$0x3F96];
	s0 =	simm.s32 @p1 $0x1  }
0x15: {  	[smem:$0x3FB3] =	sst s0;
	s0 =	simm.s32 @!p2 $0x0  }
0x16: {  	s3 =	sld [smem:$0x3FDB];
	s0 =	simm.s32 @p2 $0x1  }
0x17: {  	s4 =	simm.s32 $0x1BF5;
	[smem:$0x3FB5] =	sst s0  }
0x18: {  	s0 =	sld [smem:$0x3F98];
	_ =	swait.ge [sflag:s4], $0x0  }
0x19: {  	s7 =	sld [smem:$0x3F99]  }
0x1a: {  	s8 =	sadd.s32 $0xFFFFE003, lr  }
0x1b: {  	s9 =	sadd.s32 $0xFFFFFEF7, lr;
	s5 =	simm.s32 $0xFFFFFFFF;
	p2 =	slt.u32 s8, $0xFFFFF086  }
0x1c: {  	p1 =	slt.u32 s9, $0xF7A;
	s5 =	simm.s32 @!p2 $0x0  }
0x1d: {  	s5 =	simm.s32 @p1 $0x1;
	p0 =	seq.s32 s7, s2  }
0x1e: {  	s7 =	smul.u32 @!p0 $0xF7A, s2;
	p2 =	seq.s32 @!p0 s5, $0x0  }
0x1f: {  	s9 =	smul.u32 $0xF7A, s1;
	s8 =	simm.s32 @!p0 $0x1BF5;
	p2 =	por !p2, p0  }
0x20: {  	[sflag:s8] =	ssyncset.s32 @!p0 $0xFFFFF086;
	s6 =	sadd.s32 @!p0 s3, s7;
	s7 =	simm.s32 @!p0 $0x108  }
0x21: {  	s3 =	sadd.s32 s3, s9;
	s6 =	sadd.s32 @!p0 $0x88, s6;
	s7 =	simm.s32 @p2 $0x1082  }
0x22: {  	[simem:s7], [sflag:s8] =	dma.local @!p0 [hbm:s6], $0xF7A  }
0x23: {  	s9 =	sor.u32 $0xD0000000, s2;
	s6 =	simm.s32 $0x108;
	_ =	swait.ge @!p0 [sflag:s8], $0x0  }
0x24: {  	s3 =	sadd.s32 $0x88, s3;
	s6 =	simm.s32 @!p1 $0x1082;
	[sflag:s4] =	ssyncset.s32 $0xFFFFF086  }
0x25: {  	[simem:s6], [sflag:s4] =	dma.local [hbm:s3], $0xF7A  }
0x26: {  	[smem:$0x3F99] =	sst s1;
	(tag) =	ssettag s2;
	_ =	strace s9  }
0x27: {  	s1 =	sld [smem:$0x3FA9]  }
0x28: {  	s2 =	sld [smem:$0x3FAA]  }
0x29: {  	s4 =	sld [smem:$0x3FAC]  }
0x2a: {  	p0 =	seq.s32 s5, $0x0;
	s5 =	sld [smem:$0x3FAD]  }
0x2b: {  	s6 =	sld [smem:$0x3FAE]  }
0x2c: {  	s7 =	sld [smem:$0x3FAF]  }
0x2d: {  	s3 =	simm.s32 $0x108;
	s8 =	sld [smem:$0x3FB0]  }
0x2e: {  	s3 =	simm.s32 @!p0 $0x1082;
	s9 =	sld [smem:$0x3FB1]  }
0x2f: {  	lr =	sadd.s32 s0, s3;
	s0 =	sld [smem:$0x3FA8]  }
0x30: {  	s3 =	sld [smem:$0x3FAB]  }
0x31: {  	[smem:$0x3FB4] =	sst s10  }
0x32: {  	s10 =	sld [smem:$0x3FB2];
	_ =	sdelay $0x3  }
0x33: {  	p0 =	seq.s32 s10, $0x1;
	s10 =	sld [smem:$0x3FB4];
	_ =	sdelay $0x3  }
0x34: {  	[smem:$0x3FB4] =	sst s10  }
0x35: {  	s10 =	sld [smem:$0x3FB3];
	_ =	sdelay $0x3  }
0x36: {  	p1 =	seq.s32 s10, $0x1;
	s10 =	sld [smem:$0x3FB4];
	_ =	sdelay $0x3  }
0x37: {  	[smem:$0x3FB4] =	sst s10  }
0x38: {  	s10 =	sld [smem:$0x3FB5]  }
0x39: {  	_ = 	snop;
	(pc) =	sbr.ind lr, $3  }
0x3a: {  	_ = 	snop  }
0x3b: {  	_ = 	snop  }
0x3c: {  	p2 =	seq.s32 s10, $0x1;
	s10 =	sld [smem:$0x3FB4]  }
0x3d: {  	_ =	shalt  }
0x3e: {  	_ =	shalt  }
0x3f: {  	_ =	shalt  }
0x40: {  	_ =	shalt  }
0x41: {  	_ =	shalt  }
0x42: {  	_ =	shalt  }
0x43: {  	_ =	shalt  }
0x44: {  	_ =	shalt  }
0x45: {  	_ =	shalt  }
0x46: {  	_ =	shalt  }
0x47: {  	_ =	shalt  }
0x48: {  	_ =	shalt  }
0x49: {  	_ =	shalt  }
0x4a: {  	_ =	shalt  }
0x4b: {  	_ =	shalt  }
0x4c: {  	_ =	shalt  }
0x4d: {  	_ =	shalt  }
0x4e: {  	_ =	shalt  }
0x4f: {  	_ =	shalt  }
0x50: {  	_ =	shalt  }
0x51: {  	_ =	shalt  }
0x52: {  	_ =	shalt  }
0x53: {  	_ =	shalt  }
0x54: {  	_ =	shalt  }
0x55: {  	_ =	shalt  }
0x56: {  	_ =	shalt  }
0x57: {  	_ =	shalt  }
0x58: {  	_ =	shalt  }
0x59: {  	_ =	shalt  }
0x5a: {  	_ =	shalt  }
0x5b: {  	_ =	shalt  }
0x5c: {  	_ =	shalt  }
0x5d: {  	_ =	shalt  }
0x5e: {  	_ =	shalt  }
0x5f: {  	_ =	shalt  }
0x60: {  	_ =	shalt  }
0x61: {  	_ =	shalt  }
0x62: {  	_ =	shalt  }
0x63: {  	_ =	shalt  }
0x64: {  	_ =	shalt  }
0x65: {  	_ =	shalt  }
0x66: {  	_ =	shalt  }
0x67: {  	_ =	shalt  }
0x68: {  	_ =	shalt  }
0x69: {  	_ =	shalt  }
0x6a: {  	_ =	shalt  }
0x6b: {  	_ =	shalt  }
0x6c: {  	_ =	shalt  }
0x6d: {  	_ =	shalt  }
0x6e: {  	_ =	shalt  }
0x6f: {  	_ =	shalt  }
0x70: {  	_ =	shalt  }
0x71: {  	_ =	shalt  }
0x72: {  	_ =	shalt  }
0x73: {  	_ =	shalt  }
0x74: {  	_ =	shalt  }
0x75: {  	_ =	shalt  }
0x76: {  	_ =	shalt  }
0x77: {  	_ =	shalt  }
0x78: {  	_ =	shalt  }
0x79: {  	_ =	shalt  }
0x7a: {  	_ =	shalt  }
0x7b: {  	_ =	shalt  }
0x7c: {  	_ =	shalt  }
0x7d: {  	_ =	shalt  }
0x7e: {  	_ =	shalt  }
0x7f: {  	_ =	shalt  }
0x80: {  	_ =	shalt  }
0x81: {  	_ =	shalt  }
0x82: {  	_ =	shalt  }
0x83: {  	_ =	shalt  }
0x84: {  	_ =	shalt  }
0x85: {  	_ =	shalt  }
0x86: {  	_ =	shalt  }
0x87: {  	_ =	shalt  }
.Lfunc_end0:
.L_simem_size_0:
called_computation.1_lowered:
.L_overlay_start_0:
0x88: {  	s2 =	sld [smem:$0x3FD9]  }
0x89: {  	s3 =	sld [smem:$0x3FFE];
	_ =	sdelay $0x1  }
0x8a: {  	s1 =	srdreg.scid  }
0x8b: {  	s0 =	sand.u32 $0x1, s1  }
0x8c: {  	s16 =	sshll.u32 s0, $0xA;
	s2 =	sadd.s32 s3, s2  }
0x8d: {  	s3 =	sadd.s32 s2, s16  }
0x8e: {  	[smem:$0x3FC0] =	sst s3  }
0x8f: {  	_ = 	snop  }
0x90: {  	s3 =	sld [smem:$0x3FC5]  }
0x91: {  	s4 =	sld [smem:$0x3FD0];
	(tm) =	ssettm $0x1  }
0x92: {  	s5 =	sld [smem:$0x3FFB];
	_ =	sdelay $0x3  }
0x93: {  	_ =	strace s5  }
0x94: {  	s5 =	sld [smem:$0x3FFC];
	_ =	sdelay $0x3  }
0x95: {  	_ =	strace s5  }
0x96: {  	s5 =	sld [smem:$0x3FFD];
	_ =	sdelay $0x3  }
0x97: {  	_ =	strace s5  }
0x98: {  	_ =	strace $0x8FFFFFFF  }
0x99: {  	s17 =	sld [smem:$0x3FDB];
	_ =	sdelay $0x1  }
0x9a: {  	s6 =	simm.s32 $_scs_section_size  }
0x9b: {  	s7 =	simm.s32 $_size__tile_overlayer_lowered;
	s8 =	simm.s32 $_tile_overlayer_lowered  }
0x9c: {  	s20 =	simm.s32 $0x1BFF;
	s19 =	sshll.u32 s8, $0x1;
	s5 =	sadd.s32 s6, s17  }
0x9d: {  	s9 =	simm.s32 $0x0;
	s18 =	sshll.u32 s7, $0x1;
	s7 =	sadd.s32 s19, s5  }
0x9e: {  	[timem:s9], [sflag:s20] =	dma.local [hbm:s7], s18  }
0x9f: {  	_ =	swait.ge [sflag:s20], s18  }
0xa0: {  	s6 =	ssub.s32 $0x0, s18;
	[sflag:s20] =	ssyncset.done $0x0  }
0xa1: {  	[sflag:s20] =	ssyncadd.s32 s6;
	_ =	sdelay $0x1  }
0xa2: {  	s21 =	simm.s32 $0x1B8B  }
0xa3: {  	_ =	swait.ge [sflag:s21], $0x1  }
0xa4: {  	[sflag:s21] =	ssyncset.done $0x0  }
0xa5: {  	s23 =	simm.s32 $0x1B8E;
	s22 =	sld [smem:$0x3FFE];
	[sflag:s21] =	ssyncadd.s32 $0xFFFFFFFF  }
0xa6: {  	s24 =	simm.s32 $execute0_lowered;
	[smem:$0x3FD2] =	sst s23  }
0xa7: {  	s7 =	sshll.u32 s24, $0x1;
	_ =	strace $0x80000046;
	[dreg:$0x1] =	wrdreg $0xFFFFFFFF  }
0xa8: {  	s25 =	simm.s32 $_size_execute0_lowered;
	s5 =	sadd.s32 s5, s7;
	[dreg:$0x0] =	wrdreg $0x0  }
0xa9: {  	s7 =	sshll.u32 s25, $0x1;
	[dreg:$0x2] =	wrdreg s5  }
0xaa: {  	[dreg:$0x3] =	wrdreg s7  }
0xab: {  	[dreg:$0x4] =	wrdreg $0xC0  }
0xac: {  	_ =	task [dreg:s9], $0x5FFFF  }
0xad: {  	[dreg:$0x1] =	wrdreg $0xFFFFFFFF  }
0xae: {  	[dreg:$0x0] =	wrdreg $0x60  }
0xaf: {  	[dreg:$0x2] =	wrdreg s22  }
0xb0: {  	[dreg:$0x3] =	wrdreg s3  }
0xb1: {  	s26 =	sadd.s32 $0x800, s2;
	[dreg:$0x4] =	wrdreg s4  }
0xb2: {  	s28 =	sadd.s32 $0x8500, s2;
	[dreg:$0x5] =	wrdreg s26  }
0xb3: {  	s2 =	sadd.s32 $0x56700, s2;
	[dreg:$0x6] =	wrdreg s28  }
0xb4: {  	[dreg:$0x7] =	wrdreg s2  }
0xb5: {  	[dreg:$0x8] =	wrdreg $0x9  }
0xb6: {  	_ =	task.clear_ibuf [dreg:s9], $0x9FFFF;
	_ =	strace $0x90000046  }
0xb7: {  	s29 =	simm.s32 $0x9;
	_ =	strace $0x80000048  }
0xb8: {  	_ =	swait.ge [sflag:s29], $0x1  }
0xb9: {  	[sflag:s29] =	ssyncadd.s32 $0xFFFFFFFF  }
0xba: {  	_ =	strace $0x90000048  }
0xbb: {  	_ =	sfence  }
0xbc: {  	s30 =	sld [smem:$0x0];
	_ =	sdelay $0x2  }
0xbd: {  	s31 =	sshll.u32 s1, $0xD;
	s1 =	sshrl.u32 s1, $0x2  }
0xbe: {  	s3 =	sand.u32 $0x4000, s31;
	s1 =	sadd.s32 s1, s30  }
0xbf: {  	s0 =	sor.u32 s3, s0;
	s1 =	sshll.u32 s1, $0x11  }
0xc0: {  	s0 =	sor.u32 s1, s0  }
0xc1: {  	s0 =	sadd.s32 $0x8F2B, s0  }
0xc2: {  	[sflag:s0] =	ssyncadd.remote.s32 $0x1  }
0xc3: {  	_ =	sfence.sel $0xFFFF  }
0xc4: {  	[dreg:$0x0] =	wrdreg $0xFFFFFFFF;
	(pc) =	sbr.abs _section_cstart, $3  }
0xc5: {  	[dreg:$0x1] =	wrdreg $0xFFFFFFFF  }
0xc6: {  	_ =	task.clear_ibuf [dreg:s9], $0x2FFFF;
	_ =	strace $0x9FFFFFFF  }
0xc7: {  	(tm) =	ssettm $0x7FFFFFFF  }
tec
execute0_lowered:
.L_overlay_start_1:
0x0: {  	(tag) =	ssettag $0x1  }
0x1: {  	s1 =	rddreg [dreg:$0x0]  }
0x2: {  	s2 =	rddreg [dreg:$0x2];
	s4 =	srdreg.scid  }
0x3: {  	s0 =	stileid.u32;
	s3 =	rddreg [dreg:$0x3]  }
0x4: {  	s5 =	rddreg [dreg:$0x4];
	s8 =	simm.s32 $0x0;
	s31 =	simm.s32 $0x1  }
0x5: {  	s28 =	simm.s32 $0x10580;
	s30 =	simm.s32 $0x2;
	s11 =	smul.u32 $0x280, s0  }
0x6: {  	s4 =	sand.u32 $0x1, s4;
	s6 =	sshll.u32 s0, $0x1;
	s13 =	smul.u32 $0x1400, s0  }
0x7: {  	[smem:$0x7FF] =	sst s8;
	s14 =	sadd.s32 $0xA00, s1;
	s16 =	smul.u32 $0x28, s0  }
0x8: {  	s25 =	sadd.s32 $0x44C00, s1;
	s10 =	sadd.s32 $0x1DA00, s1;
	s19 =	ssub.s32 $0x9D3, s0  }
0x9: {  	p0 =	sgt.u32 s0, $0x8;
	s29 =	sadd.s32 $0x80, s2;
	s7 =	sor.u32 s4, s6  }
0xa: {  	s6 =	rddreg [dreg:$0x5];
	_ =	strace $0x80000047;
	s20 =	smul.u32 $0x3E8, s4  }
0xb: {  	s15 =	ssub.s32 $0x2, s4;
	[dreg:$0x7] =	wrdreg s25;
	s7 =	smul.u32 $0x1900, s7  }
0xc: {  	s17 =	sshrl.u32 s15, $0x1;
	s13 =	sshrl.u32 s13, $0x3;
	s26 =	sadd.s32 s14, s11  }
0xd: {  	s18 =	sadd.s32 s10, s11;
	s11 =	sadd.s32 s25, s11;
	[dreg:$0x8] =	wrdreg s26  }
0xe: {  	s13 =	sadd.s32 $0x2800, s13;
	s16 =	sadd.s32 s16, s20;
	[dreg:$0xb] =	wrdreg s18  }
0xf: {  	s18 =	sshrl.u32 s19, $0x4;
	[dreg:$0xd] =	wrdreg s11;
	s11 =	simm.s32 $0x3  }
0x10: {  	s19 =	simm.s32 $0x8C00;
	s9 =	sshrl.u32 s7, $0x3;
	s14 =	sadd.s32 s14, s13  }
0x11: {  	s16 =	sshll.u32 s16, $0x4;
	s21 =	sadd.s32 s10, s13;
	s12 =	sadd.s32 s9, s1  }
0x12: {  	s1 =	ssub.s32 s15, s17;
	[dreg:$0x9] =	wrdreg s14;
	s17 =	ssub.s32 $0x109, s0  }
0x13: {  	[dreg:$0xc] =	wrdreg s21;
	s9 =	sadd.s32 s25, s13;
	s21 =	smul.u32 $0x186A0, s4  }
0x14: {  	[dreg:$0xa] =	wrdreg s16;
	s26 =	sadd.s32 $0x2800, s16;
	s15 =	simm.s32 $0x1CF00  }
0x15: {  	s14 =	sshrl.u32 s17, $0x4;
	[dreg:$0xe] =	wrdreg s9;
	s22 =	sadd.s32 $0x4A00, s12  }
0x16: {  	s17 =	smul.u32 $0x2710, s4;
	s23 =	sadd.s32 $0xAE00, s12;
	[dreg:$0xf] =	wrdreg s22  }
0x17: {  	s24 =	sadd.s32 $0x11200, s12;
	s25 =	sadd.s32 $0x17600, s12;
	[dreg:$0x10] =	wrdreg s23  }
.Ltmp0:
0x18: {  	s1 =	smax.u32 s1, $0x1;
	[dreg:$0x11] =	wrdreg s24;
	(pc) =	sbr.rel .LBB2_1-.Ltmp0, $4  }
0x19: {  	s9 =	smov.u32 s2;
	s4 =	simm.s32 $0x6400;
	[dreg:$0x12] =	wrdreg s25  }
0x1a: {  	v5 =	vlaneseq.u32;
	s12 =	simm.s32 $0x4;
	s2 =	simm.s32 $0x0;
	[dreg:$0x13] =	wrdreg s1  }
0x1b: {  	v3 =	vimm.f32 $0.0e+00;
	v4 =	vimm.s32 $0x0;
	v5 =	vmul.u32 $0x80, v5;
	s1 =	sadd.s32 s26, s3;
	s26 =	simm.s32 $0x12D80;
	s22 =	simm.s32 $0x400  }
0x1c: {  	v0 =	vmov s20;
	v2 =	vmov s21;
	s23 =	simm.s32 $0x800;
	s24 =	simm.s32 $0x50;
	[dreg:$0x14] =	wrdreg s1;
	v1 =	vmov s17  }
.LBB2_36:
0x1d: {  	_ =	swait.ge [sflag:s12], $0x2800  }
0x1e: {  	[sflag:s12] =	ssyncset.done $0x0  }
0x1f: {  	[sflag:s12] =	ssyncadd.s32 $0xFFFFD800  }
0x20: {  	_ =	swait.ge [sflag:s12], $0x2800  }
0x21: {  	s2 =	rddreg [dreg:$0x15]  }
0x22: {  	s1 =	rddreg [dreg:$0x13];
	s2 =	sadd.s32 $0x1, s2  }
0x23: {  	p1 =	sne.s32 s2, s1  }
.Ltmp1:
0x24: {  	_ = 	snop;
	(pc) =	sbr.rel @!p1 .LBB2_37-.Ltmp1, $3  }
0x25: {  	_ =	sdelay $0x1  }
0x26: {  	[sflag:s12] =	ssyncset.done $0x0  }
0x27: {  	s15 =	simm.s32 $0x1CF00;
	[sflag:s12] =	ssyncadd.s32 $0xFFFFD800  }
.LBB2_1:
0x28: {  	[dreg:$0x15] =	wrdreg s2  }
0x29: {  	s1 =	rddreg [dreg:$0x8]  }
0x2a: {  	[tilespmem:s15], [sflag:$0x1] =	stream.linear.gather [hbm4b:s1+s8], $0x1400, $0x38;
	[tilespmem:$0x1F700] =	vst v63  }
0x2b: {  	s13 =	simm.s32 @!p0 $0x1E300;
	s2 =	rddreg [dreg:$0x9];
	s1 =	simm.s32 @!p0 $0x0  }
0x2c: {  	[tilespmem:s13], [sflag:$0x1] =	stream.linear.gather @!p0 [hbm4b:s2+s1], $0x1400, $0x38;
	[tilespmem:$0x1F700] =	vst v63  }
0x2d: {  	_ =	swait.ge [sflag:s31], $0x1400  }
0x2e: {  	[sflag:s31] =	ssyncset.done $0x0  }
0x2f: {  	s1 =	simm.s32 $0x0;
	s13 =	simm.s32 $0x200;
	[sflag:s31] =	ssyncadd.s32 $0xFFFFEC00  }
.LBB2_2:
0x30: {  	p1 =	sne.s32 s13, $0x4E00;
	v6 =	vld [tilespmem:s1+$0x1CF10];
	[tilespmem:s1+$0x6420] =	vst v3  }
0x31: {  	v7 =	vld [tilespmem:s1+$0x1CF00];
	[tilespmem:s1+$0x6430] =	vst v3  }
0x32: {  	[tilespmem:s1+$0x6440] =	vst v3  }
.Ltmp2:
0x33: {  	[tilespmem:s1+$0x6450] =	vst v3;
	(pc) =	sbr.rel @p1 .LBB2_2-.Ltmp2, $4  }
0x34: {  	[tilespmem:s1+$0x6460] =	vst v3  }
0x35: {  	[tilespmem:s1+$0x6410] =	vst v6  }
0x36: {  	[tilespmem:s1+$0x6400] =	vst v7  }
0x37: {  	[tilespmem:s1+$0x6470] =	vst v3;
	s1 =	sshra.s32 s13, $0x2;
	s13 =	sadd.s32 $0x200, s13  }
0x38: {  	[tilespmem:s1+$0x6420] =	vst v3  }
0x39: {  	v6 =	vld [tilespmem:s1+$0x1CF10];
	[tilespmem:s1+$0x6430] =	vst v3  }
0x3a: {  	v7 =	vld [tilespmem:s1+$0x1CF00];
	[tilespmem:s1+$0x6440] =	vst v3  }
0x3b: {  	[tilespmem:s1+$0x6450] =	vst v3  }
.Ltmp3:
0x3c: {  	[tilespmem:s1+$0x6460] =	vst v3;
	(pc) =	sbr.rel @p0 .LBB2_7-.Ltmp3, $4  }
0x3d: {  	[tilespmem:s1+$0x6470] =	vst v3  }
0x3e: {  	s25 =	rddreg [dreg:$0xa];
	[tilespmem:s1+$0x6410] =	vst v6  }
0x3f: {  	s2 =	rddreg [dreg:$0x7];
	[tilespmem:s1+$0x6400] =	vst v7;
	s1 =	sadd.s32 s25, s3  }
0x40: {  	[hbm4b:s1+s8] =	stream.linear.scatter [tilespmem:s4], [sflag:$0x3], $0x1400, $0x38;
	[tilespmem:$0x1F700] =	vst v63  }
0x41: {  	_ =	swait.ge [sflag:s31], $0x1400  }
0x42: {  	[sflag:s31] =	ssyncset.done $0x0  }
0x43: {  	s1 =	simm.s32 $0x0;
	s13 =	simm.s32 $0x200;
	[sflag:s31] =	ssyncadd.s32 $0xFFFFEC00  }
.LBB2_5:
0x44: {  	p1 =	sne.s32 s13, $0x4E00;
	v6 =	vld [tilespmem:s1+$0x1E310];
	[tilespmem:s1+$0x105A0] =	vst v3  }
0x45: {  	v7 =	vld [tilespmem:s1+$0x1E300];
	[tilespmem:s1+$0x105B0] =	vst v3  }
0x46: {  	[tilespmem:s1+$0x105C0] =	vst v3  }
.Ltmp4:
0x47: {  	[tilespmem:s1+$0x105D0] =	vst v3;
	(pc) =	sbr.rel @p1 .LBB2_5-.Ltmp4, $4  }
0x48: {  	[tilespmem:s1+$0x105E0] =	vst v3  }
0x49: {  	[tilespmem:s1+$0x10590] =	vst v6  }
0x4a: {  	[tilespmem:s1+$0x10580] =	vst v7  }
0x4b: {  	[tilespmem:s1+$0x105F0] =	vst v3;
	s1 =	sshra.s32 s13, $0x2;
	s13 =	sadd.s32 $0x200, s13  }
0x4c: {  	[tilespmem:s1+$0x105A0] =	vst v3  }
0x4d: {  	v6 =	vld [tilespmem:s1+$0x1E310];
	[tilespmem:s1+$0x105B0] =	vst v3  }
0x4e: {  	v7 =	vld [tilespmem:s1+$0x1E300];
	[tilespmem:s1+$0x105C0] =	vst v3  }
0x4f: {  	[tilespmem:s1+$0x105D0] =	vst v3  }
0x50: {  	[tilespmem:s1+$0x105E0] =	vst v3  }
0x51: {  	[tilespmem:s1+$0x105F0] =	vst v3  }
0x52: {  	[tilespmem:s1+$0x10590] =	vst v6  }
0x53: {  	s25 =	rddreg [dreg:$0x14];
	[tilespmem:s1+$0x10580] =	vst v7  }
0x54: {  	[hbm4b:s25+s8] =	stream.linear.scatter [tilespmem:s28], [sflag:$0x3], $0x1400, $0x38;
	[tilespmem:$0x1F700] =	vst v63  }
0x55: {  	_ =	swait.ge [sflag:s11], $0x1400  }
0x56: {  	[sflag:s11] =	ssyncset.done $0x0  }
0x57: {  	[sflag:s11] =	ssyncadd.s32 $0xFFFFEC00  }
.LBB2_7:
0x58: {  	_ =	swait.ge [sflag:s11], $0x1400  }
.Ltmp5:
0x59: {  	[sflag:s11] =	ssyncset.done $0x0;
	(pc) =	sbr.rel .LBB2_8-.Ltmp5, $4  }
0x5a: {  	s1 =	simm.s32 $0x0;
	s13 =	rddreg [dreg:$0xb];
	[sflag:s11] =	ssyncadd.s32 $0xFFFFEC00  }
0x5b: {  	[tilespmem:s15], [sflag:$0x1] =	stream.linear.gather [hbm4b:s13+s1], $0x1400, $0x38;
	[tilespmem:$0x1F700] =	vst v63  }
0x5c: {  	s25 =	simm.s32 $0x1E300;
	s20 =	rddreg [dreg:$0xc]  }
0x5d: {  	[tilespmem:s25], [sflag:$0x1] =	stream.linear.gather [hbm4b:s20+s1], $0x1400, $0x38;
	[tilespmem:$0x1F700] =	vst v63  }
.LBB2_14:
0x5e: {  	s1 =	sadd.s32 $0x1, s1  }
0x5f: {  	p1 =	sne.s32 s1, $0x8  }
.Ltmp6:
0x60: {  	_ = 	snop;
	(pc) =	sbr.rel @!p1 .LBB2_15-.Ltmp6, $1  }
0x61: {  	_ =	sdelay $0x3  }
.LBB2_8:
0x62: {  	_ =	swait.ge [sflag:s31], $0x1400  }
0x63: {  	s13 =	sshll.u32 s1, $0x1;
	[sflag:s31] =	ssyncset.done $0x0  }
0x64: {  	s15 =	simm.s32 $0x0;
	s16 =	simm.s32 $0x200;
	[sflag:s31] =	ssyncadd.s32 $0xFFFFEC00  }
.LBB2_9:
0x65: {  	p1 =	sne.s32 s16, $0x4E00;
	v6 =	vld [tilespmem:s15+$0x1CF10];
	[tilespmem:s15+$0x6420] =	vst v3  }
0x66: {  	v7 =	vld [tilespmem:s15+$0x1CF00];
	[tilespmem:s15+$0x6430] =	vst v3  }
0x67: {  	[tilespmem:s15+$0x6440] =	vst v3  }
.Ltmp7:
0x68: {  	[tilespmem:s15+$0x6450] =	vst v3;
	(pc) =	sbr.rel @p1 .LBB2_9-.Ltmp7, $4  }
0x69: {  	[tilespmem:s15+$0x6460] =	vst v3  }
0x6a: {  	[tilespmem:s15+$0x6410] =	vst v6  }
0x6b: {  	[tilespmem:s15+$0x6400] =	vst v7  }
0x6c: {  	[tilespmem:s15+$0x6470] =	vst v3;
	s15 =	sshra.s32 s16, $0x2;
	s16 =	sadd.s32 $0x200, s16  }
0x6d: {  	[tilespmem:s15+$0x6420] =	vst v3  }
0x6e: {  	v6 =	vld [tilespmem:s15+$0x1CF10];
	[tilespmem:s15+$0x6430] =	vst v3  }
0x6f: {  	v7 =	vld [tilespmem:s15+$0x1CF00];
	[tilespmem:s15+$0x6440] =	vst v3  }
0x70: {  	[tilespmem:s15+$0x6450] =	vst v3  }
0x71: {  	[tilespmem:s15+$0x6460] =	vst v3;
	s16 =	sshll.u32 s1, $0x5  }
0x72: {  	[tilespmem:s15+$0x6470] =	vst v3;
	s16 =	sor.u32 s0, s16  }
0x73: {  	p1 =	seq.s32 s1, $0x0;
	s20 =	sadd.s32 $0x2, s13;
	s16 =	smul.u32 $0x28, s16;
	[tilespmem:s15+$0x6410] =	vst v6  }
0x74: {  	p2 =	sge.u32 s20, s14;
	[tilespmem:s15+$0x6400] =	vst v7;
	s15 =	simm.s32 @!p1 $0x3  }
0x75: {  	s20 =	sshll.u32 @!p2 s20, $0x4;
	s16 =	sadd.s32 s17, s16;
	_ =	swait.ge @!p1 [sflag:s15], $0x1400  }
0x76: {  	s20 =	sor.u32 @!p2 s0, s20;
	s16 =	sshll.u32 s16, $0x4;
	[sflag:s15] =	ssyncset.done @!p1 $0x0  }
0x77: {  	s25 =	sadd.s32 s16, s5;
	s16 =	smul.u32 @!p2 $0x280, s20;
	[sflag:s15] =	ssyncadd.s32 @!p1 $0xFFFFEC00  }
0x78: {  	[hbm4b:s25+s8] =	stream.linear.scatter [tilespmem:s4], [sflag:$0x3], $0x1400, $0x38;
	[tilespmem:$0x1F700] =	vst v63  }
0x79: {  	s20 =	simm.s32 @!p2 $0x1CF00;
	s15 =	sadd.s32 @!p2 s10, s16;
	s16 =	simm.s32 @!p2 $0x0  }
0x7a: {  	[tilespmem:s20], [sflag:$0x1] =	stream.linear.gather @!p2 [hbm4b:s15+s16], $0x1400, $0x38;
	[tilespmem:$0x1F700] =	vst v63  }
0x7b: {  	s15 =	sor.u32 $0x1, s13  }
0x7c: {  	p2 =	sge.u32 s15, s14  }
.Ltmp8:
0x7d: {  	_ = 	snop;
	(pc) =	sbr.rel @p2 .LBB2_14-.Ltmp8, $1  }
0x7e: {  	_ =	sdelay $0x3  }
0x7f: {  	_ =	swait.ge [sflag:s31], $0x1400  }
0x80: {  	[sflag:s31] =	ssyncset.done $0x0  }
0x81: {  	s16 =	simm.s32 $0x0;
	s20 =	simm.s32 $0x200;
	[sflag:s31] =	ssyncadd.s32 $0xFFFFEC00  }
.LBB2_12:
0x82: {  	p2 =	sne.s32 s20, $0x4E00;
	v6 =	vld [tilespmem:s16+$0x1E310];
	[tilespmem:s16+$0x105A0] =	vst v3  }
0x83: {  	v7 =	vld [tilespmem:s16+$0x1E300];
	[tilespmem:s16+$0x105B0] =	vst v3  }
0x84: {  	[tilespmem:s16+$0x105C0] =	vst v3  }
.Ltmp9:
0x85: {  	[tilespmem:s16+$0x105D0] =	vst v3;
	(pc) =	sbr.rel @p2 .LBB2_12-.Ltmp9, $4  }
0x86: {  	[tilespmem:s16+$0x105E0] =	vst v3  }
0x87: {  	[tilespmem:s16+$0x10590] =	vst v6  }
0x88: {  	[tilespmem:s16+$0x10580] =	vst v7  }
0x89: {  	[tilespmem:s16+$0x105F0] =	vst v3;
	s16 =	sshra.s32 s20, $0x2;
	s20 =	sadd.s32 $0x200, s20  }
0x8a: {  	[tilespmem:s16+$0x105A0] =	vst v3  }
0x8b: {  	v6 =	vld [tilespmem:s16+$0x1E310];
	[tilespmem:s16+$0x105B0] =	vst v3  }
0x8c: {  	v7 =	vld [tilespmem:s16+$0x1E300];
	[tilespmem:s16+$0x105C0] =	vst v3  }
0x8d: {  	[tilespmem:s16+$0x105D0] =	vst v3;
	s15 =	sshll.u32 s15, $0x4  }
0x8e: {  	[tilespmem:s16+$0x105E0] =	vst v3;
	s15 =	sor.u32 s0, s15  }
0x8f: {  	s13 =	sadd.s32 $0x3, s13;
	[tilespmem:s16+$0x105F0] =	vst v3;
	s15 =	smul.u32 $0x28, s15  }
0x90: {  	p2 =	sge.u32 s13, s14;
	[tilespmem:s16+$0x10590] =	vst v6  }
0x91: {  	s13 =	sshll.u32 @!p2 s13, $0x4;
	s15 =	sadd.s32 s17, s15;
	[tilespmem:s16+$0x10580] =	vst v7;
	s16 =	simm.s32 @!p1 $0x3  }
0x92: {  	s13 =	sor.u32 @!p2 s0, s13;
	s15 =	sshll.u32 s15, $0x4;
	_ =	swait.ge @!p1 [sflag:s16], $0x1400  }
.Ltmp10:
0x93: {  	s15 =	sand.u32 $0x1FFFFF80, s15;
	[sflag:s16] =	ssyncset.done @!p1 $0x0;
	(pc) =	sbr.rel .LBB2_14-.Ltmp10, $4  }
0x94: {  	s13 =	smul.u32 @!p2 $0x280, s13;
	s15 =	sadd.s32 s15, s5;
	[sflag:s16] =	ssyncadd.s32 @!p1 $0xFFFFEC00  }
0x95: {  	[hbm4b:s15+s8] =	stream.linear.scatter [tilespmem:s28], [sflag:$0x3], $0x1400, $0x38;
	[tilespmem:$0x1F700] =	vst v63  }
0x96: {  	s13 =	sadd.s32 @!p2 s10, s13;
	s16 =	simm.s32 @!p2 $0x1E300;
	s15 =	simm.s32 @!p2 $0x0  }
0x97: {  	[tilespmem:s16], [sflag:$0x1] =	stream.linear.gather @!p2 [hbm4b:s13+s15], $0x1400, $0x38;
	[tilespmem:$0x1F700] =	vst v63  }
.LBB2_15:
0x98: {  	_ =	swait.ge [sflag:s11], $0x1400  }
0x99: {  	[sflag:s11] =	ssyncset.done $0x0  }
0x9a: {  	[sflag:s11] =	ssyncadd.s32 $0xFFFFEC00  }
0x9b: {  	_ =	swait.ge [sflag:s11], $0x1400  }
.Ltmp11:
0x9c: {  	s1 =	simm.s32 $0x0;
	[sflag:s11] =	ssyncset.done $0x0;
	(pc) =	sbr.rel .LBB2_16-.Ltmp11, $4  }
0x9d: {  	s15 =	simm.s32 $0x1A700;
	s13 =	rddreg [dreg:$0xd];
	[sflag:s11] =	ssyncadd.s32 $0xFFFFEC00  }
0x9e: {  	[tilespmem:s15], [sflag:$0x2] =	stream.linear.gather [hbm4b:s13+s1], $0x1400, $0x38;
	[tilespmem:$0x1F700] =	vst v63  }
0x9f: {  	s25 =	simm.s32 $0x1BB00;
	s20 =	rddreg [dreg:$0xe]  }
0xa0: {  	[tilespmem:s25], [sflag:$0x2] =	stream.linear.gather [hbm4b:s20+s1], $0x1400, $0x38;
	[tilespmem:$0x1F700] =	vst v63  }
.LBB2_24:
0xa1: {  	s1 =	sadd.s32 $0x1, s1  }
0xa2: {  	p1 =	sne.s32 s1, $0x4F  }
.Ltmp12:
0xa3: {  	_ = 	snop;
	(pc) =	sbr.rel @!p1 .LBB2_25-.Ltmp12, $1  }
0xa4: {  	_ =	sdelay $0x3  }
.LBB2_16:
0xa5: {  	s13 =	sshll.u32 s1, $0x1  }
0xa6: {  	p1 =	sge.u32 s13, s18  }
.Ltmp13:
0xa7: {  	_ = 	snop;
	(pc) =	sbr.rel @p1 .LBB2_20-.Ltmp13, $1  }
0xa8: {  	_ =	sdelay $0x3  }
0xa9: {  	_ =	swait.ge [sflag:s30], $0x1400  }
0xaa: {  	[sflag:s30] =	ssyncset.done $0x0  }
0xab: {  	s15 =	simm.s32 $0x0;
	[sflag:s30] =	ssyncadd.s32 $0xFFFFEC00  }
0xac: {  	v7 =	vld [tilespmem:s15+$0x1A730]  }
0xad: {  	v8 =	vld [tilespmem:s15+$0x1A700];
	[tilespmem:s15+$0x6440] =	vst v3  }
0xae: {  	v9 =	vld [tilespmem:s15+$0x1A710];
	[tilespmem:s15+$0x6450] =	vst v3  }
0xaf: {  	v6 =	vld [tilespmem:s15+$0x1A720];
	[tilespmem:s15+$0x6460] =	vst v3  }
0xb0: {  	[tilespmem:s15+$0x6470] =	vst v3  }
0xb1: {  	[tilespmem:s15+$0x6430] =	vst v7  }
0xb2: {  	[tilespmem:s15+$0x6400] =	vst v8  }
0xb3: {  	s16 =	simm.s32 $0x80;
	s20 =	simm.s32 $0x400;
	[tilespmem:s15+$0x6410] =	vst v9  }
.LBB2_18:
0xb4: {  	p1 =	sne.s32 s20, $0x4E00;
	v7 =	vld [tilespmem:s16+$0x1A730];
	[tilespmem:s15+$0x6420] =	vst v6;
	s15 =	smov.u32 s16  }
0xb5: {  	v8 =	vld [tilespmem:s15+$0x1A700];
	[tilespmem:s15+$0x6440] =	vst v3  }
0xb6: {  	v9 =	vld [tilespmem:s15+$0x1A710];
	[tilespmem:s15+$0x6450] =	vst v3  }
.Ltmp14:
0xb7: {  	v6 =	vld [tilespmem:s15+$0x1A720];
	[tilespmem:s15+$0x6460] =	vst v3;
	(pc) =	sbr.rel @p1 .LBB2_18-.Ltmp14, $4  }
0xb8: {  	[tilespmem:s15+$0x6470] =	vst v3  }
0xb9: {  	[tilespmem:s15+$0x6430] =	vst v7  }
0xba: {  	[tilespmem:s15+$0x6400] =	vst v8  }
0xbb: {  	s16 =	sshra.s32 s20, $0x2;
	s20 =	sadd.s32 $0x200, s20;
	[tilespmem:s15+$0x6410] =	vst v9  }
0xbc: {  	v7 =	vld [tilespmem:s16+$0x1A730];
	[tilespmem:s15+$0x6420] =	vst v6  }
0xbd: {  	v6 =	vld [tilespmem:s16+$0x1A700];
	[tilespmem:s16+$0x6440] =	vst v3  }
0xbe: {  	v8 =	vld [tilespmem:s16+$0x1A710];
	[tilespmem:s16+$0x6450] =	vst v3  }
0xbf: {  	v9 =	vld [tilespmem:s16+$0x1A720];
	[tilespmem:s16+$0x6460] =	vst v3  }
0xc0: {  	[tilespmem:s16+$0x6470] =	vst v3  }
0xc1: {  	s25 =	sshll.u32 s1, $0x5;
	[tilespmem:s16+$0x6430] =	vst v7  }
0xc2: {  	s15 =	sor.u32 s0, s25;
	[tilespmem:s16+$0x6400] =	vst v6  }
0xc3: {  	p1 =	seq.s32 s1, $0x0;
	s20 =	sadd.s32 $0x2, s13;
	s15 =	smul.u32 $0x28, s15;
	[tilespmem:s16+$0x6410] =	vst v8  }
0xc4: {  	p2 =	sge.u32 s20, s18;
	[tilespmem:s16+$0x6420] =	vst v9;
	s16 =	simm.s32 @!p1 $0x4  }
0xc5: {  	s20 =	sshll.u32 @!p2 s20, $0x4;
	s15 =	sadd.s32 s21, s15;
	_ =	swait.ge @!p1 [sflag:s16], $0x1400  }
0xc6: {  	s20 =	sor.u32 @!p2 s0, s20;
	s15 =	sshll.u32 s15, $0x4;
	[sflag:s16] =	ssyncset.done @!p1 $0x0  }
0xc7: {  	s15 =	sadd.s32 s15, s6;
	[sflag:s16] =	ssyncadd.s32 @!p1 $0xFFFFEC00;
	s16 =	smul.u32 @!p2 $0x280, s20  }
0xc8: {  	[hbm4b:s15+s8] =	stream.linear.scatter [tilespmem:s4], [sflag:$0x4], $0x1400, $0x38;
	[tilespmem:$0x1F700] =	vst v63  }
0xc9: {  	s20 =	simm.s32 @!p2 $0x1A700;
	s15 =	sadd.s32 @!p2 s2, s16;
	s16 =	simm.s32 @!p2 $0x0  }
0xca: {  	[tilespmem:s20], [sflag:$0x2] =	stream.linear.gather @!p2 [hbm4b:s15+s16], $0x1400, $0x38;
	[tilespmem:$0x1F700] =	vst v63  }
.LBB2_20:
0xcb: {  	s15 =	sor.u32 $0x1, s13  }
0xcc: {  	p1 =	sge.u32 s15, s18  }
.Ltmp15:
0xcd: {  	_ = 	snop;
	(pc) =	sbr.rel @p1 .LBB2_24-.Ltmp15, $1  }
0xce: {  	_ =	sdelay $0x3  }
0xcf: {  	_ =	swait.ge [sflag:s30], $0x1400  }
0xd0: {  	[sflag:s30] =	ssyncset.done $0x0  }
0xd1: {  	s16 =	simm.s32 $0x0;
	[sflag:s30] =	ssyncadd.s32 $0xFFFFEC00  }
0xd2: {  	v7 =	vld [tilespmem:s16+$0x1BB30]  }
0xd3: {  	v8 =	vld [tilespmem:s16+$0x1BB00];
	[tilespmem:s16+$0x105C0] =	vst v3  }
0xd4: {  	v9 =	vld [tilespmem:s16+$0x1BB10];
	[tilespmem:s16+$0x105D0] =	vst v3  }
0xd5: {  	v6 =	vld [tilespmem:s16+$0x1BB20];
	[tilespmem:s16+$0x105E0] =	vst v3  }
0xd6: {  	[tilespmem:s16+$0x105F0] =	vst v3  }
0xd7: {  	[tilespmem:s16+$0x105B0] =	vst v7  }
0xd8: {  	[tilespmem:s16+$0x10580] =	vst v8  }
0xd9: {  	s20 =	simm.s32 $0x80;
	s25 =	simm.s32 $0x400;
	[tilespmem:s16+$0x10590] =	vst v9  }
.LBB2_22:
0xda: {  	p1 =	sne.s32 s25, $0x4E00;
	v7 =	vld [tilespmem:s20+$0x1BB30];
	[tilespmem:s16+$0x105A0] =	vst v6;
	s16 =	smov.u32 s20  }
0xdb: {  	v8 =	vld [tilespmem:s16+$0x1BB00];
	[tilespmem:s16+$0x105C0] =	vst v3  }
0xdc: {  	v9 =	vld [tilespmem:s16+$0x1BB10];
	[tilespmem:s16+$0x105D0] =	vst v3  }
.Ltmp16:
0xdd: {  	v6 =	vld [tilespmem:s16+$0x1BB20];
	[tilespmem:s16+$0x105E0] =	vst v3;
	(pc) =	sbr.rel @p1 .LBB2_22-.Ltmp16, $4  }
0xde: {  	[tilespmem:s16+$0x105F0] =	vst v3  }
0xdf: {  	[tilespmem:s16+$0x105B0] =	vst v7  }
0xe0: {  	[tilespmem:s16+$0x10580] =	vst v8  }
0xe1: {  	s20 =	sshra.s32 s25, $0x2;
	s25 =	sadd.s32 $0x200, s25;
	[tilespmem:s16+$0x10590] =	vst v9  }
0xe2: {  	v7 =	vld [tilespmem:s20+$0x1BB30];
	[tilespmem:s16+$0x105A0] =	vst v6  }
0xe3: {  	v6 =	vld [tilespmem:s20+$0x1BB00];
	[tilespmem:s20+$0x105C0] =	vst v3  }
0xe4: {  	v8 =	vld [tilespmem:s20+$0x1BB10];
	[tilespmem:s20+$0x105D0] =	vst v3  }
0xe5: {  	v9 =	vld [tilespmem:s20+$0x1BB20];
	[tilespmem:s20+$0x105E0] =	vst v3  }
0xe6: {  	s15 =	sshll.u32 s15, $0x4;
	[tilespmem:s20+$0x105F0] =	vst v3  }
0xe7: {  	s15 =	sor.u32 s0, s15;
	[tilespmem:s20+$0x105B0] =	vst v7  }
0xe8: {  	s13 =	sadd.s32 $0x3, s13;
	s15 =	smul.u32 $0x28, s15;
	[tilespmem:s20+$0x10580] =	vst v6  }
0xe9: {  	p1 =	seq.s32 s1, $0x0;
	p2 =	sge.u32 s13, s18;
	[tilespmem:s20+$0x10590] =	vst v8  }
0xea: {  	s16 =	simm.s32 @!p1 $0x4;
	s13 =	sshll.u32 @!p2 s13, $0x4;
	s15 =	sadd.s32 s21, s15;
	[tilespmem:s20+$0x105A0] =	vst v9  }
0xeb: {  	s13 =	sor.u32 @!p2 s0, s13;
	s15 =	sshll.u32 s15, $0x4;
	_ =	swait.ge @!p1 [sflag:s16], $0x1400  }
.Ltmp17:
0xec: {  	s15 =	sand.u32 $0x1FFFFF80, s15;
	[sflag:s16] =	ssyncset.done @!p1 $0x0;
	(pc) =	sbr.rel .LBB2_24-.Ltmp17, $4  }
0xed: {  	s13 =	smul.u32 @!p2 $0x280, s13;
	s15 =	sadd.s32 s15, s6;
	[sflag:s16] =	ssyncadd.s32 @!p1 $0xFFFFEC00  }
0xee: {  	[hbm4b:s15+s8] =	stream.linear.scatter [tilespmem:s28], [sflag:$0x4], $0x1400, $0x38;
	[tilespmem:$0x1F700] =	vst v63  }
0xef: {  	s13 =	sadd.s32 @!p2 s2, s13;
	s16 =	simm.s32 @!p2 $0x1BB00;
	s15 =	simm.s32 @!p2 $0x0  }
0xf0: {  	[tilespmem:s16], [sflag:$0x2] =	stream.linear.gather @!p2 [hbm4b:s13+s15], $0x1400, $0x38;
	[tilespmem:$0x1F700] =	vst v63  }
.LBB2_25:
0xf1: {  	_ =	swait.ge [sflag:s12], $0x1400  }
0xf2: {  	[sflag:s12] =	ssyncset.done $0x0  }
0xf3: {  	[sflag:s12] =	ssyncadd.s32 $0xFFFFEC00  }
0xf4: {  	_ =	swait.ge [sflag:s12], $0x1400  }
0xf5: {  	[sflag:s12] =	ssyncset.done $0x0  }
0xf6: {  	[sflag:s12] =	ssyncadd.s32 $0xFFFFEC00  }
0xf7: {  	[bflag:$0x0] =	sbarrier.arrive $0xFFFF  }
0xf8: {  	s1 =	simm.s32 $0x0;
	s13 =	simm.s32 $0x5;
	s2 =	rddreg [dreg:$0xf]  }
0xf9: {  	[tilespmem:s1], [sflag:$0x5] =	stream.linear.gather [hbm4b:s2+s1], $0x1900, $0x38;
	[tilespmem:$0x1F700] =	vst v63  }
0xfa: {  	_ =	swait.ge [sflag:s13], $0x1900  }
0xfb: {  	[sflag:s13] =	ssyncset.done $0x0  }
0xfc: {  	s15 =	simm.s32 $0x1900;
	s16 =	rddreg [dreg:$0x10];
	[sflag:s13] =	ssyncadd.s32 $0xFFFFE700  }
0xfd: {  	[tilespmem:s15], [sflag:$0x5] =	stream.linear.gather [hbm4b:s16+s1], $0x1900, $0x38;
	[tilespmem:$0x1F700] =	vst v63  }
0xfe: {  	_ =	swait.ge [sflag:s13], $0x1900  }
0xff: {  	[sflag:s13] =	ssyncset.done $0x0  }
0x100: {  	s25 =	simm.s32 $0x3200;
	s20 =	rddreg [dreg:$0x11];
	[sflag:s13] =	ssyncadd.s32 $0xFFFFE700  }
0x101: {  	[tilespmem:s25], [sflag:$0x5] =	stream.linear.gather [hbm4b:s20+s1], $0x1900, $0x38;
	[tilespmem:$0x1F700] =	vst v63  }
0x102: {  	_ =	swait.ge [sflag:s13], $0x1900  }
0x103: {  	[sflag:s13] =	ssyncset.done $0x0  }
0x104: {  	s16 =	simm.s32 $0x4B00;
	s15 =	rddreg [dreg:$0x12];
	[sflag:s13] =	ssyncadd.s32 $0xFFFFE700  }
0x105: {  	[tilespmem:s16], [sflag:$0x5] =	stream.linear.gather [hbm4b:s15+s1], $0x1900, $0x38;
	[tilespmem:$0x1F700] =	vst v63  }
0x106: {  	_ =	swait.ge [sflag:s13], $0x1900  }
0x107: {  	[sflag:s13] =	ssyncset.done $0x0  }
0x108: {  	[sflag:s13] =	ssyncadd.s32 $0xFFFFE700  }
0x109: {  	v6 =	vld [tilespmem:$0x1900]  }
0x10a: {  	v7 =	vld [tilespmem:$0x4B00]  }
0x10b: {  	v8 =	vld [tilespmem:$0x3200]  }
0x10c: {  	v9 =	vld [tilespmem:$0x1910]  }
0x10d: {  	v10 =	vld [tilespmem:$0x4B10]  }
0x10e: {  	v11 =	vld [tilespmem:$0x3210];
	v6 =	vadd.s32 v0, v6  }
0x10f: {  	[tilespmem:$0x10500] =	vst v6;
	v6 =	vadd.s32 v1, v7;
	v7 =	vld [tilespmem:$0x1920]  }
0x110: {  	v46 =	vld [tilespmem:$0x4B20];
	[tilespmem:$0x10480] =	vst v6;
	v6 =	vadd.s32 v2, v8  }
0x111: {  	v47 =	vld [tilespmem:$0x3220];
	[tilespmem:$0x10400] =	vst v6;
	v6 =	vadd.s32 v0, v9  }
0x112: {  	v48 =	vld [tilespmem:$0x1930];
	[tilespmem:$0x10510] =	vst v6;
	v6 =	vadd.s32 v1, v10  }
0x113: {  	v49 =	vld [tilespmem:$0x4B30];
	[tilespmem:$0x10490] =	vst v6;
	v6 =	vadd.s32 v2, v11  }
0x114: {  	[tilespmem:$0x10410] =	vst v6;
	v6 =	vadd.s32 v0, v7;
	v7 =	vld [tilespmem:$0x3230]  }
0x115: {  	v50 =	vld [tilespmem:$0x1940];
	[tilespmem:$0x10520] =	vst v6;
	v6 =	vadd.s32 v1, v46  }
0x116: {  	v51 =	vld [tilespmem:$0x4B40];
	[tilespmem:$0x104A0] =	vst v6;
	v6 =	vadd.s32 v2, v47  }
0x117: {  	v52 =	vld [tilespmem:$0x3240];
	[tilespmem:$0x10420] =	vst v6;
	v6 =	vadd.s32 v0, v48  }
0x118: {  	[tilespmem:$0x10530] =	vst v6;
	v6 =	vadd.s32 v1, v49  }
0x119: {  	[tilespmem:$0x104B0] =	vst v6;
	v6 =	vadd.s32 v2, v7  }
0x11a: {  	[tilespmem:$0x10430] =	vst v6;
	v6 =	vadd.s32 v0, v50  }
0x11b: {  	[tilespmem:$0x10540] =	vst v6;
	v6 =	vadd.s32 v1, v51  }
0x11c: {  	[tilespmem:$0x104C0] =	vst v6;
	v6 =	vadd.s32 v2, v52  }
0x11d: {  	s13 =	simm.s32 $0x50;
	s2 =	rddreg [dreg:$0x1];
	[tilespmem:$0x10440] =	vst v6  }
0x11e: {  	[tilespmem:s4], [sflag:$0x1] =	stream.indirect.gather [hbm4b:s2+s13], $0x80, s1, s13, $0xb8;
	[tilespmem:$0x1F700] =	vst v63  }
0x11f: {  	s20 =	simm.s32 $0x10500  }
0x120: {  	[tilespmem:s19], [sflag:$0x1] =	stream.indirect.gather [hbm4b:s3+s13], $0x80, s20, s13, $0xb8;
	[tilespmem:$0x1F700] =	vst v63  }
0x121: {  	s25 =	simm.s32 $0x10400;
	s16 =	simm.s32 $0xB400  }
0x122: {  	[tilespmem:s16], [sflag:$0x1] =	stream.indirect.gather [hbm4b:s6+s13], $0x80, s25, s13, $0xb8;
	[tilespmem:$0x1F700] =	vst v63  }
0x123: {  	s20 =	simm.s32 $0xDC00;
	s16 =	simm.s32 $0x10480  }
0x124: {  	[tilespmem:s20], [sflag:$0x1] =	stream.indirect.gather [hbm4b:s5+s13], $0x80, s16, s13, $0xb8;
	[tilespmem:$0x1F700] =	vst v63  }
0x125: {  	v6 =	vld [tilespmem:$0x1950]  }
0x126: {  	v7 =	vld [tilespmem:$0x4B50]  }
0x127: {  	v53 =	vld [tilespmem:$0x3250]  }
0x128: {  	v54 =	vld [tilespmem:$0x1960]  }
0x129: {  	v55 =	vld [tilespmem:$0x4B60]  }
0x12a: {  	v56 =	vld [tilespmem:$0x3260];
	v6 =	vadd.s32 v0, v6  }
0x12b: {  	[tilespmem:$0x1A680] =	vst v6;
	v6 =	vadd.s32 v1, v7;
	v7 =	vld [tilespmem:$0x1970]  }
0x12c: {  	v57 =	vld [tilespmem:$0x4B70];
	[tilespmem:$0x1A600] =	vst v6;
	v6 =	vadd.s32 v2, v53  }
0x12d: {  	v58 =	vld [tilespmem:$0x3270];
	[tilespmem:$0x1A580] =	vst v6;
	v6 =	vadd.s32 v0, v54  }
0x12e: {  	v59 =	vld [tilespmem:$0x1980];
	[tilespmem:$0x1A690] =	vst v6;
	v6 =	vadd.s32 v1, v55  }
0x12f: {  	v60 =	vld [tilespmem:$0x4B80];
	[tilespmem:$0x1A610] =	vst v6;
	v6 =	vadd.s32 v2, v56  }
0x130: {  	[tilespmem:$0x1A590] =	vst v6;
	v6 =	vadd.s32 v0, v7;
	v7 =	vld [tilespmem:$0x3280]  }
0x131: {  	v61 =	vld [tilespmem:$0x1990];
	[tilespmem:$0x1A6A0] =	vst v6;
	v6 =	vadd.s32 v1, v57  }
0x132: {  	v62 =	vld [tilespmem:$0x4B90];
	[tilespmem:$0x1A620] =	vst v6;
	v6 =	vadd.s32 v2, v58  }
0x133: {  	v63 =	vld [tilespmem:$0x3290];
	[tilespmem:$0x1A5A0] =	vst v6;
	v6 =	vadd.s32 v0, v59  }
0x134: {  	[tilespmem:$0x1A6B0] =	vst v6;
	v6 =	vadd.s32 v1, v60  }
0x135: {  	[tilespmem:$0x1A630] =	vst v6;
	v6 =	vadd.s32 v2, v7  }
0x136: {  	[tilespmem:$0x1A5B0] =	vst v6;
	v6 =	vadd.s32 v0, v61  }
0x137: {  	[tilespmem:$0x1A6C0] =	vst v6;
	v6 =	vadd.s32 v1, v62  }
0x138: {  	[tilespmem:$0x1A640] =	vst v6;
	v6 =	vadd.s32 v2, v63  }
0x139: {  	[tilespmem:$0x1A5C0] =	vst v6  }
0x13a: {  	[tilespmem:s28], [sflag:$0x2] =	stream.indirect.gather [hbm4b:s2+s13], $0x80, s13, s13, $0xb8;
	[tilespmem:$0x1F700] =	vst v63  }
0x13b: {  	s25 =	simm.s32 $0x1A680  }
0x13c: {  	[tilespmem:s26], [sflag:$0x2] =	stream.indirect.gather [hbm4b:s3+s13], $0x80, s25, s13, $0xb8;
	[tilespmem:$0x1F700] =	vst v63  }
0x13d: {  	s15 =	simm.s32 $0x1A580;
	s16 =	simm.s32 $0x15580  }
0x13e: {  	[tilespmem:s16], [sflag:$0x2] =	stream.indirect.gather [hbm4b:s6+s13], $0x80, s15, s13, $0xb8;
	[tilespmem:$0x1F700] =	vst v63  }
0x13f: {  	s20 =	simm.s32 $0x1A600;
	s25 =	simm.s32 $0x17D80;
	s15 =	simm.s32 $0x0  }
0x140: {  	[tilespmem:s25], [sflag:$0x2] =	stream.indirect.gather [hbm4b:s5+s13], $0x80, s20, s13, $0xb8;
	[tilespmem:$0x1F700] =	vst v63  }
.LBB2_26:
0x141: {  	_ =	swait.ge [sflag:s31], $0x2800  }
0x142: {  	[sflag:s31] =	ssyncset.done $0x0  }
0x143: {  	[sflag:s31] =	ssyncadd.s32 $0xFFFFD800  }
0x144: {  	_ =	swait.ge [sflag:s31], $0x2800  }
0x145: {  	[sflag:s31] =	ssyncset.done $0x0  }
0x146: {  	[sflag:s31] =	ssyncadd.s32 $0xFFFFD800  }
0x147: {  	_ =	swait.ge [sflag:s31], $0x2800  }
0x148: {  	[sflag:s31] =	ssyncset.done $0x0  }
0x149: {  	[sflag:s31] =	ssyncadd.s32 $0xFFFFD800  }
0x14a: {  	_ =	swait.ge [sflag:s31], $0x2800  }
0x14b: {  	[sflag:s31] =	ssyncset.done $0x0  }
0x14c: {  	s20 =	simm.s32 $0x0;
	[sflag:s31] =	ssyncadd.s32 $0xFFFFD800  }
0x14d: {  	v6 =	vld [tilespmem:s20+$0xDC10]  }
0x14e: {  	v7 =	vld [tilespmem:s20+$0xB400]  }
0x14f: {  	v8 =	vld [tilespmem:s20+$0xB410]  }
0x150: {  	v9 =	vld [tilespmem:s20+$0xB420]  }
0x151: {  	s16 =	simm.s32 $0x200;
	v10 =	vld [tilespmem:s20+$0xB430]  }
.LBB2_27:
0x152: {  	s25 =	sshra.s32 s16, $0x2;
	p1 =	sne.s32 s16, $0x9E00;
	s16 =	sadd.s32 $0x200, s16;
	v11 =	vld [tilespmem:s20+$0xDC00];
	[tilespmem:s20+$0x8C70] =	vst v6  }
.Ltmp18:
0x153: {  	v6 =	vld [tilespmem:s25+$0xDC10];
	[tilespmem:s20+$0x8C20] =	vst v7;
	(pc) =	sbr.rel @p1 .LBB2_27-.Ltmp18, $4  }
0x154: {  	v7 =	vld [tilespmem:s25+$0xB400];
	[tilespmem:s20+$0x8C30] =	vst v8  }
0x155: {  	v8 =	vld [tilespmem:s25+$0xB410];
	[tilespmem:s20+$0x8C40] =	vst v9  }
0x156: {  	v9 =	vld [tilespmem:s25+$0xB420];
	[tilespmem:s20+$0x8C50] =	vst v10  }
0x157: {  	v10 =	vld [tilespmem:s25+$0xB430];
	[tilespmem:s20+$0x8C60] =	vst v11;
	s20 =	smov.u32 s25  }
0x158: {  	v11 =	vld [tilespmem:s20+$0xDC00];
	[tilespmem:s20+$0x8C70] =	vst v6  }
0x159: {  	[tilespmem:s20+$0x8C20] =	vst v7  }
0x15a: {  	[tilespmem:s20+$0x8C30] =	vst v8  }
0x15b: {  	[tilespmem:s20+$0x8C40] =	vst v9  }
0x15c: {  	s16 =	smul.u32 $0xA0, s15;
	[tilespmem:s20+$0x8C50] =	vst v10  }
0x15d: {  	[tilespmem:s20+$0x8C60] =	vst v11  }
0x15e: {  	v6 =	vld [tilespmem:s16+$0x0]  }
0x15f: {  	v7 =	vld [tilespmem:s16+$0x10]  }
0x160: {  	v8 =	vld [tilespmem:s16+$0x20]  }
0x161: {  	v9 =	vld [tilespmem:s16+$0x30]  }
0x162: {  	v10 =	vld [tilespmem:s16+$0x40];
	_ =	sdelay $0x1  }
0x163: {  	vm0 =	veq.s32 v6, $0x0;
	vm1 =	veq.s32 v7, $0x0  }
0x164: {  	vm13 =	veq.s32 v8, $0x0;
	vm0 =	vmor vm0, vm1  }
0x165: {  	vm14 =	veq.s32 v9, $0x0;
	vm0 =	vmor vm0, vm13  }
0x166: {  	vm15 =	veq.s32 v10, $0x0;
	vm0 =	vmor vm0, vm14  }
0x167: {  	vm0 =	vmor vm0, vm15  }
0x168: {  	v6 =	vsel vm0, $0x1, v4  }
0x169: {  	v6 =	vor.u32 $0x80000000, v6  }
0x16a: {  	(xrf0) =	vmax.scan.msk.u32 $0xffff, v6;
	_ =	sdelay $0x5  }
0x16b: {  	v6, _, _ =	vpop (xrf0)  }
0x16c: {  	(v2sf) =	vpush v6, $0xF;
	_ =	sdelay $0xe  }
0x16d: {  	s25 =	spop (v2sf)  }
0x16e: {  	p1 =	slt.u32 s25, $0x80000001  }
.Ltmp19:
0x16f: {  	_ = 	snop;
	(pc) =	sbr.rel @p1 .LBB2_30-.Ltmp19, $2  }
0x170: {  	_ =	sdelay $0x2  }
0x171: {  	s20 =	simm.s32 $0x0;
	s25 =	smov.u32 s1  }
.LBB2_29:
0x172: {  	v6 =	vld [tilespmem:s25+$0x0];
	_ =	sdelay $0x3  }
0x173: {  	v7 =	vmov s20  }
0x174: {  	vm0 =	veq.s32 v6, $0x0;
	v6 =	vshll.u32 v7, $0x7  }
0x175: {  	v6 =	vor.u32 v5, v6  }
0x176: {  	v7 =	vor.u32 $0x1, v6  }
0x177: {  	v8 =	vor.u32 $0x2, v6  }
0x178: {  	v9 =	vor.u32 $0x3, v6  }
0x179: {  	v10 =	vor.u32 $0x4, v6  }
0x17a: {  	v11 =	vor.u32 $0x5, v6;
	[tilespmem:v6+s4+$0x0] =	vst.idx.msk vm0, v3  }
0x17b: {  	[tilespmem:v7+s4+$0x0] =	vst.idx.msk vm0, v3;
	v7 =	vor.u32 $0x6, v6  }
0x17c: {  	v20 =	vor.u32 $0x7, v6;
	[tilespmem:v8+s4+$0x0] =	vst.idx.msk vm0, v3  }
0x17d: {  	v21 =	vor.u32 $0x8, v6;
	[tilespmem:v9+s4+$0x0] =	vst.idx.msk vm0, v3  }
0x17e: {  	v22 =	vor.u32 $0x9, v6;
	[tilespmem:v10+s4+$0x0] =	vst.idx.msk vm0, v3  }
0x17f: {  	v23 =	vor.u32 $0xA, v6;
	[tilespmem:v11+s4+$0x0] =	vst.idx.msk vm0, v3  }
0x180: {  	[tilespmem:v7+s4+$0x0] =	vst.idx.msk vm0, v3;
	v7 =	vor.u32 $0xB, v6  }
0x181: {  	v24 =	vor.u32 $0xC, v6;
	[tilespmem:v20+s4+$0x0] =	vst.idx.msk vm0, v3  }
0x182: {  	v25 =	vor.u32 $0xD, v6;
	[tilespmem:v21+s4+$0x0] =	vst.idx.msk vm0, v3  }
0x183: {  	v26 =	vor.u32 $0xE, v6;
	[tilespmem:v22+s4+$0x0] =	vst.idx.msk vm0, v3  }
0x184: {  	v27 =	vor.u32 $0xF, v6;
	[tilespmem:v23+s4+$0x0] =	vst.idx.msk vm0, v3  }
0x185: {  	[tilespmem:v7+s4+$0x0] =	vst.idx.msk vm0, v3;
	v7 =	vor.u32 $0x10, v6  }
0x186: {  	v28 =	vor.u32 $0x11, v6;
	[tilespmem:v24+s4+$0x0] =	vst.idx.msk vm0, v3  }
0x187: {  	v29 =	vor.u32 $0x12, v6;
	[tilespmem:v25+s4+$0x0] =	vst.idx.msk vm0, v3  }
0x188: {  	v30 =	vor.u32 $0x13, v6;
	[tilespmem:v26+s4+$0x0] =	vst.idx.msk vm0, v3  }
0x189: {  	v31 =	vor.u32 $0x14, v6;
	[tilespmem:v27+s4+$0x0] =	vst.idx.msk vm0, v3  }
0x18a: {  	[tilespmem:v7+s4+$0x0] =	vst.idx.msk vm0, v3;
	v7 =	vor.u32 $0x15, v6  }
0x18b: {  	v32 =	vor.u32 $0x16, v6;
	[tilespmem:v28+s4+$0x0] =	vst.idx.msk vm0, v3  }
0x18c: {  	v33 =	vor.u32 $0x17, v6;
	[tilespmem:v29+s4+$0x0] =	vst.idx.msk vm0, v3  }
0x18d: {  	v34 =	vor.u32 $0x18, v6;
	[tilespmem:v30+s4+$0x0] =	vst.idx.msk vm0, v3  }
0x18e: {  	v35 =	vor.u32 $0x19, v6;
	[tilespmem:v31+s4+$0x0] =	vst.idx.msk vm0, v3  }
0x18f: {  	[tilespmem:v7+s4+$0x0] =	vst.idx.msk vm0, v3;
	v7 =	vor.u32 $0x1A, v6  }
0x190: {  	v36 =	vor.u32 $0x1B, v6;
	[tilespmem:v32+s4+$0x0] =	vst.idx.msk vm0, v3  }
0x191: {  	v37 =	vor.u32 $0x1C, v6;
	[tilespmem:v33+s4+$0x0] =	vst.idx.msk vm0, v3  }
0x192: {  	v38 =	vor.u32 $0x1D, v6;
	[tilespmem:v34+s4+$0x0] =	vst.idx.msk vm0, v3  }
0x193: {  	v39 =	vor.u32 $0x1E, v6;
	[tilespmem:v35+s4+$0x0] =	vst.idx.msk vm0, v3  }
0x194: {  	[tilespmem:v7+s4+$0x0] =	vst.idx.msk vm0, v3;
	v7 =	vor.u32 $0x1F, v6  }
0x195: {  	v40 =	vor.u32 $0x20, v6;
	[tilespmem:v36+s4+$0x0] =	vst.idx.msk vm0, v3  }
0x196: {  	v41 =	vor.u32 $0x21, v6;
	[tilespmem:v37+s4+$0x0] =	vst.idx.msk vm0, v3  }
0x197: {  	v42 =	vor.u32 $0x22, v6;
	[tilespmem:v38+s4+$0x0] =	vst.idx.msk vm0, v3  }
0x198: {  	v43 =	vor.u32 $0x23, v6;
	[tilespmem:v39+s4+$0x0] =	vst.idx.msk vm0, v3  }
0x199: {  	[tilespmem:v7+s4+$0x0] =	vst.idx.msk vm0, v3;
	v7 =	vor.u32 $0x24, v6  }
0x19a: {  	v44 =	vor.u32 $0x25, v6;
	[tilespmem:v40+s4+$0x0] =	vst.idx.msk vm0, v3  }
0x19b: {  	v45 =	vor.u32 $0x26, v6;
	[tilespmem:v41+s4+$0x0] =	vst.idx.msk vm0, v3  }
0x19c: {  	v46 =	vor.u32 $0x27, v6;
	[tilespmem:v42+s4+$0x0] =	vst.idx.msk vm0, v3  }
0x19d: {  	v47 =	vor.u32 $0x28, v6;
	[tilespmem:v43+s4+$0x0] =	vst.idx.msk vm0, v3  }
0x19e: {  	[tilespmem:v7+s4+$0x0] =	vst.idx.msk vm0, v3;
	v7 =	vor.u32 $0x29, v6  }
0x19f: {  	v48 =	vor.u32 $0x2A, v6;
	[tilespmem:v44+s4+$0x0] =	vst.idx.msk vm0, v3  }
0x1a0: {  	v49 =	vor.u32 $0x2B, v6;
	[tilespmem:v45+s4+$0x0] =	vst.idx.msk vm0, v3  }
0x1a1: {  	v50 =	vor.u32 $0x2C, v6;
	[tilespmem:v46+s4+$0x0] =	vst.idx.msk vm0, v3  }
0x1a2: {  	v51 =	vor.u32 $0x2D, v6;
	[tilespmem:v47+s4+$0x0] =	vst.idx.msk vm0, v3  }
0x1a3: {  	[tilespmem:v7+s4+$0x0] =	vst.idx.msk vm0, v3;
	v7 =	vor.u32 $0x2E, v6  }
0x1a4: {  	v52 =	vor.u32 $0x2F, v6;
	[tilespmem:v48+s4+$0x0] =	vst.idx.msk vm0, v3  }
0x1a5: {  	v53 =	vor.u32 $0x30, v6;
	[tilespmem:v49+s4+$0x0] =	vst.idx.msk vm0, v3  }
0x1a6: {  	v54 =	vor.u32 $0x31, v6;
	[tilespmem:v50+s4+$0x0] =	vst.idx.msk vm0, v3  }
0x1a7: {  	v55 =	vor.u32 $0x32, v6;
	[tilespmem:v51+s4+$0x0] =	vst.idx.msk vm0, v3  }
0x1a8: {  	[tilespmem:v7+s4+$0x0] =	vst.idx.msk vm0, v3;
	v7 =	vor.u32 $0x33, v6  }
0x1a9: {  	v56 =	vor.u32 $0x34, v6;
	[tilespmem:v52+s4+$0x0] =	vst.idx.msk vm0, v3  }
0x1aa: {  	v57 =	vor.u32 $0x35, v6;
	[tilespmem:v53+s4+$0x0] =	vst.idx.msk vm0, v3  }
0x1ab: {  	v58 =	vor.u32 $0x36, v6;
	[tilespmem:v54+s4+$0x0] =	vst.idx.msk vm0, v3  }
0x1ac: {  	v59 =	vor.u32 $0x37, v6;
	[tilespmem:v55+s4+$0x0] =	vst.idx.msk vm0, v3  }
0x1ad: {  	[tilespmem:v7+s4+$0x0] =	vst.idx.msk vm0, v3;
	v7 =	vor.u32 $0x38, v6  }
0x1ae: {  	v60 =	vor.u32 $0x39, v6;
	[tilespmem:v56+s4+$0x0] =	vst.idx.msk vm0, v3  }
0x1af: {  	v61 =	vor.u32 $0x3A, v6;
	[tilespmem:v57+s4+$0x0] =	vst.idx.msk vm0, v3  }
0x1b0: {  	v62 =	vor.u32 $0x3B, v6;
	[tilespmem:v58+s4+$0x0] =	vst.idx.msk vm0, v3  }
0x1b1: {  	v63 =	vor.u32 $0x3C, v6;
	[tilespmem:v59+s4+$0x0] =	vst.idx.msk vm0, v3  }
0x1b2: {  	[tilespmem:v7+s4+$0x0] =	vst.idx.msk vm0, v3;
	v7 =	vor.u32 $0x3D, v6  }
0x1b3: {  	v12 =	vor.u32 $0x3E, v6;
	[tilespmem:v60+s4+$0x0] =	vst.idx.msk vm0, v3  }
0x1b4: {  	v13 =	vor.u32 $0x3F, v6;
	[tilespmem:v61+s4+$0x0] =	vst.idx.msk vm0, v3  }
0x1b5: {  	v14 =	vor.u32 $0x40, v6;
	[tilespmem:v62+s4+$0x0] =	vst.idx.msk vm0, v3  }
0x1b6: {  	v15 =	vor.u32 $0x41, v6;
	[tilespmem:v63+s4+$0x0] =	vst.idx.msk vm0, v3  }
0x1b7: {  	[tilespmem:v7+s4+$0x0] =	vst.idx.msk vm0, v3;
	v7 =	vor.u32 $0x42, v6  }
0x1b8: {  	v16 =	vor.u32 $0x43, v6;
	[tilespmem:v12+s4+$0x0] =	vst.idx.msk vm0, v3  }
0x1b9: {  	v17 =	vor.u32 $0x44, v6;
	[tilespmem:v13+s4+$0x0] =	vst.idx.msk vm0, v3  }
0x1ba: {  	v18 =	vor.u32 $0x45, v6;
	[tilespmem:v14+s4+$0x0] =	vst.idx.msk vm0, v3  }
0x1bb: {  	v19 =	vor.u32 $0x46, v6;
	[tilespmem:v15+s4+$0x0] =	vst.idx.msk vm0, v3  }
0x1bc: {  	[tilespmem:v7+s4+$0x0] =	vst.idx.msk vm0, v3;
	v7 =	vor.u32 $0x47, v6  }
0x1bd: {  	v20 =	vor.u32 $0x48, v6;
	[tilespmem:v16+s4+$0x0] =	vst.idx.msk vm0, v3  }
0x1be: {  	v21 =	vor.u32 $0x49, v6;
	[tilespmem:v17+s4+$0x0] =	vst.idx.msk vm0, v3  }
0x1bf: {  	v22 =	vor.u32 $0x4A, v6;
	[tilespmem:v18+s4+$0x0] =	vst.idx.msk vm0, v3  }
0x1c0: {  	v23 =	vor.u32 $0x4B, v6;
	[tilespmem:v19+s4+$0x0] =	vst.idx.msk vm0, v3  }
0x1c1: {  	[tilespmem:v7+s4+$0x0] =	vst.idx.msk vm0, v3;
	v7 =	vor.u32 $0x4C, v6  }
0x1c2: {  	v24 =	vor.u32 $0x4D, v6;
	[tilespmem:v20+s4+$0x0] =	vst.idx.msk vm0, v3  }
0x1c3: {  	v25 =	vor.u32 $0x4E, v6;
	[tilespmem:v21+s4+$0x0] =	vst.idx.msk vm0, v3  }
0x1c4: {  	v26 =	vor.u32 $0x4F, v6;
	[tilespmem:v22+s4+$0x0] =	vst.idx.msk vm0, v3  }
0x1c5: {  	v27 =	vor.u32 $0x50, v6;
	[tilespmem:v23+s4+$0x0] =	vst.idx.msk vm0, v3  }
0x1c6: {  	[tilespmem:v7+s4+$0x0] =	vst.idx.msk vm0, v3;
	v7 =	vor.u32 $0x51, v6  }
0x1c7: {  	v28 =	vor.u32 $0x52, v6;
	[tilespmem:v24+s4+$0x0] =	vst.idx.msk vm0, v3  }
0x1c8: {  	v29 =	vor.u32 $0x53, v6;
	[tilespmem:v25+s4+$0x0] =	vst.idx.msk vm0, v3  }
0x1c9: {  	v30 =	vor.u32 $0x54, v6;
	[tilespmem:v26+s4+$0x0] =	vst.idx.msk vm0, v3  }
0x1ca: {  	v31 =	vor.u32 $0x55, v6;
	[tilespmem:v27+s4+$0x0] =	vst.idx.msk vm0, v3  }
0x1cb: {  	[tilespmem:v7+s4+$0x0] =	vst.idx.msk vm0, v3;
	v7 =	vor.u32 $0x56, v6  }
0x1cc: {  	v32 =	vor.u32 $0x57, v6;
	[tilespmem:v28+s4+$0x0] =	vst.idx.msk vm0, v3  }
0x1cd: {  	v33 =	vor.u32 $0x58, v6;
	[tilespmem:v29+s4+$0x0] =	vst.idx.msk vm0, v3  }
0x1ce: {  	v34 =	vor.u32 $0x59, v6;
	[tilespmem:v30+s4+$0x0] =	vst.idx.msk vm0, v3  }
0x1cf: {  	v35 =	vor.u32 $0x5A, v6;
	[tilespmem:v31+s4+$0x0] =	vst.idx.msk vm0, v3  }
0x1d0: {  	[tilespmem:v7+s4+$0x0] =	vst.idx.msk vm0, v3;
	v7 =	vor.u32 $0x5B, v6  }
0x1d1: {  	v36 =	vor.u32 $0x5C, v6;
	[tilespmem:v32+s4+$0x0] =	vst.idx.msk vm0, v3  }
0x1d2: {  	v37 =	vor.u32 $0x5D, v6;
	[tilespmem:v33+s4+$0x0] =	vst.idx.msk vm0, v3  }
0x1d3: {  	v38 =	vor.u32 $0x5E, v6;
	[tilespmem:v34+s4+$0x0] =	vst.idx.msk vm0, v3  }
0x1d4: {  	v39 =	vor.u32 $0x5F, v6;
	[tilespmem:v35+s4+$0x0] =	vst.idx.msk vm0, v3  }
0x1d5: {  	[tilespmem:v7+s4+$0x0] =	vst.idx.msk vm0, v3;
	v7 =	vor.u32 $0x60, v6  }
0x1d6: {  	v40 =	vor.u32 $0x61, v6;
	[tilespmem:v36+s4+$0x0] =	vst.idx.msk vm0, v3  }
0x1d7: {  	v41 =	vor.u32 $0x62, v6;
	[tilespmem:v37+s4+$0x0] =	vst.idx.msk vm0, v3  }
0x1d8: {  	v42 =	vor.u32 $0x63, v6;
	[tilespmem:v38+s4+$0x0] =	vst.idx.msk vm0, v3  }
0x1d9: {  	v43 =	vor.u32 $0x64, v6;
	[tilespmem:v39+s4+$0x0] =	vst.idx.msk vm0, v3  }
0x1da: {  	[tilespmem:v7+s4+$0x0] =	vst.idx.msk vm0, v3;
	v7 =	vor.u32 $0x65, v6  }
0x1db: {  	v44 =	vor.u32 $0x66, v6;
	[tilespmem:v40+s4+$0x0] =	vst.idx.msk vm0, v3  }
0x1dc: {  	v45 =	vor.u32 $0x67, v6;
	[tilespmem:v41+s4+$0x0] =	vst.idx.msk vm0, v3  }
0x1dd: {  	v46 =	vor.u32 $0x68, v6;
	[tilespmem:v42+s4+$0x0] =	vst.idx.msk vm0, v3  }
0x1de: {  	v47 =	vor.u32 $0x69, v6;
	[tilespmem:v43+s4+$0x0] =	vst.idx.msk vm0, v3  }
0x1df: {  	[tilespmem:v7+s4+$0x0] =	vst.idx.msk vm0, v3;
	v7 =	vor.u32 $0x6A, v6  }
0x1e0: {  	v48 =	vor.u32 $0x6B, v6;
	[tilespmem:v44+s4+$0x0] =	vst.idx.msk vm0, v3  }
0x1e1: {  	v49 =	vor.u32 $0x6C, v6;
	[tilespmem:v45+s4+$0x0] =	vst.idx.msk vm0, v3  }
0x1e2: {  	v50 =	vor.u32 $0x6D, v6;
	[tilespmem:v46+s4+$0x0] =	vst.idx.msk vm0, v3  }
0x1e3: {  	v51 =	vor.u32 $0x6E, v6;
	[tilespmem:v47+s4+$0x0] =	vst.idx.msk vm0, v3  }
0x1e4: {  	[tilespmem:v7+s4+$0x0] =	vst.idx.msk vm0, v3;
	v7 =	vor.u32 $0x6F, v6  }
0x1e5: {  	v52 =	vor.u32 $0x70, v6;
	[tilespmem:v48+s4+$0x0] =	vst.idx.msk vm0, v3  }
0x1e6: {  	v53 =	vor.u32 $0x71, v6;
	[tilespmem:v49+s4+$0x0] =	vst.idx.msk vm0, v3  }
0x1e7: {  	v54 =	vor.u32 $0x72, v6;
	[tilespmem:v50+s4+$0x0] =	vst.idx.msk vm0, v3  }
0x1e8: {  	v55 =	vor.u32 $0x73, v6;
	[tilespmem:v51+s4+$0x0] =	vst.idx.msk vm0, v3  }
0x1e9: {  	[tilespmem:v7+s4+$0x0] =	vst.idx.msk vm0, v3;
	v7 =	vor.u32 $0x74, v6  }
0x1ea: {  	v56 =	vor.u32 $0x75, v6;
	[tilespmem:v52+s4+$0x0] =	vst.idx.msk vm0, v3  }
0x1eb: {  	v57 =	vor.u32 $0x76, v6;
	[tilespmem:v53+s4+$0x0] =	vst.idx.msk vm0, v3  }
0x1ec: {  	v58 =	vor.u32 $0x77, v6;
	[tilespmem:v54+s4+$0x0] =	vst.idx.msk vm0, v3  }
0x1ed: {  	v59 =	vor.u32 $0x78, v6;
	[tilespmem:v55+s4+$0x0] =	vst.idx.msk vm0, v3  }
0x1ee: {  	[tilespmem:v7+s4+$0x0] =	vst.idx.msk vm0, v3;
	v7 =	vor.u32 $0x79, v6  }
0x1ef: {  	v60 =	vor.u32 $0x7A, v6;
	[tilespmem:v56+s4+$0x0] =	vst.idx.msk vm0, v3  }
0x1f0: {  	v61 =	vor.u32 $0x7B, v6;
	[tilespmem:v57+s4+$0x0] =	vst.idx.msk vm0, v3  }
0x1f1: {  	v62 =	vor.u32 $0x7C, v6;
	[tilespmem:v58+s4+$0x0] =	vst.idx.msk vm0, v3  }
0x1f2: {  	v63 =	vor.u32 $0x7D, v6;
	[tilespmem:v59+s4+$0x0] =	vst.idx.msk vm0, v3  }
0x1f3: {  	[tilespmem:v7+s4+$0x0] =	vst.idx.msk vm0, v3;
	v7 =	vor.u32 $0x7E, v6  }
0x1f4: {  	p1 =	sne.s32 s20, $0x40;
	v6 =	vor.u32 $0x7F, v6;
	[tilespmem:v60+s4+$0x0] =	vst.idx.msk vm0, v3  }
.Ltmp20:
0x1f5: {  	[tilespmem:v61+s4+$0x0] =	vst.idx.msk vm0, v3;
	(pc) =	sbr.rel @p1 .LBB2_29-.Ltmp20, $4  }
0x1f6: {  	[tilespmem:v62+s4+$0x0] =	vst.idx.msk vm0, v3  }
0x1f7: {  	[tilespmem:v63+s4+$0x0] =	vst.idx.msk vm0, v3  }
0x1f8: {  	[tilespmem:v7+s4+$0x0] =	vst.idx.msk vm0, v3  }
0x1f9: {  	s25 =	sadd.s32 $0x10, s25;
	s20 =	sadd.s32 $0x10, s20;
	[tilespmem:v6+s4+$0x0] =	vst.idx.msk vm0, v3  }
.LBB2_30:
0x1fa: {  	s20 =	sadd.s32 s7, s16  }
0x1fb: {  	s20 =	sshll.u32 s20, $0x5  }
0x1fc: {  	s25 =	sadd.s32 s9, s20  }
0x1fd: {  	[hbm4b:s25+s22] =	stream.strided.scatter [tilespmem:s4], [sflag:$0x3], $0x2800, s23, s22, $0x38;
	[tilespmem:$0x1F700] =	vst v63  }
0x1fe: {  	s20 =	sadd.s32 s20, s29  }
0x1ff: {  	[hbm4b:s20+s22] =	stream.strided.scatter [tilespmem:s19], [sflag:$0x3], $0x2800, s23, s22, $0x38;
	[tilespmem:$0x1F700] =	vst v63  }
0x200: {  	_ =	swait.ge [sflag:s30], $0x2800  }
0x201: {  	[sflag:s30] =	ssyncset.done $0x0  }
0x202: {  	[sflag:s30] =	ssyncadd.s32 $0xFFFFD800  }
0x203: {  	_ =	swait.ge [sflag:s30], $0x2800  }
0x204: {  	[sflag:s30] =	ssyncset.done $0x0  }
0x205: {  	[sflag:s30] =	ssyncadd.s32 $0xFFFFD800  }
0x206: {  	_ =	swait.ge [sflag:s30], $0x2800  }
0x207: {  	[sflag:s30] =	ssyncset.done $0x0  }
0x208: {  	[sflag:s30] =	ssyncadd.s32 $0xFFFFD800  }
0x209: {  	_ =	swait.ge [sflag:s30], $0x2800  }
0x20a: {  	[sflag:s30] =	ssyncset.done $0x0  }
0x20b: {  	s20 =	simm.s32 $0x0;
	[sflag:s30] =	ssyncadd.s32 $0xFFFFD800  }
0x20c: {  	v6 =	vld [tilespmem:s20+$0x17D90]  }
0x20d: {  	v7 =	vld [tilespmem:s20+$0x15580]  }
0x20e: {  	v8 =	vld [tilespmem:s20+$0x15590]  }
0x20f: {  	v9 =	vld [tilespmem:s20+$0x155A0]  }
0x210: {  	s25 =	simm.s32 $0x200;
	v10 =	vld [tilespmem:s20+$0x155B0]  }
.LBB2_31:
0x211: {  	s2 =	sshra.s32 s25, $0x2;
	p1 =	sne.s32 s25, $0x9E00;
	s25 =	sadd.s32 $0x200, s25;
	v11 =	vld [tilespmem:s20+$0x17D80];
	[tilespmem:s20+$0x12DF0] =	vst v6  }
.Ltmp21:
0x212: {  	v6 =	vld [tilespmem:s2+$0x17D90];
	[tilespmem:s20+$0x12DA0] =	vst v7;
	(pc) =	sbr.rel @p1 .LBB2_31-.Ltmp21, $4  }
0x213: {  	v7 =	vld [tilespmem:s2+$0x15580];
	[tilespmem:s20+$0x12DB0] =	vst v8  }
0x214: {  	v8 =	vld [tilespmem:s2+$0x15590];
	[tilespmem:s20+$0x12DC0] =	vst v9  }
0x215: {  	v9 =	vld [tilespmem:s2+$0x155A0];
	[tilespmem:s20+$0x12DD0] =	vst v10  }
0x216: {  	v10 =	vld [tilespmem:s2+$0x155B0];
	[tilespmem:s20+$0x12DE0] =	vst v11;
	s20 =	smov.u32 s2  }
0x217: {  	v11 =	vld [tilespmem:s20+$0x17D80];
	[tilespmem:s20+$0x12DF0] =	vst v6  }
0x218: {  	[tilespmem:s20+$0x12DA0] =	vst v7  }
0x219: {  	[tilespmem:s20+$0x12DB0] =	vst v8  }
0x21a: {  	[tilespmem:s20+$0x12DC0] =	vst v9  }
0x21b: {  	[tilespmem:s20+$0x12DD0] =	vst v10  }
0x21c: {  	[tilespmem:s20+$0x12DE0] =	vst v11  }
0x21d: {  	v6 =	vld [tilespmem:s16+$0x50]  }
0x21e: {  	v7 =	vld [tilespmem:s16+$0x60]  }
0x21f: {  	s2 =	sand.u32 $0x3FE0, s16;
	v8 =	vld [tilespmem:s16+$0x70]  }
0x220: {  	v9 =	vld [tilespmem:s2+$0x80]  }
0x221: {  	v10 =	vld [tilespmem:s16+$0x90];
	_ =	sdelay $0x1  }
0x222: {  	vm0 =	veq.s32 v6, $0x0;
	vm1 =	veq.s32 v7, $0x0  }
0x223: {  	vm13 =	veq.s32 v8, $0x0;
	vm0 =	vmor vm0, vm1  }
0x224: {  	vm14 =	veq.s32 v9, $0x0;
	vm0 =	vmor vm0, vm13  }
0x225: {  	vm15 =	veq.s32 v10, $0x0;
	vm0 =	vmor vm0, vm14  }
0x226: {  	vm0 =	vmor vm0, vm15  }
0x227: {  	v6 =	vsel vm0, $0x1, v4  }
0x228: {  	v6 =	vor.u32 $0x80000000, v6  }
0x229: {  	(xrf0) =	vmax.scan.msk.u32 $0xffff, v6;
	_ =	sdelay $0x5  }
0x22a: {  	v6, _, _ =	vpop (xrf0)  }
0x22b: {  	(v2sf) =	vpush v6, $0xF;
	_ =	sdelay $0xe  }
0x22c: {  	s25 =	spop (v2sf)  }
0x22d: {  	p1 =	slt.u32 s25, $0x80000001  }
.Ltmp22:
0x22e: {  	_ = 	snop;
	(pc) =	sbr.rel @p1 .LBB2_34-.Ltmp22, $2  }
0x22f: {  	_ =	sdelay $0x2  }
0x230: {  	s20 =	simm.s32 $0x0;
	s25 =	smov.u32 s13  }
.LBB2_33:
0x231: {  	v6 =	vld [tilespmem:s25+$0x0];
	_ =	sdelay $0x3  }
0x232: {  	v7 =	vmov s20  }
0x233: {  	vm0 =	veq.s32 v6, $0x0;
	v6 =	vshll.u32 v7, $0x7  }
0x234: {  	v6 =	vor.u32 v5, v6  }
0x235: {  	v7 =	vor.u32 $0x1, v6  }
0x236: {  	v8 =	vor.u32 $0x2, v6  }
0x237: {  	v9 =	vor.u32 $0x3, v6  }
0x238: {  	v10 =	vor.u32 $0x4, v6  }
0x239: {  	v11 =	vor.u32 $0x5, v6;
	[tilespmem:v6+s28+$0x0] =	vst.idx.msk vm0, v3  }
0x23a: {  	[tilespmem:v7+s28+$0x0] =	vst.idx.msk vm0, v3;
	v7 =	vor.u32 $0x6, v6  }
0x23b: {  	v20 =	vor.u32 $0x7, v6;
	[tilespmem:v8+s28+$0x0] =	vst.idx.msk vm0, v3  }
0x23c: {  	v21 =	vor.u32 $0x8, v6;
	[tilespmem:v9+s28+$0x0] =	vst.idx.msk vm0, v3  }
0x23d: {  	v22 =	vor.u32 $0x9, v6;
	[tilespmem:v10+s28+$0x0] =	vst.idx.msk vm0, v3  }
0x23e: {  	v23 =	vor.u32 $0xA, v6;
	[tilespmem:v11+s28+$0x0] =	vst.idx.msk vm0, v3  }
0x23f: {  	[tilespmem:v7+s28+$0x0] =	vst.idx.msk vm0, v3;
	v7 =	vor.u32 $0xB, v6  }
0x240: {  	v24 =	vor.u32 $0xC, v6;
	[tilespmem:v20+s28+$0x0] =	vst.idx.msk vm0, v3  }
0x241: {  	v25 =	vor.u32 $0xD, v6;
	[tilespmem:v21+s28+$0x0] =	vst.idx.msk vm0, v3  }
0x242: {  	v26 =	vor.u32 $0xE, v6;
	[tilespmem:v22+s28+$0x0] =	vst.idx.msk vm0, v3  }
0x243: {  	v27 =	vor.u32 $0xF, v6;
	[tilespmem:v23+s28+$0x0] =	vst.idx.msk vm0, v3  }
0x244: {  	[tilespmem:v7+s28+$0x0] =	vst.idx.msk vm0, v3;
	v7 =	vor.u32 $0x10, v6  }
0x245: {  	v28 =	vor.u32 $0x11, v6;
	[tilespmem:v24+s28+$0x0] =	vst.idx.msk vm0, v3  }
0x246: {  	v29 =	vor.u32 $0x12, v6;
	[tilespmem:v25+s28+$0x0] =	vst.idx.msk vm0, v3  }
0x247: {  	v30 =	vor.u32 $0x13, v6;
	[tilespmem:v26+s28+$0x0] =	vst.idx.msk vm0, v3  }
0x248: {  	v31 =	vor.u32 $0x14, v6;
	[tilespmem:v27+s28+$0x0] =	vst.idx.msk vm0, v3  }
0x249: {  	[tilespmem:v7+s28+$0x0] =	vst.idx.msk vm0, v3;
	v7 =	vor.u32 $0x15, v6  }
0x24a: {  	v32 =	vor.u32 $0x16, v6;
	[tilespmem:v28+s28+$0x0] =	vst.idx.msk vm0, v3  }
0x24b: {  	v33 =	vor.u32 $0x17, v6;
	[tilespmem:v29+s28+$0x0] =	vst.idx.msk vm0, v3  }
0x24c: {  	v34 =	vor.u32 $0x18, v6;
	[tilespmem:v30+s28+$0x0] =	vst.idx.msk vm0, v3  }
0x24d: {  	v35 =	vor.u32 $0x19, v6;
	[tilespmem:v31+s28+$0x0] =	vst.idx.msk vm0, v3  }
0x24e: {  	[tilespmem:v7+s28+$0x0] =	vst.idx.msk vm0, v3;
	v7 =	vor.u32 $0x1A, v6  }
0x24f: {  	v36 =	vor.u32 $0x1B, v6;
	[tilespmem:v32+s28+$0x0] =	vst.idx.msk vm0, v3  }
0x250: {  	v37 =	vor.u32 $0x1C, v6;
	[tilespmem:v33+s28+$0x0] =	vst.idx.msk vm0, v3  }
0x251: {  	v38 =	vor.u32 $0x1D, v6;
	[tilespmem:v34+s28+$0x0] =	vst.idx.msk vm0, v3  }
0x252: {  	v39 =	vor.u32 $0x1E, v6;
	[tilespmem:v35+s28+$0x0] =	vst.idx.msk vm0, v3  }
0x253: {  	[tilespmem:v7+s28+$0x0] =	vst.idx.msk vm0, v3;
	v7 =	vor.u32 $0x1F, v6  }
0x254: {  	v40 =	vor.u32 $0x20, v6;
	[tilespmem:v36+s28+$0x0] =	vst.idx.msk vm0, v3  }
0x255: {  	v41 =	vor.u32 $0x21, v6;
	[tilespmem:v37+s28+$0x0] =	vst.idx.msk vm0, v3  }
0x256: {  	v42 =	vor.u32 $0x22, v6;
	[tilespmem:v38+s28+$0x0] =	vst.idx.msk vm0, v3  }
0x257: {  	v43 =	vor.u32 $0x23, v6;
	[tilespmem:v39+s28+$0x0] =	vst.idx.msk vm0, v3  }
0x258: {  	[tilespmem:v7+s28+$0x0] =	vst.idx.msk vm0, v3;
	v7 =	vor.u32 $0x24, v6  }
0x259: {  	v44 =	vor.u32 $0x25, v6;
	[tilespmem:v40+s28+$0x0] =	vst.idx.msk vm0, v3  }
0x25a: {  	v45 =	vor.u32 $0x26, v6;
	[tilespmem:v41+s28+$0x0] =	vst.idx.msk vm0, v3  }
0x25b: {  	v46 =	vor.u32 $0x27, v6;
	[tilespmem:v42+s28+$0x0] =	vst.idx.msk vm0, v3  }
0x25c: {  	v47 =	vor.u32 $0x28, v6;
	[tilespmem:v43+s28+$0x0] =	vst.idx.msk vm0, v3  }
0x25d: {  	[tilespmem:v7+s28+$0x0] =	vst.idx.msk vm0, v3;
	v7 =	vor.u32 $0x29, v6  }
0x25e: {  	v48 =	vor.u32 $0x2A, v6;
	[tilespmem:v44+s28+$0x0] =	vst.idx.msk vm0, v3  }
0x25f: {  	v49 =	vor.u32 $0x2B, v6;
	[tilespmem:v45+s28+$0x0] =	vst.idx.msk vm0, v3  }
0x260: {  	v50 =	vor.u32 $0x2C, v6;
	[tilespmem:v46+s28+$0x0] =	vst.idx.msk vm0, v3  }
0x261: {  	v51 =	vor.u32 $0x2D, v6;
	[tilespmem:v47+s28+$0x0] =	vst.idx.msk vm0, v3  }
0x262: {  	[tilespmem:v7+s28+$0x0] =	vst.idx.msk vm0, v3;
	v7 =	vor.u32 $0x2E, v6  }
0x263: {  	v52 =	vor.u32 $0x2F, v6;
	[tilespmem:v48+s28+$0x0] =	vst.idx.msk vm0, v3  }
0x264: {  	v53 =	vor.u32 $0x30, v6;
	[tilespmem:v49+s28+$0x0] =	vst.idx.msk vm0, v3  }
0x265: {  	v54 =	vor.u32 $0x31, v6;
	[tilespmem:v50+s28+$0x0] =	vst.idx.msk vm0, v3  }
0x266: {  	v55 =	vor.u32 $0x32, v6;
	[tilespmem:v51+s28+$0x0] =	vst.idx.msk vm0, v3  }
0x267: {  	[tilespmem:v7+s28+$0x0] =	vst.idx.msk vm0, v3;
	v7 =	vor.u32 $0x33, v6  }
0x268: {  	v56 =	vor.u32 $0x34, v6;
	[tilespmem:v52+s28+$0x0] =	vst.idx.msk vm0, v3  }
0x269: {  	v57 =	vor.u32 $0x35, v6;
	[tilespmem:v53+s28+$0x0] =	vst.idx.msk vm0, v3  }
0x26a: {  	v58 =	vor.u32 $0x36, v6;
	[tilespmem:v54+s28+$0x0] =	vst.idx.msk vm0, v3  }
0x26b: {  	v59 =	vor.u32 $0x37, v6;
	[tilespmem:v55+s28+$0x0] =	vst.idx.msk vm0, v3  }
0x26c: {  	[tilespmem:v7+s28+$0x0] =	vst.idx.msk vm0, v3;
	v7 =	vor.u32 $0x38, v6  }
0x26d: {  	v60 =	vor.u32 $0x39, v6;
	[tilespmem:v56+s28+$0x0] =	vst.idx.msk vm0, v3  }
0x26e: {  	v61 =	vor.u32 $0x3A, v6;
	[tilespmem:v57+s28+$0x0] =	vst.idx.msk vm0, v3  }
0x26f: {  	v62 =	vor.u32 $0x3B, v6;
	[tilespmem:v58+s28+$0x0] =	vst.idx.msk vm0, v3  }
0x270: {  	v63 =	vor.u32 $0x3C, v6;
	[tilespmem:v59+s28+$0x0] =	vst.idx.msk vm0, v3  }
0x271: {  	[tilespmem:v7+s28+$0x0] =	vst.idx.msk vm0, v3;
	v7 =	vor.u32 $0x3D, v6  }
0x272: {  	v12 =	vor.u32 $0x3E, v6;
	[tilespmem:v60+s28+$0x0] =	vst.idx.msk vm0, v3  }
0x273: {  	v13 =	vor.u32 $0x3F, v6;
	[tilespmem:v61+s28+$0x0] =	vst.idx.msk vm0, v3  }
0x274: {  	v14 =	vor.u32 $0x40, v6;
	[tilespmem:v62+s28+$0x0] =	vst.idx.msk vm0, v3  }
0x275: {  	v15 =	vor.u32 $0x41, v6;
	[tilespmem:v63+s28+$0x0] =	vst.idx.msk vm0, v3  }
0x276: {  	[tilespmem:v7+s28+$0x0] =	vst.idx.msk vm0, v3;
	v7 =	vor.u32 $0x42, v6  }
0x277: {  	v16 =	vor.u32 $0x43, v6;
	[tilespmem:v12+s28+$0x0] =	vst.idx.msk vm0, v3  }
0x278: {  	v17 =	vor.u32 $0x44, v6;
	[tilespmem:v13+s28+$0x0] =	vst.idx.msk vm0, v3  }
0x279: {  	v18 =	vor.u32 $0x45, v6;
	[tilespmem:v14+s28+$0x0] =	vst.idx.msk vm0, v3  }
0x27a: {  	v19 =	vor.u32 $0x46, v6;
	[tilespmem:v15+s28+$0x0] =	vst.idx.msk vm0, v3  }
0x27b: {  	[tilespmem:v7+s28+$0x0] =	vst.idx.msk vm0, v3;
	v7 =	vor.u32 $0x47, v6  }
0x27c: {  	v20 =	vor.u32 $0x48, v6;
	[tilespmem:v16+s28+$0x0] =	vst.idx.msk vm0, v3  }
0x27d: {  	v21 =	vor.u32 $0x49, v6;
	[tilespmem:v17+s28+$0x0] =	vst.idx.msk vm0, v3  }
0x27e: {  	v22 =	vor.u32 $0x4A, v6;
	[tilespmem:v18+s28+$0x0] =	vst.idx.msk vm0, v3  }
0x27f: {  	v23 =	vor.u32 $0x4B, v6;
	[tilespmem:v19+s28+$0x0] =	vst.idx.msk vm0, v3  }
0x280: {  	[tilespmem:v7+s28+$0x0] =	vst.idx.msk vm0, v3;
	v7 =	vor.u32 $0x4C, v6  }
0x281: {  	v24 =	vor.u32 $0x4D, v6;
	[tilespmem:v20+s28+$0x0] =	vst.idx.msk vm0, v3  }
0x282: {  	v25 =	vor.u32 $0x4E, v6;
	[tilespmem:v21+s28+$0x0] =	vst.idx.msk vm0, v3  }
0x283: {  	v26 =	vor.u32 $0x4F, v6;
	[tilespmem:v22+s28+$0x0] =	vst.idx.msk vm0, v3  }
0x284: {  	v27 =	vor.u32 $0x50, v6;
	[tilespmem:v23+s28+$0x0] =	vst.idx.msk vm0, v3  }
0x285: {  	[tilespmem:v7+s28+$0x0] =	vst.idx.msk vm0, v3;
	v7 =	vor.u32 $0x51, v6  }
0x286: {  	v28 =	vor.u32 $0x52, v6;
	[tilespmem:v24+s28+$0x0] =	vst.idx.msk vm0, v3  }
0x287: {  	v29 =	vor.u32 $0x53, v6;
	[tilespmem:v25+s28+$0x0] =	vst.idx.msk vm0, v3  }
0x288: {  	v30 =	vor.u32 $0x54, v6;
	[tilespmem:v26+s28+$0x0] =	vst.idx.msk vm0, v3  }
0x289: {  	v31 =	vor.u32 $0x55, v6;
	[tilespmem:v27+s28+$0x0] =	vst.idx.msk vm0, v3  }
0x28a: {  	[tilespmem:v7+s28+$0x0] =	vst.idx.msk vm0, v3;
	v7 =	vor.u32 $0x56, v6  }
0x28b: {  	v32 =	vor.u32 $0x57, v6;
	[tilespmem:v28+s28+$0x0] =	vst.idx.msk vm0, v3  }
0x28c: {  	v33 =	vor.u32 $0x58, v6;
	[tilespmem:v29+s28+$0x0] =	vst.idx.msk vm0, v3  }
0x28d: {  	v34 =	vor.u32 $0x59, v6;
	[tilespmem:v30+s28+$0x0] =	vst.idx.msk vm0, v3  }
0x28e: {  	v35 =	vor.u32 $0x5A, v6;
	[tilespmem:v31+s28+$0x0] =	vst.idx.msk vm0, v3  }
0x28f: {  	[tilespmem:v7+s28+$0x0] =	vst.idx.msk vm0, v3;
	v7 =	vor.u32 $0x5B, v6  }
0x290: {  	v36 =	vor.u32 $0x5C, v6;
	[tilespmem:v32+s28+$0x0] =	vst.idx.msk vm0, v3  }
0x291: {  	v37 =	vor.u32 $0x5D, v6;
	[tilespmem:v33+s28+$0x0] =	vst.idx.msk vm0, v3  }
0x292: {  	v38 =	vor.u32 $0x5E, v6;
	[tilespmem:v34+s28+$0x0] =	vst.idx.msk vm0, v3  }
0x293: {  	v39 =	vor.u32 $0x5F, v6;
	[tilespmem:v35+s28+$0x0] =	vst.idx.msk vm0, v3  }
0x294: {  	[tilespmem:v7+s28+$0x0] =	vst.idx.msk vm0, v3;
	v7 =	vor.u32 $0x60, v6  }
0x295: {  	v40 =	vor.u32 $0x61, v6;
	[tilespmem:v36+s28+$0x0] =	vst.idx.msk vm0, v3  }
0x296: {  	v41 =	vor.u32 $0x62, v6;
	[tilespmem:v37+s28+$0x0] =	vst.idx.msk vm0, v3  }
0x297: {  	v42 =	vor.u32 $0x63, v6;
	[tilespmem:v38+s28+$0x0] =	vst.idx.msk vm0, v3  }
0x298: {  	v43 =	vor.u32 $0x64, v6;
	[tilespmem:v39+s28+$0x0] =	vst.idx.msk vm0, v3  }
0x299: {  	[tilespmem:v7+s28+$0x0] =	vst.idx.msk vm0, v3;
	v7 =	vor.u32 $0x65, v6  }
0x29a: {  	v44 =	vor.u32 $0x66, v6;
	[tilespmem:v40+s28+$0x0] =	vst.idx.msk vm0, v3  }
0x29b: {  	v45 =	vor.u32 $0x67, v6;
	[tilespmem:v41+s28+$0x0] =	vst.idx.msk vm0, v3  }
0x29c: {  	v46 =	vor.u32 $0x68, v6;
	[tilespmem:v42+s28+$0x0] =	vst.idx.msk vm0, v3  }
0x29d: {  	v47 =	vor.u32 $0x69, v6;
	[tilespmem:v43+s28+$0x0] =	vst.idx.msk vm0, v3  }
0x29e: {  	[tilespmem:v7+s28+$0x0] =	vst.idx.msk vm0, v3;
	v7 =	vor.u32 $0x6A, v6  }
0x29f: {  	v48 =	vor.u32 $0x6B, v6;
	[tilespmem:v44+s28+$0x0] =	vst.idx.msk vm0, v3  }
0x2a0: {  	v49 =	vor.u32 $0x6C, v6;
	[tilespmem:v45+s28+$0x0] =	vst.idx.msk vm0, v3  }
0x2a1: {  	v50 =	vor.u32 $0x6D, v6;
	[tilespmem:v46+s28+$0x0] =	vst.idx.msk vm0, v3  }
0x2a2: {  	v51 =	vor.u32 $0x6E, v6;
	[tilespmem:v47+s28+$0x0] =	vst.idx.msk vm0, v3  }
0x2a3: {  	[tilespmem:v7+s28+$0x0] =	vst.idx.msk vm0, v3;
	v7 =	vor.u32 $0x6F, v6  }
0x2a4: {  	v52 =	vor.u32 $0x70, v6;
	[tilespmem:v48+s28+$0x0] =	vst.idx.msk vm0, v3  }
0x2a5: {  	v53 =	vor.u32 $0x71, v6;
	[tilespmem:v49+s28+$0x0] =	vst.idx.msk vm0, v3  }
0x2a6: {  	v54 =	vor.u32 $0x72, v6;
	[tilespmem:v50+s28+$0x0] =	vst.idx.msk vm0, v3  }
0x2a7: {  	v55 =	vor.u32 $0x73, v6;
	[tilespmem:v51+s28+$0x0] =	vst.idx.msk vm0, v3  }
0x2a8: {  	[tilespmem:v7+s28+$0x0] =	vst.idx.msk vm0, v3;
	v7 =	vor.u32 $0x74, v6  }
0x2a9: {  	v56 =	vor.u32 $0x75, v6;
	[tilespmem:v52+s28+$0x0] =	vst.idx.msk vm0, v3  }
0x2aa: {  	v57 =	vor.u32 $0x76, v6;
	[tilespmem:v53+s28+$0x0] =	vst.idx.msk vm0, v3  }
0x2ab: {  	v58 =	vor.u32 $0x77, v6;
	[tilespmem:v54+s28+$0x0] =	vst.idx.msk vm0, v3  }
0x2ac: {  	v59 =	vor.u32 $0x78, v6;
	[tilespmem:v55+s28+$0x0] =	vst.idx.msk vm0, v3  }
0x2ad: {  	[tilespmem:v7+s28+$0x0] =	vst.idx.msk vm0, v3;
	v7 =	vor.u32 $0x79, v6  }
0x2ae: {  	v60 =	vor.u32 $0x7A, v6;
	[tilespmem:v56+s28+$0x0] =	vst.idx.msk vm0, v3  }
0x2af: {  	v61 =	vor.u32 $0x7B, v6;
	[tilespmem:v57+s28+$0x0] =	vst.idx.msk vm0, v3  }
0x2b0: {  	v62 =	vor.u32 $0x7C, v6;
	[tilespmem:v58+s28+$0x0] =	vst.idx.msk vm0, v3  }
0x2b1: {  	v63 =	vor.u32 $0x7D, v6;
	[tilespmem:v59+s28+$0x0] =	vst.idx.msk vm0, v3  }
0x2b2: {  	[tilespmem:v7+s28+$0x0] =	vst.idx.msk vm0, v3;
	v7 =	vor.u32 $0x7E, v6  }
0x2b3: {  	p1 =	sne.s32 s20, $0x40;
	v6 =	vor.u32 $0x7F, v6;
	[tilespmem:v60+s28+$0x0] =	vst.idx.msk vm0, v3  }
.Ltmp23:
0x2b4: {  	[tilespmem:v61+s28+$0x0] =	vst.idx.msk vm0, v3;
	(pc) =	sbr.rel @p1 .LBB2_33-.Ltmp23, $4  }
0x2b5: {  	[tilespmem:v62+s28+$0x0] =	vst.idx.msk vm0, v3  }
0x2b6: {  	[tilespmem:v63+s28+$0x0] =	vst.idx.msk vm0, v3  }
0x2b7: {  	[tilespmem:v7+s28+$0x0] =	vst.idx.msk vm0, v3  }
0x2b8: {  	s25 =	sadd.s32 $0x10, s25;
	s20 =	sadd.s32 $0x10, s20;
	[tilespmem:v6+s28+$0x0] =	vst.idx.msk vm0, v3  }
.LBB2_34:
0x2b9: {  	s2 =	sadd.s32 $0x50, s16  }
0x2ba: {  	s2 =	sadd.s32 s7, s2  }
0x2bb: {  	s2 =	sshll.u32 s2, $0x5  }
0x2bc: {  	s20 =	sadd.s32 s9, s2  }
0x2bd: {  	[hbm4b:s20+s22] =	stream.strided.scatter [tilespmem:s28], [sflag:$0x4], $0x2800, s23, s22, $0x38;
	[tilespmem:$0x1F700] =	vst v63  }
0x2be: {  	s2 =	sadd.s32 s2, s29  }
0x2bf: {  	[hbm4b:s2+s22] =	stream.strided.scatter [tilespmem:s26], [sflag:$0x4], $0x2800, s23, s22, $0x38;
	[tilespmem:$0x1F700] =	vst v63  }
0x2c0: {  	p1 =	seq.s32 s15, $0x27;
	_ =	swait.ge [sflag:s11], $0x2800  }
.Ltmp24:
0x2c1: {  	[sflag:s11] =	ssyncset.done $0x0;
	(pc) =	sbr.rel @p1 .LBB2_36-.Ltmp24, $4  }
0x2c2: {  	[sflag:s11] =	ssyncadd.s32 $0xFFFFD800  }
0x2c3: {  	_ =	swait.ge [sflag:s11], $0x2800  }
0x2c4: {  	[sflag:s11] =	ssyncset.done $0x0  }
0x2c5: {  	[sflag:s11] =	ssyncadd.s32 $0xFFFFD800  }
0x2c6: {  	v6 =	vld [tilespmem:s16+$0x19A0];
	_ =	sdelay $0x4  }
0x2c7: {  	v6 =	vadd.s32 v0, v6  }
0x2c8: {  	[tilespmem:$0x10500] =	vst v6  }
0x2c9: {  	v6 =	vld [tilespmem:s16+$0x4BA0];
	_ =	sdelay $0x4  }
0x2ca: {  	v6 =	vadd.s32 v1, v6  }
0x2cb: {  	[tilespmem:$0x10480] =	vst v6  }
0x2cc: {  	v6 =	vld [tilespmem:s16+$0x32A0];
	_ =	sdelay $0x4  }
0x2cd: {  	v6 =	vadd.s32 v2, v6  }
0x2ce: {  	[tilespmem:$0x10400] =	vst v6  }
0x2cf: {  	v6 =	vld [tilespmem:s16+$0x19B0];
	_ =	sdelay $0x4  }
0x2d0: {  	v6 =	vadd.s32 v0, v6  }
0x2d1: {  	[tilespmem:$0x10510] =	vst v6  }
0x2d2: {  	v6 =	vld [tilespmem:s16+$0x4BB0];
	_ =	sdelay $0x4  }
0x2d3: {  	v6 =	vadd.s32 v1, v6  }
0x2d4: {  	[tilespmem:$0x10490] =	vst v6  }
0x2d5: {  	v6 =	vld [tilespmem:s16+$0x32B0];
	_ =	sdelay $0x4  }
0x2d6: {  	v6 =	vadd.s32 v2, v6  }
0x2d7: {  	[tilespmem:$0x10410] =	vst v6  }
0x2d8: {  	v6 =	vld [tilespmem:s16+$0x19C0];
	_ =	sdelay $0x4  }
0x2d9: {  	v6 =	vadd.s32 v0, v6  }
0x2da: {  	[tilespmem:$0x10520] =	vst v6  }
0x2db: {  	v6 =	vld [tilespmem:s16+$0x4BC0];
	_ =	sdelay $0x4  }
0x2dc: {  	v6 =	vadd.s32 v1, v6  }
0x2dd: {  	[tilespmem:$0x104A0] =	vst v6  }
0x2de: {  	v6 =	vld [tilespmem:s16+$0x32C0];
	_ =	sdelay $0x4  }
0x2df: {  	v6 =	vadd.s32 v2, v6  }
0x2e0: {  	[tilespmem:$0x10420] =	vst v6  }
0x2e1: {  	v6 =	vld [tilespmem:s16+$0x19D0];
	_ =	sdelay $0x4  }
0x2e2: {  	v6 =	vadd.s32 v0, v6  }
0x2e3: {  	[tilespmem:$0x10530] =	vst v6  }
0x2e4: {  	v6 =	vld [tilespmem:s16+$0x4BD0];
	_ =	sdelay $0x4  }
0x2e5: {  	v6 =	vadd.s32 v1, v6  }
0x2e6: {  	[tilespmem:$0x104B0] =	vst v6  }
0x2e7: {  	v6 =	vld [tilespmem:s16+$0x32D0];
	_ =	sdelay $0x4  }
0x2e8: {  	v6 =	vadd.s32 v2, v6  }
0x2e9: {  	[tilespmem:$0x10430] =	vst v6  }
0x2ea: {  	v6 =	vld [tilespmem:s16+$0x19E0];
	_ =	sdelay $0x4  }
0x2eb: {  	v6 =	vadd.s32 v0, v6  }
0x2ec: {  	[tilespmem:$0x10540] =	vst v6  }
0x2ed: {  	v6 =	vld [tilespmem:s16+$0x4BE0];
	_ =	sdelay $0x4  }
0x2ee: {  	v6 =	vadd.s32 v1, v6  }
0x2ef: {  	[tilespmem:$0x104C0] =	vst v6  }
0x2f0: {  	v6 =	vld [tilespmem:s16+$0x32E0];
	_ =	sdelay $0x4  }
0x2f1: {  	v6 =	vadd.s32 v2, v6  }
0x2f2: {  	s2 =	sadd.s32 $0xA0, s16;
	s20 =	rddreg [dreg:$0x1];
	[tilespmem:$0x10440] =	vst v6  }
0x2f3: {  	[tilespmem:s4], [sflag:$0x1] =	stream.indirect.gather [hbm4b:s20+s24], $0x80, s2, s24, $0xb8;
	[tilespmem:$0x1F700] =	vst v63  }
0x2f4: {  	s25 =	simm.s32 $0x10500  }
0x2f5: {  	[tilespmem:s19], [sflag:$0x1] =	stream.indirect.gather [hbm4b:s3+s24], $0x80, s25, s24, $0xb8;
	[tilespmem:$0x1F700] =	vst v63  }
0x2f6: {  	s2 =	simm.s32 $0x10400;
	s25 =	simm.s32 $0xB400  }
0x2f7: {  	[tilespmem:s25], [sflag:$0x1] =	stream.indirect.gather [hbm4b:s6+s24], $0x80, s2, s24, $0xb8;
	[tilespmem:$0x1F700] =	vst v63  }
0x2f8: {  	s2 =	simm.s32 $0x10480;
	s25 =	simm.s32 $0xDC00  }
0x2f9: {  	[tilespmem:s25], [sflag:$0x1] =	stream.indirect.gather [hbm4b:s5+s24], $0x80, s2, s24, $0xb8;
	[tilespmem:$0x1F700] =	vst v63  }
0x2fa: {  	_ =	swait.ge [sflag:s12], $0x2800  }
0x2fb: {  	[sflag:s12] =	ssyncset.done $0x0  }
0x2fc: {  	[sflag:s12] =	ssyncadd.s32 $0xFFFFD800  }
0x2fd: {  	_ =	swait.ge [sflag:s12], $0x2800  }
0x2fe: {  	[sflag:s12] =	ssyncset.done $0x0  }
0x2ff: {  	[sflag:s12] =	ssyncadd.s32 $0xFFFFD800  }
0x300: {  	v6 =	vld [tilespmem:s16+$0x19F0];
	_ =	sdelay $0x4  }
0x301: {  	v6 =	vadd.s32 v0, v6  }
0x302: {  	[tilespmem:$0x1A680] =	vst v6  }
0x303: {  	v6 =	vld [tilespmem:s16+$0x4BF0];
	_ =	sdelay $0x4  }
0x304: {  	v6 =	vadd.s32 v1, v6  }
0x305: {  	[tilespmem:$0x1A600] =	vst v6  }
0x306: {  	v6 =	vld [tilespmem:s16+$0x32F0];
	_ =	sdelay $0x4  }
0x307: {  	v6 =	vadd.s32 v2, v6  }
0x308: {  	[tilespmem:$0x1A580] =	vst v6  }
0x309: {  	v6 =	vld [tilespmem:s16+$0x1A00];
	_ =	sdelay $0x4  }
0x30a: {  	v6 =	vadd.s32 v0, v6  }
0x30b: {  	[tilespmem:$0x1A690] =	vst v6  }
0x30c: {  	v6 =	vld [tilespmem:s16+$0x4C00];
	_ =	sdelay $0x4  }
0x30d: {  	v6 =	vadd.s32 v1, v6  }
0x30e: {  	[tilespmem:$0x1A610] =	vst v6  }
0x30f: {  	v6 =	vld [tilespmem:s16+$0x3300];
	_ =	sdelay $0x4  }
0x310: {  	v6 =	vadd.s32 v2, v6  }
0x311: {  	[tilespmem:$0x1A590] =	vst v6  }
0x312: {  	v6 =	vld [tilespmem:s16+$0x1A10];
	_ =	sdelay $0x4  }
0x313: {  	v6 =	vadd.s32 v0, v6  }
0x314: {  	[tilespmem:$0x1A6A0] =	vst v6  }
0x315: {  	v6 =	vld [tilespmem:s16+$0x4C10];
	_ =	sdelay $0x4  }
0x316: {  	v6 =	vadd.s32 v1, v6  }
0x317: {  	[tilespmem:$0x1A620] =	vst v6  }
0x318: {  	v6 =	vld [tilespmem:s16+$0x3310];
	_ =	sdelay $0x4  }
0x319: {  	v6 =	vadd.s32 v2, v6  }
0x31a: {  	[tilespmem:$0x1A5A0] =	vst v6  }
0x31b: {  	v6 =	vld [tilespmem:s16+$0x1A20];
	_ =	sdelay $0x4  }
0x31c: {  	v6 =	vadd.s32 v0, v6  }
0x31d: {  	[tilespmem:$0x1A6B0] =	vst v6  }
0x31e: {  	v6 =	vld [tilespmem:s16+$0x4C20];
	_ =	sdelay $0x4  }
0x31f: {  	v6 =	vadd.s32 v1, v6  }
0x320: {  	[tilespmem:$0x1A630] =	vst v6  }
0x321: {  	v6 =	vld [tilespmem:s16+$0x3320];
	_ =	sdelay $0x4  }
0x322: {  	v6 =	vadd.s32 v2, v6  }
0x323: {  	[tilespmem:$0x1A5B0] =	vst v6  }
0x324: {  	v6 =	vld [tilespmem:s16+$0x1A30];
	_ =	sdelay $0x4  }
0x325: {  	v6 =	vadd.s32 v0, v6  }
0x326: {  	[tilespmem:$0x1A6C0] =	vst v6  }
0x327: {  	v6 =	vld [tilespmem:s16+$0x4C30];
	_ =	sdelay $0x4  }
0x328: {  	v6 =	vadd.s32 v1, v6  }
0x329: {  	[tilespmem:$0x1A640] =	vst v6  }
0x32a: {  	v6 =	vld [tilespmem:s16+$0x3330];
	_ =	sdelay $0x4  }
0x32b: {  	v6 =	vadd.s32 v2, v6  }
0x32c: {  	s25 =	sadd.s32 $0xF0, s16;
	[tilespmem:$0x1A5C0] =	vst v6  }
0x32d: {  	[tilespmem:s28], [sflag:$0x2] =	stream.indirect.gather [hbm4b:s20+s24], $0x80, s25, s24, $0xb8;
	[tilespmem:$0x1F700] =	vst v63  }
0x32e: {  	s16 =	simm.s32 $0x1A680  }
0x32f: {  	[tilespmem:s26], [sflag:$0x2] =	stream.indirect.gather [hbm4b:s3+s24], $0x80, s16, s24, $0xb8;
	[tilespmem:$0x1F700] =	vst v63  }
.Ltmp25:
0x330: {  	s15 =	sadd.s32 $0x1, s15;
	(pc) =	sbr.rel .LBB2_26-.Ltmp25, $4  }
0x331: {  	s1 =	sadd.s32 $0xA0, s1;
	s20 =	simm.s32 $0x1A580;
	s25 =	simm.s32 $0x15580  }
0x332: {  	[tilespmem:s25], [sflag:$0x2] =	stream.indirect.gather [hbm4b:s6+s24], $0x80, s20, s24, $0xb8;
	[tilespmem:$0x1F700] =	vst v63  }
0x333: {  	s13 =	sadd.s32 $0xA0, s13;
	s20 =	simm.s32 $0x1A600;
	s25 =	simm.s32 $0x17D80  }
0x334: {  	[tilespmem:s25], [sflag:$0x2] =	stream.indirect.gather [hbm4b:s5+s24], $0x80, s20, s24, $0xb8;
	[tilespmem:$0x1F700] =	vst v63  }
.LBB2_37:
0x335: {  	_ =	sfence.sel $0x180000  }
0x336: {  	[bflag:$0x0] =	sbarrier.arrive $0xFFFF  }
0x337: {  	_ =	strace $0x90000047  }
0x338: {  	[bflag:$0x2] =	sbarrier.arrive $0xFFFF  }
0x339: {  	p0 =	sne.s32 s0, $0x0;
	s0 =	rddreg [dreg:$0x6]  }
0x33a: {  	s0 =	sadd.s32 @!p0 $0x100000, s0  }
0x33b: {  	[sflag:s0] =	ssyncadd.tile.s32 @!p0 $0x1;
	_ =	shalt  }
.Lfunc_end2:
_tile_overlayer_lowered:
.L_overlay_start_2:
0x33c: {  	(tag) =	ssettag $0x2  }
0x33d: {  	s0 =	rddreg [dreg:$0x0];
	s2 =	stileid.u32  }
0x33e: {  	s1 =	rddreg [dreg:$0x1];
	p0 =	sne.s32 s2, $0x0  }
0x33f: {  	s3 =	rddreg [dreg:$0x2];
	[bflag:$0x3] =	sbarrier.arrive $0xFFFF;
	s2 =	simm.s32 @!p0 $0x1C05  }
0x340: {  	[timem:s3], [sflag:s2] =	dma.local @!p0 [hbm:s0], s1  }
0x341: {  	s0 =	simm.s32 @!p0 $0x5  }
0x342: {  	_ =	swait.ge @!p0 [sflag:s0], s1  }
0x343: {  	s1 =	ssub.s32 @!p0 $0x0, s1;
	[sflag:s0] =	ssyncset.done @!p0 $0x0  }
0x344: {  	[sflag:s0] =	ssyncadd.s32 @!p0 s1  }
0x345: {  	[bflag:$0x3] =	sbarrier.arrive $0xFFFF  }
0x346: {  	_ =	shalt  }

// kernel: sparse-core-data-format-call.cloned.1.call-start
scs
called_computation_lowered:
.L_overlay_start_0:
0x0: {  	s2 =	sld [smem:$0x3FD9]  }
0x1: {  	s3 =	sld [smem:$0x3FFE];
	_ =	sdelay $0x1  }
0x2: {  	s1 =	srdreg.scid  }
0x3: {  	s0 =	sand.u32 $0x1, s1  }
0x4: {  	s18 =	sshll.u32 s0, $0xA;
	s2 =	sadd.s32 s3, s2  }
0x5: {  	s2 =	sadd.s32 s2, s18  }
0x6: {  	[smem:$0x3FC0] =	sst s2  }
0x7: {  	_ = 	snop  }
0x8: {  	s2 =	sld [smem:$0x3FD0];
	(tm) =	ssettm $0x1  }
0x9: {  	s19 =	sld [smem:$0x3FFB];
	_ =	sdelay $0x3  }
0xa: {  	_ =	strace s19  }
0xb: {  	s3 =	sld [smem:$0x3FFC];
	_ =	sdelay $0x3  }
0xc: {  	_ =	strace s3  }
0xd: {  	s3 =	sld [smem:$0x3FFD];
	_ =	sdelay $0x3  }
0xe: {  	_ =	strace s3  }
0xf: {  	_ =	strace $0x8FFFFFFF  }
0x10: {  	s20 =	sld [smem:$0x3FDB];
	_ =	sdelay $0x1  }
0x11: {  	s4 =	simm.s32 $_scs_section_size  }
0x12: {  	s5 =	simm.s32 $_size__tile_overlayer_lowered;
	s6 =	simm.s32 $_tile_overlayer_lowered  }
0x13: {  	s23 =	simm.s32 $0x1BFF;
	s22 =	sshll.u32 s6, $0x1;
	s3 =	sadd.s32 s4, s20  }
0x14: {  	s7 =	simm.s32 $0x0;
	s21 =	sshll.u32 s5, $0x1;
	s5 =	sadd.s32 s22, s3  }
0x15: {  	[timem:s7], [sflag:s23] =	dma.local [hbm:s5], s21  }
0x16: {  	_ =	swait.ge [sflag:s23], s21  }
0x17: {  	s4 =	ssub.s32 $0x0, s21;
	[sflag:s23] =	ssyncset.done $0x0  }
0x18: {  	[sflag:s23] =	ssyncadd.s32 s4;
	_ =	sdelay $0x1  }
0x19: {  	s24 =	simm.s32 $0x1B8B  }
0x1a: {  	_ =	swait.ge [sflag:s24], $0x1  }
0x1b: {  	[sflag:s24] =	ssyncset.done $0x0  }
0x1c: {  	s26 =	simm.s32 $0x1B8E;
	s25 =	sld [smem:$0x3FFE];
	[sflag:s24] =	ssyncadd.s32 $0xFFFFFFFF  }
0x1d: {  	s27 =	simm.s32 $execute0_lowered;
	[smem:$0x3FD2] =	sst s26  }
0x1e: {  	s5 =	sshll.u32 s27, $0x1;
	_ =	strace $0x80000049;
	[dreg:$0x1] =	wrdreg $0xFFFFFFFF  }
0x1f: {  	s28 =	simm.s32 $_size_execute0_lowered;
	s3 =	sadd.s32 s3, s5;
	[dreg:$0x0] =	wrdreg $0x0  }
0x20: {  	s5 =	sshll.u32 s28, $0x1;
	[dreg:$0x2] =	wrdreg s3  }
0x21: {  	[dreg:$0x3] =	wrdreg s5  }
0x22: {  	[dreg:$0x4] =	wrdreg $0xC0  }
0x23: {  	_ =	task [dreg:s7], $0x5FFFF  }
0x24: {  	[dreg:$0x1] =	wrdreg $0xFFFFFFFF  }
0x25: {  	[dreg:$0x0] =	wrdreg $0x60  }
0x26: {  	[dreg:$0x2] =	wrdreg s25  }
0x27: {  	[dreg:$0x3] =	wrdreg s2  }
0x28: {  	[dreg:$0x4] =	wrdreg $0x9  }
0x29: {  	_ =	task.clear_ibuf [dreg:s7], $0x5FFFF;
	_ =	strace $0x90000049  }
0x2a: {  	s29 =	simm.s32 $0x9;
	_ =	strace $0x8000004B  }
0x2b: {  	_ =	swait.ge [sflag:s29], $0x1  }
0x2c: {  	[sflag:s29] =	ssyncadd.s32 $0xFFFFFFFF  }
0x2d: {  	_ =	strace $0x9000004B  }
0x2e: {  	_ =	sfence  }
0x2f: {  	s30 =	sld [smem:$0x0];
	_ =	sdelay $0x2  }
0x30: {  	s31 =	sshll.u32 s1, $0xD;
	s1 =	sshrl.u32 s1, $0x2  }
0x31: {  	s3 =	sand.u32 $0x4000, s31;
	s1 =	sadd.s32 s1, s30  }
0x32: {  	s0 =	sor.u32 s3, s0;
	s1 =	sshll.u32 s1, $0x11  }
0x33: {  	s0 =	sor.u32 s1, s0  }
0x34: {  	s0 =	sadd.s32 $0x8F2B, s0  }
0x35: {  	[sflag:s0] =	ssyncadd.remote.s32 $0x1  }
0x36: {  	_ =	sfence.sel $0xFFFF  }
0x37: {  	[dreg:$0x0] =	wrdreg $0xFFFFFFFF;
	(pc) =	sbr.abs _section_cstart, $3  }
0x38: {  	[dreg:$0x1] =	wrdreg $0xFFFFFFFF  }
0x39: {  	_ =	task.clear_ibuf [dreg:s7], $0x2FFFF;
	_ =	strace $0x9FFFFFFF  }
0x3a: {  	(tm) =	ssettm $0x7FFFFFFF  }
0x3b: {  	_ =	shalt  }
tec
execute0_lowered:
.L_overlay_start_1:
0x0: {  	(tag) =	ssettag $0x1  }
0x1: {  	s0 =	srdreg.scid  }
0x2: {  	s1 =	sshll.u32 s0, $0x4  }
0x3: {  	s6 =	rddreg [dreg:$0x0];
	s0 =	stileid.u32;
	s1 =	sand.u32 $0x10, s1  }
0x4: {  	s3 =	rddreg [dreg:$0x1];
	s1 =	sor.u32 s0, s1  }
0x5: {  	s5 =	simm.s32 $0x1;
	s31 =	simm.s32 $0x2;
	s2 =	sshll.u32 s1, $0x7  }
0x6: {  	s14 =	simm.s32 $0x0;
	s8 =	simm.s32 $0x800;
	s4 =	ssub.s32 $0x1000, s2  }
0x7: {  	s9 =	simm.s32 $0x0;
	s15 =	simm.s32 $0x0;
	s30 =	sand.u32 $0xF80, s4  }
0x8: {  	s16 =	simm.s32 $0x0;
	s10 =	simm.s32 $0x0;
	p0 =	sne.s32 s30, $0x0  }
.Ltmp0:
0x9: {  	s7 =	sshrl.u32 s4, $0xC;
	s5 =	simm.s32 @!p0 $0x0;
	(pc) =	sbr.rel .LBB1_1-.Ltmp0, $4  }
0xa: {  	s11 =	simm.s32 $0x0;
	s1 =	rddreg [dreg:$0x2];
	s5 =	sadd.s32 s5, s7  }
0xb: {  	_ =	strace $0x8000004A;
	s4 =	simm.s32 $0x1;
	s5 =	smul.u32 $0x64, s5  }
0xc: {  	s13 =	simm.s32 $0x0;
	s6 =	sadd.s32 $0xA00, s6;
	[sflag:s4] =	ssyncpa.u1 $0x0  }
0xd: {  	s12 =	smov.u32 s2;
	[sflag:s31] =	ssyncpa.u1 $0x0;
	s7 =	sor.u32 $0x1, s5  }
.LBB1_4:
0xe: {  	_ =	sdelay $0x3  }
0xf: {  	[tilespmem:v0+s19+$0xFFFFFFD0 ss:$0x1] =	vst.idx.msk $0xffff, v6  }
0x10: {  	v56 =	vld.idx.msk [tilespmem:v1+s18+$0x0 ss:$0x1], $0xffff;
	[tilespmem:v0+s19+$0xFFFFFFE0 ss:$0x1] =	vst.idx.msk $0xffff, v4  }
0x11: {  	v57 =	vld.idx.msk [tilespmem:v1+s18+$0xFFFFFF90 ss:$0x1], $0xffff;
	[tilespmem:v0+s19+$0xFFFFFFF0 ss:$0x1] =	vst.idx.msk $0xffff, v2  }
0x12: {  	v58 =	vld.idx.msk [tilespmem:v1+s18+$0xFFFFFFA0 ss:$0x1], $0xffff;
	[tilespmem:v0+s19+$0x0 ss:$0x1] =	vst.idx.msk $0xffff, v3  }
0x13: {  	v59 =	vld.idx.msk [tilespmem:v1+s18+$0xFFFFFFB0 ss:$0x1], $0xffff;
	[tilespmem:v0+s19+$0x10 ss:$0x1] =	vst.idx.msk $0xffff, v5  }
0x14: {  	v60 =	vld.idx.msk [tilespmem:v1+s18+$0xFFFFFFC0 ss:$0x1], $0xffff;
	[tilespmem:v0+s19+$0x20 ss:$0x1] =	vst.idx.msk $0xffff, v7  }
0x15: {  	v61 =	vld.idx.msk [tilespmem:v1+s18+$0xFFFFFFD0 ss:$0x1], $0xffff;
	s27 =	sshll.u32 s16, $0x8;
	[tilespmem:v0+s18+$0x30 ss:$0x1] =	vst.idx.msk $0xffff, v56  }
0x16: {  	s20 =	sshll.u32 s14, $0x3;
	v62 =	vld.idx.msk [tilespmem:v1+s18+$0xFFFFFFE0 ss:$0x1], $0xffff;
	s28 =	sshll.u32 s16, $0x7;
	s30 =	sand.u32 $0x78, s14;
	[tilespmem:v0+s18+$0xFFFFFFC0 ss:$0x1] =	vst.idx.msk $0xffff, v57  }
0x17: {  	v63 =	vld.idx.msk [tilespmem:v1+s18+$0xFFFFFFF0 ss:$0x1], $0xffff;
	s15 =	sshll.u32 s15, $0x11;
	s19 =	sand.u32 $0xFF800, s27;
	s20 =	sand.u32 $0xFFC00, s20;
	[tilespmem:v0+s18+$0xFFFFFFD0 ss:$0x1] =	vst.idx.msk $0xffff, v58  }
0x18: {  	s29 =	sand.u32 $0x300, s28;
	s16 =	sand.u32 $0x80, s28;
	s19 =	sadd.s32 s19, s20;
	[tilespmem:v0+s18+$0xFFFFFFE0 ss:$0x1] =	vst.idx.msk $0xffff, v59  }
0x19: {  	s31 =	sand.u32 $0x7, s14;
	s16 =	sor.u32 s16, s30;
	s19 =	sor.u32 s29, s19;
	[tilespmem:v0+s18+$0xFFFFFFF0 ss:$0x1] =	vst.idx.msk $0xffff, v60  }
0x1a: {  	s15 =	sadd.s32 s3, s15;
	s16 =	sshrl.u32 s16, $0x3;
	s19 =	sshrl.u32 s19, $0x3;
	[tilespmem:v0+s18+$0x0 ss:$0x1] =	vst.idx.msk $0xffff, v61  }
0x1b: {  	s14 =	sshll.u32 s31, $0x12;
	s15 =	sadd.s32 s16, s15;
	[tilespmem:v0+s18+$0x10 ss:$0x1] =	vst.idx.msk $0xffff, v62;
	s19 =	sand.u32 $0x1FFE0, s19  }
0x1c: {  	s14 =	sor.u32 $0x400, s14;
	[tilespmem:v0+s18+$0x20 ss:$0x1] =	vst.idx.msk $0xffff, v63;
	s15 =	sadd.s32 s19, s15  }
0x1d: {  	[hbm4b:s15+s14] =	stream.strided.scatter [tilespmem:s17], [sflag:$0x2], $0x4000, s8, s14, $0x38;
	[tilespmem:$0x10000] =	vst v63  }
.LBB1_5:
0x1e: {  	s17 =	sadd.s32 $0x80, s10  }
0x1f: {  	s14 =	simm.s32 $0x1;
	p1 =	sgt.s32 s17, $0xFF  }
0x20: {  	s14 =	simm.s32 @!p1 $0x0  }
0x21: {  	s18 =	sadd.s32 s14, s11  }
0x22: {  	s20 =	smov.u32 s12;
	s14 =	sadd.s32 $0x1000, s12;
	p2 =	sgt.s32 s18, $0x31  }
0x23: {  	s20 =	smov.u32 @p2 s14  }
0x24: {  	p0 =	slt.u32 s13, $0x2;
	s17 =	simm.s32 @p1 $0x0;
	p1 =	sgt.s32 s20, $0xFFF  }
0x25: {  	s19 =	simm.s32 @!p0 $0x2;
	s20 =	smov.u32 @p1 s2;
	p1 =	sne.s32 s13, s7  }
.Ltmp1:
0x26: {  	_ =	swait.ge @!p0 [sflag:s19], $0x4000;
	(pc) =	sbr.rel @!p1 .LBB1_6-.Ltmp1, $4  }
0x27: {  	s15 =	smov.u32 s11;
	[sflag:s19] =	ssyncset.done @!p0 $0x0  }
0x28: {  	s16 =	smov.u32 s12;
	s9 =	sadd.s32 $0x4000, s9;
	[sflag:s19] =	ssyncadd.s32 @!p0 $0xFFFFC000  }
0x29: {  	s18 =	simm.s32 @p2 $0x0;
	s14 =	smov.u32 s10;
	s10 =	smov.u32 s17  }
0x2a: {  	s11 =	smov.u32 s18;
	s13 =	sadd.s32 $0x1, s13;
	s12 =	smov.u32 s20  }
.LBB1_1:
0x2b: {  	p0 =	sge.u32 s13, s5  }
0x2c: {  	s17 =	sshll.u32 @!p0 s11, $0x8;
	s18 =	sshll.u32 @!p0 s10, $0x3  }
0x2d: {  	s19 =	sshll.u32 @!p0 s11, $0x7;
	s17 =	sand.u32 @!p0 $0xFFFFF800, s17;
	s18 =	sand.u32 @!p0 $0xFFFFFC00, s18  }
0x2e: {  	s17 =	sadd.s32 @!p0 s17, s18;
	s18 =	sand.u32 @!p0 $0x300, s19  }
0x2f: {  	s17 =	sor.u32 @!p0 s18, s17  }
0x30: {  	s17 =	sshrl.u32 @!p0 s17, $0x8  }
0x31: {  	s31 =	sadd.s32 $0xFFFFFFFF, s13;
	s18 =	smulhi.u32 @!p0 $0x4924925, s17  }
0x32: {  	s20 =	sxor.u32 @!p0 $0xFFFFFFFF, s13;
	s21 =	sand.u32 @!p0 $0x78, s10;
	s22 =	smul.u32 @!p0 $0x700, s12  }
0x33: {  	s20 =	sshll.u32 @!p0 s20, $0xE;
	s19 =	sand.u32 @!p0 $0x80, s19;
	s18 =	smul.u32 @!p0 $0x38, s18  }
0x34: {  	s20 =	sand.u32 @!p0 $0x4000, s20;
	s19 =	sor.u32 @!p0 s21, s19;
	s21 =	sand.u32 @!p0 $0x7, s10  }
0x35: {  	s17 =	ssub.s32 @!p0 s17, s18;
	s18 =	sshrl.u32 @!p0 s19, $0x3;
	s19 =	sadd.s32 @!p0 s6, s22  }
0x36: {  	s17 =	sshll.u32 @!p0 s17, $0x5;
	s18 =	sadd.s32 @!p0 s18, s19;
	s19 =	sshll.u32 @!p0 s21, $0x12  }
0x37: {  	s17 =	sadd.s32 @!p0 s17, s18;
	s18 =	sor.u32 @!p0 $0x80, s19;
	s19 =	simm.s32 @!p0 $0x3800  }
0x38: {  	[tilespmem:s20], [sflag:$0x1] =	stream.strided.gather @!p0 [hbm4b:s17+s18], $0x4000, s19, s18, $0x38;
	[tilespmem:$0x10000] =	vst v63  }
0x39: {  	p0 =	sge.u32 s31, s5  }
.Ltmp2:
0x3a: {  	_ = 	snop;
	(pc) =	sbr.rel @p0 .LBB1_5-.Ltmp2, $1  }
0x3b: {  	_ =	sdelay $0x3  }
0x3c: {  	s17 =	sand.u32 $0x4000, s9  }
0x3d: {  	s18 =	sor.u32 $0x70, s17  }
0x3e: {  	v1 =	vmov s18;
	_ =	sdelay $0x1  }
0x3f: {  	_ =	swait.ge [sflag:s4], $0x4000  }
0x40: {  	[sflag:s4] =	ssyncset.done $0x0  }
0x41: {  	s19 =	simm.s32 $0x0;
	[sflag:s4] =	ssyncadd.s32 $0xFFFFC000  }
0x42: {  	s17 =	sor.u32 $0x8040, s17;
	v7 =	vld.idx.msk [tilespmem:v1+s19+$0x0 ss:$0x1], $0xffff  }
0x43: {  	v0 =	vmov s17;
	v8 =	vld.idx.msk [tilespmem:v1+s19+$0xFFFFFF90 ss:$0x1], $0xffff  }
0x44: {  	v6 =	vld.idx.msk [tilespmem:v1+s19+$0xFFFFFFA0 ss:$0x1], $0xffff  }
0x45: {  	v4 =	vld.idx.msk [tilespmem:v1+s19+$0xFFFFFFB0 ss:$0x1], $0xffff  }
0x46: {  	v2 =	vld.idx.msk [tilespmem:v1+s19+$0xFFFFFFC0 ss:$0x1], $0xffff  }
0x47: {  	s31 =	sshll.u32 s13, $0xE;
	v3 =	vld.idx.msk [tilespmem:v1+s19+$0xFFFFFFD0 ss:$0x1], $0xffff  }
0x48: {  	s17 =	sand.u32 $0x4000, s31;
	v5 =	vld.idx.msk [tilespmem:v1+s19+$0xFFFFFFE0 ss:$0x1], $0xffff;
	[tilespmem:v0+s19+$0x30 ss:$0x1] =	vst.idx.msk $0xffff, v7  }
0x49: {  	s20 =	simm.s32 $0x400;
	s18 =	simm.s32 $0x80;
	s17 =	sor.u32 $0x8000, s17;
	[tilespmem:v0+s19+$0xFFFFFFC0 ss:$0x1] =	vst.idx.msk $0xffff, v8;
	v7 =	vld.idx.msk [tilespmem:v1+s19+$0xFFFFFFF0 ss:$0x1], $0xffff  }
.LBB1_3:
0x4a: {  	p0 =	sne.s32 s20, $0xFE00;
	v8 =	vld.idx.msk [tilespmem:v1+s18+$0x0 ss:$0x1], $0xffff;
	[tilespmem:v0+s19+$0xFFFFFFD0 ss:$0x1] =	vst.idx.msk $0xffff, v6  }
0x4b: {  	v9 =	vld.idx.msk [tilespmem:v1+s18+$0xFFFFFF90 ss:$0x1], $0xffff;
	[tilespmem:v0+s19+$0xFFFFFFE0 ss:$0x1] =	vst.idx.msk $0xffff, v4  }
0x4c: {  	v6 =	vld.idx.msk [tilespmem:v1+s18+$0xFFFFFFA0 ss:$0x1], $0xffff;
	[tilespmem:v0+s19+$0xFFFFFFF0 ss:$0x1] =	vst.idx.msk $0xffff, v2  }
.Ltmp3:
0x4d: {  	v4 =	vld.idx.msk [tilespmem:v1+s18+$0xFFFFFFB0 ss:$0x1], $0xffff;
	[tilespmem:v0+s19+$0x0 ss:$0x1] =	vst.idx.msk $0xffff, v3;
	(pc) =	sbr.rel @p0 .LBB1_3-.Ltmp3, $4  }
0x4e: {  	v2 =	vld.idx.msk [tilespmem:v1+s18+$0xFFFFFFC0 ss:$0x1], $0xffff;
	[tilespmem:v0+s19+$0x10 ss:$0x1] =	vst.idx.msk $0xffff, v5  }
0x4f: {  	v3 =	vld.idx.msk [tilespmem:v1+s18+$0xFFFFFFD0 ss:$0x1], $0xffff;
	[tilespmem:v0+s19+$0x20 ss:$0x1] =	vst.idx.msk $0xffff, v7;
	s19 =	smov.u32 s18  }
0x50: {  	v5 =	vld.idx.msk [tilespmem:v1+s19+$0xFFFFFFE0 ss:$0x1], $0xffff;
	[tilespmem:v0+s19+$0x30 ss:$0x1] =	vst.idx.msk $0xffff, v8  }
0x51: {  	s18 =	sshra.s32 s20, $0x2;
	s20 =	sadd.s32 $0x200, s20;
	[tilespmem:v0+s19+$0xFFFFFFC0 ss:$0x1] =	vst.idx.msk $0xffff, v9;
	v7 =	vld.idx.msk [tilespmem:v1+s19+$0xFFFFFFF0 ss:$0x1], $0xffff  }
.Ltmp4:
0x52: {  	_ = 	snop;
	(pc) =	sbr.rel .LBB1_4-.Ltmp4, $1  }
0x53: {  	_ =	sdelay $0x3  }
.LBB1_6:
0x54: {  	_ =	sfence.sel $0x180000  }
0x55: {  	s2 =	simm.s32 $0x1;
	[bflag:$0x0] =	sbarrier.arrive $0xFFFF  }
0x56: {  	s31 =	simm.s32 $0x2;
	[sflag:s2] =	ssyncpa.u1 $0x1  }
0x57: {  	[sflag:s31] =	ssyncpa.u1 $0x1  }
0x58: {  	p0 =	sne.s32 s0, $0x0;
	_ =	strace $0x9000004A  }
0x59: {  	s0 =	sadd.s32 @!p0 $0x100000, s1;
	[bflag:$0x2] =	sbarrier.arrive $0xFFFF  }
0x5a: {  	[sflag:s0] =	ssyncadd.tile.s32 @!p0 $0x1;
	_ =	shalt  }
.Lfunc_end1:
_tile_overlayer_lowered:
.L_overlay_start_2:
0x5b: {  	(tag) =	ssettag $0x2  }
0x5c: {  	s0 =	rddreg [dreg:$0x0];
	s2 =	stileid.u32  }
0x5d: {  	s1 =	rddreg [dreg:$0x1];
	p0 =	sne.s32 s2, $0x0  }
0x5e: {  	s3 =	rddreg [dreg:$0x2];
	[bflag:$0x3] =	sbarrier.arrive $0xFFFF;
	s2 =	simm.s32 @!p0 $0x1C01  }
0x5f: {  	[timem:s3], [sflag:s2] =	dma.local @!p0 [hbm:s0], s1  }
0x60: {  	s0 =	simm.s32 @!p0 $0x1  }
0x61: {  	_ =	swait.ge @!p0 [sflag:s0], s1  }
0x62: {  	s1 =	ssub.s32 @!p0 $0x0, s1;
	[sflag:s0] =	ssyncset.done @!p0 $0x0  }
0x63: {  	[sflag:s0] =	ssyncadd.s32 @!p0 s1  }
0x64: {  	[bflag:$0x3] =	sbarrier.arrive $0xFFFF  }
0x65: {  	_ =	shalt  }

</sc_bundles>
